<compile_context>
chip_gen: v7x
topology: tpu7x:2x2x1
jax: 0.10.2.dev20260603
libtpu: 0.0.44.dev20260713+nightly
codegen_flags: <defaults>
</compile_context>

<pallas_src>
import functools

import jax
import jax.numpy as jnp
from jax import lax
from jax.experimental import pallas as pl
from jax.experimental.pallas import tpu as pltpu
from jax.experimental.pallas import tpu_sc as plsc

N = 10000
E = 320000
D = 128
R = 7

NC = 2
NS = 16
HALF = N // 2
NPH = 5120
EPS = 20480
SCH = 2560
NMEGA = 8
CAP = 20592
CH = 88
CAPCH = CAP // CH
NIB = 4
NRB = 2
NBATCH = 58

BN = 5000


def _transform1(x, Wl, b2):
    nb = N // BN

    def body(x_ref, w_ref, b_ref, o_ref):
        r = pl.program_id(1)
        w = w_ref[pl.ds(r * D, D), :]
        b = b_ref[0, pl.ds(r * D, D)]
        o_ref[...] = lax.dot_general(
            x_ref[...], w, (((1,), (1,)), ((), ())),
            preferred_element_type=jnp.float32) + b
    return pl.pallas_call(
        body,
        grid=(nb, R),
        in_specs=[
            pl.BlockSpec((BN, D), lambda i, r: (i, 0)),
            pl.BlockSpec((D * R, D), lambda i, r: (0, 0)),
            pl.BlockSpec((1, D * R), lambda i, r: (0, 0)),
        ],
        out_specs=pl.BlockSpec((BN, D), lambda i, r: (r * nb + i, 0)),
        out_shape=jax.ShapeDtypeStruct((R * N, D), jnp.float32),
    )(x, Wl, b2)


def _transform2(p, Wl, b2):
    nb = N // BN
    nbh = nb // NC

    def body(p_ref, w_ref, b_ref, o_ref):
        r = pl.program_id(1)
        w = w_ref[pl.ds(r * D, D), :]
        b = b_ref[0, pl.ds(r * D, D)]
        x = jnp.maximum(p_ref[0], 0.0)
        o_ref[...] = lax.dot_general(
            x, w, (((1,), (1,)), ((), ())),
            preferred_element_type=jnp.float32) + b
    return pl.pallas_call(
        body,
        grid=(nb, R),
        in_specs=[
            pl.BlockSpec((1, BN, D), lambda i, r: (i // nbh, i % nbh, 0)),
            pl.BlockSpec((D * R, D), lambda i, r: (0, 0)),
            pl.BlockSpec((1, D * R), lambda i, r: (0, 0)),
        ],
        out_specs=pl.BlockSpec((BN, D), lambda i, r: (r * nb + i, 0)),
        out_shape=jax.ShapeDtypeStruct((R * N, D), jnp.float32),
    )(p, Wl, b2)


def _finalize(p):
    nb = N // BN // NC

    def body(p_ref, g_ref, n_ref):
        i = pl.program_id(0)
        x = jnp.maximum(p_ref[0], 0.0)
        n_ref[...] = x

        @pl.when(i == 0)
        def _():
            g_ref[...] = jnp.zeros_like(g_ref)

        g_ref[...] += jnp.sum(x, axis=0, keepdims=True)

    graph, node = pl.pallas_call(
        body,
        grid=(N // BN,),
        in_specs=[pl.BlockSpec((1, BN, D), lambda i: (i // nb, i % nb, 0))],
        out_specs=[pl.BlockSpec((1, D), lambda i: (0, 0)),
                   pl.BlockSpec((BN, D), lambda i: (i, 0))],
        out_shape=[jax.ShapeDtypeStruct((1, D), jnp.float32),
                   jax.ShapeDtypeStruct((N, D), jnp.float32)],
    )(p)
    return graph.reshape(D), node


def _edge_prep(ei, rel):
    mesh = plsc.VectorSubcoreMesh(core_axis_name="c", subcore_axis_name="s")

    @functools.partial(
        pl.kernel,
        mesh=mesh,
        compiler_params=pltpu.CompilerParams(needs_layout_passes=False),
        out_type=(
            jax.ShapeDtypeStruct((NC * NS * CAP,), jnp.int32),
            jax.ShapeDtypeStruct((NC * NS * CAP,), jnp.int32),
            jax.ShapeDtypeStruct((NC * NS * 16,), jnp.int32),
        ),
        scratch_types=[
            pltpu.VMEM((2, SCH), jnp.int32),
            pltpu.VMEM((2, SCH), jnp.int32),
            pltpu.VMEM((SCH,), jnp.int32),
            pltpu.VMEM((SCH,), jnp.int32),
            pltpu.VMEM((CAP,), jnp.int32),
            pltpu.VMEM((CAP,), jnp.int32),
            pltpu.VMEM((16,), jnp.int32),
            pltpu.SemaphoreType.DMA,
            pltpu.SemaphoreType.DMA,
        ],
    )
    def body(ei_h, rel_h, cg_h, cd_h, cnt_h,
             ei_s0, ei_s1, rel_s0, rel_s1,
             ccg, ccd, cbuf, sem0, sem1):
        ei_s = (ei_s0, ei_s1)
        rel_s = (rel_s0, rel_s1)
        cid = lax.axis_index("c")
        sid = lax.axis_index("s")
        sems = (sem0, sem1)
        e0 = sid * EPS
        lo = cid * HALF
        nm = jnp.where(sid == NS - 1, 5, NMEGA)

        def fire(m, b):
            base = pl.multiple_of(e0 + m * SCH, 128)
            pltpu.async_copy(ei_h.at[:, pl.ds(base, SCH)], ei_s[b], sems[b])
            pltpu.async_copy(rel_h.at[pl.ds(base, SCH)], rel_s[b], sems[b])

        def wait(b):
            pltpu.make_async_copy(ei_h.at[:, pl.ds(0, SCH)], ei_s[b],
                                  sems[b]).wait()
            pltpu.make_async_copy(rel_h.at[pl.ds(0, SCH)], rel_s[b],
                                  sems[b]).wait()

        fire(0, 0)
        iota = lax.iota(jnp.int32, 16)

        def pre(i, c):
            sl = pl.ds(i * 16, 16)
            ccg[sl] = (iota + i * 16) & 8191
            ccd[sl] = HALF + ((iota + i) & 63)
            return c
        lax.fori_loop(0, CAP // 16, pre, 0)

        def mega(i, fillv):
            for b in range(2):
                m = i * 2 + b

                @pl.when(m + 1 < nm)
                def _():
                    fire(m + 1, 1 - b)

                def scan(v, fv):
                    sl = pl.ds(v * 16, 16)
                    s = ei_s[b][0, sl]
                    r = rel_s[b][sl]
                    d = ei_s[b][1, sl] - lo
                    g = r * N + s
                    keep = (d >= 0) & (d < HALF)
                    ki = keep.astype(jnp.int32)
                    pos = fv * 16 + iota
                    plsc.store_scatter(ccg, [pos], g, mask=keep)
                    plsc.store_scatter(ccd, [pos], d, mask=keep)
                    return fv + ki

                def active(fv):
                    wait(b)
                    return lax.fori_loop(0, SCH // 16, scan, fv)
                fillv = lax.cond(m < nm, active, lambda fv: fv, fillv)
            return fillv
        fillv = lax.fori_loop(0, NMEGA // 2, mega, jnp.zeros(16, jnp.int32))

        mx = fillv[0]
        for l in range(1, 16):
            mx = jnp.maximum(mx, fillv[l])
        nchunks = (mx * 16 + CH - 1) // CH

        obase = (cid * NS + sid) * CAP
        pltpu.sync_copy(ccg, cg_h.at[pl.ds(obase, CAP)])
        pltpu.sync_copy(ccd, cd_h.at[pl.ds(obase, CAP)])
        cbuf[...] = jnp.full((16,), nchunks, jnp.int32)
        pltpu.sync_copy(cbuf, cnt_h.at[pl.ds((cid * NS + sid) * 16, 16)])

    return body(ei, rel)


def _edge_scatter(cg, cd, cnt, z, zero, final=False):
    mesh = plsc.VectorSubcoreMesh(core_axis_name="c", subcore_axis_name="s")

    if final:
        out_type = (jax.ShapeDtypeStruct((N, D), jnp.float32),
                    jax.ShapeDtypeStruct((NC * NS * D,), jnp.float32))
    else:
        out_type = jax.ShapeDtypeStruct((NC, NPH, D), jnp.float32)

    @functools.partial(
        pl.kernel,
        mesh=mesh,
        compiler_params=pltpu.CompilerParams(needs_layout_passes=False),
        out_type=out_type,
        scratch_types=[
            pltpu.VMEM((NIB, CH), jnp.int32),
            pltpu.VMEM((NIB, CH), jnp.int32),
            pltpu.VMEM((NRB, CH, D), jnp.float32),
            pltpu.VMEM((16,), jnp.int32),
            pltpu.VMEM((D,), jnp.float32),
            pltpu.VMEM_SHARED((NPH, D), jnp.float32),
        ] + [pltpu.SemaphoreType.DMA] * (NIB + 2 * NRB + 1),
    )
    def body(cg_h, cd_h, cnt_h, z_h, zero_h, *rest):
        if final:
            node_h, gp_h = rest[0], rest[1]
            gbuf, dbuf, rows_v, cbuf, cbuf2, acc = rest[2:8]
            sems = rest[8:]
        else:
            out_h = rest[0]
            gbuf, dbuf, rows_v, cbuf, cbuf2, acc = rest[1:7]
            sems = rest[7:]
        sem_i = sems[:NIB]
        sem_g = sems[NIB:NIB + NRB]
        sem_s = sems[NIB + NRB:NIB + 2 * NRB]
        sem_c = sems[NIB + 2 * NRB]
        cid = lax.axis_index("c")
        sid = lax.axis_index("s")
        rpt = NPH // NS
        r0 = sid * rpt
        obase = (cid * NS + sid) * CAP

        pltpu.async_copy(cnt_h.at[pl.ds((cid * NS + sid) * 16, 16)], cbuf,
                         sem_c)
        pltpu.sync_copy(zero_h.at[pl.ds(r0, rpt)], acc.at[pl.ds(r0, rpt)])
        pltpu.make_async_copy(cnt_h.at[pl.ds(0, 16)], cbuf, sem_c).wait()
        nchunks = cbuf[pl.ds(0, 16)][0]
        plsc.subcore_barrier()

        def fire_idx(k, ib):
            base = pl.multiple_of(obase + k * CH, 8)
            pltpu.async_copy(cg_h.at[pl.ds(base, CH)], gbuf.at[ib], sem_i[ib])
            pltpu.async_copy(cd_h.at[pl.ds(base, CH)], dbuf.at[ib], sem_i[ib])

        def wait_idx(ib):
            pltpu.make_async_copy(cg_h.at[pl.ds(0, CH)], gbuf.at[ib],
                                  sem_i[ib]).wait()
            pltpu.make_async_copy(cg_h.at[pl.ds(0, CH)], dbuf.at[ib],
                                  sem_i[ib]).wait()

        def fire_gather(ib, rb):
            pltpu.async_copy(z_h.at[gbuf.at[ib]], rows_v.at[rb], sem_g[rb])

        def wait_gather(rb):
            pltpu.make_async_copy(z_h.at[pl.ds(0, CH)], rows_v.at[rb],
                                  sem_g[rb]).wait()

        def fire_scatter(rb, ib):
            pltpu.async_copy(rows_v.at[rb], acc.at[dbuf.at[ib]], sem_s[rb],
                             add=True)

        def wait_scatter(rb):
            pltpu.make_async_copy(rows_v.at[rb], acc.at[pl.ds(0, CH)],
                                  sem_s[rb]).wait()

        for u in range(3):
            @pl.when(u < nchunks)
            def _():
                fire_idx(u, u)

        @pl.when(0 < nchunks)
        def _():
            wait_idx(0)
            fire_gather(0, 0)

        def batch(i, c):
            for u in range(4):
                k = i * 4 + u
                rb = u % 2
                ib = u

                @pl.when((k >= 1) & (k - 1 < nchunks))
                def _():
                    wait_scatter((u + 1) % 2)

                @pl.when(k + 3 < nchunks)
                def _():
                    fire_idx(k + 3, (u + 3) % 4)

                @pl.when(k + 1 < nchunks)
                def _():
                    wait_idx((u + 1) % 4)
                    fire_gather((u + 1) % 4, (u + 1) % 2)

                @pl.when(k < nchunks)
                def _():
                    wait_gather(rb)
                    fire_scatter(rb, ib)
            return c
        lax.fori_loop(0, (nchunks + 4) // 4, batch, 0)

        plsc.subcore_barrier()
        if not final:
            pltpu.sync_copy(acc.at[pl.ds(r0, rpt)],
                            out_h.at[cid, pl.ds(r0, rpt)])
            return

        FR = 40
        gz = [jnp.zeros(16, jnp.float32) for _ in range(D // 16)]

        def fchunk(j, gs):
            lbase = r0 + j * FR

            def work():
                pltpu.sync_copy(acc.at[pl.ds(lbase, FR)],
                                rows_v.at[0, pl.ds(0, FR)])
                gs2 = list(gs)

                def rrow(t, carry):
                    carry2 = list(carry)
                    for q in range(D // 16):
                        sl = pl.ds(q * 16, 16)
                        v = jnp.maximum(rows_v[0, t, sl], 0.0)
                        rows_v[0, t, sl] = v
                        carry2[q] = carry2[q] + v
                    return tuple(carry2)
                gs2 = lax.fori_loop(0, FR, rrow, tuple(gs2))
                pltpu.sync_copy(
                    rows_v.at[0, pl.ds(0, FR)],
                    node_h.at[pl.ds(cid * HALF + lbase, FR)])
                return gs2
            return lax.cond(lbase < HALF, work, lambda: gs)
        gz = lax.fori_loop(0, rpt // FR, fchunk, tuple(gz))

        for q in range(D // 16):
            cbuf2[pl.ds(q * 16, 16)] = gz[q]
        pltpu.sync_copy(cbuf2,
                        gp_h.at[pl.ds((cid * NS + sid) * D, D)])

    return body(cg, cd, cnt, z, zero)


def kernel(input, edge_index, edge_relation, Ws0, bs0, Wl0, bl0,
           Ws1, bs1, Wl1, bl1):
    x = input
    zero = jnp.zeros((NPH, D), jnp.float32)

    cg, cd, cnt = _edge_prep(edge_index, edge_relation)
    z1 = _transform1(x, Wl0, bl0.reshape(1, D * R))
    p1 = _edge_scatter(cg, cd, cnt, z1, zero)
    z2 = _transform2(p1, Wl1, bl1.reshape(1, D * R))
    node, gpart = _edge_scatter(cg, cd, cnt, z2, zero, final=True)
    graph = jnp.sum(gpart.reshape(NC * NS, D), axis=0)
    return graph, node

# --- scband reference (transcript-rebuilt; emitter-appended) ---
"""Pipeline reference for scband-gear-net-7524782702912 (READ-ONLY COPY).

The authoritative reference and input builder live on the scoring server;
editing this copy changes nothing except your own understanding.
"""

import jax, jax.numpy as jnp
import numpy as np

N_NODES = 10000
N_EDGES = 320000
D = 128
R = 7
NUM_LAYERS = 2


def setup_inputs(seed: int = 0) -> dict:
    key = jax.random.key(seed)
    ks = jax.random.split(key, 3 + 4 * NUM_LAYERS)
    inp = {}
    inp['input'] = jax.random.normal(ks[0], (N_NODES, D), dtype=jnp.float32)
    inp['edge_index'] = jax.random.randint(ks[1], (2, N_EDGES), 0, N_NODES, dtype=jnp.int32)
    inp['edge_relation'] = jax.random.randint(ks[2], (N_EDGES,), 0, R, dtype=jnp.int32)
    # per-layer params: self_loop Linear(D->D), linear Linear(D -> D*R)
    for i in range(NUM_LAYERS):
        k0, k1, k2, k3 = ks[3 + 4 * i], ks[3 + 4 * i + 1], ks[3 + 4 * i + 2], ks[3 + 4 * i + 3]
        lim_s = 1.0 / np.sqrt(D)
        inp[f'Ws{i}'] = jax.random.uniform(k0, (D, D), minval=-lim_s, maxval=lim_s, dtype=jnp.float32)
        inp[f'bs{i}'] = jax.random.uniform(k1, (D,), minval=-lim_s, maxval=lim_s, dtype=jnp.float32)
        inp[f'Wl{i}'] = jax.random.uniform(k2, (D * R, D), minval=-lim_s, maxval=lim_s, dtype=jnp.float32)
        inp[f'bl{i}'] = jax.random.uniform(k3, (D * R,), minval=-lim_s, maxval=lim_s, dtype=jnp.float32)
    return inp


def _geom_rel_conv(x, node_in, node_out, relation, Ws, bs, Wl, bl):
    # hidden = self_loop(input)  -- computed, then (faithful to the given code) overwritten by scatter_add
    hidden = x @ Ws.T + bs
    neighbor = x[node_in]                       # gather [E, D]
    message = (neighbor @ Wl.T + bl).reshape(-1, R, D)
    message = message[jnp.arange(message.shape[0]), relation]  # relation-gather [E, D]
    hidden = jnp.zeros((x.shape[0], D), dtype=x.dtype).at[node_out].add(message)  # scatter-add
    hidden = jax.nn.relu(hidden)
    return hidden


def reference(input, edge_index, edge_relation, Ws0, bs0, Wl0, bl0, Ws1, bs1, Wl1, bl1):
    node_in = edge_index[0]
    node_out = edge_index[1]
    layer_params = [(Ws0, bs0, Wl0, bl0), (Ws1, bs1, Wl1, bl1)]
    layer_input = input
    hiddens = []
    for (Ws, bs, Wl, bl) in layer_params:
        hidden = _geom_rel_conv(layer_input, node_in, node_out, edge_relation, Ws, bs, Wl, bl)
        hiddens.append(hidden)
        layer_input = hidden
    node_feature = hiddens[-1]
    graph_feature = jnp.sum(node_feature, axis=0)  # SumReadout, single graph
    return graph_feature, node_feature

if __name__ == "__main__":
    import jax
    _d = setup_inputs()
    print(jax.jit(kernel)(*tuple(_d.values())))

</pallas_src>

<mosaic_0001>
#map = affine_map<(d0, d1) -> (0, 0)>
#map1 = affine_map<(d0, d1) -> (0)>
module attributes {stable_mosaic.version = 14 : i64} {
  func.func @body(%arg0: i32, %arg1: i32, %arg2: memref<2x320000xi32, #tpu.memory_space<hbm>>, %arg3: memref<320000xi32, #tpu.memory_space<hbm>>, %arg4: memref<658944xi32, #tpu.memory_space<hbm>>, %arg5: memref<658944xi32, #tpu.memory_space<hbm>>, %arg6: memref<512xi32, #tpu.memory_space<hbm>>, %arg7: memref<2x2560xi32, #tpu.memory_space<vmem>>, %arg8: memref<2x2560xi32, #tpu.memory_space<vmem>>, %arg9: memref<2560xi32, #tpu.memory_space<vmem>>, %arg10: memref<2560xi32, #tpu.memory_space<vmem>>, %arg11: memref<20592xi32, #tpu.memory_space<vmem>>, %arg12: memref<20592xi32, #tpu.memory_space<vmem>>, %arg13: memref<16xi32, #tpu.memory_space<vmem>>, %arg14: memref<!tpu.dma_semaphore, #tpu.memory_space<semaphore_mem>>, %arg15: memref<!tpu.dma_semaphore, #tpu.memory_space<semaphore_mem>>) attributes {dimension_semantics = [#tpu.dimension_semantics<core_parallel>, #tpu.dimension_semantics<subcore_parallel>], iteration_bounds = array<i64: 2, 16>, scalar_prefetch = 0 : i64, scratch_operands = 9 : i64, tpu.core_type = #tpu.core_type<sc_vector_subcore>, window_params = [{transform_indices = #map}, {transform_indices = #map1}, {transform_indices = #map1}, {transform_indices = #map1}, {transform_indices = #map1}]} {
    %mul3A = arith.constant 20480 : i32
    %mul3A_0 = arith.muli %arg1, %mul3A : i32
    %mul3A_1 = arith.constant 5000 : i32
    %mul3A_2 = arith.muli %arg0, %mul3A_1 : i32
    %eq3A = arith.constant 15 : i32
    %eq3A_3 = arith.cmpi eq, %arg1, %eq3A : i32
    %jit3A = arith.constant 5 : i32
    %jit3A_4 = arith.constant 8 : i32
    %select_n3A = arith.select %eq3A_3, %jit3A, %jit3A_4 : i32
    %add3A = arith.constant 0 : i32
    %add3A_5 = arith.addi %mul3A_0, %add3A : i32
    %multiple_of3A = tpu.assume_multiple %add3A_5, 128 : i32
    %dma_start3A = arith.constant 0 : i32
    %dma_start3A_6 = tpu.memref_slice %arg2[%dma_start3A, %multiple_of3A] : memref<2x320000xi32, #tpu.memory_space<hbm>> -> memref<2x2560xi32, #tpu.memory_space<hbm>>
    %dma_start3A_7 = arith.constant 0 : i32
    %dma_start3A_8 = tpu.memref_slice %arg2[%dma_start3A_7, %multiple_of3A] : memref<2x320000xi32, #tpu.memory_space<hbm>> -> memref<2x2560xi32, #tpu.memory_space<hbm>>
    tpu.enqueue_dma source(%dma_start3A_8 : memref<2x2560xi32, #tpu.memory_space<hbm>>) target(%arg7 : memref<2x2560xi32, #tpu.memory_space<vmem>>) target_semaphore(%arg14 : memref<!tpu.dma_semaphore, #tpu.memory_space<semaphore_mem>>)
    %dma_start3A_9 = tpu.memref_slice %arg3[%multiple_of3A] : memref<320000xi32, #tpu.memory_space<hbm>> -> memref<2560xi32, #tpu.memory_space<hbm>>
    %dma_start3A_10 = tpu.memref_slice %arg3[%multiple_of3A] : memref<320000xi32, #tpu.memory_space<hbm>> -> memref<2560xi32, #tpu.memory_space<hbm>>
    tpu.enqueue_dma source(%dma_start3A_10 : memref<2560xi32, #tpu.memory_space<hbm>>) target(%arg9 : memref<2560xi32, #tpu.memory_space<vmem>>) target_semaphore(%arg14 : memref<!tpu.dma_semaphore, #tpu.memory_space<semaphore_mem>>)
    %iota3A = tpu.iota {dimensions = array<i32: 0>} : vector<16xi32>
    %scan3A = arith.constant 0 : i32
    %scan3A_11 = arith.constant 0 : i32
    %scan3A_12 = arith.constant 1287 : i32
    %scan3A_13 = arith.addi %scan3A_11, %scan3A_12 : i32
    %scan3A_14 = arith.constant 1 : i32
    scf.for %scan3A_103 = %scan3A_11 to %scan3A_13 step %scan3A_14  : i32 {
      %mul3A_104 = arith.constant 16 : i32
      %mul3A_105 = arith.muli %scan3A_103, %mul3A_104 : i32
      %mul3A_106 = arith.constant 16 : i32
      %mul3A_107 = arith.muli %scan3A_103, %mul3A_106 : i32
      %add3A_108 = vector.broadcast %mul3A_107 : i32 to vector<16xi32>
      %add3A_109 = arith.addi %iota3A, %add3A_108 : vector<16xi32>
      %and3A_110 = arith.constant 8191 : i32
      %and3A_111 = vector.broadcast %and3A_110 : i32 to vector<16xi32>
      %and3A_112 = arith.andi %add3A_109, %and3A_111 : vector<16xi32>
      %swap3A_113 = arith.index_cast %mul3A_105 : i32 to index
      %swap3A_114 = tpu.vector_load %arg11[%swap3A_113] {strides = array<i32>} : memref<20592xi32, #tpu.memory_space<vmem>>, vector<16xi32>,
      tpu.vector_store %arg11[%swap3A_113], %and3A_112 {strides = array<i32>} : memref<20592xi32, #tpu.memory_space<vmem>>, vector<16xi32>,
      %add3A_115 = vector.broadcast %scan3A_103 : i32 to vector<16xi32>
      %add3A_116 = arith.addi %iota3A, %add3A_115 : vector<16xi32>
      %and3A_117 = arith.constant 63 : i32
      %and3A_118 = vector.broadcast %and3A_117 : i32 to vector<16xi32>
      %and3A_119 = arith.andi %add3A_116, %and3A_118 : vector<16xi32>
      %add3A_120 = arith.constant 5000 : i32
      %add3A_121 = vector.broadcast %add3A_120 : i32 to vector<16xi32>
      %add3A_122 = arith.addi %add3A_121, %and3A_119 : vector<16xi32>
      %swap3A_123 = arith.index_cast %mul3A_105 : i32 to index
      %swap3A_124 = tpu.vector_load %arg12[%swap3A_123] {strides = array<i32>} : memref<20592xi32, #tpu.memory_space<vmem>>, vector<16xi32>,
      tpu.vector_store %arg12[%swap3A_123], %add3A_122 {strides = array<i32>} : memref<20592xi32, #tpu.memory_space<vmem>>, vector<16xi32>,
    }
    %scan3A_15 = arith.constant 1287 : i32
    %broadcast_in_dim3A = arith.constant 0 : i32
    %broadcast_in_dim3A_16 = vector.broadcast %broadcast_in_dim3A : i32 to vector<16xi32>
    %scan3A_17 = arith.constant 0 : i32
    %scan3A_18 = arith.constant 4 : i32
    %scan3A_19 = arith.addi %scan3A_17, %scan3A_18 : i32
    %scan3A_20 = arith.constant 1 : i32
    %scan3A_21 = scf.for %scan3A_103 = %scan3A_17 to %scan3A_19 step %scan3A_20 iter_args(%scan3A_104 = %broadcast_in_dim3A_16) -> (vector<16xi32>)  : i32 {
      %mul3A_105 = arith.constant 2 : i32
      %mul3A_106 = arith.muli %scan3A_103, %mul3A_105 : i32
      %add3A_107 = arith.constant 0 : i32
      %add3A_108 = arith.addi %mul3A_106, %add3A_107 : i32
      %add3A_109 = arith.constant 1 : i32
      %add3A_110 = arith.addi %add3A_108, %add3A_109 : i32
      %lt3A = arith.cmpi slt, %add3A_110, %select_n3A : i32
      %convert_element_type3A = arith.extui %lt3A : i1 to i32
      %cond3A = arith.constant 0 : i32
      %cond3A_111 = arith.cmpi ne, %convert_element_type3A, %cond3A : i32
      scf.if %cond3A_111 {
        %add3A_132 = arith.constant 1 : i32
        %add3A_133 = arith.addi %add3A_108, %add3A_132 : i32
        %mul3A_134 = arith.constant 2560 : i32
        %mul3A_135 = arith.muli %add3A_133, %mul3A_134 : i32
        %add3A_136 = arith.addi %mul3A_0, %mul3A_135 : i32
        %multiple_of3A_137 = tpu.assume_multiple %add3A_136, 128 : i32
        %dma_start3A_138 = arith.constant 0 : i32
        %dma_start3A_139 = tpu.memref_slice %arg2[%dma_start3A_138, %multiple_of3A_137] : memref<2x320000xi32, #tpu.memory_space<hbm>> -> memref<2x2560xi32, #tpu.memory_space<hbm>>
        %dma_start3A_140 = arith.constant 0 : i32
        %dma_start3A_141 = tpu.memref_slice %arg2[%dma_start3A_140, %multiple_of3A_137] : memref<2x320000xi32, #tpu.memory_space<hbm>> -> memref<2x2560xi32, #tpu.memory_space<hbm>>
        tpu.enqueue_dma source(%dma_start3A_141 : memref<2x2560xi32, #tpu.memory_space<hbm>>) target(%arg8 : memref<2x2560xi32, #tpu.memory_space<vmem>>) target_semaphore(%arg15 : memref<!tpu.dma_semaphore, #tpu.memory_space<semaphore_mem>>)
        %dma_start3A_142 = tpu.memref_slice %arg3[%multiple_of3A_137] : memref<320000xi32, #tpu.memory_space<hbm>> -> memref<2560xi32, #tpu.memory_space<hbm>>
        %dma_start3A_143 = tpu.memref_slice %arg3[%multiple_of3A_137] : memref<320000xi32, #tpu.memory_space<hbm>> -> memref<2560xi32, #tpu.memory_space<hbm>>
        tpu.enqueue_dma source(%dma_start3A_143 : memref<2560xi32, #tpu.memory_space<hbm>>) target(%arg10 : memref<2560xi32, #tpu.memory_space<vmem>>) target_semaphore(%arg15 : memref<!tpu.dma_semaphore, #tpu.memory_space<semaphore_mem>>)
      } else {
      }
      %lt3A_112 = arith.cmpi slt, %add3A_108, %select_n3A : i32
      %convert_element_type3A_113 = arith.extui %lt3A_112 : i1 to i32
      %cond3A_114 = arith.constant 0 : i32
      %cond3A_115 = arith.cmpi ne, %convert_element_type3A_113, %cond3A_114 : i32
      %cond3A_116 = scf.if %cond3A_115 -> (vector<16xi32>) {
        %dma_wait3A = arith.constant 0 : i32
        %dma_wait3A_132 = arith.constant 0 : i32
        %dma_wait3A_133 = tpu.memref_slice %arg2[%dma_wait3A, %dma_wait3A_132] : memref<2x320000xi32, #tpu.memory_space<hbm>> -> memref<2x2560xi32, #tpu.memory_space<hbm>>
        %dma_wait3A_134 = arith.constant 0 : i32
        %dma_wait3A_135 = arith.constant 0 : i32
        %dma_wait3A_136 = tpu.memref_slice %arg2[%dma_wait3A_134, %dma_wait3A_135] : memref<2x320000xi32, #tpu.memory_space<hbm>> -> memref<2x2560xi32, #tpu.memory_space<hbm>>
        tpu.wait_dma2 semaphore(%arg14 : memref<!tpu.dma_semaphore, #tpu.memory_space<semaphore_mem>>) src(%dma_wait3A_136 : memref<2x2560xi32, #tpu.memory_space<hbm>>) dst(%arg7 : memref<2x2560xi32, #tpu.memory_space<vmem>>)
        %dma_wait3A_137 = arith.constant 0 : i32
        %dma_wait3A_138 = tpu.memref_slice %arg3[%dma_wait3A_137] : memref<320000xi32, #tpu.memory_space<hbm>> -> memref<2560xi32, #tpu.memory_space<hbm>>
        %dma_wait3A_139 = arith.constant 0 : i32
        %dma_wait3A_140 = tpu.memref_slice %arg3[%dma_wait3A_139] : memref<320000xi32, #tpu.memory_space<hbm>> -> memref<2560xi32, #tpu.memory_space<hbm>>
        tpu.wait_dma2 semaphore(%arg14 : memref<!tpu.dma_semaphore, #tpu.memory_space<semaphore_mem>>) src(%dma_wait3A_140 : memref<2560xi32, #tpu.memory_space<hbm>>) dst(%arg9 : memref<2560xi32, #tpu.memory_space<vmem>>)
        %scan3A_141 = arith.constant 0 : i32
        %scan3A_142 = arith.constant 160 : i32
        %scan3A_143 = arith.addi %scan3A_141, %scan3A_142 : i32
        %scan3A_144 = arith.constant 1 : i32
        %scan3A_145 = scf.for %scan3A_147 = %scan3A_141 to %scan3A_143 step %scan3A_144 iter_args(%scan3A_148 = %scan3A_104) -> (vector<16xi32>)  : i32 {
          %mul3A_149 = arith.constant 16 : i32
          %mul3A_150 = arith.muli %scan3A_147, %mul3A_149 : i32
          %get3A = arith.constant 0 : i32
          %get3A_151 = arith.index_cast %get3A : i32 to index
          %get3A_152 = arith.index_cast %mul3A_150 : i32 to index
          %get3A_153 = tpu.vector_load %arg7[%get3A_151, %get3A_152] {strides = array<i32>} : memref<2x2560xi32, #tpu.memory_space<vmem>>, vector<16xi32>,
          %get3A_154 = arith.index_cast %mul3A_150 : i32 to index
          %get3A_155 = tpu.vector_load %arg9[%get3A_154] {strides = array<i32>} : memref<2560xi32, #tpu.memory_space<vmem>>, vector<16xi32>,
          %get3A_156 = arith.constant 1 : i32
          %get3A_157 = arith.index_cast %get3A_156 : i32 to index
          %get3A_158 = arith.index_cast %mul3A_150 : i32 to index
          %get3A_159 = tpu.vector_load %arg7[%get3A_157, %get3A_158] {strides = array<i32>} : memref<2x2560xi32, #tpu.memory_space<vmem>>, vector<16xi32>,
          %sub3A_160 = vector.broadcast %mul3A_2 : i32 to vector<16xi32>
          %sub3A_161 = arith.subi %get3A_159, %sub3A_160 : vector<16xi32>
          %mul3A_162 = arith.constant 10000 : i32
          %mul3A_163 = vector.broadcast %mul3A_162 : i32 to vector<16xi32>
          %mul3A_164 = arith.muli %get3A_155, %mul3A_163 : vector<16xi32>
          %add3A_165 = arith.addi %mul3A_164, %get3A_153 : vector<16xi32>
          %ge3A = arith.constant 0 : i32
          %ge3A_166 = vector.broadcast %ge3A : i32 to vector<16xi32>
          %ge3A_167 = arith.cmpi sge, %sub3A_161, %ge3A_166 : vector<16xi32>
          %lt3A_168 = arith.constant 5000 : i32
          %lt3A_169 = vector.broadcast %lt3A_168 : i32 to vector<16xi32>
          %lt3A_170 = arith.cmpi slt, %sub3A_161, %lt3A_169 : vector<16xi32>
          %and3A_171 = arith.andi %ge3A_167, %lt3A_170 : vector<16xi1>
          %convert_element_type3A_172 = arith.extui %and3A_171 : vector<16xi1> to vector<16xi32>
          %mul3A_173 = arith.constant 16 : i32
          %mul3A_174 = vector.broadcast %mul3A_173 : i32 to vector<16xi32>
          %mul3A_175 = arith.muli %scan3A_148, %mul3A_174 : vector<16xi32>
          %add3A_176 = arith.addi %mul3A_175, %iota3A : vector<16xi32>
          tpu.vector_store_idx %arg11[%add3A_176], %add3A_165 masked %and3A_171 : memref<20592xi32, #tpu.memory_space<vmem>>[vector<16xi32>], vector<16xi32>, vector<16xi1>
          tpu.vector_store_idx %arg12[%add3A_176], %sub3A_161 masked %and3A_171 : memref<20592xi32, #tpu.memory_space<vmem>>[vector<16xi32>], vector<16xi32>, vector<16xi1>
          %add3A_177 = arith.addi %scan3A_148, %convert_element_type3A_172 : vector<16xi32>
          scf.yield %add3A_177 : vector<16xi32>
        }
        %scan3A_146 = arith.constant 160 : i32
        scf.yield %scan3A_145 : vector<16xi32>
      } else {
        scf.yield %scan3A_104 : vector<16xi32>
      }
      %mul3A_117 = arith.constant 2 : i32
      %mul3A_118 = arith.muli %scan3A_103, %mul3A_117 : i32
      %add3A_119 = arith.constant 1 : i32
      %add3A_120 = arith.addi %mul3A_118, %add3A_119 : i32
      %add3A_121 = arith.constant 1 : i32
      %add3A_122 = arith.addi %add3A_120, %add3A_121 : i32
      %lt3A_123 = arith.cmpi slt, %add3A_122, %select_n3A : i32
      %convert_element_type3A_124 = arith.extui %lt3A_123 : i1 to i32
      %cond3A_125 = arith.constant 0 : i32
      %cond3A_126 = arith.cmpi ne, %convert_element_type3A_124, %cond3A_125 : i32
      scf.if %cond3A_126 {
        %add3A_132 = arith.constant 1 : i32
        %add3A_133 = arith.addi %add3A_120, %add3A_132 : i32
        %mul3A_134 = arith.constant 2560 : i32
        %mul3A_135 = arith.muli %add3A_133, %mul3A_134 : i32
        %add3A_136 = arith.addi %mul3A_0, %mul3A_135 : i32
        %multiple_of3A_137 = tpu.assume_multiple %add3A_136, 128 : i32
        %dma_start3A_138 = arith.constant 0 : i32
        %dma_start3A_139 = tpu.memref_slice %arg2[%dma_start3A_138, %multiple_of3A_137] : memref<2x320000xi32, #tpu.memory_space<hbm>> -> memref<2x2560xi32, #tpu.memory_space<hbm>>
        %dma_start3A_140 = arith.constant 0 : i32
        %dma_start3A_141 = tpu.memref_slice %arg2[%dma_start3A_140, %multiple_of3A_137] : memref<2x320000xi32, #tpu.memory_space<hbm>> -> memref<2x2560xi32, #tpu.memory_space<hbm>>
        tpu.enqueue_dma source(%dma_start3A_141 : memref<2x2560xi32, #tpu.memory_space<hbm>>) target(%arg7 : memref<2x2560xi32, #tpu.memory_space<vmem>>) target_semaphore(%arg14 : memref<!tpu.dma_semaphore, #tpu.memory_space<semaphore_mem>>)
        %dma_start3A_142 = tpu.memref_slice %arg3[%multiple_of3A_137] : memref<320000xi32, #tpu.memory_space<hbm>> -> memref<2560xi32, #tpu.memory_space<hbm>>
        %dma_start3A_143 = tpu.memref_slice %arg3[%multiple_of3A_137] : memref<320000xi32, #tpu.memory_space<hbm>> -> memref<2560xi32, #tpu.memory_space<hbm>>
        tpu.enqueue_dma source(%dma_start3A_143 : memref<2560xi32, #tpu.memory_space<hbm>>) target(%arg9 : memref<2560xi32, #tpu.memory_space<vmem>>) target_semaphore(%arg14 : memref<!tpu.dma_semaphore, #tpu.memory_space<semaphore_mem>>)
      } else {
      }
      %lt3A_127 = arith.cmpi slt, %add3A_120, %select_n3A : i32
      %convert_element_type3A_128 = arith.extui %lt3A_127 : i1 to i32
      %cond3A_129 = arith.constant 0 : i32
      %cond3A_130 = arith.cmpi ne, %convert_element_type3A_128, %cond3A_129 : i32
      %cond3A_131 = scf.if %cond3A_130 -> (vector<16xi32>) {
        %dma_wait3A = arith.constant 0 : i32
        %dma_wait3A_132 = arith.constant 0 : i32
        %dma_wait3A_133 = tpu.memref_slice %arg2[%dma_wait3A, %dma_wait3A_132] : memref<2x320000xi32, #tpu.memory_space<hbm>> -> memref<2x2560xi32, #tpu.memory_space<hbm>>
        %dma_wait3A_134 = arith.constant 0 : i32
        %dma_wait3A_135 = arith.constant 0 : i32
        %dma_wait3A_136 = tpu.memref_slice %arg2[%dma_wait3A_134, %dma_wait3A_135] : memref<2x320000xi32, #tpu.memory_space<hbm>> -> memref<2x2560xi32, #tpu.memory_space<hbm>>
        tpu.wait_dma2 semaphore(%arg15 : memref<!tpu.dma_semaphore, #tpu.memory_space<semaphore_mem>>) src(%dma_wait3A_136 : memref<2x2560xi32, #tpu.memory_space<hbm>>) dst(%arg8 : memref<2x2560xi32, #tpu.memory_space<vmem>>)
        %dma_wait3A_137 = arith.constant 0 : i32
        %dma_wait3A_138 = tpu.memref_slice %arg3[%dma_wait3A_137] : memref<320000xi32, #tpu.memory_space<hbm>> -> memref<2560xi32, #tpu.memory_space<hbm>>
        %dma_wait3A_139 = arith.constant 0 : i32
        %dma_wait3A_140 = tpu.memref_slice %arg3[%dma_wait3A_139] : memref<320000xi32, #tpu.memory_space<hbm>> -> memref<2560xi32, #tpu.memory_space<hbm>>
        tpu.wait_dma2 semaphore(%arg15 : memref<!tpu.dma_semaphore, #tpu.memory_space<semaphore_mem>>) src(%dma_wait3A_140 : memref<2560xi32, #tpu.memory_space<hbm>>) dst(%arg10 : memref<2560xi32, #tpu.memory_space<vmem>>)
        %scan3A_141 = arith.constant 0 : i32
        %scan3A_142 = arith.constant 160 : i32
        %scan3A_143 = arith.addi %scan3A_141, %scan3A_142 : i32
        %scan3A_144 = arith.constant 1 : i32
        %scan3A_145 = scf.for %scan3A_147 = %scan3A_141 to %scan3A_143 step %scan3A_144 iter_args(%scan3A_148 = %cond3A_116) -> (vector<16xi32>)  : i32 {
          %mul3A_149 = arith.constant 16 : i32
          %mul3A_150 = arith.muli %scan3A_147, %mul3A_149 : i32
          %get3A = arith.constant 0 : i32
          %get3A_151 = arith.index_cast %get3A : i32 to index
          %get3A_152 = arith.index_cast %mul3A_150 : i32 to index
          %get3A_153 = tpu.vector_load %arg8[%get3A_151, %get3A_152] {strides = array<i32>} : memref<2x2560xi32, #tpu.memory_space<vmem>>, vector<16xi32>,
          %get3A_154 = arith.index_cast %mul3A_150 : i32 to index
          %get3A_155 = tpu.vector_load %arg10[%get3A_154] {strides = array<i32>} : memref<2560xi32, #tpu.memory_space<vmem>>, vector<16xi32>,
          %get3A_156 = arith.constant 1 : i32
          %get3A_157 = arith.index_cast %get3A_156 : i32 to index
          %get3A_158 = arith.index_cast %mul3A_150 : i32 to index
          %get3A_159 = tpu.vector_load %arg8[%get3A_157, %get3A_158] {strides = array<i32>} : memref<2x2560xi32, #tpu.memory_space<vmem>>, vector<16xi32>,
          %sub3A_160 = vector.broadcast %mul3A_2 : i32 to vector<16xi32>
          %sub3A_161 = arith.subi %get3A_159, %sub3A_160 : vector<16xi32>
          %mul3A_162 = arith.constant 10000 : i32
          %mul3A_163 = vector.broadcast %mul3A_162 : i32 to vector<16xi32>
          %mul3A_164 = arith.muli %get3A_155, %mul3A_163 : vector<16xi32>
          %add3A_165 = arith.addi %mul3A_164, %get3A_153 : vector<16xi32>
          %ge3A = arith.constant 0 : i32
          %ge3A_166 = vector.broadcast %ge3A : i32 to vector<16xi32>
          %ge3A_167 = arith.cmpi sge, %sub3A_161, %ge3A_166 : vector<16xi32>
          %lt3A_168 = arith.constant 5000 : i32
          %lt3A_169 = vector.broadcast %lt3A_168 : i32 to vector<16xi32>
          %lt3A_170 = arith.cmpi slt, %sub3A_161, %lt3A_169 : vector<16xi32>
          %and3A_171 = arith.andi %ge3A_167, %lt3A_170 : vector<16xi1>
          %convert_element_type3A_172 = arith.extui %and3A_171 : vector<16xi1> to vector<16xi32>
          %mul3A_173 = arith.constant 16 : i32
          %mul3A_174 = vector.broadcast %mul3A_173 : i32 to vector<16xi32>
          %mul3A_175 = arith.muli %scan3A_148, %mul3A_174 : vector<16xi32>
          %add3A_176 = arith.addi %mul3A_175, %iota3A : vector<16xi32>
          tpu.vector_store_idx %arg11[%add3A_176], %add3A_165 masked %and3A_171 : memref<20592xi32, #tpu.memory_space<vmem>>[vector<16xi32>], vector<16xi32>, vector<16xi1>
          tpu.vector_store_idx %arg12[%add3A_176], %sub3A_161 masked %and3A_171 : memref<20592xi32, #tpu.memory_space<vmem>>[vector<16xi32>], vector<16xi32>, vector<16xi1>
          %add3A_177 = arith.addi %scan3A_148, %convert_element_type3A_172 : vector<16xi32>
          scf.yield %add3A_177 : vector<16xi32>
        }
        %scan3A_146 = arith.constant 160 : i32
        scf.yield %scan3A_145 : vector<16xi32>
      } else {
        scf.yield %cond3A_116 : vector<16xi32>
      }
      scf.yield %cond3A_131 : vector<16xi32>
    }
    %scan3A_22 = arith.constant 4 : i32
    %slice3A = vector.extract_strided_slice %scan3A_21 {offsets = [0], sizes = [1], strides = [1]} : vector<16xi32> to vector<1xi32>
    %squeeze3A = vector.extract %slice3A[0] : i32 from vector<1xi32>
    %slice3A_23 = vector.extract_strided_slice %scan3A_21 {offsets = [1], sizes = [1], strides = [1]} : vector<16xi32> to vector<1xi32>
    %squeeze3A_24 = vector.extract %slice3A_23[0] : i32 from vector<1xi32>
    %max3A = arith.maxsi %squeeze3A, %squeeze3A_24 : i32
    %slice3A_25 = vector.extract_strided_slice %scan3A_21 {offsets = [2], sizes = [1], strides = [1]} : vector<16xi32> to vector<1xi32>
    %squeeze3A_26 = vector.extract %slice3A_25[0] : i32 from vector<1xi32>
    %max3A_27 = arith.maxsi %max3A, %squeeze3A_26 : i32
    %slice3A_28 = vector.extract_strided_slice %scan3A_21 {offsets = [3], sizes = [1], strides = [1]} : vector<16xi32> to vector<1xi32>
    %squeeze3A_29 = vector.extract %slice3A_28[0] : i32 from vector<1xi32>
    %max3A_30 = arith.maxsi %max3A_27, %squeeze3A_29 : i32
    %slice3A_31 = vector.extract_strided_slice %scan3A_21 {offsets = [4], sizes = [1], strides = [1]} : vector<16xi32> to vector<1xi32>
    %squeeze3A_32 = vector.extract %slice3A_31[0] : i32 from vector<1xi32>
    %max3A_33 = arith.maxsi %max3A_30, %squeeze3A_32 : i32
    %slice3A_34 = vector.extract_strided_slice %scan3A_21 {offsets = [5], sizes = [1], strides = [1]} : vector<16xi32> to vector<1xi32>
    %squeeze3A_35 = vector.extract %slice3A_34[0] : i32 from vector<1xi32>
    %max3A_36 = arith.maxsi %max3A_33, %squeeze3A_35 : i32
    %slice3A_37 = vector.extract_strided_slice %scan3A_21 {offsets = [6], sizes = [1], strides = [1]} : vector<16xi32> to vector<1xi32>
    %squeeze3A_38 = vector.extract %slice3A_37[0] : i32 from vector<1xi32>
    %max3A_39 = arith.maxsi %max3A_36, %squeeze3A_38 : i32
    %slice3A_40 = vector.extract_strided_slice %scan3A_21 {offsets = [7], sizes = [1], strides = [1]} : vector<16xi32> to vector<1xi32>
    %squeeze3A_41 = vector.extract %slice3A_40[0] : i32 from vector<1xi32>
    %max3A_42 = arith.maxsi %max3A_39, %squeeze3A_41 : i32
    %slice3A_43 = vector.extract_strided_slice %scan3A_21 {offsets = [8], sizes = [1], strides = [1]} : vector<16xi32> to vector<1xi32>
    %squeeze3A_44 = vector.extract %slice3A_43[0] : i32 from vector<1xi32>
    %max3A_45 = arith.maxsi %max3A_42, %squeeze3A_44 : i32
    %slice3A_46 = vector.extract_strided_slice %scan3A_21 {offsets = [9], sizes = [1], strides = [1]} : vector<16xi32> to vector<1xi32>
    %squeeze3A_47 = vector.extract %slice3A_46[0] : i32 from vector<1xi32>
    %max3A_48 = arith.maxsi %max3A_45, %squeeze3A_47 : i32
    %slice3A_49 = vector.extract_strided_slice %scan3A_21 {offsets = [10], sizes = [1], strides = [1]} : vector<16xi32> to vector<1xi32>
    %squeeze3A_50 = vector.extract %slice3A_49[0] : i32 from vector<1xi32>
    %max3A_51 = arith.maxsi %max3A_48, %squeeze3A_50 : i32
    %slice3A_52 = vector.extract_strided_slice %scan3A_21 {offsets = [11], sizes = [1], strides = [1]} : vector<16xi32> to vector<1xi32>
    %squeeze3A_53 = vector.extract %slice3A_52[0] : i32 from vector<1xi32>
    %max3A_54 = arith.maxsi %max3A_51, %squeeze3A_53 : i32
    %slice3A_55 = vector.extract_strided_slice %scan3A_21 {offsets = [12], sizes = [1], strides = [1]} : vector<16xi32> to vector<1xi32>
    %squeeze3A_56 = vector.extract %slice3A_55[0] : i32 from vector<1xi32>
    %max3A_57 = arith.maxsi %max3A_54, %squeeze3A_56 : i32
    %slice3A_58 = vector.extract_strided_slice %scan3A_21 {offsets = [13], sizes = [1], strides = [1]} : vector<16xi32> to vector<1xi32>
    %squeeze3A_59 = vector.extract %slice3A_58[0] : i32 from vector<1xi32>
    %max3A_60 = arith.maxsi %max3A_57, %squeeze3A_59 : i32
    %slice3A_61 = vector.extract_strided_slice %scan3A_21 {offsets = [14], sizes = [1], strides = [1]} : vector<16xi32> to vector<1xi32>
    %squeeze3A_62 = vector.extract %slice3A_61[0] : i32 from vector<1xi32>
    %max3A_63 = arith.maxsi %max3A_60, %squeeze3A_62 : i32
    %slice3A_64 = vector.extract_strided_slice %scan3A_21 {offsets = [15], sizes = [1], strides = [1]} : vector<16xi32> to vector<1xi32>
    %squeeze3A_65 = vector.extract %slice3A_64[0] : i32 from vector<1xi32>
    %max3A_66 = arith.maxsi %max3A_63, %squeeze3A_65 : i32
    %mul3A_67 = arith.constant 16 : i32
    %mul3A_68 = arith.muli %max3A_66, %mul3A_67 : i32
    %add3A_69 = arith.constant 88 : i32
    %add3A_70 = arith.addi %mul3A_68, %add3A_69 : i32
    %sub3A = arith.constant 1 : i32
    %sub3A_71 = arith.subi %add3A_70, %sub3A : i32
    %jit3A_72 = arith.constant 88 : i32
    %div3A = arith.divsi %sub3A_71, %jit3A_72 : i32
    %sign3A = arith.constant 0 : i32
    %sign3A_73 = arith.cmpi sgt, %sub3A_71, %sign3A : i32
    %sign3A_74 = arith.extui %sign3A_73 : i1 to i32
    %sign3A_75 = arith.constant 0 : i32
    %sign3A_76 = arith.cmpi slt, %sub3A_71, %sign3A_75 : i32
    %sign3A_77 = arith.extui %sign3A_76 : i1 to i32
    %sign3A_78 = arith.subi %sign3A_74, %sign3A_77 : i32
    %sign3A_79 = arith.constant 0 : i32
    %sign3A_80 = arith.cmpi sgt, %jit3A_72, %sign3A_79 : i32
    %sign3A_81 = arith.extui %sign3A_80 : i1 to i32
    %sign3A_82 = arith.constant 0 : i32
    %sign3A_83 = arith.cmpi slt, %jit3A_72, %sign3A_82 : i32
    %sign3A_84 = arith.extui %sign3A_83 : i1 to i32
    %sign3A_85 = arith.subi %sign3A_81, %sign3A_84 : i32
    %ne3A = arith.cmpi ne, %sign3A_78, %sign3A_85 : i32
    %rem3A = arith.remsi %sub3A_71, %jit3A_72 : i32
    %ne3A_86 = arith.constant 0 : i32
    %ne3A_87 = arith.cmpi ne, %rem3A, %ne3A_86 : i32
    %and3A = arith.andi %ne3A, %ne3A_87 : i1
    %sub3A_88 = arith.constant 1 : i32
    %sub3A_89 = arith.subi %div3A, %sub3A_88 : i32
    %select_n3A_90 = arith.select %and3A, %sub3A_89, %div3A : i32
    %mul3A_91 = arith.constant 16 : i32
    %mul3A_92 = arith.muli %arg0, %mul3A_91 : i32
    %add3A_93 = arith.addi %mul3A_92, %arg1 : i32
    %mul3A_94 = arith.constant 20592 : i32
    %mul3A_95 = arith.muli %add3A_93, %mul3A_94 : i32
    "tpu.region"() ({
      %run_scoped3A = tpu.sem_alloc : memref<!tpu.dma_semaphore, #tpu.memory_space<semaphore_mem>>
      %dma_start3A_103 = tpu.memref_slice %arg4[%mul3A_95] : memref<658944xi32, #tpu.memory_space<hbm>> -> memref<20592xi32, #tpu.memory_space<hbm>>
      %dma_start3A_104 = tpu.memref_slice %arg4[%mul3A_95] : memref<658944xi32, #tpu.memory_space<hbm>> -> memref<20592xi32, #tpu.memory_space<hbm>>
      tpu.enqueue_dma source(%arg11 : memref<20592xi32, #tpu.memory_space<vmem>>) target(%dma_start3A_104 : memref<20592xi32, #tpu.memory_space<hbm>>) target_semaphore(%run_scoped3A : memref<!tpu.dma_semaphore, #tpu.memory_space<semaphore_mem>>)
      %dma_wait3A = tpu.memref_slice %arg4[%mul3A_95] : memref<658944xi32, #tpu.memory_space<hbm>> -> memref<20592xi32, #tpu.memory_space<hbm>>
      %dma_wait3A_105 = tpu.memref_slice %arg4[%mul3A_95] : memref<658944xi32, #tpu.memory_space<hbm>> -> memref<20592xi32, #tpu.memory_space<hbm>>
      tpu.wait_dma2 semaphore(%run_scoped3A : memref<!tpu.dma_semaphore, #tpu.memory_space<semaphore_mem>>) src(%arg11 : memref<20592xi32, #tpu.memory_space<vmem>>) dst(%dma_wait3A_105 : memref<20592xi32, #tpu.memory_space<hbm>>)
      tpu.yield
    }) : () -> ()
    "tpu.region"() ({
      %run_scoped3A = tpu.sem_alloc : memref<!tpu.dma_semaphore, #tpu.memory_space<semaphore_mem>>
      %dma_start3A_103 = tpu.memref_slice %arg5[%mul3A_95] : memref<658944xi32, #tpu.memory_space<hbm>> -> memref<20592xi32, #tpu.memory_space<hbm>>
      %dma_start3A_104 = tpu.memref_slice %arg5[%mul3A_95] : memref<658944xi32, #tpu.memory_space<hbm>> -> memref<20592xi32, #tpu.memory_space<hbm>>
      tpu.enqueue_dma source(%arg12 : memref<20592xi32, #tpu.memory_space<vmem>>) target(%dma_start3A_104 : memref<20592xi32, #tpu.memory_space<hbm>>) target_semaphore(%run_scoped3A : memref<!tpu.dma_semaphore, #tpu.memory_space<semaphore_mem>>)
      %dma_wait3A = tpu.memref_slice %arg5[%mul3A_95] : memref<658944xi32, #tpu.memory_space<hbm>> -> memref<20592xi32, #tpu.memory_space<hbm>>
      %dma_wait3A_105 = tpu.memref_slice %arg5[%mul3A_95] : memref<658944xi32, #tpu.memory_space<hbm>> -> memref<20592xi32, #tpu.memory_space<hbm>>
      tpu.wait_dma2 semaphore(%run_scoped3A : memref<!tpu.dma_semaphore, #tpu.memory_space<semaphore_mem>>) src(%arg12 : memref<20592xi32, #tpu.memory_space<vmem>>) dst(%dma_wait3A_105 : memref<20592xi32, #tpu.memory_space<hbm>>)
      tpu.yield
    }) : () -> ()
    %broadcast_in_dim3A_96 = vector.broadcast %select_n3A_90 : i32 to vector<16xi32>
    %swap3A = arith.constant 0 : index
    %swap3A_97 = tpu.vector_load %arg13[%swap3A] {strides = array<i32>} : memref<16xi32, #tpu.memory_space<vmem>>, vector<16xi32>,
    tpu.vector_store %arg13[%swap3A], %broadcast_in_dim3A_96 {strides = array<i32>} : memref<16xi32, #tpu.memory_space<vmem>>, vector<16xi32>,
    %mul3A_98 = arith.constant 16 : i32
    %mul3A_99 = arith.muli %arg0, %mul3A_98 : i32
    %add3A_100 = arith.addi %mul3A_99, %arg1 : i32
    %mul3A_101 = arith.constant 16 : i32
    %mul3A_102 = arith.muli %add3A_100, %mul3A_101 : i32
    "tpu.region"() ({
      %run_scoped3A = tpu.sem_alloc : memref<!tpu.dma_semaphore, #tpu.memory_space<semaphore_mem>>
      %dma_start3A_103 = tpu.memref_slice %arg6[%mul3A_102] : memref<512xi32, #tpu.memory_space<hbm>> -> memref<16xi32, #tpu.memory_space<hbm>>
      %dma_start3A_104 = tpu.memref_slice %arg6[%mul3A_102] : memref<512xi32, #tpu.memory_space<hbm>> -> memref<16xi32, #tpu.memory_space<hbm>>
      tpu.enqueue_dma source(%arg13 : memref<16xi32, #tpu.memory_space<vmem>>) target(%dma_start3A_104 : memref<16xi32, #tpu.memory_space<hbm>>) target_semaphore(%run_scoped3A : memref<!tpu.dma_semaphore, #tpu.memory_space<semaphore_mem>>)
      %dma_wait3A = tpu.memref_slice %arg6[%mul3A_102] : memref<512xi32, #tpu.memory_space<hbm>> -> memref<16xi32, #tpu.memory_space<hbm>>
      %dma_wait3A_105 = tpu.memref_slice %arg6[%mul3A_102] : memref<512xi32, #tpu.memory_space<hbm>> -> memref<16xi32, #tpu.memory_space<hbm>>
      tpu.wait_dma2 semaphore(%run_scoped3A : memref<!tpu.dma_semaphore, #tpu.memory_space<semaphore_mem>>) src(%arg13 : memref<16xi32, #tpu.memory_space<vmem>>) dst(%dma_wait3A_105 : memref<16xi32, #tpu.memory_space<hbm>>)
      tpu.yield
    }) : () -> ()
    return
  }
}

#map = affine_map<(d0, d1) -> (0)>
#map1 = affine_map<(d0, d1) -> (0, 0)>
module attributes {stable_mosaic.version = 14 : i64} {
  func.func @body(%arg0: i32, %arg1: i32, %arg2: memref<658944xi32, #tpu.memory_space<hbm>>, %arg3: memref<658944xi32, #tpu.memory_space<hbm>>, %arg4: memref<512xi32, #tpu.memory_space<hbm>>, %arg5: memref<70000x128xf32, #tpu.memory_space<hbm>>, %arg6: memref<5120x128xf32, #tpu.memory_space<hbm>>, %arg7: memref<10000x128xf32, #tpu.memory_space<hbm>>, %arg8: memref<4096xf32, #tpu.memory_space<hbm>>, %arg9: memref<4x88xi32, #tpu.memory_space<vmem>>, %arg10: memref<4x88xi32, #tpu.memory_space<vmem>>, %arg11: memref<2x88x128xf32, #tpu.memory_space<vmem>>, %arg12: memref<16xi32, #tpu.memory_space<vmem>>, %arg13: memref<128xf32, #tpu.memory_space<vmem>>, %arg14: memref<5120x128xf32, #tpu.memory_space<vmem_shared>>, %arg15: memref<!tpu.dma_semaphore, #tpu.memory_space<semaphore_mem>>, %arg16: memref<!tpu.dma_semaphore, #tpu.memory_space<semaphore_mem>>, %arg17: memref<!tpu.dma_semaphore, #tpu.memory_space<semaphore_mem>>, %arg18: memref<!tpu.dma_semaphore, #tpu.memory_space<semaphore_mem>>, %arg19: memref<!tpu.dma_semaphore, #tpu.memory_space<semaphore_mem>>, %arg20: memref<!tpu.dma_semaphore, #tpu.memory_space<semaphore_mem>>, %arg21: memref<!tpu.dma_semaphore, #tpu.memory_space<semaphore_mem>>, %arg22: memref<!tpu.dma_semaphore, #tpu.memory_space<semaphore_mem>>, %arg23: memref<!tpu.dma_semaphore, #tpu.memory_space<semaphore_mem>>) attributes {dimension_semantics = [#tpu.dimension_semantics<core_parallel>, #tpu.dimension_semantics<subcore_parallel>], iteration_bounds = array<i64: 2, 16>, scalar_prefetch = 0 : i64, scratch_operands = 15 : i64, tpu.core_type = #tpu.core_type<sc_vector_subcore>, window_params = [{transform_indices = #map}, {transform_indices = #map}, {transform_indices = #map}, {transform_indices = #map1}, {transform_indices = #map1}, {transform_indices = #map1}, {transform_indices = #map}]} {
    %mul3A = arith.constant 320 : i32
    %mul3A_0 = arith.muli %arg1, %mul3A : i32
    %mul3A_1 = arith.constant 16 : i32
    %mul3A_2 = arith.muli %arg0, %mul3A_1 : i32
    %add3A = arith.addi %mul3A_2, %arg1 : i32
    %mul3A_3 = arith.constant 20592 : i32
    %mul3A_4 = arith.muli %add3A, %mul3A_3 : i32
    %mul3A_5 = arith.constant 16 : i32
    %mul3A_6 = arith.muli %arg0, %mul3A_5 : i32
    %add3A_7 = arith.addi %mul3A_6, %arg1 : i32
    %mul3A_8 = arith.constant 16 : i32
    %mul3A_9 = arith.muli %add3A_7, %mul3A_8 : i32
    %dma_start3A = tpu.memref_slice %arg4[%mul3A_9] : memref<512xi32, #tpu.memory_space<hbm>> -> memref<16xi32, #tpu.memory_space<hbm>>
    %dma_start3A_10 = tpu.memref_slice %arg4[%mul3A_9] : memref<512xi32, #tpu.memory_space<hbm>> -> memref<16xi32, #tpu.memory_space<hbm>>
    tpu.enqueue_dma source(%dma_start3A_10 : memref<16xi32, #tpu.memory_space<hbm>>) target(%arg12 : memref<16xi32, #tpu.memory_space<vmem>>) target_semaphore(%arg23 : memref<!tpu.dma_semaphore, #tpu.memory_space<semaphore_mem>>)
    "tpu.region"() ({
      %run_scoped3A = tpu.sem_alloc : memref<!tpu.dma_semaphore, #tpu.memory_space<semaphore_mem>>
      %dma_start3A_100 = arith.constant 0 : i32
      %dma_start3A_101 = tpu.memref_slice %arg14[%mul3A_0, %dma_start3A_100] : memref<5120x128xf32, #tpu.memory_space<vmem_shared>> -> memref<320x128xf32, #tpu.memory_space<vmem_shared>>
      %dma_start3A_102 = arith.constant 0 : i32
      %dma_start3A_103 = tpu.memref_slice %arg6[%mul3A_0, %dma_start3A_102] : memref<5120x128xf32, #tpu.memory_space<hbm>> -> memref<320x128xf32, #tpu.memory_space<hbm>>
      tpu.enqueue_dma source(%dma_start3A_103 : memref<320x128xf32, #tpu.memory_space<hbm>>) target(%dma_start3A_101 : memref<320x128xf32, #tpu.memory_space<vmem_shared>>) target_semaphore(%run_scoped3A : memref<!tpu.dma_semaphore, #tpu.memory_space<semaphore_mem>>)
      %dma_wait3A_104 = arith.constant 0 : i32
      %dma_wait3A_105 = tpu.memref_slice %arg14[%mul3A_0, %dma_wait3A_104] : memref<5120x128xf32, #tpu.memory_space<vmem_shared>> -> memref<320x128xf32, #tpu.memory_space<vmem_shared>>
      %dma_wait3A_106 = arith.constant 0 : i32
      %dma_wait3A_107 = tpu.memref_slice %arg6[%mul3A_0, %dma_wait3A_106] : memref<5120x128xf32, #tpu.memory_space<hbm>> -> memref<320x128xf32, #tpu.memory_space<hbm>>
      tpu.wait_dma2 semaphore(%run_scoped3A : memref<!tpu.dma_semaphore, #tpu.memory_space<semaphore_mem>>) src(%dma_wait3A_107 : memref<320x128xf32, #tpu.memory_space<hbm>>) dst(%dma_wait3A_105 : memref<320x128xf32, #tpu.memory_space<vmem_shared>>)
      tpu.yield
    }) : () -> ()
    %dma_wait3A = arith.constant 0 : i32
    %dma_wait3A_11 = tpu.memref_slice %arg4[%dma_wait3A] : memref<512xi32, #tpu.memory_space<hbm>> -> memref<16xi32, #tpu.memory_space<hbm>>
    %dma_wait3A_12 = arith.constant 0 : i32
    %dma_wait3A_13 = tpu.memref_slice %arg4[%dma_wait3A_12] : memref<512xi32, #tpu.memory_space<hbm>> -> memref<16xi32, #tpu.memory_space<hbm>>
    tpu.wait_dma2 semaphore(%arg23 : memref<!tpu.dma_semaphore, #tpu.memory_space<semaphore_mem>>) src(%dma_wait3A_13 : memref<16xi32, #tpu.memory_space<hbm>>) dst(%arg12 : memref<16xi32, #tpu.memory_space<vmem>>)
    %get3A = arith.constant 0 : index
    %get3A_14 = tpu.vector_load %arg12[%get3A] {strides = array<i32>} : memref<16xi32, #tpu.memory_space<vmem>>, vector<16xi32>,
    %slice3A = vector.extract_strided_slice %get3A_14 {offsets = [0], sizes = [1], strides = [1]} : vector<16xi32> to vector<1xi32>
    %squeeze3A = vector.extract %slice3A[0] : i32 from vector<1xi32>
    %barrier3A = arith.constant 0 : index
    tpu.barrier barrier_id(%barrier3A)
    %gt3A = arith.constant 0 : i32
    %gt3A_15 = arith.cmpi sgt, %squeeze3A, %gt3A : i32
    %convert_element_type3A = arith.extui %gt3A_15 : i1 to i32
    %cond3A = arith.constant 0 : i32
    %cond3A_16 = arith.cmpi ne, %convert_element_type3A, %cond3A : i32
    scf.if %cond3A_16 {
      %add3A_100 = arith.constant 0 : i32
      %add3A_101 = arith.addi %mul3A_4, %add3A_100 : i32
      %multiple_of3A = tpu.assume_multiple %add3A_101, 8 : i32
      %dma_start3A_102 = arith.constant 0 : i32
      %dma_start3A_103 = arith.constant 0 : i32
      %dma_start3A_104 = tpu.memref_slice %arg9[%dma_start3A_102, %dma_start3A_103] : memref<4x88xi32, #tpu.memory_space<vmem>> -> memref<1x88xi32, #tpu.memory_space<vmem>>
      %dma_start3A_105 = tpu.memref_squeeze %dma_start3A_104 : memref<1x88xi32, #tpu.memory_space<vmem>> -> memref<88xi32, #tpu.memory_space<vmem>>
      %dma_start3A_106 = tpu.memref_slice %arg2[%multiple_of3A] : memref<658944xi32, #tpu.memory_space<hbm>> -> memref<88xi32, #tpu.memory_space<hbm>>
      %dma_start3A_107 = arith.constant 0 : i32
      %dma_start3A_108 = tpu.memref_slice %arg9[%dma_start3A_102, %dma_start3A_107] : memref<4x88xi32, #tpu.memory_space<vmem>> -> memref<1x88xi32, #tpu.memory_space<vmem>>
      %dma_start3A_109 = tpu.memref_squeeze %dma_start3A_108 : memref<1x88xi32, #tpu.memory_space<vmem>> -> memref<88xi32, #tpu.memory_space<vmem>>
      %dma_start3A_110 = tpu.memref_slice %arg2[%multiple_of3A] : memref<658944xi32, #tpu.memory_space<hbm>> -> memref<88xi32, #tpu.memory_space<hbm>>
      tpu.enqueue_dma source(%dma_start3A_110 : memref<88xi32, #tpu.memory_space<hbm>>) target(%dma_start3A_109 : memref<88xi32, #tpu.memory_space<vmem>>) target_semaphore(%arg15 : memref<!tpu.dma_semaphore, #tpu.memory_space<semaphore_mem>>)
      %dma_start3A_111 = arith.constant 0 : i32
      %dma_start3A_112 = arith.constant 0 : i32
      %dma_start3A_113 = tpu.memref_slice %arg10[%dma_start3A_111, %dma_start3A_112] : memref<4x88xi32, #tpu.memory_space<vmem>> -> memref<1x88xi32, #tpu.memory_space<vmem>>
      %dma_start3A_114 = tpu.memref_squeeze %dma_start3A_113 : memref<1x88xi32, #tpu.memory_space<vmem>> -> memref<88xi32, #tpu.memory_space<vmem>>
      %dma_start3A_115 = tpu.memref_slice %arg3[%multiple_of3A] : memref<658944xi32, #tpu.memory_space<hbm>> -> memref<88xi32, #tpu.memory_space<hbm>>
      %dma_start3A_116 = arith.constant 0 : i32
      %dma_start3A_117 = tpu.memref_slice %arg10[%dma_start3A_111, %dma_start3A_116] : memref<4x88xi32, #tpu.memory_space<vmem>> -> memref<1x88xi32, #tpu.memory_space<vmem>>
      %dma_start3A_118 = tpu.memref_squeeze %dma_start3A_117 : memref<1x88xi32, #tpu.memory_space<vmem>> -> memref<88xi32, #tpu.memory_space<vmem>>
      %dma_start3A_119 = tpu.memref_slice %arg3[%multiple_of3A] : memref<658944xi32, #tpu.memory_space<hbm>> -> memref<88xi32, #tpu.memory_space<hbm>>
      tpu.enqueue_dma source(%dma_start3A_119 : memref<88xi32, #tpu.memory_space<hbm>>) target(%dma_start3A_118 : memref<88xi32, #tpu.memory_space<vmem>>) target_semaphore(%arg15 : memref<!tpu.dma_semaphore, #tpu.memory_space<semaphore_mem>>)
    } else {
    }
    %gt3A_17 = arith.constant 1 : i32
    %gt3A_18 = arith.cmpi sgt, %squeeze3A, %gt3A_17 : i32
    %convert_element_type3A_19 = arith.extui %gt3A_18 : i1 to i32
    %cond3A_20 = arith.constant 0 : i32
    %cond3A_21 = arith.cmpi ne, %convert_element_type3A_19, %cond3A_20 : i32
    scf.if %cond3A_21 {
      %add3A_100 = arith.constant 88 : i32
      %add3A_101 = arith.addi %mul3A_4, %add3A_100 : i32
      %multiple_of3A = tpu.assume_multiple %add3A_101, 8 : i32
      %dma_start3A_102 = arith.constant 1 : i32
      %dma_start3A_103 = arith.constant 0 : i32
      %dma_start3A_104 = tpu.memref_slice %arg9[%dma_start3A_102, %dma_start3A_103] : memref<4x88xi32, #tpu.memory_space<vmem>> -> memref<1x88xi32, #tpu.memory_space<vmem>>
      %dma_start3A_105 = tpu.memref_squeeze %dma_start3A_104 : memref<1x88xi32, #tpu.memory_space<vmem>> -> memref<88xi32, #tpu.memory_space<vmem>>
      %dma_start3A_106 = tpu.memref_slice %arg2[%multiple_of3A] : memref<658944xi32, #tpu.memory_space<hbm>> -> memref<88xi32, #tpu.memory_space<hbm>>
      %dma_start3A_107 = arith.constant 0 : i32
      %dma_start3A_108 = tpu.memref_slice %arg9[%dma_start3A_102, %dma_start3A_107] : memref<4x88xi32, #tpu.memory_space<vmem>> -> memref<1x88xi32, #tpu.memory_space<vmem>>
      %dma_start3A_109 = tpu.memref_squeeze %dma_start3A_108 : memref<1x88xi32, #tpu.memory_space<vmem>> -> memref<88xi32, #tpu.memory_space<vmem>>
      %dma_start3A_110 = tpu.memref_slice %arg2[%multiple_of3A] : memref<658944xi32, #tpu.memory_space<hbm>> -> memref<88xi32, #tpu.memory_space<hbm>>
      tpu.enqueue_dma source(%dma_start3A_110 : memref<88xi32, #tpu.memory_space<hbm>>) target(%dma_start3A_109 : memref<88xi32, #tpu.memory_space<vmem>>) target_semaphore(%arg16 : memref<!tpu.dma_semaphore, #tpu.memory_space<semaphore_mem>>)
      %dma_start3A_111 = arith.constant 1 : i32
      %dma_start3A_112 = arith.constant 0 : i32
      %dma_start3A_113 = tpu.memref_slice %arg10[%dma_start3A_111, %dma_start3A_112] : memref<4x88xi32, #tpu.memory_space<vmem>> -> memref<1x88xi32, #tpu.memory_space<vmem>>
      %dma_start3A_114 = tpu.memref_squeeze %dma_start3A_113 : memref<1x88xi32, #tpu.memory_space<vmem>> -> memref<88xi32, #tpu.memory_space<vmem>>
      %dma_start3A_115 = tpu.memref_slice %arg3[%multiple_of3A] : memref<658944xi32, #tpu.memory_space<hbm>> -> memref<88xi32, #tpu.memory_space<hbm>>
      %dma_start3A_116 = arith.constant 0 : i32
      %dma_start3A_117 = tpu.memref_slice %arg10[%dma_start3A_111, %dma_start3A_116] : memref<4x88xi32, #tpu.memory_space<vmem>> -> memref<1x88xi32, #tpu.memory_space<vmem>>
      %dma_start3A_118 = tpu.memref_squeeze %dma_start3A_117 : memref<1x88xi32, #tpu.memory_space<vmem>> -> memref<88xi32, #tpu.memory_space<vmem>>
      %dma_start3A_119 = tpu.memref_slice %arg3[%multiple_of3A] : memref<658944xi32, #tpu.memory_space<hbm>> -> memref<88xi32, #tpu.memory_space<hbm>>
      tpu.enqueue_dma source(%dma_start3A_119 : memref<88xi32, #tpu.memory_space<hbm>>) target(%dma_start3A_118 : memref<88xi32, #tpu.memory_space<vmem>>) target_semaphore(%arg16 : memref<!tpu.dma_semaphore, #tpu.memory_space<semaphore_mem>>)
    } else {
    }
    %gt3A_22 = arith.constant 2 : i32
    %gt3A_23 = arith.cmpi sgt, %squeeze3A, %gt3A_22 : i32
    %convert_element_type3A_24 = arith.extui %gt3A_23 : i1 to i32
    %cond3A_25 = arith.constant 0 : i32
    %cond3A_26 = arith.cmpi ne, %convert_element_type3A_24, %cond3A_25 : i32
    scf.if %cond3A_26 {
      %add3A_100 = arith.constant 176 : i32
      %add3A_101 = arith.addi %mul3A_4, %add3A_100 : i32
      %multiple_of3A = tpu.assume_multiple %add3A_101, 8 : i32
      %dma_start3A_102 = arith.constant 2 : i32
      %dma_start3A_103 = arith.constant 0 : i32
      %dma_start3A_104 = tpu.memref_slice %arg9[%dma_start3A_102, %dma_start3A_103] : memref<4x88xi32, #tpu.memory_space<vmem>> -> memref<1x88xi32, #tpu.memory_space<vmem>>
      %dma_start3A_105 = tpu.memref_squeeze %dma_start3A_104 : memref<1x88xi32, #tpu.memory_space<vmem>> -> memref<88xi32, #tpu.memory_space<vmem>>
      %dma_start3A_106 = tpu.memref_slice %arg2[%multiple_of3A] : memref<658944xi32, #tpu.memory_space<hbm>> -> memref<88xi32, #tpu.memory_space<hbm>>
      %dma_start3A_107 = arith.constant 0 : i32
      %dma_start3A_108 = tpu.memref_slice %arg9[%dma_start3A_102, %dma_start3A_107] : memref<4x88xi32, #tpu.memory_space<vmem>> -> memref<1x88xi32, #tpu.memory_space<vmem>>
      %dma_start3A_109 = tpu.memref_squeeze %dma_start3A_108 : memref<1x88xi32, #tpu.memory_space<vmem>> -> memref<88xi32, #tpu.memory_space<vmem>>
      %dma_start3A_110 = tpu.memref_slice %arg2[%multiple_of3A] : memref<658944xi32, #tpu.memory_space<hbm>> -> memref<88xi32, #tpu.memory_space<hbm>>
      tpu.enqueue_dma source(%dma_start3A_110 : memref<88xi32, #tpu.memory_space<hbm>>) target(%dma_start3A_109 : memref<88xi32, #tpu.memory_space<vmem>>) target_semaphore(%arg17 : memref<!tpu.dma_semaphore, #tpu.memory_space<semaphore_mem>>)
      %dma_start3A_111 = arith.constant 2 : i32
      %dma_start3A_112 = arith.constant 0 : i32
      %dma_start3A_113 = tpu.memref_slice %arg10[%dma_start3A_111, %dma_start3A_112] : memref<4x88xi32, #tpu.memory_space<vmem>> -> memref<1x88xi32, #tpu.memory_space<vmem>>
      %dma_start3A_114 = tpu.memref_squeeze %dma_start3A_113 : memref<1x88xi32, #tpu.memory_space<vmem>> -> memref<88xi32, #tpu.memory_space<vmem>>
      %dma_start3A_115 = tpu.memref_slice %arg3[%multiple_of3A] : memref<658944xi32, #tpu.memory_space<hbm>> -> memref<88xi32, #tpu.memory_space<hbm>>
      %dma_start3A_116 = arith.constant 0 : i32
      %dma_start3A_117 = tpu.memref_slice %arg10[%dma_start3A_111, %dma_start3A_116] : memref<4x88xi32, #tpu.memory_space<vmem>> -> memref<1x88xi32, #tpu.memory_space<vmem>>
      %dma_start3A_118 = tpu.memref_squeeze %dma_start3A_117 : memref<1x88xi32, #tpu.memory_space<vmem>> -> memref<88xi32, #tpu.memory_space<vmem>>
      %dma_start3A_119 = tpu.memref_slice %arg3[%multiple_of3A] : memref<658944xi32, #tpu.memory_space<hbm>> -> memref<88xi32, #tpu.memory_space<hbm>>
      tpu.enqueue_dma source(%dma_start3A_119 : memref<88xi32, #tpu.memory_space<hbm>>) target(%dma_start3A_118 : memref<88xi32, #tpu.memory_space<vmem>>) target_semaphore(%arg17 : memref<!tpu.dma_semaphore, #tpu.memory_space<semaphore_mem>>)
    } else {
    }
    %gt3A_27 = arith.constant 0 : i32
    %gt3A_28 = arith.cmpi sgt, %squeeze3A, %gt3A_27 : i32
    %convert_element_type3A_29 = arith.extui %gt3A_28 : i1 to i32
    %cond3A_30 = arith.constant 0 : i32
    %cond3A_31 = arith.cmpi ne, %convert_element_type3A_29, %cond3A_30 : i32
    scf.if %cond3A_31 {
      %dma_wait3A_100 = arith.constant 0 : i32
      %dma_wait3A_101 = arith.constant 0 : i32
      %dma_wait3A_102 = tpu.memref_slice %arg9[%dma_wait3A_100, %dma_wait3A_101] : memref<4x88xi32, #tpu.memory_space<vmem>> -> memref<1x88xi32, #tpu.memory_space<vmem>>
      %dma_wait3A_103 = tpu.memref_squeeze %dma_wait3A_102 : memref<1x88xi32, #tpu.memory_space<vmem>> -> memref<88xi32, #tpu.memory_space<vmem>>
      %dma_wait3A_104 = arith.constant 0 : i32
      %dma_wait3A_105 = tpu.memref_slice %arg2[%dma_wait3A_104] : memref<658944xi32, #tpu.memory_space<hbm>> -> memref<88xi32, #tpu.memory_space<hbm>>
      %dma_wait3A_106 = arith.constant 0 : i32
      %dma_wait3A_107 = tpu.memref_slice %arg9[%dma_wait3A_100, %dma_wait3A_106] : memref<4x88xi32, #tpu.memory_space<vmem>> -> memref<1x88xi32, #tpu.memory_space<vmem>>
      %dma_wait3A_108 = tpu.memref_squeeze %dma_wait3A_107 : memref<1x88xi32, #tpu.memory_space<vmem>> -> memref<88xi32, #tpu.memory_space<vmem>>
      %dma_wait3A_109 = arith.constant 0 : i32
      %dma_wait3A_110 = tpu.memref_slice %arg2[%dma_wait3A_109] : memref<658944xi32, #tpu.memory_space<hbm>> -> memref<88xi32, #tpu.memory_space<hbm>>
      tpu.wait_dma2 semaphore(%arg15 : memref<!tpu.dma_semaphore, #tpu.memory_space<semaphore_mem>>) src(%dma_wait3A_110 : memref<88xi32, #tpu.memory_space<hbm>>) dst(%dma_wait3A_108 : memref<88xi32, #tpu.memory_space<vmem>>)
      %dma_wait3A_111 = arith.constant 0 : i32
      %dma_wait3A_112 = arith.constant 0 : i32
      %dma_wait3A_113 = tpu.memref_slice %arg10[%dma_wait3A_111, %dma_wait3A_112] : memref<4x88xi32, #tpu.memory_space<vmem>> -> memref<1x88xi32, #tpu.memory_space<vmem>>
      %dma_wait3A_114 = tpu.memref_squeeze %dma_wait3A_113 : memref<1x88xi32, #tpu.memory_space<vmem>> -> memref<88xi32, #tpu.memory_space<vmem>>
      %dma_wait3A_115 = arith.constant 0 : i32
      %dma_wait3A_116 = tpu.memref_slice %arg2[%dma_wait3A_115] : memref<658944xi32, #tpu.memory_space<hbm>> -> memref<88xi32, #tpu.memory_space<hbm>>
      %dma_wait3A_117 = arith.constant 0 : i32
      %dma_wait3A_118 = tpu.memref_slice %arg10[%dma_wait3A_111, %dma_wait3A_117] : memref<4x88xi32, #tpu.memory_space<vmem>> -> memref<1x88xi32, #tpu.memory_space<vmem>>
      %dma_wait3A_119 = tpu.memref_squeeze %dma_wait3A_118 : memref<1x88xi32, #tpu.memory_space<vmem>> -> memref<88xi32, #tpu.memory_space<vmem>>
      %dma_wait3A_120 = arith.constant 0 : i32
      %dma_wait3A_121 = tpu.memref_slice %arg2[%dma_wait3A_120] : memref<658944xi32, #tpu.memory_space<hbm>> -> memref<88xi32, #tpu.memory_space<hbm>>
      tpu.wait_dma2 semaphore(%arg15 : memref<!tpu.dma_semaphore, #tpu.memory_space<semaphore_mem>>) src(%dma_wait3A_121 : memref<88xi32, #tpu.memory_space<hbm>>) dst(%dma_wait3A_119 : memref<88xi32, #tpu.memory_space<vmem>>)
      %dma_start3A_122 = arith.constant 0 : i32
      %dma_start3A_123 = arith.constant 0 : i32
      %dma_start3A_124 = arith.constant 0 : i32
      %dma_start3A_125 = arith.constant 0 : i32
      %dma_start3A_126 = tpu.memref_slice %arg11[%dma_start3A_123, %dma_start3A_124, %dma_start3A_125] : memref<2x88x128xf32, #tpu.memory_space<vmem>> -> memref<1x88x128xf32, #tpu.memory_space<vmem>>
      %dma_start3A_127 = tpu.memref_squeeze %dma_start3A_126 : memref<1x88x128xf32, #tpu.memory_space<vmem>> -> memref<88x128xf32, #tpu.memory_space<vmem>>
      %dma_start3A_128 = arith.constant 0 : i32
      %dma_start3A_129 = tpu.memref_slice %arg9[%dma_start3A_122, %dma_start3A_128] : memref<4x88xi32, #tpu.memory_space<vmem>> -> memref<1x88xi32, #tpu.memory_space<vmem>>
      %dma_start3A_130 = tpu.memref_squeeze %dma_start3A_129 : memref<1x88xi32, #tpu.memory_space<vmem>> -> memref<88xi32, #tpu.memory_space<vmem>>
      %dma_start3A_131 = arith.constant 0 : i32
      %dma_start3A_132 = arith.constant 0 : i32
      %dma_start3A_133 = tpu.memref_slice %arg5[%dma_start3A_131, %dma_start3A_132] : memref<70000x128xf32, #tpu.memory_space<hbm>> -> memref<70000x128xf32, #tpu.memory_space<hbm>>
      tpu.enqueue_indirect_dma source(%dma_start3A_133 : memref<70000x128xf32, #tpu.memory_space<hbm>>) target(%dma_start3A_127 : memref<88x128xf32, #tpu.memory_space<vmem>>) offsets(%dma_start3A_130 : memref<88xi32, #tpu.memory_space<vmem>>) semaphore(%arg19 : memref<!tpu.dma_semaphore, #tpu.memory_space<semaphore_mem>>)
    } else {
    }
    %add3A_32 = arith.constant 4 : i32
    %add3A_33 = arith.addi %squeeze3A, %add3A_32 : i32
    %jit3A = arith.constant 4 : i32
    %div3A = arith.divsi %add3A_33, %jit3A : i32
    %sign3A = arith.constant 0 : i32
    %sign3A_34 = arith.cmpi sgt, %add3A_33, %sign3A : i32
    %sign3A_35 = arith.extui %sign3A_34 : i1 to i32
    %sign3A_36 = arith.constant 0 : i32
    %sign3A_37 = arith.cmpi slt, %add3A_33, %sign3A_36 : i32
    %sign3A_38 = arith.extui %sign3A_37 : i1 to i32
    %sign3A_39 = arith.subi %sign3A_35, %sign3A_38 : i32
    %sign3A_40 = arith.constant 0 : i32
    %sign3A_41 = arith.cmpi sgt, %jit3A, %sign3A_40 : i32
    %sign3A_42 = arith.extui %sign3A_41 : i1 to i32
    %sign3A_43 = arith.constant 0 : i32
    %sign3A_44 = arith.cmpi slt, %jit3A, %sign3A_43 : i32
    %sign3A_45 = arith.extui %sign3A_44 : i1 to i32
    %sign3A_46 = arith.subi %sign3A_42, %sign3A_45 : i32
    %ne3A = arith.cmpi ne, %sign3A_39, %sign3A_46 : i32
    %rem3A = arith.remsi %add3A_33, %jit3A : i32
    %ne3A_47 = arith.constant 0 : i32
    %ne3A_48 = arith.cmpi ne, %rem3A, %ne3A_47 : i32
    %and3A = arith.andi %ne3A, %ne3A_48 : i1
    %sub3A = arith.constant 1 : i32
    %sub3A_49 = arith.subi %div3A, %sub3A : i32
    %select_n3A = arith.select %and3A, %sub3A_49, %div3A : i32
    %while3A = arith.constant 0 : i32
    %while3A_50 = arith.constant 0 : i32
    %while3A_51 = arith.subi %select_n3A, %while3A_50 : i32
    %while3A_52 = arith.addi %while3A_50, %while3A_51 : i32
    %while3A_53 = arith.constant 1 : i32
    %while3A_54 = arith.divsi %while3A_51, %while3A_53 : i32
    %while3A_55 = arith.muli %while3A_54, %while3A_53 : i32
    %while3A_56 = arith.addi %while3A_50, %while3A_55 : i32
    %while3A_57 = arith.constant 1 : i32
    scf.for %while3A_100 = %while3A_50 to %while3A_56 step %while3A_57  : i32 {
      %mul3A_101 = arith.constant 4 : i32
      %mul3A_102 = arith.muli %while3A_100, %mul3A_101 : i32
      %add3A_103 = arith.constant 0 : i32
      %add3A_104 = arith.addi %mul3A_102, %add3A_103 : i32
      %ge3A = arith.constant 1 : i32
      %ge3A_105 = arith.cmpi sge, %add3A_104, %ge3A : i32
      %sub3A_106 = arith.constant 1 : i32
      %sub3A_107 = arith.subi %add3A_104, %sub3A_106 : i32
      %lt3A = arith.cmpi slt, %sub3A_107, %squeeze3A : i32
      %and3A_108 = arith.andi %ge3A_105, %lt3A : i1
      %convert_element_type3A_109 = arith.extui %and3A_108 : i1 to i32
      %cond3A_110 = arith.constant 0 : i32
      %cond3A_111 = arith.cmpi ne, %convert_element_type3A_109, %cond3A_110 : i32
      scf.if %cond3A_111 {
        %dma_wait3A_215 = arith.constant 1 : i32
        %dma_wait3A_216 = arith.constant 0 : i32
        %dma_wait3A_217 = arith.constant 0 : i32
        %dma_wait3A_218 = tpu.memref_slice %arg11[%dma_wait3A_215, %dma_wait3A_216, %dma_wait3A_217] : memref<2x88x128xf32, #tpu.memory_space<vmem>> -> memref<1x88x128xf32, #tpu.memory_space<vmem>>
        %dma_wait3A_219 = tpu.memref_squeeze %dma_wait3A_218 : memref<1x88x128xf32, #tpu.memory_space<vmem>> -> memref<88x128xf32, #tpu.memory_space<vmem>>
        %dma_wait3A_220 = arith.constant 0 : i32
        %dma_wait3A_221 = arith.constant 0 : i32
        %dma_wait3A_222 = tpu.memref_slice %arg14[%dma_wait3A_220, %dma_wait3A_221] : memref<5120x128xf32, #tpu.memory_space<vmem_shared>> -> memref<88x128xf32, #tpu.memory_space<vmem_shared>>
        %dma_wait3A_223 = arith.constant 0 : i32
        %dma_wait3A_224 = arith.constant 0 : i32
        %dma_wait3A_225 = tpu.memref_slice %arg14[%dma_wait3A_223, %dma_wait3A_224] : memref<5120x128xf32, #tpu.memory_space<vmem_shared>> -> memref<88x128xf32, #tpu.memory_space<vmem_shared>>
        %dma_wait3A_226 = arith.constant 0 : i32
        %dma_wait3A_227 = arith.constant 0 : i32
        %dma_wait3A_228 = tpu.memref_slice %arg11[%dma_wait3A_215, %dma_wait3A_226, %dma_wait3A_227] : memref<2x88x128xf32, #tpu.memory_space<vmem>> -> memref<1x88x128xf32, #tpu.memory_space<vmem>>
        %dma_wait3A_229 = tpu.memref_squeeze %dma_wait3A_228 : memref<1x88x128xf32, #tpu.memory_space<vmem>> -> memref<88x128xf32, #tpu.memory_space<vmem>>
        tpu.wait_dma2 semaphore(%arg22 : memref<!tpu.dma_semaphore, #tpu.memory_space<semaphore_mem>>) src(%dma_wait3A_229 : memref<88x128xf32, #tpu.memory_space<vmem>>) dst(%dma_wait3A_225 : memref<88x128xf32, #tpu.memory_space<vmem_shared>>)
      } else {
      }
      %add3A_112 = arith.constant 3 : i32
      %add3A_113 = arith.addi %add3A_104, %add3A_112 : i32
      %lt3A_114 = arith.cmpi slt, %add3A_113, %squeeze3A : i32
      %convert_element_type3A_115 = arith.extui %lt3A_114 : i1 to i32
      %cond3A_116 = arith.constant 0 : i32
      %cond3A_117 = arith.cmpi ne, %convert_element_type3A_115, %cond3A_116 : i32
      scf.if %cond3A_117 {
        %add3A_215 = arith.constant 3 : i32
        %add3A_216 = arith.addi %add3A_104, %add3A_215 : i32
        %mul3A_217 = arith.constant 88 : i32
        %mul3A_218 = arith.muli %add3A_216, %mul3A_217 : i32
        %add3A_219 = arith.addi %mul3A_4, %mul3A_218 : i32
        %multiple_of3A = tpu.assume_multiple %add3A_219, 8 : i32
        %dma_start3A_220 = arith.constant 3 : i32
        %dma_start3A_221 = arith.constant 0 : i32
        %dma_start3A_222 = tpu.memref_slice %arg9[%dma_start3A_220, %dma_start3A_221] : memref<4x88xi32, #tpu.memory_space<vmem>> -> memref<1x88xi32, #tpu.memory_space<vmem>>
        %dma_start3A_223 = tpu.memref_squeeze %dma_start3A_222 : memref<1x88xi32, #tpu.memory_space<vmem>> -> memref<88xi32, #tpu.memory_space<vmem>>
        %dma_start3A_224 = tpu.memref_slice %arg2[%multiple_of3A] : memref<658944xi32, #tpu.memory_space<hbm>> -> memref<88xi32, #tpu.memory_space<hbm>>
        %dma_start3A_225 = arith.constant 0 : i32
        %dma_start3A_226 = tpu.memref_slice %arg9[%dma_start3A_220, %dma_start3A_225] : memref<4x88xi32, #tpu.memory_space<vmem>> -> memref<1x88xi32, #tpu.memory_space<vmem>>
        %dma_start3A_227 = tpu.memref_squeeze %dma_start3A_226 : memref<1x88xi32, #tpu.memory_space<vmem>> -> memref<88xi32, #tpu.memory_space<vmem>>
        %dma_start3A_228 = tpu.memref_slice %arg2[%multiple_of3A] : memref<658944xi32, #tpu.memory_space<hbm>> -> memref<88xi32, #tpu.memory_space<hbm>>
        tpu.enqueue_dma source(%dma_start3A_228 : memref<88xi32, #tpu.memory_space<hbm>>) target(%dma_start3A_227 : memref<88xi32, #tpu.memory_space<vmem>>) target_semaphore(%arg18 : memref<!tpu.dma_semaphore, #tpu.memory_space<semaphore_mem>>)
        %dma_start3A_229 = arith.constant 3 : i32
        %dma_start3A_230 = arith.constant 0 : i32
        %dma_start3A_231 = tpu.memref_slice %arg10[%dma_start3A_229, %dma_start3A_230] : memref<4x88xi32, #tpu.memory_space<vmem>> -> memref<1x88xi32, #tpu.memory_space<vmem>>
        %dma_start3A_232 = tpu.memref_squeeze %dma_start3A_231 : memref<1x88xi32, #tpu.memory_space<vmem>> -> memref<88xi32, #tpu.memory_space<vmem>>
        %dma_start3A_233 = tpu.memref_slice %arg3[%multiple_of3A] : memref<658944xi32, #tpu.memory_space<hbm>> -> memref<88xi32, #tpu.memory_space<hbm>>
        %dma_start3A_234 = arith.constant 0 : i32
        %dma_start3A_235 = tpu.memref_slice %arg10[%dma_start3A_229, %dma_start3A_234] : memref<4x88xi32, #tpu.memory_space<vmem>> -> memref<1x88xi32, #tpu.memory_space<vmem>>
        %dma_start3A_236 = tpu.memref_squeeze %dma_start3A_235 : memref<1x88xi32, #tpu.memory_space<vmem>> -> memref<88xi32, #tpu.memory_space<vmem>>
        %dma_start3A_237 = tpu.memref_slice %arg3[%multiple_of3A] : memref<658944xi32, #tpu.memory_space<hbm>> -> memref<88xi32, #tpu.memory_space<hbm>>
        tpu.enqueue_dma source(%dma_start3A_237 : memref<88xi32, #tpu.memory_space<hbm>>) target(%dma_start3A_236 : memref<88xi32, #tpu.memory_space<vmem>>) target_semaphore(%arg18 : memref<!tpu.dma_semaphore, #tpu.memory_space<semaphore_mem>>)
      } else {
      }
      %add3A_118 = arith.constant 1 : i32
      %add3A_119 = arith.addi %add3A_104, %add3A_118 : i32
      %lt3A_120 = arith.cmpi slt, %add3A_119, %squeeze3A : i32
      %convert_element_type3A_121 = arith.extui %lt3A_120 : i1 to i32
      %cond3A_122 = arith.constant 0 : i32
      %cond3A_123 = arith.cmpi ne, %convert_element_type3A_121, %cond3A_122 : i32
      scf.if %cond3A_123 {
        %dma_wait3A_215 = arith.constant 1 : i32
        %dma_wait3A_216 = arith.constant 0 : i32
        %dma_wait3A_217 = tpu.memref_slice %arg9[%dma_wait3A_215, %dma_wait3A_216] : memref<4x88xi32, #tpu.memory_space<vmem>> -> memref<1x88xi32, #tpu.memory_space<vmem>>
        %dma_wait3A_218 = tpu.memref_squeeze %dma_wait3A_217 : memref<1x88xi32, #tpu.memory_space<vmem>> -> memref<88xi32, #tpu.memory_space<vmem>>
        %dma_wait3A_219 = arith.constant 0 : i32
        %dma_wait3A_220 = tpu.memref_slice %arg2[%dma_wait3A_219] : memref<658944xi32, #tpu.memory_space<hbm>> -> memref<88xi32, #tpu.memory_space<hbm>>
        %dma_wait3A_221 = arith.constant 0 : i32
        %dma_wait3A_222 = tpu.memref_slice %arg9[%dma_wait3A_215, %dma_wait3A_221] : memref<4x88xi32, #tpu.memory_space<vmem>> -> memref<1x88xi32, #tpu.memory_space<vmem>>
        %dma_wait3A_223 = tpu.memref_squeeze %dma_wait3A_222 : memref<1x88xi32, #tpu.memory_space<vmem>> -> memref<88xi32, #tpu.memory_space<vmem>>
        %dma_wait3A_224 = arith.constant 0 : i32
        %dma_wait3A_225 = tpu.memref_slice %arg2[%dma_wait3A_224] : memref<658944xi32, #tpu.memory_space<hbm>> -> memref<88xi32, #tpu.memory_space<hbm>>
        tpu.wait_dma2 semaphore(%arg16 : memref<!tpu.dma_semaphore, #tpu.memory_space<semaphore_mem>>) src(%dma_wait3A_225 : memref<88xi32, #tpu.memory_space<hbm>>) dst(%dma_wait3A_223 : memref<88xi32, #tpu.memory_space<vmem>>)
        %dma_wait3A_226 = arith.constant 1 : i32
        %dma_wait3A_227 = arith.constant 0 : i32
        %dma_wait3A_228 = tpu.memref_slice %arg10[%dma_wait3A_226, %dma_wait3A_227] : memref<4x88xi32, #tpu.memory_space<vmem>> -> memref<1x88xi32, #tpu.memory_space<vmem>>
        %dma_wait3A_229 = tpu.memref_squeeze %dma_wait3A_228 : memref<1x88xi32, #tpu.memory_space<vmem>> -> memref<88xi32, #tpu.memory_space<vmem>>
        %dma_wait3A_230 = arith.constant 0 : i32
        %dma_wait3A_231 = tpu.memref_slice %arg2[%dma_wait3A_230] : memref<658944xi32, #tpu.memory_space<hbm>> -> memref<88xi32, #tpu.memory_space<hbm>>
        %dma_wait3A_232 = arith.constant 0 : i32
        %dma_wait3A_233 = tpu.memref_slice %arg10[%dma_wait3A_226, %dma_wait3A_232] : memref<4x88xi32, #tpu.memory_space<vmem>> -> memref<1x88xi32, #tpu.memory_space<vmem>>
        %dma_wait3A_234 = tpu.memref_squeeze %dma_wait3A_233 : memref<1x88xi32, #tpu.memory_space<vmem>> -> memref<88xi32, #tpu.memory_space<vmem>>
        %dma_wait3A_235 = arith.constant 0 : i32
        %dma_wait3A_236 = tpu.memref_slice %arg2[%dma_wait3A_235] : memref<658944xi32, #tpu.memory_space<hbm>> -> memref<88xi32, #tpu.memory_space<hbm>>
        tpu.wait_dma2 semaphore(%arg16 : memref<!tpu.dma_semaphore, #tpu.memory_space<semaphore_mem>>) src(%dma_wait3A_236 : memref<88xi32, #tpu.memory_space<hbm>>) dst(%dma_wait3A_234 : memref<88xi32, #tpu.memory_space<vmem>>)
        %dma_start3A_237 = arith.constant 1 : i32
        %dma_start3A_238 = arith.constant 1 : i32
        %dma_start3A_239 = arith.constant 0 : i32
        %dma_start3A_240 = arith.constant 0 : i32
        %dma_start3A_241 = tpu.memref_slice %arg11[%dma_start3A_238, %dma_start3A_239, %dma_start3A_240] : memref<2x88x128xf32, #tpu.memory_space<vmem>> -> memref<1x88x128xf32, #tpu.memory_space<vmem>>
        %dma_start3A_242 = tpu.memref_squeeze %dma_start3A_241 : memref<1x88x128xf32, #tpu.memory_space<vmem>> -> memref<88x128xf32, #tpu.memory_space<vmem>>
        %dma_start3A_243 = arith.constant 0 : i32
        %dma_start3A_244 = tpu.memref_slice %arg9[%dma_start3A_237, %dma_start3A_243] : memref<4x88xi32, #tpu.memory_space<vmem>> -> memref<1x88xi32, #tpu.memory_space<vmem>>
        %dma_start3A_245 = tpu.memref_squeeze %dma_start3A_244 : memref<1x88xi32, #tpu.memory_space<vmem>> -> memref<88xi32, #tpu.memory_space<vmem>>
        %dma_start3A_246 = arith.constant 0 : i32
        %dma_start3A_247 = arith.constant 0 : i32
        %dma_start3A_248 = tpu.memref_slice %arg5[%dma_start3A_246, %dma_start3A_247] : memref<70000x128xf32, #tpu.memory_space<hbm>> -> memref<70000x128xf32, #tpu.memory_space<hbm>>
        tpu.enqueue_indirect_dma source(%dma_start3A_248 : memref<70000x128xf32, #tpu.memory_space<hbm>>) target(%dma_start3A_242 : memref<88x128xf32, #tpu.memory_space<vmem>>) offsets(%dma_start3A_245 : memref<88xi32, #tpu.memory_space<vmem>>) semaphore(%arg20 : memref<!tpu.dma_semaphore, #tpu.memory_space<semaphore_mem>>)
      } else {
      }
      %lt3A_124 = arith.cmpi slt, %add3A_104, %squeeze3A : i32
      %convert_element_type3A_125 = arith.extui %lt3A_124 : i1 to i32
      %cond3A_126 = arith.constant 0 : i32
      %cond3A_127 = arith.cmpi ne, %convert_element_type3A_125, %cond3A_126 : i32
      scf.if %cond3A_127 {
        %dma_wait3A_215 = arith.constant 0 : i32
        %dma_wait3A_216 = arith.constant 0 : i32
        %dma_wait3A_217 = arith.constant 0 : i32
        %dma_wait3A_218 = tpu.memref_slice %arg11[%dma_wait3A_215, %dma_wait3A_216, %dma_wait3A_217] : memref<2x88x128xf32, #tpu.memory_space<vmem>> -> memref<1x88x128xf32, #tpu.memory_space<vmem>>
        %dma_wait3A_219 = tpu.memref_squeeze %dma_wait3A_218 : memref<1x88x128xf32, #tpu.memory_space<vmem>> -> memref<88x128xf32, #tpu.memory_space<vmem>>
        %dma_wait3A_220 = arith.constant 0 : i32
        %dma_wait3A_221 = arith.constant 0 : i32
        %dma_wait3A_222 = tpu.memref_slice %arg5[%dma_wait3A_220, %dma_wait3A_221] : memref<70000x128xf32, #tpu.memory_space<hbm>> -> memref<88x128xf32, #tpu.memory_space<hbm>>
        %dma_wait3A_223 = arith.constant 0 : i32
        %dma_wait3A_224 = arith.constant 0 : i32
        %dma_wait3A_225 = tpu.memref_slice %arg11[%dma_wait3A_215, %dma_wait3A_223, %dma_wait3A_224] : memref<2x88x128xf32, #tpu.memory_space<vmem>> -> memref<1x88x128xf32, #tpu.memory_space<vmem>>
        %dma_wait3A_226 = tpu.memref_squeeze %dma_wait3A_225 : memref<1x88x128xf32, #tpu.memory_space<vmem>> -> memref<88x128xf32, #tpu.memory_space<vmem>>
        %dma_wait3A_227 = arith.constant 0 : i32
        %dma_wait3A_228 = arith.constant 0 : i32
        %dma_wait3A_229 = tpu.memref_slice %arg5[%dma_wait3A_227, %dma_wait3A_228] : memref<70000x128xf32, #tpu.memory_space<hbm>> -> memref<88x128xf32, #tpu.memory_space<hbm>>
        tpu.wait_dma2 semaphore(%arg19 : memref<!tpu.dma_semaphore, #tpu.memory_space<semaphore_mem>>) src(%dma_wait3A_229 : memref<88x128xf32, #tpu.memory_space<hbm>>) dst(%dma_wait3A_226 : memref<88x128xf32, #tpu.memory_space<vmem>>)
        %dma_start3A_230 = arith.constant 0 : i32
        %dma_start3A_231 = arith.constant 0 : i32
        %dma_start3A_232 = arith.constant 0 : i32
        %dma_start3A_233 = arith.constant 0 : i32
        %dma_start3A_234 = tpu.memref_slice %arg11[%dma_start3A_230, %dma_start3A_232, %dma_start3A_233] : memref<2x88x128xf32, #tpu.memory_space<vmem>> -> memref<1x88x128xf32, #tpu.memory_space<vmem>>
        %dma_start3A_235 = tpu.memref_squeeze %dma_start3A_234 : memref<1x88x128xf32, #tpu.memory_space<vmem>> -> memref<88x128xf32, #tpu.memory_space<vmem>>
        %dma_start3A_236 = arith.constant 0 : i32
        %dma_start3A_237 = tpu.memref_slice %arg10[%dma_start3A_231, %dma_start3A_236] : memref<4x88xi32, #tpu.memory_space<vmem>> -> memref<1x88xi32, #tpu.memory_space<vmem>>
        %dma_start3A_238 = tpu.memref_squeeze %dma_start3A_237 : memref<1x88xi32, #tpu.memory_space<vmem>> -> memref<88xi32, #tpu.memory_space<vmem>>
        %dma_start3A_239 = arith.constant 0 : i32
        %dma_start3A_240 = arith.constant 0 : i32
        %dma_start3A_241 = tpu.memref_slice %arg14[%dma_start3A_239, %dma_start3A_240] : memref<5120x128xf32, #tpu.memory_space<vmem_shared>> -> memref<5120x128xf32, #tpu.memory_space<vmem_shared>>
        tpu.enqueue_indirect_dma source(%dma_start3A_235 : memref<88x128xf32, #tpu.memory_space<vmem>>) target(%dma_start3A_241 : memref<5120x128xf32, #tpu.memory_space<vmem_shared>>) offsets(%dma_start3A_238 : memref<88xi32, #tpu.memory_space<vmem>>) semaphore(%arg21 : memref<!tpu.dma_semaphore, #tpu.memory_space<semaphore_mem>>) {add = true}
      } else {
      }
      %mul3A_128 = arith.constant 4 : i32
      %mul3A_129 = arith.muli %while3A_100, %mul3A_128 : i32
      %add3A_130 = arith.constant 1 : i32
      %add3A_131 = arith.addi %mul3A_129, %add3A_130 : i32
      %ge3A_132 = arith.constant 1 : i32
      %ge3A_133 = arith.cmpi sge, %add3A_131, %ge3A_132 : i32
      %sub3A_134 = arith.constant 1 : i32
      %sub3A_135 = arith.subi %add3A_131, %sub3A_134 : i32
      %lt3A_136 = arith.cmpi slt, %sub3A_135, %squeeze3A : i32
      %and3A_137 = arith.andi %ge3A_133, %lt3A_136 : i1
      %convert_element_type3A_138 = arith.extui %and3A_137 : i1 to i32
      %cond3A_139 = arith.constant 0 : i32
      %cond3A_140 = arith.cmpi ne, %convert_element_type3A_138, %cond3A_139 : i32
      scf.if %cond3A_140 {
        %dma_wait3A_215 = arith.constant 0 : i32
        %dma_wait3A_216 = arith.constant 0 : i32
        %dma_wait3A_217 = arith.constant 0 : i32
        %dma_wait3A_218 = tpu.memref_slice %arg11[%dma_wait3A_215, %dma_wait3A_216, %dma_wait3A_217] : memref<2x88x128xf32, #tpu.memory_space<vmem>> -> memref<1x88x128xf32, #tpu.memory_space<vmem>>
        %dma_wait3A_219 = tpu.memref_squeeze %dma_wait3A_218 : memref<1x88x128xf32, #tpu.memory_space<vmem>> -> memref<88x128xf32, #tpu.memory_space<vmem>>
        %dma_wait3A_220 = arith.constant 0 : i32
        %dma_wait3A_221 = arith.constant 0 : i32
        %dma_wait3A_222 = tpu.memref_slice %arg14[%dma_wait3A_220, %dma_wait3A_221] : memref<5120x128xf32, #tpu.memory_space<vmem_shared>> -> memref<88x128xf32, #tpu.memory_space<vmem_shared>>
        %dma_wait3A_223 = arith.constant 0 : i32
        %dma_wait3A_224 = arith.constant 0 : i32
        %dma_wait3A_225 = tpu.memref_slice %arg14[%dma_wait3A_223, %dma_wait3A_224] : memref<5120x128xf32, #tpu.memory_space<vmem_shared>> -> memref<88x128xf32, #tpu.memory_space<vmem_shared>>
        %dma_wait3A_226 = arith.constant 0 : i32
        %dma_wait3A_227 = arith.constant 0 : i32
        %dma_wait3A_228 = tpu.memref_slice %arg11[%dma_wait3A_215, %dma_wait3A_226, %dma_wait3A_227] : memref<2x88x128xf32, #tpu.memory_space<vmem>> -> memref<1x88x128xf32, #tpu.memory_space<vmem>>
        %dma_wait3A_229 = tpu.memref_squeeze %dma_wait3A_228 : memref<1x88x128xf32, #tpu.memory_space<vmem>> -> memref<88x128xf32, #tpu.memory_space<vmem>>
        tpu.wait_dma2 semaphore(%arg21 : memref<!tpu.dma_semaphore, #tpu.memory_space<semaphore_mem>>) src(%dma_wait3A_229 : memref<88x128xf32, #tpu.memory_space<vmem>>) dst(%dma_wait3A_225 : memref<88x128xf32, #tpu.memory_space<vmem_shared>>)
      } else {
      }
      %add3A_141 = arith.constant 3 : i32
      %add3A_142 = arith.addi %add3A_131, %add3A_141 : i32
      %lt3A_143 = arith.cmpi slt, %add3A_142, %squeeze3A : i32
      %convert_element_type3A_144 = arith.extui %lt3A_143 : i1 to i32
      %cond3A_145 = arith.constant 0 : i32
      %cond3A_146 = arith.cmpi ne, %convert_element_type3A_144, %cond3A_145 : i32
      scf.if %cond3A_146 {
        %add3A_215 = arith.constant 3 : i32
        %add3A_216 = arith.addi %add3A_131, %add3A_215 : i32
        %mul3A_217 = arith.constant 88 : i32
        %mul3A_218 = arith.muli %add3A_216, %mul3A_217 : i32
        %add3A_219 = arith.addi %mul3A_4, %mul3A_218 : i32
        %multiple_of3A = tpu.assume_multiple %add3A_219, 8 : i32
        %dma_start3A_220 = arith.constant 0 : i32
        %dma_start3A_221 = arith.constant 0 : i32
        %dma_start3A_222 = tpu.memref_slice %arg9[%dma_start3A_220, %dma_start3A_221] : memref<4x88xi32, #tpu.memory_space<vmem>> -> memref<1x88xi32, #tpu.memory_space<vmem>>
        %dma_start3A_223 = tpu.memref_squeeze %dma_start3A_222 : memref<1x88xi32, #tpu.memory_space<vmem>> -> memref<88xi32, #tpu.memory_space<vmem>>
        %dma_start3A_224 = tpu.memref_slice %arg2[%multiple_of3A] : memref<658944xi32, #tpu.memory_space<hbm>> -> memref<88xi32, #tpu.memory_space<hbm>>
        %dma_start3A_225 = arith.constant 0 : i32
        %dma_start3A_226 = tpu.memref_slice %arg9[%dma_start3A_220, %dma_start3A_225] : memref<4x88xi32, #tpu.memory_space<vmem>> -> memref<1x88xi32, #tpu.memory_space<vmem>>
        %dma_start3A_227 = tpu.memref_squeeze %dma_start3A_226 : memref<1x88xi32, #tpu.memory_space<vmem>> -> memref<88xi32, #tpu.memory_space<vmem>>
        %dma_start3A_228 = tpu.memref_slice %arg2[%multiple_of3A] : memref<658944xi32, #tpu.memory_space<hbm>> -> memref<88xi32, #tpu.memory_space<hbm>>
        tpu.enqueue_dma source(%dma_start3A_228 : memref<88xi32, #tpu.memory_space<hbm>>) target(%dma_start3A_227 : memref<88xi32, #tpu.memory_space<vmem>>) target_semaphore(%arg15 : memref<!tpu.dma_semaphore, #tpu.memory_space<semaphore_mem>>)
        %dma_start3A_229 = arith.constant 0 : i32
        %dma_start3A_230 = arith.constant 0 : i32
        %dma_start3A_231 = tpu.memref_slice %arg10[%dma_start3A_229, %dma_start3A_230] : memref<4x88xi32, #tpu.memory_space<vmem>> -> memref<1x88xi32, #tpu.memory_space<vmem>>
        %dma_start3A_232 = tpu.memref_squeeze %dma_start3A_231 : memref<1x88xi32, #tpu.memory_space<vmem>> -> memref<88xi32, #tpu.memory_space<vmem>>
        %dma_start3A_233 = tpu.memref_slice %arg3[%multiple_of3A] : memref<658944xi32, #tpu.memory_space<hbm>> -> memref<88xi32, #tpu.memory_space<hbm>>
        %dma_start3A_234 = arith.constant 0 : i32
        %dma_start3A_235 = tpu.memref_slice %arg10[%dma_start3A_229, %dma_start3A_234] : memref<4x88xi32, #tpu.memory_space<vmem>> -> memref<1x88xi32, #tpu.memory_space<vmem>>
        %dma_start3A_236 = tpu.memref_squeeze %dma_start3A_235 : memref<1x88xi32, #tpu.memory_space<vmem>> -> memref<88xi32, #tpu.memory_space<vmem>>
        %dma_start3A_237 = tpu.memref_slice %arg3[%multiple_of3A] : memref<658944xi32, #tpu.memory_space<hbm>> -> memref<88xi32, #tpu.memory_space<hbm>>
        tpu.enqueue_dma source(%dma_start3A_237 : memref<88xi32, #tpu.memory_space<hbm>>) target(%dma_start3A_236 : memref<88xi32, #tpu.memory_space<vmem>>) target_semaphore(%arg15 : memref<!tpu.dma_semaphore, #tpu.memory_space<semaphore_mem>>)
      } else {
      }
      %add3A_147 = arith.constant 1 : i32
      %add3A_148 = arith.addi %add3A_131, %add3A_147 : i32
      %lt3A_149 = arith.cmpi slt, %add3A_148, %squeeze3A : i32
      %convert_element_type3A_150 = arith.extui %lt3A_149 : i1 to i32
      %cond3A_151 = arith.constant 0 : i32
      %cond3A_152 = arith.cmpi ne, %convert_element_type3A_150, %cond3A_151 : i32
      scf.if %cond3A_152 {
        %dma_wait3A_215 = arith.constant 2 : i32
        %dma_wait3A_216 = arith.constant 0 : i32
        %dma_wait3A_217 = tpu.memref_slice %arg9[%dma_wait3A_215, %dma_wait3A_216] : memref<4x88xi32, #tpu.memory_space<vmem>> -> memref<1x88xi32, #tpu.memory_space<vmem>>
        %dma_wait3A_218 = tpu.memref_squeeze %dma_wait3A_217 : memref<1x88xi32, #tpu.memory_space<vmem>> -> memref<88xi32, #tpu.memory_space<vmem>>
        %dma_wait3A_219 = arith.constant 0 : i32
        %dma_wait3A_220 = tpu.memref_slice %arg2[%dma_wait3A_219] : memref<658944xi32, #tpu.memory_space<hbm>> -> memref<88xi32, #tpu.memory_space<hbm>>
        %dma_wait3A_221 = arith.constant 0 : i32
        %dma_wait3A_222 = tpu.memref_slice %arg9[%dma_wait3A_215, %dma_wait3A_221] : memref<4x88xi32, #tpu.memory_space<vmem>> -> memref<1x88xi32, #tpu.memory_space<vmem>>
        %dma_wait3A_223 = tpu.memref_squeeze %dma_wait3A_222 : memref<1x88xi32, #tpu.memory_space<vmem>> -> memref<88xi32, #tpu.memory_space<vmem>>
        %dma_wait3A_224 = arith.constant 0 : i32
        %dma_wait3A_225 = tpu.memref_slice %arg2[%dma_wait3A_224] : memref<658944xi32, #tpu.memory_space<hbm>> -> memref<88xi32, #tpu.memory_space<hbm>>
        tpu.wait_dma2 semaphore(%arg17 : memref<!tpu.dma_semaphore, #tpu.memory_space<semaphore_mem>>) src(%dma_wait3A_225 : memref<88xi32, #tpu.memory_space<hbm>>) dst(%dma_wait3A_223 : memref<88xi32, #tpu.memory_space<vmem>>)
        %dma_wait3A_226 = arith.constant 2 : i32
        %dma_wait3A_227 = arith.constant 0 : i32
        %dma_wait3A_228 = tpu.memref_slice %arg10[%dma_wait3A_226, %dma_wait3A_227] : memref<4x88xi32, #tpu.memory_space<vmem>> -> memref<1x88xi32, #tpu.memory_space<vmem>>
        %dma_wait3A_229 = tpu.memref_squeeze %dma_wait3A_228 : memref<1x88xi32, #tpu.memory_space<vmem>> -> memref<88xi32, #tpu.memory_space<vmem>>
        %dma_wait3A_230 = arith.constant 0 : i32
        %dma_wait3A_231 = tpu.memref_slice %arg2[%dma_wait3A_230] : memref<658944xi32, #tpu.memory_space<hbm>> -> memref<88xi32, #tpu.memory_space<hbm>>
        %dma_wait3A_232 = arith.constant 0 : i32
        %dma_wait3A_233 = tpu.memref_slice %arg10[%dma_wait3A_226, %dma_wait3A_232] : memref<4x88xi32, #tpu.memory_space<vmem>> -> memref<1x88xi32, #tpu.memory_space<vmem>>
        %dma_wait3A_234 = tpu.memref_squeeze %dma_wait3A_233 : memref<1x88xi32, #tpu.memory_space<vmem>> -> memref<88xi32, #tpu.memory_space<vmem>>
        %dma_wait3A_235 = arith.constant 0 : i32
        %dma_wait3A_236 = tpu.memref_slice %arg2[%dma_wait3A_235] : memref<658944xi32, #tpu.memory_space<hbm>> -> memref<88xi32, #tpu.memory_space<hbm>>
        tpu.wait_dma2 semaphore(%arg17 : memref<!tpu.dma_semaphore, #tpu.memory_space<semaphore_mem>>) src(%dma_wait3A_236 : memref<88xi32, #tpu.memory_space<hbm>>) dst(%dma_wait3A_234 : memref<88xi32, #tpu.memory_space<vmem>>)
        %dma_start3A_237 = arith.constant 2 : i32
        %dma_start3A_238 = arith.constant 0 : i32
        %dma_start3A_239 = arith.constant 0 : i32
        %dma_start3A_240 = arith.constant 0 : i32
        %dma_start3A_241 = tpu.memref_slice %arg11[%dma_start3A_238, %dma_start3A_239, %dma_start3A_240] : memref<2x88x128xf32, #tpu.memory_space<vmem>> -> memref<1x88x128xf32, #tpu.memory_space<vmem>>
        %dma_start3A_242 = tpu.memref_squeeze %dma_start3A_241 : memref<1x88x128xf32, #tpu.memory_space<vmem>> -> memref<88x128xf32, #tpu.memory_space<vmem>>
        %dma_start3A_243 = arith.constant 0 : i32
        %dma_start3A_244 = tpu.memref_slice %arg9[%dma_start3A_237, %dma_start3A_243] : memref<4x88xi32, #tpu.memory_space<vmem>> -> memref<1x88xi32, #tpu.memory_space<vmem>>
        %dma_start3A_245 = tpu.memref_squeeze %dma_start3A_244 : memref<1x88xi32, #tpu.memory_space<vmem>> -> memref<88xi32, #tpu.memory_space<vmem>>
        %dma_start3A_246 = arith.constant 0 : i32
        %dma_start3A_247 = arith.constant 0 : i32
        %dma_start3A_248 = tpu.memref_slice %arg5[%dma_start3A_246, %dma_start3A_247] : memref<70000x128xf32, #tpu.memory_space<hbm>> -> memref<70000x128xf32, #tpu.memory_space<hbm>>
        tpu.enqueue_indirect_dma source(%dma_start3A_248 : memref<70000x128xf32, #tpu.memory_space<hbm>>) target(%dma_start3A_242 : memref<88x128xf32, #tpu.memory_space<vmem>>) offsets(%dma_start3A_245 : memref<88xi32, #tpu.memory_space<vmem>>) semaphore(%arg19 : memref<!tpu.dma_semaphore, #tpu.memory_space<semaphore_mem>>)
      } else {
      }
      %lt3A_153 = arith.cmpi slt, %add3A_131, %squeeze3A : i32
      %convert_element_type3A_154 = arith.extui %lt3A_153 : i1 to i32
      %cond3A_155 = arith.constant 0 : i32
      %cond3A_156 = arith.cmpi ne, %convert_element_type3A_154, %cond3A_155 : i32
      scf.if %cond3A_156 {
        %dma_wait3A_215 = arith.constant 1 : i32
        %dma_wait3A_216 = arith.constant 0 : i32
        %dma_wait3A_217 = arith.constant 0 : i32
        %dma_wait3A_218 = tpu.memref_slice %arg11[%dma_wait3A_215, %dma_wait3A_216, %dma_wait3A_217] : memref<2x88x128xf32, #tpu.memory_space<vmem>> -> memref<1x88x128xf32, #tpu.memory_space<vmem>>
        %dma_wait3A_219 = tpu.memref_squeeze %dma_wait3A_218 : memref<1x88x128xf32, #tpu.memory_space<vmem>> -> memref<88x128xf32, #tpu.memory_space<vmem>>
        %dma_wait3A_220 = arith.constant 0 : i32
        %dma_wait3A_221 = arith.constant 0 : i32
        %dma_wait3A_222 = tpu.memref_slice %arg5[%dma_wait3A_220, %dma_wait3A_221] : memref<70000x128xf32, #tpu.memory_space<hbm>> -> memref<88x128xf32, #tpu.memory_space<hbm>>
        %dma_wait3A_223 = arith.constant 0 : i32
        %dma_wait3A_224 = arith.constant 0 : i32
        %dma_wait3A_225 = tpu.memref_slice %arg11[%dma_wait3A_215, %dma_wait3A_223, %dma_wait3A_224] : memref<2x88x128xf32, #tpu.memory_space<vmem>> -> memref<1x88x128xf32, #tpu.memory_space<vmem>>
        %dma_wait3A_226 = tpu.memref_squeeze %dma_wait3A_225 : memref<1x88x128xf32, #tpu.memory_space<vmem>> -> memref<88x128xf32, #tpu.memory_space<vmem>>
        %dma_wait3A_227 = arith.constant 0 : i32
        %dma_wait3A_228 = arith.constant 0 : i32
        %dma_wait3A_229 = tpu.memref_slice %arg5[%dma_wait3A_227, %dma_wait3A_228] : memref<70000x128xf32, #tpu.memory_space<hbm>> -> memref<88x128xf32, #tpu.memory_space<hbm>>
        tpu.wait_dma2 semaphore(%arg20 : memref<!tpu.dma_semaphore, #tpu.memory_space<semaphore_mem>>) src(%dma_wait3A_229 : memref<88x128xf32, #tpu.memory_space<hbm>>) dst(%dma_wait3A_226 : memref<88x128xf32, #tpu.memory_space<vmem>>)
        %dma_start3A_230 = arith.constant 1 : i32
        %dma_start3A_231 = arith.constant 1 : i32
        %dma_start3A_232 = arith.constant 0 : i32
        %dma_start3A_233 = arith.constant 0 : i32
        %dma_start3A_234 = tpu.memref_slice %arg11[%dma_start3A_230, %dma_start3A_232, %dma_start3A_233] : memref<2x88x128xf32, #tpu.memory_space<vmem>> -> memref<1x88x128xf32, #tpu.memory_space<vmem>>
        %dma_start3A_235 = tpu.memref_squeeze %dma_start3A_234 : memref<1x88x128xf32, #tpu.memory_space<vmem>> -> memref<88x128xf32, #tpu.memory_space<vmem>>
        %dma_start3A_236 = arith.constant 0 : i32
        %dma_start3A_237 = tpu.memref_slice %arg10[%dma_start3A_231, %dma_start3A_236] : memref<4x88xi32, #tpu.memory_space<vmem>> -> memref<1x88xi32, #tpu.memory_space<vmem>>
        %dma_start3A_238 = tpu.memref_squeeze %dma_start3A_237 : memref<1x88xi32, #tpu.memory_space<vmem>> -> memref<88xi32, #tpu.memory_space<vmem>>
        %dma_start3A_239 = arith.constant 0 : i32
        %dma_start3A_240 = arith.constant 0 : i32
        %dma_start3A_241 = tpu.memref_slice %arg14[%dma_start3A_239, %dma_start3A_240] : memref<5120x128xf32, #tpu.memory_space<vmem_shared>> -> memref<5120x128xf32, #tpu.memory_space<vmem_shared>>
        tpu.enqueue_indirect_dma source(%dma_start3A_235 : memref<88x128xf32, #tpu.memory_space<vmem>>) target(%dma_start3A_241 : memref<5120x128xf32, #tpu.memory_space<vmem_shared>>) offsets(%dma_start3A_238 : memref<88xi32, #tpu.memory_space<vmem>>) semaphore(%arg22 : memref<!tpu.dma_semaphore, #tpu.memory_space<semaphore_mem>>) {add = true}
      } else {
      }
      %mul3A_157 = arith.constant 4 : i32
      %mul3A_158 = arith.muli %while3A_100, %mul3A_157 : i32
      %add3A_159 = arith.constant 2 : i32
      %add3A_160 = arith.addi %mul3A_158, %add3A_159 : i32
      %ge3A_161 = arith.constant 1 : i32
      %ge3A_162 = arith.cmpi sge, %add3A_160, %ge3A_161 : i32
      %sub3A_163 = arith.constant 1 : i32
      %sub3A_164 = arith.subi %add3A_160, %sub3A_163 : i32
      %lt3A_165 = arith.cmpi slt, %sub3A_164, %squeeze3A : i32
      %and3A_166 = arith.andi %ge3A_162, %lt3A_165 : i1
      %convert_element_type3A_167 = arith.extui %and3A_166 : i1 to i32
      %cond3A_168 = arith.constant 0 : i32
      %cond3A_169 = arith.cmpi ne, %convert_element_type3A_167, %cond3A_168 : i32
      scf.if %cond3A_169 {
        %dma_wait3A_215 = arith.constant 1 : i32
        %dma_wait3A_216 = arith.constant 0 : i32
        %dma_wait3A_217 = arith.constant 0 : i32
        %dma_wait3A_218 = tpu.memref_slice %arg11[%dma_wait3A_215, %dma_wait3A_216, %dma_wait3A_217] : memref<2x88x128xf32, #tpu.memory_space<vmem>> -> memref<1x88x128xf32, #tpu.memory_space<vmem>>
        %dma_wait3A_219 = tpu.memref_squeeze %dma_wait3A_218 : memref<1x88x128xf32, #tpu.memory_space<vmem>> -> memref<88x128xf32, #tpu.memory_space<vmem>>
        %dma_wait3A_220 = arith.constant 0 : i32
        %dma_wait3A_221 = arith.constant 0 : i32
        %dma_wait3A_222 = tpu.memref_slice %arg14[%dma_wait3A_220, %dma_wait3A_221] : memref<5120x128xf32, #tpu.memory_space<vmem_shared>> -> memref<88x128xf32, #tpu.memory_space<vmem_shared>>
        %dma_wait3A_223 = arith.constant 0 : i32
        %dma_wait3A_224 = arith.constant 0 : i32
        %dma_wait3A_225 = tpu.memref_slice %arg14[%dma_wait3A_223, %dma_wait3A_224] : memref<5120x128xf32, #tpu.memory_space<vmem_shared>> -> memref<88x128xf32, #tpu.memory_space<vmem_shared>>
        %dma_wait3A_226 = arith.constant 0 : i32
        %dma_wait3A_227 = arith.constant 0 : i32
        %dma_wait3A_228 = tpu.memref_slice %arg11[%dma_wait3A_215, %dma_wait3A_226, %dma_wait3A_227] : memref<2x88x128xf32, #tpu.memory_space<vmem>> -> memref<1x88x128xf32, #tpu.memory_space<vmem>>
        %dma_wait3A_229 = tpu.memref_squeeze %dma_wait3A_228 : memref<1x88x128xf32, #tpu.memory_space<vmem>> -> memref<88x128xf32, #tpu.memory_space<vmem>>
        tpu.wait_dma2 semaphore(%arg22 : memref<!tpu.dma_semaphore, #tpu.memory_space<semaphore_mem>>) src(%dma_wait3A_229 : memref<88x128xf32, #tpu.memory_space<vmem>>) dst(%dma_wait3A_225 : memref<88x128xf32, #tpu.memory_space<vmem_shared>>)
      } else {
      }
      %add3A_170 = arith.constant 3 : i32
      %add3A_171 = arith.addi %add3A_160, %add3A_170 : i32
      %lt3A_172 = arith.cmpi slt, %add3A_171, %squeeze3A : i32
      %convert_element_type3A_173 = arith.extui %lt3A_172 : i1 to i32
      %cond3A_174 = arith.constant 0 : i32
      %cond3A_175 = arith.cmpi ne, %convert_element_type3A_173, %cond3A_174 : i32
      scf.if %cond3A_175 {
        %add3A_215 = arith.constant 3 : i32
        %add3A_216 = arith.addi %add3A_160, %add3A_215 : i32
        %mul3A_217 = arith.constant 88 : i32
        %mul3A_218 = arith.muli %add3A_216, %mul3A_217 : i32
        %add3A_219 = arith.addi %mul3A_4, %mul3A_218 : i32
        %multiple_of3A = tpu.assume_multiple %add3A_219, 8 : i32
        %dma_start3A_220 = arith.constant 1 : i32
        %dma_start3A_221 = arith.constant 0 : i32
        %dma_start3A_222 = tpu.memref_slice %arg9[%dma_start3A_220, %dma_start3A_221] : memref<4x88xi32, #tpu.memory_space<vmem>> -> memref<1x88xi32, #tpu.memory_space<vmem>>
        %dma_start3A_223 = tpu.memref_squeeze %dma_start3A_222 : memref<1x88xi32, #tpu.memory_space<vmem>> -> memref<88xi32, #tpu.memory_space<vmem>>
        %dma_start3A_224 = tpu.memref_slice %arg2[%multiple_of3A] : memref<658944xi32, #tpu.memory_space<hbm>> -> memref<88xi32, #tpu.memory_space<hbm>>
        %dma_start3A_225 = arith.constant 0 : i32
        %dma_start3A_226 = tpu.memref_slice %arg9[%dma_start3A_220, %dma_start3A_225] : memref<4x88xi32, #tpu.memory_space<vmem>> -> memref<1x88xi32, #tpu.memory_space<vmem>>
        %dma_start3A_227 = tpu.memref_squeeze %dma_start3A_226 : memref<1x88xi32, #tpu.memory_space<vmem>> -> memref<88xi32, #tpu.memory_space<vmem>>
        %dma_start3A_228 = tpu.memref_slice %arg2[%multiple_of3A] : memref<658944xi32, #tpu.memory_space<hbm>> -> memref<88xi32, #tpu.memory_space<hbm>>
        tpu.enqueue_dma source(%dma_start3A_228 : memref<88xi32, #tpu.memory_space<hbm>>) target(%dma_start3A_227 : memref<88xi32, #tpu.memory_space<vmem>>) target_semaphore(%arg16 : memref<!tpu.dma_semaphore, #tpu.memory_space<semaphore_mem>>)
        %dma_start3A_229 = arith.constant 1 : i32
        %dma_start3A_230 = arith.constant 0 : i32
        %dma_start3A_231 = tpu.memref_slice %arg10[%dma_start3A_229, %dma_start3A_230] : memref<4x88xi32, #tpu.memory_space<vmem>> -> memref<1x88xi32, #tpu.memory_space<vmem>>
        %dma_start3A_232 = tpu.memref_squeeze %dma_start3A_231 : memref<1x88xi32, #tpu.memory_space<vmem>> -> memref<88xi32, #tpu.memory_space<vmem>>
        %dma_start3A_233 = tpu.memref_slice %arg3[%multiple_of3A] : memref<658944xi32, #tpu.memory_space<hbm>> -> memref<88xi32, #tpu.memory_space<hbm>>
        %dma_start3A_234 = arith.constant 0 : i32
        %dma_start3A_235 = tpu.memref_slice %arg10[%dma_start3A_229, %dma_start3A_234] : memref<4x88xi32, #tpu.memory_space<vmem>> -> memref<1x88xi32, #tpu.memory_space<vmem>>
        %dma_start3A_236 = tpu.memref_squeeze %dma_start3A_235 : memref<1x88xi32, #tpu.memory_space<vmem>> -> memref<88xi32, #tpu.memory_space<vmem>>
        %dma_start3A_237 = tpu.memref_slice %arg3[%multiple_of3A] : memref<658944xi32, #tpu.memory_space<hbm>> -> memref<88xi32, #tpu.memory_space<hbm>>
        tpu.enqueue_dma source(%dma_start3A_237 : memref<88xi32, #tpu.memory_space<hbm>>) target(%dma_start3A_236 : memref<88xi32, #tpu.memory_space<vmem>>) target_semaphore(%arg16 : memref<!tpu.dma_semaphore, #tpu.memory_space<semaphore_mem>>)
      } else {
      }
      %add3A_176 = arith.constant 1 : i32
      %add3A_177 = arith.addi %add3A_160, %add3A_176 : i32
      %lt3A_178 = arith.cmpi slt, %add3A_177, %squeeze3A : i32
      %convert_element_type3A_179 = arith.extui %lt3A_178 : i1 to i32
      %cond3A_180 = arith.constant 0 : i32
      %cond3A_181 = arith.cmpi ne, %convert_element_type3A_179, %cond3A_180 : i32
      scf.if %cond3A_181 {
        %dma_wait3A_215 = arith.constant 3 : i32
        %dma_wait3A_216 = arith.constant 0 : i32
        %dma_wait3A_217 = tpu.memref_slice %arg9[%dma_wait3A_215, %dma_wait3A_216] : memref<4x88xi32, #tpu.memory_space<vmem>> -> memref<1x88xi32, #tpu.memory_space<vmem>>
        %dma_wait3A_218 = tpu.memref_squeeze %dma_wait3A_217 : memref<1x88xi32, #tpu.memory_space<vmem>> -> memref<88xi32, #tpu.memory_space<vmem>>
        %dma_wait3A_219 = arith.constant 0 : i32
        %dma_wait3A_220 = tpu.memref_slice %arg2[%dma_wait3A_219] : memref<658944xi32, #tpu.memory_space<hbm>> -> memref<88xi32, #tpu.memory_space<hbm>>
        %dma_wait3A_221 = arith.constant 0 : i32
        %dma_wait3A_222 = tpu.memref_slice %arg9[%dma_wait3A_215, %dma_wait3A_221] : memref<4x88xi32, #tpu.memory_space<vmem>> -> memref<1x88xi32, #tpu.memory_space<vmem>>
        %dma_wait3A_223 = tpu.memref_squeeze %dma_wait3A_222 : memref<1x88xi32, #tpu.memory_space<vmem>> -> memref<88xi32, #tpu.memory_space<vmem>>
        %dma_wait3A_224 = arith.constant 0 : i32
        %dma_wait3A_225 = tpu.memref_slice %arg2[%dma_wait3A_224] : memref<658944xi32, #tpu.memory_space<hbm>> -> memref<88xi32, #tpu.memory_space<hbm>>
        tpu.wait_dma2 semaphore(%arg18 : memref<!tpu.dma_semaphore, #tpu.memory_space<semaphore_mem>>) src(%dma_wait3A_225 : memref<88xi32, #tpu.memory_space<hbm>>) dst(%dma_wait3A_223 : memref<88xi32, #tpu.memory_space<vmem>>)
        %dma_wait3A_226 = arith.constant 3 : i32
        %dma_wait3A_227 = arith.constant 0 : i32
        %dma_wait3A_228 = tpu.memref_slice %arg10[%dma_wait3A_226, %dma_wait3A_227] : memref<4x88xi32, #tpu.memory_space<vmem>> -> memref<1x88xi32, #tpu.memory_space<vmem>>
        %dma_wait3A_229 = tpu.memref_squeeze %dma_wait3A_228 : memref<1x88xi32, #tpu.memory_space<vmem>> -> memref<88xi32, #tpu.memory_space<vmem>>
        %dma_wait3A_230 = arith.constant 0 : i32
        %dma_wait3A_231 = tpu.memref_slice %arg2[%dma_wait3A_230] : memref<658944xi32, #tpu.memory_space<hbm>> -> memref<88xi32, #tpu.memory_space<hbm>>
        %dma_wait3A_232 = arith.constant 0 : i32
        %dma_wait3A_233 = tpu.memref_slice %arg10[%dma_wait3A_226, %dma_wait3A_232] : memref<4x88xi32, #tpu.memory_space<vmem>> -> memref<1x88xi32, #tpu.memory_space<vmem>>
        %dma_wait3A_234 = tpu.memref_squeeze %dma_wait3A_233 : memref<1x88xi32, #tpu.memory_space<vmem>> -> memref<88xi32, #tpu.memory_space<vmem>>
        %dma_wait3A_235 = arith.constant 0 : i32
        %dma_wait3A_236 = tpu.memref_slice %arg2[%dma_wait3A_235] : memref<658944xi32, #tpu.memory_space<hbm>> -> memref<88xi32, #tpu.memory_space<hbm>>
        tpu.wait_dma2 semaphore(%arg18 : memref<!tpu.dma_semaphore, #tpu.memory_space<semaphore_mem>>) src(%dma_wait3A_236 : memref<88xi32, #tpu.memory_space<hbm>>) dst(%dma_wait3A_234 : memref<88xi32, #tpu.memory_space<vmem>>)
        %dma_start3A_237 = arith.constant 3 : i32
        %dma_start3A_238 = arith.constant 1 : i32
        %dma_start3A_239 = arith.constant 0 : i32
        %dma_start3A_240 = arith.constant 0 : i32
        %dma_start3A_241 = tpu.memref_slice %arg11[%dma_start3A_238, %dma_start3A_239, %dma_start3A_240] : memref<2x88x128xf32, #tpu.memory_space<vmem>> -> memref<1x88x128xf32, #tpu.memory_space<vmem>>
        %dma_start3A_242 = tpu.memref_squeeze %dma_start3A_241 : memref<1x88x128xf32, #tpu.memory_space<vmem>> -> memref<88x128xf32, #tpu.memory_space<vmem>>
        %dma_start3A_243 = arith.constant 0 : i32
        %dma_start3A_244 = tpu.memref_slice %arg9[%dma_start3A_237, %dma_start3A_243] : memref<4x88xi32, #tpu.memory_space<vmem>> -> memref<1x88xi32, #tpu.memory_space<vmem>>
        %dma_start3A_245 = tpu.memref_squeeze %dma_start3A_244 : memref<1x88xi32, #tpu.memory_space<vmem>> -> memref<88xi32, #tpu.memory_space<vmem>>
        %dma_start3A_246 = arith.constant 0 : i32
        %dma_start3A_247 = arith.constant 0 : i32
        %dma_start3A_248 = tpu.memref_slice %arg5[%dma_start3A_246, %dma_start3A_247] : memref<70000x128xf32, #tpu.memory_space<hbm>> -> memref<70000x128xf32, #tpu.memory_space<hbm>>
        tpu.enqueue_indirect_dma source(%dma_start3A_248 : memref<70000x128xf32, #tpu.memory_space<hbm>>) target(%dma_start3A_242 : memref<88x128xf32, #tpu.memory_space<vmem>>) offsets(%dma_start3A_245 : memref<88xi32, #tpu.memory_space<vmem>>) semaphore(%arg20 : memref<!tpu.dma_semaphore, #tpu.memory_space<semaphore_mem>>)
      } else {
      }
      %lt3A_182 = arith.cmpi slt, %add3A_160, %squeeze3A : i32
      %convert_element_type3A_183 = arith.extui %lt3A_182 : i1 to i32
      %cond3A_184 = arith.constant 0 : i32
      %cond3A_185 = arith.cmpi ne, %convert_element_type3A_183, %cond3A_184 : i32
      scf.if %cond3A_185 {
        %dma_wait3A_215 = arith.constant 0 : i32
        %dma_wait3A_216 = arith.constant 0 : i32
        %dma_wait3A_217 = arith.constant 0 : i32
        %dma_wait3A_218 = tpu.memref_slice %arg11[%dma_wait3A_215, %dma_wait3A_216, %dma_wait3A_217] : memref<2x88x128xf32, #tpu.memory_space<vmem>> -> memref<1x88x128xf32, #tpu.memory_space<vmem>>
        %dma_wait3A_219 = tpu.memref_squeeze %dma_wait3A_218 : memref<1x88x128xf32, #tpu.memory_space<vmem>> -> memref<88x128xf32, #tpu.memory_space<vmem>>
        %dma_wait3A_220 = arith.constant 0 : i32
        %dma_wait3A_221 = arith.constant 0 : i32
        %dma_wait3A_222 = tpu.memref_slice %arg5[%dma_wait3A_220, %dma_wait3A_221] : memref<70000x128xf32, #tpu.memory_space<hbm>> -> memref<88x128xf32, #tpu.memory_space<hbm>>
        %dma_wait3A_223 = arith.constant 0 : i32
        %dma_wait3A_224 = arith.constant 0 : i32
        %dma_wait3A_225 = tpu.memref_slice %arg11[%dma_wait3A_215, %dma_wait3A_223, %dma_wait3A_224] : memref<2x88x128xf32, #tpu.memory_space<vmem>> -> memref<1x88x128xf32, #tpu.memory_space<vmem>>
        %dma_wait3A_226 = tpu.memref_squeeze %dma_wait3A_225 : memref<1x88x128xf32, #tpu.memory_space<vmem>> -> memref<88x128xf32, #tpu.memory_space<vmem>>
        %dma_wait3A_227 = arith.constant 0 : i32
        %dma_wait3A_228 = arith.constant 0 : i32
        %dma_wait3A_229 = tpu.memref_slice %arg5[%dma_wait3A_227, %dma_wait3A_228] : memref<70000x128xf32, #tpu.memory_space<hbm>> -> memref<88x128xf32, #tpu.memory_space<hbm>>
        tpu.wait_dma2 semaphore(%arg19 : memref<!tpu.dma_semaphore, #tpu.memory_space<semaphore_mem>>) src(%dma_wait3A_229 : memref<88x128xf32, #tpu.memory_space<hbm>>) dst(%dma_wait3A_226 : memref<88x128xf32, #tpu.memory_space<vmem>>)
        %dma_start3A_230 = arith.constant 0 : i32
        %dma_start3A_231 = arith.constant 2 : i32
        %dma_start3A_232 = arith.constant 0 : i32
        %dma_start3A_233 = arith.constant 0 : i32
        %dma_start3A_234 = tpu.memref_slice %arg11[%dma_start3A_230, %dma_start3A_232, %dma_start3A_233] : memref<2x88x128xf32, #tpu.memory_space<vmem>> -> memref<1x88x128xf32, #tpu.memory_space<vmem>>
        %dma_start3A_235 = tpu.memref_squeeze %dma_start3A_234 : memref<1x88x128xf32, #tpu.memory_space<vmem>> -> memref<88x128xf32, #tpu.memory_space<vmem>>
        %dma_start3A_236 = arith.constant 0 : i32
        %dma_start3A_237 = tpu.memref_slice %arg10[%dma_start3A_231, %dma_start3A_236] : memref<4x88xi32, #tpu.memory_space<vmem>> -> memref<1x88xi32, #tpu.memory_space<vmem>>
        %dma_start3A_238 = tpu.memref_squeeze %dma_start3A_237 : memref<1x88xi32, #tpu.memory_space<vmem>> -> memref<88xi32, #tpu.memory_space<vmem>>
        %dma_start3A_239 = arith.constant 0 : i32
        %dma_start3A_240 = arith.constant 0 : i32
        %dma_start3A_241 = tpu.memref_slice %arg14[%dma_start3A_239, %dma_start3A_240] : memref<5120x128xf32, #tpu.memory_space<vmem_shared>> -> memref<5120x128xf32, #tpu.memory_space<vmem_shared>>
        tpu.enqueue_indirect_dma source(%dma_start3A_235 : memref<88x128xf32, #tpu.memory_space<vmem>>) target(%dma_start3A_241 : memref<5120x128xf32, #tpu.memory_space<vmem_shared>>) offsets(%dma_start3A_238 : memref<88xi32, #tpu.memory_space<vmem>>) semaphore(%arg21 : memref<!tpu.dma_semaphore, #tpu.memory_space<semaphore_mem>>) {add = true}
      } else {
      }
      %mul3A_186 = arith.constant 4 : i32
      %mul3A_187 = arith.muli %while3A_100, %mul3A_186 : i32
      %add3A_188 = arith.constant 3 : i32
      %add3A_189 = arith.addi %mul3A_187, %add3A_188 : i32
      %ge3A_190 = arith.constant 1 : i32
      %ge3A_191 = arith.cmpi sge, %add3A_189, %ge3A_190 : i32
      %sub3A_192 = arith.constant 1 : i32
      %sub3A_193 = arith.subi %add3A_189, %sub3A_192 : i32
      %lt3A_194 = arith.cmpi slt, %sub3A_193, %squeeze3A : i32
      %and3A_195 = arith.andi %ge3A_191, %lt3A_194 : i1
      %convert_element_type3A_196 = arith.extui %and3A_195 : i1 to i32
      %cond3A_197 = arith.constant 0 : i32
      %cond3A_198 = arith.cmpi ne, %convert_element_type3A_196, %cond3A_197 : i32
      scf.if %cond3A_198 {
        %dma_wait3A_215 = arith.constant 0 : i32
        %dma_wait3A_216 = arith.constant 0 : i32
        %dma_wait3A_217 = arith.constant 0 : i32
        %dma_wait3A_218 = tpu.memref_slice %arg11[%dma_wait3A_215, %dma_wait3A_216, %dma_wait3A_217] : memref<2x88x128xf32, #tpu.memory_space<vmem>> -> memref<1x88x128xf32, #tpu.memory_space<vmem>>
        %dma_wait3A_219 = tpu.memref_squeeze %dma_wait3A_218 : memref<1x88x128xf32, #tpu.memory_space<vmem>> -> memref<88x128xf32, #tpu.memory_space<vmem>>
        %dma_wait3A_220 = arith.constant 0 : i32
        %dma_wait3A_221 = arith.constant 0 : i32
        %dma_wait3A_222 = tpu.memref_slice %arg14[%dma_wait3A_220, %dma_wait3A_221] : memref<5120x128xf32, #tpu.memory_space<vmem_shared>> -> memref<88x128xf32, #tpu.memory_space<vmem_shared>>
        %dma_wait3A_223 = arith.constant 0 : i32
        %dma_wait3A_224 = arith.constant 0 : i32
        %dma_wait3A_225 = tpu.memref_slice %arg14[%dma_wait3A_223, %dma_wait3A_224] : memref<5120x128xf32, #tpu.memory_space<vmem_shared>> -> memref<88x128xf32, #tpu.memory_space<vmem_shared>>
        %dma_wait3A_226 = arith.constant 0 : i32
        %dma_wait3A_227 = arith.constant 0 : i32
        %dma_wait3A_228 = tpu.memref_slice %arg11[%dma_wait3A_215, %dma_wait3A_226, %dma_wait3A_227] : memref<2x88x128xf32, #tpu.memory_space<vmem>> -> memref<1x88x128xf32, #tpu.memory_space<vmem>>
        %dma_wait3A_229 = tpu.memref_squeeze %dma_wait3A_228 : memref<1x88x128xf32, #tpu.memory_space<vmem>> -> memref<88x128xf32, #tpu.memory_space<vmem>>
        tpu.wait_dma2 semaphore(%arg21 : memref<!tpu.dma_semaphore, #tpu.memory_space<semaphore_mem>>) src(%dma_wait3A_229 : memref<88x128xf32, #tpu.memory_space<vmem>>) dst(%dma_wait3A_225 : memref<88x128xf32, #tpu.memory_space<vmem_shared>>)
      } else {
      }
      %add3A_199 = arith.constant 3 : i32
      %add3A_200 = arith.addi %add3A_189, %add3A_199 : i32
      %lt3A_201 = arith.cmpi slt, %add3A_200, %squeeze3A : i32
      %convert_element_type3A_202 = arith.extui %lt3A_201 : i1 to i32
      %cond3A_203 = arith.constant 0 : i32
      %cond3A_204 = arith.cmpi ne, %convert_element_type3A_202, %cond3A_203 : i32
      scf.if %cond3A_204 {
        %add3A_215 = arith.constant 3 : i32
        %add3A_216 = arith.addi %add3A_189, %add3A_215 : i32
        %mul3A_217 = arith.constant 88 : i32
        %mul3A_218 = arith.muli %add3A_216, %mul3A_217 : i32
        %add3A_219 = arith.addi %mul3A_4, %mul3A_218 : i32
        %multiple_of3A = tpu.assume_multiple %add3A_219, 8 : i32
        %dma_start3A_220 = arith.constant 2 : i32
        %dma_start3A_221 = arith.constant 0 : i32
        %dma_start3A_222 = tpu.memref_slice %arg9[%dma_start3A_220, %dma_start3A_221] : memref<4x88xi32, #tpu.memory_space<vmem>> -> memref<1x88xi32, #tpu.memory_space<vmem>>
        %dma_start3A_223 = tpu.memref_squeeze %dma_start3A_222 : memref<1x88xi32, #tpu.memory_space<vmem>> -> memref<88xi32, #tpu.memory_space<vmem>>
        %dma_start3A_224 = tpu.memref_slice %arg2[%multiple_of3A] : memref<658944xi32, #tpu.memory_space<hbm>> -> memref<88xi32, #tpu.memory_space<hbm>>
        %dma_start3A_225 = arith.constant 0 : i32
        %dma_start3A_226 = tpu.memref_slice %arg9[%dma_start3A_220, %dma_start3A_225] : memref<4x88xi32, #tpu.memory_space<vmem>> -> memref<1x88xi32, #tpu.memory_space<vmem>>
        %dma_start3A_227 = tpu.memref_squeeze %dma_start3A_226 : memref<1x88xi32, #tpu.memory_space<vmem>> -> memref<88xi32, #tpu.memory_space<vmem>>
        %dma_start3A_228 = tpu.memref_slice %arg2[%multiple_of3A] : memref<658944xi32, #tpu.memory_space<hbm>> -> memref<88xi32, #tpu.memory_space<hbm>>
        tpu.enqueue_dma source(%dma_start3A_228 : memref<88xi32, #tpu.memory_space<hbm>>) target(%dma_start3A_227 : memref<88xi32, #tpu.memory_space<vmem>>) target_semaphore(%arg17 : memref<!tpu.dma_semaphore, #tpu.memory_space<semaphore_mem>>)
        %dma_start3A_229 = arith.constant 2 : i32
        %dma_start3A_230 = arith.constant 0 : i32
        %dma_start3A_231 = tpu.memref_slice %arg10[%dma_start3A_229, %dma_start3A_230] : memref<4x88xi32, #tpu.memory_space<vmem>> -> memref<1x88xi32, #tpu.memory_space<vmem>>
        %dma_start3A_232 = tpu.memref_squeeze %dma_start3A_231 : memref<1x88xi32, #tpu.memory_space<vmem>> -> memref<88xi32, #tpu.memory_space<vmem>>
        %dma_start3A_233 = tpu.memref_slice %arg3[%multiple_of3A] : memref<658944xi32, #tpu.memory_space<hbm>> -> memref<88xi32, #tpu.memory_space<hbm>>
        %dma_start3A_234 = arith.constant 0 : i32
        %dma_start3A_235 = tpu.memref_slice %arg10[%dma_start3A_229, %dma_start3A_234] : memref<4x88xi32, #tpu.memory_space<vmem>> -> memref<1x88xi32, #tpu.memory_space<vmem>>
        %dma_start3A_236 = tpu.memref_squeeze %dma_start3A_235 : memref<1x88xi32, #tpu.memory_space<vmem>> -> memref<88xi32, #tpu.memory_space<vmem>>
        %dma_start3A_237 = tpu.memref_slice %arg3[%multiple_of3A] : memref<658944xi32, #tpu.memory_space<hbm>> -> memref<88xi32, #tpu.memory_space<hbm>>
        tpu.enqueue_dma source(%dma_start3A_237 : memref<88xi32, #tpu.memory_space<hbm>>) target(%dma_start3A_236 : memref<88xi32, #tpu.memory_space<vmem>>) target_semaphore(%arg17 : memref<!tpu.dma_semaphore, #tpu.memory_space<semaphore_mem>>)
      } else {
      }
      %add3A_205 = arith.constant 1 : i32
      %add3A_206 = arith.addi %add3A_189, %add3A_205 : i32
      %lt3A_207 = arith.cmpi slt, %add3A_206, %squeeze3A : i32
      %convert_element_type3A_208 = arith.extui %lt3A_207 : i1 to i32
      %cond3A_209 = arith.constant 0 : i32
      %cond3A_210 = arith.cmpi ne, %convert_element_type3A_208, %cond3A_209 : i32
      scf.if %cond3A_210 {
        %dma_wait3A_215 = arith.constant 0 : i32
        %dma_wait3A_216 = arith.constant 0 : i32
        %dma_wait3A_217 = tpu.memref_slice %arg9[%dma_wait3A_215, %dma_wait3A_216] : memref<4x88xi32, #tpu.memory_space<vmem>> -> memref<1x88xi32, #tpu.memory_space<vmem>>
        %dma_wait3A_218 = tpu.memref_squeeze %dma_wait3A_217 : memref<1x88xi32, #tpu.memory_space<vmem>> -> memref<88xi32, #tpu.memory_space<vmem>>
        %dma_wait3A_219 = arith.constant 0 : i32
        %dma_wait3A_220 = tpu.memref_slice %arg2[%dma_wait3A_219] : memref<658944xi32, #tpu.memory_space<hbm>> -> memref<88xi32, #tpu.memory_space<hbm>>
        %dma_wait3A_221 = arith.constant 0 : i32
        %dma_wait3A_222 = tpu.memref_slice %arg9[%dma_wait3A_215, %dma_wait3A_221] : memref<4x88xi32, #tpu.memory_space<vmem>> -> memref<1x88xi32, #tpu.memory_space<vmem>>
        %dma_wait3A_223 = tpu.memref_squeeze %dma_wait3A_222 : memref<1x88xi32, #tpu.memory_space<vmem>> -> memref<88xi32, #tpu.memory_space<vmem>>
        %dma_wait3A_224 = arith.constant 0 : i32
        %dma_wait3A_225 = tpu.memref_slice %arg2[%dma_wait3A_224] : memref<658944xi32, #tpu.memory_space<hbm>> -> memref<88xi32, #tpu.memory_space<hbm>>
        tpu.wait_dma2 semaphore(%arg15 : memref<!tpu.dma_semaphore, #tpu.memory_space<semaphore_mem>>) src(%dma_wait3A_225 : memref<88xi32, #tpu.memory_space<hbm>>) dst(%dma_wait3A_223 : memref<88xi32, #tpu.memory_space<vmem>>)
        %dma_wait3A_226 = arith.constant 0 : i32
        %dma_wait3A_227 = arith.constant 0 : i32
        %dma_wait3A_228 = tpu.memref_slice %arg10[%dma_wait3A_226, %dma_wait3A_227] : memref<4x88xi32, #tpu.memory_space<vmem>> -> memref<1x88xi32, #tpu.memory_space<vmem>>
        %dma_wait3A_229 = tpu.memref_squeeze %dma_wait3A_228 : memref<1x88xi32, #tpu.memory_space<vmem>> -> memref<88xi32, #tpu.memory_space<vmem>>
        %dma_wait3A_230 = arith.constant 0 : i32
        %dma_wait3A_231 = tpu.memref_slice %arg2[%dma_wait3A_230] : memref<658944xi32, #tpu.memory_space<hbm>> -> memref<88xi32, #tpu.memory_space<hbm>>
        %dma_wait3A_232 = arith.constant 0 : i32
        %dma_wait3A_233 = tpu.memref_slice %arg10[%dma_wait3A_226, %dma_wait3A_232] : memref<4x88xi32, #tpu.memory_space<vmem>> -> memref<1x88xi32, #tpu.memory_space<vmem>>
        %dma_wait3A_234 = tpu.memref_squeeze %dma_wait3A_233 : memref<1x88xi32, #tpu.memory_space<vmem>> -> memref<88xi32, #tpu.memory_space<vmem>>
        %dma_wait3A_235 = arith.constant 0 : i32
        %dma_wait3A_236 = tpu.memref_slice %arg2[%dma_wait3A_235] : memref<658944xi32, #tpu.memory_space<hbm>> -> memref<88xi32, #tpu.memory_space<hbm>>
        tpu.wait_dma2 semaphore(%arg15 : memref<!tpu.dma_semaphore, #tpu.memory_space<semaphore_mem>>) src(%dma_wait3A_236 : memref<88xi32, #tpu.memory_space<hbm>>) dst(%dma_wait3A_234 : memref<88xi32, #tpu.memory_space<vmem>>)
        %dma_start3A_237 = arith.constant 0 : i32
        %dma_start3A_238 = arith.constant 0 : i32
        %dma_start3A_239 = arith.constant 0 : i32
        %dma_start3A_240 = arith.constant 0 : i32
        %dma_start3A_241 = tpu.memref_slice %arg11[%dma_start3A_238, %dma_start3A_239, %dma_start3A_240] : memref<2x88x128xf32, #tpu.memory_space<vmem>> -> memref<1x88x128xf32, #tpu.memory_space<vmem>>
        %dma_start3A_242 = tpu.memref_squeeze %dma_start3A_241 : memref<1x88x128xf32, #tpu.memory_space<vmem>> -> memref<88x128xf32, #tpu.memory_space<vmem>>
        %dma_start3A_243 = arith.constant 0 : i32
        %dma_start3A_244 = tpu.memref_slice %arg9[%dma_start3A_237, %dma_start3A_243] : memref<4x88xi32, #tpu.memory_space<vmem>> -> memref<1x88xi32, #tpu.memory_space<vmem>>
        %dma_start3A_245 = tpu.memref_squeeze %dma_start3A_244 : memref<1x88xi32, #tpu.memory_space<vmem>> -> memref<88xi32, #tpu.memory_space<vmem>>
        %dma_start3A_246 = arith.constant 0 : i32
        %dma_start3A_247 = arith.constant 0 : i32
        %dma_start3A_248 = tpu.memref_slice %arg5[%dma_start3A_246, %dma_start3A_247] : memref<70000x128xf32, #tpu.memory_space<hbm>> -> memref<70000x128xf32, #tpu.memory_space<hbm>>
        tpu.enqueue_indirect_dma source(%dma_start3A_248 : memref<70000x128xf32, #tpu.memory_space<hbm>>) target(%dma_start3A_242 : memref<88x128xf32, #tpu.memory_space<vmem>>) offsets(%dma_start3A_245 : memref<88xi32, #tpu.memory_space<vmem>>) semaphore(%arg19 : memref<!tpu.dma_semaphore, #tpu.memory_space<semaphore_mem>>)
      } else {
      }
      %lt3A_211 = arith.cmpi slt, %add3A_189, %squeeze3A : i32
      %convert_element_type3A_212 = arith.extui %lt3A_211 : i1 to i32
      %cond3A_213 = arith.constant 0 : i32
      %cond3A_214 = arith.cmpi ne, %convert_element_type3A_212, %cond3A_213 : i32
      scf.if %cond3A_214 {
        %dma_wait3A_215 = arith.constant 1 : i32
        %dma_wait3A_216 = arith.constant 0 : i32
        %dma_wait3A_217 = arith.constant 0 : i32
        %dma_wait3A_218 = tpu.memref_slice %arg11[%dma_wait3A_215, %dma_wait3A_216, %dma_wait3A_217] : memref<2x88x128xf32, #tpu.memory_space<vmem>> -> memref<1x88x128xf32, #tpu.memory_space<vmem>>
        %dma_wait3A_219 = tpu.memref_squeeze %dma_wait3A_218 : memref<1x88x128xf32, #tpu.memory_space<vmem>> -> memref<88x128xf32, #tpu.memory_space<vmem>>
        %dma_wait3A_220 = arith.constant 0 : i32
        %dma_wait3A_221 = arith.constant 0 : i32
        %dma_wait3A_222 = tpu.memref_slice %arg5[%dma_wait3A_220, %dma_wait3A_221] : memref<70000x128xf32, #tpu.memory_space<hbm>> -> memref<88x128xf32, #tpu.memory_space<hbm>>
        %dma_wait3A_223 = arith.constant 0 : i32
        %dma_wait3A_224 = arith.constant 0 : i32
        %dma_wait3A_225 = tpu.memref_slice %arg11[%dma_wait3A_215, %dma_wait3A_223, %dma_wait3A_224] : memref<2x88x128xf32, #tpu.memory_space<vmem>> -> memref<1x88x128xf32, #tpu.memory_space<vmem>>
        %dma_wait3A_226 = tpu.memref_squeeze %dma_wait3A_225 : memref<1x88x128xf32, #tpu.memory_space<vmem>> -> memref<88x128xf32, #tpu.memory_space<vmem>>
        %dma_wait3A_227 = arith.constant 0 : i32
        %dma_wait3A_228 = arith.constant 0 : i32
        %dma_wait3A_229 = tpu.memref_slice %arg5[%dma_wait3A_227, %dma_wait3A_228] : memref<70000x128xf32, #tpu.memory_space<hbm>> -> memref<88x128xf32, #tpu.memory_space<hbm>>
        tpu.wait_dma2 semaphore(%arg20 : memref<!tpu.dma_semaphore, #tpu.memory_space<semaphore_mem>>) src(%dma_wait3A_229 : memref<88x128xf32, #tpu.memory_space<hbm>>) dst(%dma_wait3A_226 : memref<88x128xf32, #tpu.memory_space<vmem>>)
        %dma_start3A_230 = arith.constant 1 : i32
        %dma_start3A_231 = arith.constant 3 : i32
        %dma_start3A_232 = arith.constant 0 : i32
        %dma_start3A_233 = arith.constant 0 : i32
        %dma_start3A_234 = tpu.memref_slice %arg11[%dma_start3A_230, %dma_start3A_232, %dma_start3A_233] : memref<2x88x128xf32, #tpu.memory_space<vmem>> -> memref<1x88x128xf32, #tpu.memory_space<vmem>>
        %dma_start3A_235 = tpu.memref_squeeze %dma_start3A_234 : memref<1x88x128xf32, #tpu.memory_space<vmem>> -> memref<88x128xf32, #tpu.memory_space<vmem>>
        %dma_start3A_236 = arith.constant 0 : i32
        %dma_start3A_237 = tpu.memref_slice %arg10[%dma_start3A_231, %dma_start3A_236] : memref<4x88xi32, #tpu.memory_space<vmem>> -> memref<1x88xi32, #tpu.memory_space<vmem>>
        %dma_start3A_238 = tpu.memref_squeeze %dma_start3A_237 : memref<1x88xi32, #tpu.memory_space<vmem>> -> memref<88xi32, #tpu.memory_space<vmem>>
        %dma_start3A_239 = arith.constant 0 : i32
        %dma_start3A_240 = arith.constant 0 : i32
        %dma_start3A_241 = tpu.memref_slice %arg14[%dma_start3A_239, %dma_start3A_240] : memref<5120x128xf32, #tpu.memory_space<vmem_shared>> -> memref<5120x128xf32, #tpu.memory_space<vmem_shared>>
        tpu.enqueue_indirect_dma source(%dma_start3A_235 : memref<88x128xf32, #tpu.memory_space<vmem>>) target(%dma_start3A_241 : memref<5120x128xf32, #tpu.memory_space<vmem_shared>>) offsets(%dma_start3A_238 : memref<88xi32, #tpu.memory_space<vmem>>) semaphore(%arg22 : memref<!tpu.dma_semaphore, #tpu.memory_space<semaphore_mem>>) {add = true}
      } else {
      }
    }
    %while3A_58 = arith.constant 1 : i32
    scf.for %while3A_100 = %while3A_56 to %while3A_52 step %while3A_58  : i32 {
      %mul3A_101 = arith.constant 4 : i32
      %mul3A_102 = arith.muli %while3A_100, %mul3A_101 : i32
      %add3A_103 = arith.constant 0 : i32
      %add3A_104 = arith.addi %mul3A_102, %add3A_103 : i32
      %ge3A = arith.constant 1 : i32
      %ge3A_105 = arith.cmpi sge, %add3A_104, %ge3A : i32
      %sub3A_106 = arith.constant 1 : i32
      %sub3A_107 = arith.subi %add3A_104, %sub3A_106 : i32
      %lt3A = arith.cmpi slt, %sub3A_107, %squeeze3A : i32
      %and3A_108 = arith.andi %ge3A_105, %lt3A : i1
      %convert_element_type3A_109 = arith.extui %and3A_108 : i1 to i32
      %cond3A_110 = arith.constant 0 : i32
      %cond3A_111 = arith.cmpi ne, %convert_element_type3A_109, %cond3A_110 : i32
      scf.if %cond3A_111 {
        %dma_wait3A_215 = arith.constant 1 : i32
        %dma_wait3A_216 = arith.constant 0 : i32
        %dma_wait3A_217 = arith.constant 0 : i32
        %dma_wait3A_218 = tpu.memref_slice %arg11[%dma_wait3A_215, %dma_wait3A_216, %dma_wait3A_217] : memref<2x88x128xf32, #tpu.memory_space<vmem>> -> memref<1x88x128xf32, #tpu.memory_space<vmem>>
        %dma_wait3A_219 = tpu.memref_squeeze %dma_wait3A_218 : memref<1x88x128xf32, #tpu.memory_space<vmem>> -> memref<88x128xf32, #tpu.memory_space<vmem>>
        %dma_wait3A_220 = arith.constant 0 : i32
        %dma_wait3A_221 = arith.constant 0 : i32
        %dma_wait3A_222 = tpu.memref_slice %arg14[%dma_wait3A_220, %dma_wait3A_221] : memref<5120x128xf32, #tpu.memory_space<vmem_shared>> -> memref<88x128xf32, #tpu.memory_space<vmem_shared>>
        %dma_wait3A_223 = arith.constant 0 : i32
        %dma_wait3A_224 = arith.constant 0 : i32
        %dma_wait3A_225 = tpu.memref_slice %arg14[%dma_wait3A_223, %dma_wait3A_224] : memref<5120x128xf32, #tpu.memory_space<vmem_shared>> -> memref<88x128xf32, #tpu.memory_space<vmem_shared>>
        %dma_wait3A_226 = arith.constant 0 : i32
        %dma_wait3A_227 = arith.constant 0 : i32
        %dma_wait3A_228 = tpu.memref_slice %arg11[%dma_wait3A_215, %dma_wait3A_226, %dma_wait3A_227] : memref<2x88x128xf32, #tpu.memory_space<vmem>> -> memref<1x88x128xf32, #tpu.memory_space<vmem>>
        %dma_wait3A_229 = tpu.memref_squeeze %dma_wait3A_228 : memref<1x88x128xf32, #tpu.memory_space<vmem>> -> memref<88x128xf32, #tpu.memory_space<vmem>>
        tpu.wait_dma2 semaphore(%arg22 : memref<!tpu.dma_semaphore, #tpu.memory_space<semaphore_mem>>) src(%dma_wait3A_229 : memref<88x128xf32, #tpu.memory_space<vmem>>) dst(%dma_wait3A_225 : memref<88x128xf32, #tpu.memory_space<vmem_shared>>)
      } else {
      }
      %add3A_112 = arith.constant 3 : i32
      %add3A_113 = arith.addi %add3A_104, %add3A_112 : i32
      %lt3A_114 = arith.cmpi slt, %add3A_113, %squeeze3A : i32
      %convert_element_type3A_115 = arith.extui %lt3A_114 : i1 to i32
      %cond3A_116 = arith.constant 0 : i32
      %cond3A_117 = arith.cmpi ne, %convert_element_type3A_115, %cond3A_116 : i32
      scf.if %cond3A_117 {
        %add3A_215 = arith.constant 3 : i32
        %add3A_216 = arith.addi %add3A_104, %add3A_215 : i32
        %mul3A_217 = arith.constant 88 : i32
        %mul3A_218 = arith.muli %add3A_216, %mul3A_217 : i32
        %add3A_219 = arith.addi %mul3A_4, %mul3A_218 : i32
        %multiple_of3A = tpu.assume_multiple %add3A_219, 8 : i32
        %dma_start3A_220 = arith.constant 3 : i32
        %dma_start3A_221 = arith.constant 0 : i32
        %dma_start3A_222 = tpu.memref_slice %arg9[%dma_start3A_220, %dma_start3A_221] : memref<4x88xi32, #tpu.memory_space<vmem>> -> memref<1x88xi32, #tpu.memory_space<vmem>>
        %dma_start3A_223 = tpu.memref_squeeze %dma_start3A_222 : memref<1x88xi32, #tpu.memory_space<vmem>> -> memref<88xi32, #tpu.memory_space<vmem>>
        %dma_start3A_224 = tpu.memref_slice %arg2[%multiple_of3A] : memref<658944xi32, #tpu.memory_space<hbm>> -> memref<88xi32, #tpu.memory_space<hbm>>
        %dma_start3A_225 = arith.constant 0 : i32
        %dma_start3A_226 = tpu.memref_slice %arg9[%dma_start3A_220, %dma_start3A_225] : memref<4x88xi32, #tpu.memory_space<vmem>> -> memref<1x88xi32, #tpu.memory_space<vmem>>
        %dma_start3A_227 = tpu.memref_squeeze %dma_start3A_226 : memref<1x88xi32, #tpu.memory_space<vmem>> -> memref<88xi32, #tpu.memory_space<vmem>>
        %dma_start3A_228 = tpu.memref_slice %arg2[%multiple_of3A] : memref<658944xi32, #tpu.memory_space<hbm>> -> memref<88xi32, #tpu.memory_space<hbm>>
        tpu.enqueue_dma source(%dma_start3A_228 : memref<88xi32, #tpu.memory_space<hbm>>) target(%dma_start3A_227 : memref<88xi32, #tpu.memory_space<vmem>>) target_semaphore(%arg18 : memref<!tpu.dma_semaphore, #tpu.memory_space<semaphore_mem>>)
        %dma_start3A_229 = arith.constant 3 : i32
        %dma_start3A_230 = arith.constant 0 : i32
        %dma_start3A_231 = tpu.memref_slice %arg10[%dma_start3A_229, %dma_start3A_230] : memref<4x88xi32, #tpu.memory_space<vmem>> -> memref<1x88xi32, #tpu.memory_space<vmem>>
        %dma_start3A_232 = tpu.memref_squeeze %dma_start3A_231 : memref<1x88xi32, #tpu.memory_space<vmem>> -> memref<88xi32, #tpu.memory_space<vmem>>
        %dma_start3A_233 = tpu.memref_slice %arg3[%multiple_of3A] : memref<658944xi32, #tpu.memory_space<hbm>> -> memref<88xi32, #tpu.memory_space<hbm>>
        %dma_start3A_234 = arith.constant 0 : i32
        %dma_start3A_235 = tpu.memref_slice %arg10[%dma_start3A_229, %dma_start3A_234] : memref<4x88xi32, #tpu.memory_space<vmem>> -> memref<1x88xi32, #tpu.memory_space<vmem>>
        %dma_start3A_236 = tpu.memref_squeeze %dma_start3A_235 : memref<1x88xi32, #tpu.memory_space<vmem>> -> memref<88xi32, #tpu.memory_space<vmem>>
        %dma_start3A_237 = tpu.memref_slice %arg3[%multiple_of3A] : memref<658944xi32, #tpu.memory_space<hbm>> -> memref<88xi32, #tpu.memory_space<hbm>>
        tpu.enqueue_dma source(%dma_start3A_237 : memref<88xi32, #tpu.memory_space<hbm>>) target(%dma_start3A_236 : memref<88xi32, #tpu.memory_space<vmem>>) target_semaphore(%arg18 : memref<!tpu.dma_semaphore, #tpu.memory_space<semaphore_mem>>)
      } else {
      }
      %add3A_118 = arith.constant 1 : i32
      %add3A_119 = arith.addi %add3A_104, %add3A_118 : i32
      %lt3A_120 = arith.cmpi slt, %add3A_119, %squeeze3A : i32
      %convert_element_type3A_121 = arith.extui %lt3A_120 : i1 to i32
      %cond3A_122 = arith.constant 0 : i32
      %cond3A_123 = arith.cmpi ne, %convert_element_type3A_121, %cond3A_122 : i32
      scf.if %cond3A_123 {
        %dma_wait3A_215 = arith.constant 1 : i32
        %dma_wait3A_216 = arith.constant 0 : i32
        %dma_wait3A_217 = tpu.memref_slice %arg9[%dma_wait3A_215, %dma_wait3A_216] : memref<4x88xi32, #tpu.memory_space<vmem>> -> memref<1x88xi32, #tpu.memory_space<vmem>>
        %dma_wait3A_218 = tpu.memref_squeeze %dma_wait3A_217 : memref<1x88xi32, #tpu.memory_space<vmem>> -> memref<88xi32, #tpu.memory_space<vmem>>
        %dma_wait3A_219 = arith.constant 0 : i32
        %dma_wait3A_220 = tpu.memref_slice %arg2[%dma_wait3A_219] : memref<658944xi32, #tpu.memory_space<hbm>> -> memref<88xi32, #tpu.memory_space<hbm>>
        %dma_wait3A_221 = arith.constant 0 : i32
        %dma_wait3A_222 = tpu.memref_slice %arg9[%dma_wait3A_215, %dma_wait3A_221] : memref<4x88xi32, #tpu.memory_space<vmem>> -> memref<1x88xi32, #tpu.memory_space<vmem>>
        %dma_wait3A_223 = tpu.memref_squeeze %dma_wait3A_222 : memref<1x88xi32, #tpu.memory_space<vmem>> -> memref<88xi32, #tpu.memory_space<vmem>>
        %dma_wait3A_224 = arith.constant 0 : i32
        %dma_wait3A_225 = tpu.memref_slice %arg2[%dma_wait3A_224] : memref<658944xi32, #tpu.memory_space<hbm>> -> memref<88xi32, #tpu.memory_space<hbm>>
        tpu.wait_dma2 semaphore(%arg16 : memref<!tpu.dma_semaphore, #tpu.memory_space<semaphore_mem>>) src(%dma_wait3A_225 : memref<88xi32, #tpu.memory_space<hbm>>) dst(%dma_wait3A_223 : memref<88xi32, #tpu.memory_space<vmem>>)
        %dma_wait3A_226 = arith.constant 1 : i32
        %dma_wait3A_227 = arith.constant 0 : i32
        %dma_wait3A_228 = tpu.memref_slice %arg10[%dma_wait3A_226, %dma_wait3A_227] : memref<4x88xi32, #tpu.memory_space<vmem>> -> memref<1x88xi32, #tpu.memory_space<vmem>>
        %dma_wait3A_229 = tpu.memref_squeeze %dma_wait3A_228 : memref<1x88xi32, #tpu.memory_space<vmem>> -> memref<88xi32, #tpu.memory_space<vmem>>
        %dma_wait3A_230 = arith.constant 0 : i32
        %dma_wait3A_231 = tpu.memref_slice %arg2[%dma_wait3A_230] : memref<658944xi32, #tpu.memory_space<hbm>> -> memref<88xi32, #tpu.memory_space<hbm>>
        %dma_wait3A_232 = arith.constant 0 : i32
        %dma_wait3A_233 = tpu.memref_slice %arg10[%dma_wait3A_226, %dma_wait3A_232] : memref<4x88xi32, #tpu.memory_space<vmem>> -> memref<1x88xi32, #tpu.memory_space<vmem>>
        %dma_wait3A_234 = tpu.memref_squeeze %dma_wait3A_233 : memref<1x88xi32, #tpu.memory_space<vmem>> -> memref<88xi32, #tpu.memory_space<vmem>>
        %dma_wait3A_235 = arith.constant 0 : i32
        %dma_wait3A_236 = tpu.memref_slice %arg2[%dma_wait3A_235] : memref<658944xi32, #tpu.memory_space<hbm>> -> memref<88xi32, #tpu.memory_space<hbm>>
        tpu.wait_dma2 semaphore(%arg16 : memref<!tpu.dma_semaphore, #tpu.memory_space<semaphore_mem>>) src(%dma_wait3A_236 : memref<88xi32, #tpu.memory_space<hbm>>) dst(%dma_wait3A_234 : memref<88xi32, #tpu.memory_space<vmem>>)
        %dma_start3A_237 = arith.constant 1 : i32
        %dma_start3A_238 = arith.constant 1 : i32
        %dma_start3A_239 = arith.constant 0 : i32
        %dma_start3A_240 = arith.constant 0 : i32
        %dma_start3A_241 = tpu.memref_slice %arg11[%dma_start3A_238, %dma_start3A_239, %dma_start3A_240] : memref<2x88x128xf32, #tpu.memory_space<vmem>> -> memref<1x88x128xf32, #tpu.memory_space<vmem>>
        %dma_start3A_242 = tpu.memref_squeeze %dma_start3A_241 : memref<1x88x128xf32, #tpu.memory_space<vmem>> -> memref<88x128xf32, #tpu.memory_space<vmem>>
        %dma_start3A_243 = arith.constant 0 : i32
        %dma_start3A_244 = tpu.memref_slice %arg9[%dma_start3A_237, %dma_start3A_243] : memref<4x88xi32, #tpu.memory_space<vmem>> -> memref<1x88xi32, #tpu.memory_space<vmem>>
        %dma_start3A_245 = tpu.memref_squeeze %dma_start3A_244 : memref<1x88xi32, #tpu.memory_space<vmem>> -> memref<88xi32, #tpu.memory_space<vmem>>
        %dma_start3A_246 = arith.constant 0 : i32
        %dma_start3A_247 = arith.constant 0 : i32
        %dma_start3A_248 = tpu.memref_slice %arg5[%dma_start3A_246, %dma_start3A_247] : memref<70000x128xf32, #tpu.memory_space<hbm>> -> memref<70000x128xf32, #tpu.memory_space<hbm>>
        tpu.enqueue_indirect_dma source(%dma_start3A_248 : memref<70000x128xf32, #tpu.memory_space<hbm>>) target(%dma_start3A_242 : memref<88x128xf32, #tpu.memory_space<vmem>>) offsets(%dma_start3A_245 : memref<88xi32, #tpu.memory_space<vmem>>) semaphore(%arg20 : memref<!tpu.dma_semaphore, #tpu.memory_space<semaphore_mem>>)
      } else {
      }
      %lt3A_124 = arith.cmpi slt, %add3A_104, %squeeze3A : i32
      %convert_element_type3A_125 = arith.extui %lt3A_124 : i1 to i32
      %cond3A_126 = arith.constant 0 : i32
      %cond3A_127 = arith.cmpi ne, %convert_element_type3A_125, %cond3A_126 : i32
      scf.if %cond3A_127 {
        %dma_wait3A_215 = arith.constant 0 : i32
        %dma_wait3A_216 = arith.constant 0 : i32
        %dma_wait3A_217 = arith.constant 0 : i32
        %dma_wait3A_218 = tpu.memref_slice %arg11[%dma_wait3A_215, %dma_wait3A_216, %dma_wait3A_217] : memref<2x88x128xf32, #tpu.memory_space<vmem>> -> memref<1x88x128xf32, #tpu.memory_space<vmem>>
        %dma_wait3A_219 = tpu.memref_squeeze %dma_wait3A_218 : memref<1x88x128xf32, #tpu.memory_space<vmem>> -> memref<88x128xf32, #tpu.memory_space<vmem>>
        %dma_wait3A_220 = arith.constant 0 : i32
        %dma_wait3A_221 = arith.constant 0 : i32
        %dma_wait3A_222 = tpu.memref_slice %arg5[%dma_wait3A_220, %dma_wait3A_221] : memref<70000x128xf32, #tpu.memory_space<hbm>> -> memref<88x128xf32, #tpu.memory_space<hbm>>
        %dma_wait3A_223 = arith.constant 0 : i32
        %dma_wait3A_224 = arith.constant 0 : i32
        %dma_wait3A_225 = tpu.memref_slice %arg11[%dma_wait3A_215, %dma_wait3A_223, %dma_wait3A_224] : memref<2x88x128xf32, #tpu.memory_space<vmem>> -> memref<1x88x128xf32, #tpu.memory_space<vmem>>
        %dma_wait3A_226 = tpu.memref_squeeze %dma_wait3A_225 : memref<1x88x128xf32, #tpu.memory_space<vmem>> -> memref<88x128xf32, #tpu.memory_space<vmem>>
        %dma_wait3A_227 = arith.constant 0 : i32
        %dma_wait3A_228 = arith.constant 0 : i32
        %dma_wait3A_229 = tpu.memref_slice %arg5[%dma_wait3A_227, %dma_wait3A_228] : memref<70000x128xf32, #tpu.memory_space<hbm>> -> memref<88x128xf32, #tpu.memory_space<hbm>>
        tpu.wait_dma2 semaphore(%arg19 : memref<!tpu.dma_semaphore, #tpu.memory_space<semaphore_mem>>) src(%dma_wait3A_229 : memref<88x128xf32, #tpu.memory_space<hbm>>) dst(%dma_wait3A_226 : memref<88x128xf32, #tpu.memory_space<vmem>>)
        %dma_start3A_230 = arith.constant 0 : i32
        %dma_start3A_231 = arith.constant 0 : i32
        %dma_start3A_232 = arith.constant 0 : i32
        %dma_start3A_233 = arith.constant 0 : i32
        %dma_start3A_234 = tpu.memref_slice %arg11[%dma_start3A_230, %dma_start3A_232, %dma_start3A_233] : memref<2x88x128xf32, #tpu.memory_space<vmem>> -> memref<1x88x128xf32, #tpu.memory_space<vmem>>
        %dma_start3A_235 = tpu.memref_squeeze %dma_start3A_234 : memref<1x88x128xf32, #tpu.memory_space<vmem>> -> memref<88x128xf32, #tpu.memory_space<vmem>>
        %dma_start3A_236 = arith.constant 0 : i32
        %dma_start3A_237 = tpu.memref_slice %arg10[%dma_start3A_231, %dma_start3A_236] : memref<4x88xi32, #tpu.memory_space<vmem>> -> memref<1x88xi32, #tpu.memory_space<vmem>>
        %dma_start3A_238 = tpu.memref_squeeze %dma_start3A_237 : memref<1x88xi32, #tpu.memory_space<vmem>> -> memref<88xi32, #tpu.memory_space<vmem>>
        %dma_start3A_239 = arith.constant 0 : i32
        %dma_start3A_240 = arith.constant 0 : i32
        %dma_start3A_241 = tpu.memref_slice %arg14[%dma_start3A_239, %dma_start3A_240] : memref<5120x128xf32, #tpu.memory_space<vmem_shared>> -> memref<5120x128xf32, #tpu.memory_space<vmem_shared>>
        tpu.enqueue_indirect_dma source(%dma_start3A_235 : memref<88x128xf32, #tpu.memory_space<vmem>>) target(%dma_start3A_241 : memref<5120x128xf32, #tpu.memory_space<vmem_shared>>) offsets(%dma_start3A_238 : memref<88xi32, #tpu.memory_space<vmem>>) semaphore(%arg21 : memref<!tpu.dma_semaphore, #tpu.memory_space<semaphore_mem>>) {add = true}
      } else {
      }
      %mul3A_128 = arith.constant 4 : i32
      %mul3A_129 = arith.muli %while3A_100, %mul3A_128 : i32
      %add3A_130 = arith.constant 1 : i32
      %add3A_131 = arith.addi %mul3A_129, %add3A_130 : i32
      %ge3A_132 = arith.constant 1 : i32
      %ge3A_133 = arith.cmpi sge, %add3A_131, %ge3A_132 : i32
      %sub3A_134 = arith.constant 1 : i32
      %sub3A_135 = arith.subi %add3A_131, %sub3A_134 : i32
      %lt3A_136 = arith.cmpi slt, %sub3A_135, %squeeze3A : i32
      %and3A_137 = arith.andi %ge3A_133, %lt3A_136 : i1
      %convert_element_type3A_138 = arith.extui %and3A_137 : i1 to i32
      %cond3A_139 = arith.constant 0 : i32
      %cond3A_140 = arith.cmpi ne, %convert_element_type3A_138, %cond3A_139 : i32
      scf.if %cond3A_140 {
        %dma_wait3A_215 = arith.constant 0 : i32
        %dma_wait3A_216 = arith.constant 0 : i32
        %dma_wait3A_217 = arith.constant 0 : i32
        %dma_wait3A_218 = tpu.memref_slice %arg11[%dma_wait3A_215, %dma_wait3A_216, %dma_wait3A_217] : memref<2x88x128xf32, #tpu.memory_space<vmem>> -> memref<1x88x128xf32, #tpu.memory_space<vmem>>
        %dma_wait3A_219 = tpu.memref_squeeze %dma_wait3A_218 : memref<1x88x128xf32, #tpu.memory_space<vmem>> -> memref<88x128xf32, #tpu.memory_space<vmem>>
        %dma_wait3A_220 = arith.constant 0 : i32
        %dma_wait3A_221 = arith.constant 0 : i32
        %dma_wait3A_222 = tpu.memref_slice %arg14[%dma_wait3A_220, %dma_wait3A_221] : memref<5120x128xf32, #tpu.memory_space<vmem_shared>> -> memref<88x128xf32, #tpu.memory_space<vmem_shared>>
        %dma_wait3A_223 = arith.constant 0 : i32
        %dma_wait3A_224 = arith.constant 0 : i32
        %dma_wait3A_225 = tpu.memref_slice %arg14[%dma_wait3A_223, %dma_wait3A_224] : memref<5120x128xf32, #tpu.memory_space<vmem_shared>> -> memref<88x128xf32, #tpu.memory_space<vmem_shared>>
        %dma_wait3A_226 = arith.constant 0 : i32
        %dma_wait3A_227 = arith.constant 0 : i32
        %dma_wait3A_228 = tpu.memref_slice %arg11[%dma_wait3A_215, %dma_wait3A_226, %dma_wait3A_227] : memref<2x88x128xf32, #tpu.memory_space<vmem>> -> memref<1x88x128xf32, #tpu.memory_space<vmem>>
        %dma_wait3A_229 = tpu.memref_squeeze %dma_wait3A_228 : memref<1x88x128xf32, #tpu.memory_space<vmem>> -> memref<88x128xf32, #tpu.memory_space<vmem>>
        tpu.wait_dma2 semaphore(%arg21 : memref<!tpu.dma_semaphore, #tpu.memory_space<semaphore_mem>>) src(%dma_wait3A_229 : memref<88x128xf32, #tpu.memory_space<vmem>>) dst(%dma_wait3A_225 : memref<88x128xf32, #tpu.memory_space<vmem_shared>>)
      } else {
      }
      %add3A_141 = arith.constant 3 : i32
      %add3A_142 = arith.addi %add3A_131, %add3A_141 : i32
      %lt3A_143 = arith.cmpi slt, %add3A_142, %squeeze3A : i32
      %convert_element_type3A_144 = arith.extui %lt3A_143 : i1 to i32
      %cond3A_145 = arith.constant 0 : i32
      %cond3A_146 = arith.cmpi ne, %convert_element_type3A_144, %cond3A_145 : i32
      scf.if %cond3A_146 {
        %add3A_215 = arith.constant 3 : i32
        %add3A_216 = arith.addi %add3A_131, %add3A_215 : i32
        %mul3A_217 = arith.constant 88 : i32
        %mul3A_218 = arith.muli %add3A_216, %mul3A_217 : i32
        %add3A_219 = arith.addi %mul3A_4, %mul3A_218 : i32
        %multiple_of3A = tpu.assume_multiple %add3A_219, 8 : i32
        %dma_start3A_220 = arith.constant 0 : i32
        %dma_start3A_221 = arith.constant 0 : i32
        %dma_start3A_222 = tpu.memref_slice %arg9[%dma_start3A_220, %dma_start3A_221] : memref<4x88xi32, #tpu.memory_space<vmem>> -> memref<1x88xi32, #tpu.memory_space<vmem>>
        %dma_start3A_223 = tpu.memref_squeeze %dma_start3A_222 : memref<1x88xi32, #tpu.memory_space<vmem>> -> memref<88xi32, #tpu.memory_space<vmem>>
        %dma_start3A_224 = tpu.memref_slice %arg2[%multiple_of3A] : memref<658944xi32, #tpu.memory_space<hbm>> -> memref<88xi32, #tpu.memory_space<hbm>>
        %dma_start3A_225 = arith.constant 0 : i32
        %dma_start3A_226 = tpu.memref_slice %arg9[%dma_start3A_220, %dma_start3A_225] : memref<4x88xi32, #tpu.memory_space<vmem>> -> memref<1x88xi32, #tpu.memory_space<vmem>>
        %dma_start3A_227 = tpu.memref_squeeze %dma_start3A_226 : memref<1x88xi32, #tpu.memory_space<vmem>> -> memref<88xi32, #tpu.memory_space<vmem>>
        %dma_start3A_228 = tpu.memref_slice %arg2[%multiple_of3A] : memref<658944xi32, #tpu.memory_space<hbm>> -> memref<88xi32, #tpu.memory_space<hbm>>
        tpu.enqueue_dma source(%dma_start3A_228 : memref<88xi32, #tpu.memory_space<hbm>>) target(%dma_start3A_227 : memref<88xi32, #tpu.memory_space<vmem>>) target_semaphore(%arg15 : memref<!tpu.dma_semaphore, #tpu.memory_space<semaphore_mem>>)
        %dma_start3A_229 = arith.constant 0 : i32
        %dma_start3A_230 = arith.constant 0 : i32
        %dma_start3A_231 = tpu.memref_slice %arg10[%dma_start3A_229, %dma_start3A_230] : memref<4x88xi32, #tpu.memory_space<vmem>> -> memref<1x88xi32, #tpu.memory_space<vmem>>
        %dma_start3A_232 = tpu.memref_squeeze %dma_start3A_231 : memref<1x88xi32, #tpu.memory_space<vmem>> -> memref<88xi32, #tpu.memory_space<vmem>>
        %dma_start3A_233 = tpu.memref_slice %arg3[%multiple_of3A] : memref<658944xi32, #tpu.memory_space<hbm>> -> memref<88xi32, #tpu.memory_space<hbm>>
        %dma_start3A_234 = arith.constant 0 : i32
        %dma_start3A_235 = tpu.memref_slice %arg10[%dma_start3A_229, %dma_start3A_234] : memref<4x88xi32, #tpu.memory_space<vmem>> -> memref<1x88xi32, #tpu.memory_space<vmem>>
        %dma_start3A_236 = tpu.memref_squeeze %dma_start3A_235 : memref<1x88xi32, #tpu.memory_space<vmem>> -> memref<88xi32, #tpu.memory_space<vmem>>
        %dma_start3A_237 = tpu.memref_slice %arg3[%multiple_of3A] : memref<658944xi32, #tpu.memory_space<hbm>> -> memref<88xi32, #tpu.memory_space<hbm>>
        tpu.enqueue_dma source(%dma_start3A_237 : memref<88xi32, #tpu.memory_space<hbm>>) target(%dma_start3A_236 : memref<88xi32, #tpu.memory_space<vmem>>) target_semaphore(%arg15 : memref<!tpu.dma_semaphore, #tpu.memory_space<semaphore_mem>>)
      } else {
      }
      %add3A_147 = arith.constant 1 : i32
      %add3A_148 = arith.addi %add3A_131, %add3A_147 : i32
      %lt3A_149 = arith.cmpi slt, %add3A_148, %squeeze3A : i32
      %convert_element_type3A_150 = arith.extui %lt3A_149 : i1 to i32
      %cond3A_151 = arith.constant 0 : i32
      %cond3A_152 = arith.cmpi ne, %convert_element_type3A_150, %cond3A_151 : i32
      scf.if %cond3A_152 {
        %dma_wait3A_215 = arith.constant 2 : i32
        %dma_wait3A_216 = arith.constant 0 : i32
        %dma_wait3A_217 = tpu.memref_slice %arg9[%dma_wait3A_215, %dma_wait3A_216] : memref<4x88xi32, #tpu.memory_space<vmem>> -> memref<1x88xi32, #tpu.memory_space<vmem>>
        %dma_wait3A_218 = tpu.memref_squeeze %dma_wait3A_217 : memref<1x88xi32, #tpu.memory_space<vmem>> -> memref<88xi32, #tpu.memory_space<vmem>>
        %dma_wait3A_219 = arith.constant 0 : i32
        %dma_wait3A_220 = tpu.memref_slice %arg2[%dma_wait3A_219] : memref<658944xi32, #tpu.memory_space<hbm>> -> memref<88xi32, #tpu.memory_space<hbm>>
        %dma_wait3A_221 = arith.constant 0 : i32
        %dma_wait3A_222 = tpu.memref_slice %arg9[%dma_wait3A_215, %dma_wait3A_221] : memref<4x88xi32, #tpu.memory_space<vmem>> -> memref<1x88xi32, #tpu.memory_space<vmem>>
        %dma_wait3A_223 = tpu.memref_squeeze %dma_wait3A_222 : memref<1x88xi32, #tpu.memory_space<vmem>> -> memref<88xi32, #tpu.memory_space<vmem>>
        %dma_wait3A_224 = arith.constant 0 : i32
        %dma_wait3A_225 = tpu.memref_slice %arg2[%dma_wait3A_224] : memref<658944xi32, #tpu.memory_space<hbm>> -> memref<88xi32, #tpu.memory_space<hbm>>
        tpu.wait_dma2 semaphore(%arg17 : memref<!tpu.dma_semaphore, #tpu.memory_space<semaphore_mem>>) src(%dma_wait3A_225 : memref<88xi32, #tpu.memory_space<hbm>>) dst(%dma_wait3A_223 : memref<88xi32, #tpu.memory_space<vmem>>)
        %dma_wait3A_226 = arith.constant 2 : i32
        %dma_wait3A_227 = arith.constant 0 : i32
        %dma_wait3A_228 = tpu.memref_slice %arg10[%dma_wait3A_226, %dma_wait3A_227] : memref<4x88xi32, #tpu.memory_space<vmem>> -> memref<1x88xi32, #tpu.memory_space<vmem>>
        %dma_wait3A_229 = tpu.memref_squeeze %dma_wait3A_228 : memref<1x88xi32, #tpu.memory_space<vmem>> -> memref<88xi32, #tpu.memory_space<vmem>>
        %dma_wait3A_230 = arith.constant 0 : i32
        %dma_wait3A_231 = tpu.memref_slice %arg2[%dma_wait3A_230] : memref<658944xi32, #tpu.memory_space<hbm>> -> memref<88xi32, #tpu.memory_space<hbm>>
        %dma_wait3A_232 = arith.constant 0 : i32
        %dma_wait3A_233 = tpu.memref_slice %arg10[%dma_wait3A_226, %dma_wait3A_232] : memref<4x88xi32, #tpu.memory_space<vmem>> -> memref<1x88xi32, #tpu.memory_space<vmem>>
        %dma_wait3A_234 = tpu.memref_squeeze %dma_wait3A_233 : memref<1x88xi32, #tpu.memory_space<vmem>> -> memref<88xi32, #tpu.memory_space<vmem>>
        %dma_wait3A_235 = arith.constant 0 : i32
        %dma_wait3A_236 = tpu.memref_slice %arg2[%dma_wait3A_235] : memref<658944xi32, #tpu.memory_space<hbm>> -> memref<88xi32, #tpu.memory_space<hbm>>
        tpu.wait_dma2 semaphore(%arg17 : memref<!tpu.dma_semaphore, #tpu.memory_space<semaphore_mem>>) src(%dma_wait3A_236 : memref<88xi32, #tpu.memory_space<hbm>>) dst(%dma_wait3A_234 : memref<88xi32, #tpu.memory_space<vmem>>)
        %dma_start3A_237 = arith.constant 2 : i32
        %dma_start3A_238 = arith.constant 0 : i32
        %dma_start3A_239 = arith.constant 0 : i32
        %dma_start3A_240 = arith.constant 0 : i32
        %dma_start3A_241 = tpu.memref_slice %arg11[%dma_start3A_238, %dma_start3A_239, %dma_start3A_240] : memref<2x88x128xf32, #tpu.memory_space<vmem>> -> memref<1x88x128xf32, #tpu.memory_space<vmem>>
        %dma_start3A_242 = tpu.memref_squeeze %dma_start3A_241 : memref<1x88x128xf32, #tpu.memory_space<vmem>> -> memref<88x128xf32, #tpu.memory_space<vmem>>
        %dma_start3A_243 = arith.constant 0 : i32
        %dma_start3A_244 = tpu.memref_slice %arg9[%dma_start3A_237, %dma_start3A_243] : memref<4x88xi32, #tpu.memory_space<vmem>> -> memref<1x88xi32, #tpu.memory_space<vmem>>
        %dma_start3A_245 = tpu.memref_squeeze %dma_start3A_244 : memref<1x88xi32, #tpu.memory_space<vmem>> -> memref<88xi32, #tpu.memory_space<vmem>>
        %dma_start3A_246 = arith.constant 0 : i32
        %dma_start3A_247 = arith.constant 0 : i32
        %dma_start3A_248 = tpu.memref_slice %arg5[%dma_start3A_246, %dma_start3A_247] : memref<70000x128xf32, #tpu.memory_space<hbm>> -> memref<70000x128xf32, #tpu.memory_space<hbm>>
        tpu.enqueue_indirect_dma source(%dma_start3A_248 : memref<70000x128xf32, #tpu.memory_space<hbm>>) target(%dma_start3A_242 : memref<88x128xf32, #tpu.memory_space<vmem>>) offsets(%dma_start3A_245 : memref<88xi32, #tpu.memory_space<vmem>>) semaphore(%arg19 : memref<!tpu.dma_semaphore, #tpu.memory_space<semaphore_mem>>)
      } else {
      }
      %lt3A_153 = arith.cmpi slt, %add3A_131, %squeeze3A : i32
      %convert_element_type3A_154 = arith.extui %lt3A_153 : i1 to i32
      %cond3A_155 = arith.constant 0 : i32
      %cond3A_156 = arith.cmpi ne, %convert_element_type3A_154, %cond3A_155 : i32
      scf.if %cond3A_156 {
        %dma_wait3A_215 = arith.constant 1 : i32
        %dma_wait3A_216 = arith.constant 0 : i32
        %dma_wait3A_217 = arith.constant 0 : i32
        %dma_wait3A_218 = tpu.memref_slice %arg11[%dma_wait3A_215, %dma_wait3A_216, %dma_wait3A_217] : memref<2x88x128xf32, #tpu.memory_space<vmem>> -> memref<1x88x128xf32, #tpu.memory_space<vmem>>
        %dma_wait3A_219 = tpu.memref_squeeze %dma_wait3A_218 : memref<1x88x128xf32, #tpu.memory_space<vmem>> -> memref<88x128xf32, #tpu.memory_space<vmem>>
        %dma_wait3A_220 = arith.constant 0 : i32
        %dma_wait3A_221 = arith.constant 0 : i32
        %dma_wait3A_222 = tpu.memref_slice %arg5[%dma_wait3A_220, %dma_wait3A_221] : memref<70000x128xf32, #tpu.memory_space<hbm>> -> memref<88x128xf32, #tpu.memory_space<hbm>>
        %dma_wait3A_223 = arith.constant 0 : i32
        %dma_wait3A_224 = arith.constant 0 : i32
        %dma_wait3A_225 = tpu.memref_slice %arg11[%dma_wait3A_215, %dma_wait3A_223, %dma_wait3A_224] : memref<2x88x128xf32, #tpu.memory_space<vmem>> -> memref<1x88x128xf32, #tpu.memory_space<vmem>>
        %dma_wait3A_226 = tpu.memref_squeeze %dma_wait3A_225 : memref<1x88x128xf32, #tpu.memory_space<vmem>> -> memref<88x128xf32, #tpu.memory_space<vmem>>
        %dma_wait3A_227 = arith.constant 0 : i32
        %dma_wait3A_228 = arith.constant 0 : i32
        %dma_wait3A_229 = tpu.memref_slice %arg5[%dma_wait3A_227, %dma_wait3A_228] : memref<70000x128xf32, #tpu.memory_space<hbm>> -> memref<88x128xf32, #tpu.memory_space<hbm>>
        tpu.wait_dma2 semaphore(%arg20 : memref<!tpu.dma_semaphore, #tpu.memory_space<semaphore_mem>>) src(%dma_wait3A_229 : memref<88x128xf32, #tpu.memory_space<hbm>>) dst(%dma_wait3A_226 : memref<88x128xf32, #tpu.memory_space<vmem>>)
        %dma_start3A_230 = arith.constant 1 : i32
        %dma_start3A_231 = arith.constant 1 : i32
        %dma_start3A_232 = arith.constant 0 : i32
        %dma_start3A_233 = arith.constant 0 : i32
        %dma_start3A_234 = tpu.memref_slice %arg11[%dma_start3A_230, %dma_start3A_232, %dma_start3A_233] : memref<2x88x128xf32, #tpu.memory_space<vmem>> -> memref<1x88x128xf32, #tpu.memory_space<vmem>>
        %dma_start3A_235 = tpu.memref_squeeze %dma_start3A_234 : memref<1x88x128xf32, #tpu.memory_space<vmem>> -> memref<88x128xf32, #tpu.memory_space<vmem>>
        %dma_start3A_236 = arith.constant 0 : i32
        %dma_start3A_237 = tpu.memref_slice %arg10[%dma_start3A_231, %dma_start3A_236] : memref<4x88xi32, #tpu.memory_space<vmem>> -> memref<1x88xi32, #tpu.memory_space<vmem>>
        %dma_start3A_238 = tpu.memref_squeeze %dma_start3A_237 : memref<1x88xi32, #tpu.memory_space<vmem>> -> memref<88xi32, #tpu.memory_space<vmem>>
        %dma_start3A_239 = arith.constant 0 : i32
        %dma_start3A_240 = arith.constant 0 : i32
        %dma_start3A_241 = tpu.memref_slice %arg14[%dma_start3A_239, %dma_start3A_240] : memref<5120x128xf32, #tpu.memory_space<vmem_shared>> -> memref<5120x128xf32, #tpu.memory_space<vmem_shared>>
        tpu.enqueue_indirect_dma source(%dma_start3A_235 : memref<88x128xf32, #tpu.memory_space<vmem>>) target(%dma_start3A_241 : memref<5120x128xf32, #tpu.memory_space<vmem_shared>>) offsets(%dma_start3A_238 : memref<88xi32, #tpu.memory_space<vmem>>) semaphore(%arg22 : memref<!tpu.dma_semaphore, #tpu.memory_space<semaphore_mem>>) {add = true}
      } else {
      }
      %mul3A_157 = arith.constant 4 : i32
      %mul3A_158 = arith.muli %while3A_100, %mul3A_157 : i32
      %add3A_159 = arith.constant 2 : i32
      %add3A_160 = arith.addi %mul3A_158, %add3A_159 : i32
      %ge3A_161 = arith.constant 1 : i32
      %ge3A_162 = arith.cmpi sge, %add3A_160, %ge3A_161 : i32
      %sub3A_163 = arith.constant 1 : i32
      %sub3A_164 = arith.subi %add3A_160, %sub3A_163 : i32
      %lt3A_165 = arith.cmpi slt, %sub3A_164, %squeeze3A : i32
      %and3A_166 = arith.andi %ge3A_162, %lt3A_165 : i1
      %convert_element_type3A_167 = arith.extui %and3A_166 : i1 to i32
      %cond3A_168 = arith.constant 0 : i32
      %cond3A_169 = arith.cmpi ne, %convert_element_type3A_167, %cond3A_168 : i32
      scf.if %cond3A_169 {
        %dma_wait3A_215 = arith.constant 1 : i32
        %dma_wait3A_216 = arith.constant 0 : i32
        %dma_wait3A_217 = arith.constant 0 : i32
        %dma_wait3A_218 = tpu.memref_slice %arg11[%dma_wait3A_215, %dma_wait3A_216, %dma_wait3A_217] : memref<2x88x128xf32, #tpu.memory_space<vmem>> -> memref<1x88x128xf32, #tpu.memory_space<vmem>>
        %dma_wait3A_219 = tpu.memref_squeeze %dma_wait3A_218 : memref<1x88x128xf32, #tpu.memory_space<vmem>> -> memref<88x128xf32, #tpu.memory_space<vmem>>
        %dma_wait3A_220 = arith.constant 0 : i32
        %dma_wait3A_221 = arith.constant 0 : i32
        %dma_wait3A_222 = tpu.memref_slice %arg14[%dma_wait3A_220, %dma_wait3A_221] : memref<5120x128xf32, #tpu.memory_space<vmem_shared>> -> memref<88x128xf32, #tpu.memory_space<vmem_shared>>
        %dma_wait3A_223 = arith.constant 0 : i32
        %dma_wait3A_224 = arith.constant 0 : i32
        %dma_wait3A_225 = tpu.memref_slice %arg14[%dma_wait3A_223, %dma_wait3A_224] : memref<5120x128xf32, #tpu.memory_space<vmem_shared>> -> memref<88x128xf32, #tpu.memory_space<vmem_shared>>
        %dma_wait3A_226 = arith.constant 0 : i32
        %dma_wait3A_227 = arith.constant 0 : i32
        %dma_wait3A_228 = tpu.memref_slice %arg11[%dma_wait3A_215, %dma_wait3A_226, %dma_wait3A_227] : memref<2x88x128xf32, #tpu.memory_space<vmem>> -> memref<1x88x128xf32, #tpu.memory_space<vmem>>
        %dma_wait3A_229 = tpu.memref_squeeze %dma_wait3A_228 : memref<1x88x128xf32, #tpu.memory_space<vmem>> -> memref<88x128xf32, #tpu.memory_space<vmem>>
        tpu.wait_dma2 semaphore(%arg22 : memref<!tpu.dma_semaphore, #tpu.memory_space<semaphore_mem>>) src(%dma_wait3A_229 : memref<88x128xf32, #tpu.memory_space<vmem>>) dst(%dma_wait3A_225 : memref<88x128xf32, #tpu.memory_space<vmem_shared>>)
      } else {
      }
      %add3A_170 = arith.constant 3 : i32
      %add3A_171 = arith.addi %add3A_160, %add3A_170 : i32
      %lt3A_172 = arith.cmpi slt, %add3A_171, %squeeze3A : i32
      %convert_element_type3A_173 = arith.extui %lt3A_172 : i1 to i32
      %cond3A_174 = arith.constant 0 : i32
      %cond3A_175 = arith.cmpi ne, %convert_element_type3A_173, %cond3A_174 : i32
      scf.if %cond3A_175 {
        %add3A_215 = arith.constant 3 : i32
        %add3A_216 = arith.addi %add3A_160, %add3A_215 : i32
        %mul3A_217 = arith.constant 88 : i32
        %mul3A_218 = arith.muli %add3A_216, %mul3A_217 : i32
        %add3A_219 = arith.addi %mul3A_4, %mul3A_218 : i32
        %multiple_of3A = tpu.assume_multiple %add3A_219, 8 : i32
        %dma_start3A_220 = arith.constant 1 : i32
        %dma_start3A_221 = arith.constant 0 : i32
        %dma_start3A_222 = tpu.memref_slice %arg9[%dma_start3A_220, %dma_start3A_221] : memref<4x88xi32, #tpu.memory_space<vmem>> -> memref<1x88xi32, #tpu.memory_space<vmem>>
        %dma_start3A_223 = tpu.memref_squeeze %dma_start3A_222 : memref<1x88xi32, #tpu.memory_space<vmem>> -> memref<88xi32, #tpu.memory_space<vmem>>
        %dma_start3A_224 = tpu.memref_slice %arg2[%multiple_of3A] : memref<658944xi32, #tpu.memory_space<hbm>> -> memref<88xi32, #tpu.memory_space<hbm>>
        %dma_start3A_225 = arith.constant 0 : i32
        %dma_start3A_226 = tpu.memref_slice %arg9[%dma_start3A_220, %dma_start3A_225] : memref<4x88xi32, #tpu.memory_space<vmem>> -> memref<1x88xi32, #tpu.memory_space<vmem>>
        %dma_start3A_227 = tpu.memref_squeeze %dma_start3A_226 : memref<1x88xi32, #tpu.memory_space<vmem>> -> memref<88xi32, #tpu.memory_space<vmem>>
        %dma_start3A_228 = tpu.memref_slice %arg2[%multiple_of3A] : memref<658944xi32, #tpu.memory_space<hbm>> -> memref<88xi32, #tpu.memory_space<hbm>>
        tpu.enqueue_dma source(%dma_start3A_228 : memref<88xi32, #tpu.memory_space<hbm>>) target(%dma_start3A_227 : memref<88xi32, #tpu.memory_space<vmem>>) target_semaphore(%arg16 : memref<!tpu.dma_semaphore, #tpu.memory_space<semaphore_mem>>)
        %dma_start3A_229 = arith.constant 1 : i32
        %dma_start3A_230 = arith.constant 0 : i32
        %dma_start3A_231 = tpu.memref_slice %arg10[%dma_start3A_229, %dma_start3A_230] : memref<4x88xi32, #tpu.memory_space<vmem>> -> memref<1x88xi32, #tpu.memory_space<vmem>>
        %dma_start3A_232 = tpu.memref_squeeze %dma_start3A_231 : memref<1x88xi32, #tpu.memory_space<vmem>> -> memref<88xi32, #tpu.memory_space<vmem>>
        %dma_start3A_233 = tpu.memref_slice %arg3[%multiple_of3A] : memref<658944xi32, #tpu.memory_space<hbm>> -> memref<88xi32, #tpu.memory_space<hbm>>
        %dma_start3A_234 = arith.constant 0 : i32
        %dma_start3A_235 = tpu.memref_slice %arg10[%dma_start3A_229, %dma_start3A_234] : memref<4x88xi32, #tpu.memory_space<vmem>> -> memref<1x88xi32, #tpu.memory_space<vmem>>
        %dma_start3A_236 = tpu.memref_squeeze %dma_start3A_235 : memref<1x88xi32, #tpu.memory_space<vmem>> -> memref<88xi32, #tpu.memory_space<vmem>>
        %dma_start3A_237 = tpu.memref_slice %arg3[%multiple_of3A] : memref<658944xi32, #tpu.memory_space<hbm>> -> memref<88xi32, #tpu.memory_space<hbm>>
        tpu.enqueue_dma source(%dma_start3A_237 : memref<88xi32, #tpu.memory_space<hbm>>) target(%dma_start3A_236 : memref<88xi32, #tpu.memory_space<vmem>>) target_semaphore(%arg16 : memref<!tpu.dma_semaphore, #tpu.memory_space<semaphore_mem>>)
      } else {
      }
      %add3A_176 = arith.constant 1 : i32
      %add3A_177 = arith.addi %add3A_160, %add3A_176 : i32
      %lt3A_178 = arith.cmpi slt, %add3A_177, %squeeze3A : i32
      %convert_element_type3A_179 = arith.extui %lt3A_178 : i1 to i32
      %cond3A_180 = arith.constant 0 : i32
      %cond3A_181 = arith.cmpi ne, %convert_element_type3A_179, %cond3A_180 : i32
      scf.if %cond3A_181 {
        %dma_wait3A_215 = arith.constant 3 : i32
        %dma_wait3A_216 = arith.constant 0 : i32
        %dma_wait3A_217 = tpu.memref_slice %arg9[%dma_wait3A_215, %dma_wait3A_216] : memref<4x88xi32, #tpu.memory_space<vmem>> -> memref<1x88xi32, #tpu.memory_space<vmem>>
        %dma_wait3A_218 = tpu.memref_squeeze %dma_wait3A_217 : memref<1x88xi32, #tpu.memory_space<vmem>> -> memref<88xi32, #tpu.memory_space<vmem>>
        %dma_wait3A_219 = arith.constant 0 : i32
        %dma_wait3A_220 = tpu.memref_slice %arg2[%dma_wait3A_219] : memref<658944xi32, #tpu.memory_space<hbm>> -> memref<88xi32, #tpu.memory_space<hbm>>
        %dma_wait3A_221 = arith.constant 0 : i32
        %dma_wait3A_222 = tpu.memref_slice %arg9[%dma_wait3A_215, %dma_wait3A_221] : memref<4x88xi32, #tpu.memory_space<vmem>> -> memref<1x88xi32, #tpu.memory_space<vmem>>
        %dma_wait3A_223 = tpu.memref_squeeze %dma_wait3A_222 : memref<1x88xi32, #tpu.memory_space<vmem>> -> memref<88xi32, #tpu.memory_space<vmem>>
        %dma_wait3A_224 = arith.constant 0 : i32
        %dma_wait3A_225 = tpu.memref_slice %arg2[%dma_wait3A_224] : memref<658944xi32, #tpu.memory_space<hbm>> -> memref<88xi32, #tpu.memory_space<hbm>>
        tpu.wait_dma2 semaphore(%arg18 : memref<!tpu.dma_semaphore, #tpu.memory_space<semaphore_mem>>) src(%dma_wait3A_225 : memref<88xi32, #tpu.memory_space<hbm>>) dst(%dma_wait3A_223 : memref<88xi32, #tpu.memory_space<vmem>>)
        %dma_wait3A_226 = arith.constant 3 : i32
        %dma_wait3A_227 = arith.constant 0 : i32
        %dma_wait3A_228 = tpu.memref_slice %arg10[%dma_wait3A_226, %dma_wait3A_227] : memref<4x88xi32, #tpu.memory_space<vmem>> -> memref<1x88xi32, #tpu.memory_space<vmem>>
        %dma_wait3A_229 = tpu.memref_squeeze %dma_wait3A_228 : memref<1x88xi32, #tpu.memory_space<vmem>> -> memref<88xi32, #tpu.memory_space<vmem>>
        %dma_wait3A_230 = arith.constant 0 : i32
        %dma_wait3A_231 = tpu.memref_slice %arg2[%dma_wait3A_230] : memref<658944xi32, #tpu.memory_space<hbm>> -> memref<88xi32, #tpu.memory_space<hbm>>
        %dma_wait3A_232 = arith.constant 0 : i32
        %dma_wait3A_233 = tpu.memref_slice %arg10[%dma_wait3A_226, %dma_wait3A_232] : memref<4x88xi32, #tpu.memory_space<vmem>> -> memref<1x88xi32, #tpu.memory_space<vmem>>
        %dma_wait3A_234 = tpu.memref_squeeze %dma_wait3A_233 : memref<1x88xi32, #tpu.memory_space<vmem>> -> memref<88xi32, #tpu.memory_space<vmem>>
        %dma_wait3A_235 = arith.constant 0 : i32
        %dma_wait3A_236 = tpu.memref_slice %arg2[%dma_wait3A_235] : memref<658944xi32, #tpu.memory_space<hbm>> -> memref<88xi32, #tpu.memory_space<hbm>>
        tpu.wait_dma2 semaphore(%arg18 : memref<!tpu.dma_semaphore, #tpu.memory_space<semaphore_mem>>) src(%dma_wait3A_236 : memref<88xi32, #tpu.memory_space<hbm>>) dst(%dma_wait3A_234 : memref<88xi32, #tpu.memory_space<vmem>>)
        %dma_start3A_237 = arith.constant 3 : i32
        %dma_start3A_238 = arith.constant 1 : i32
        %dma_start3A_239 = arith.constant 0 : i32
        %dma_start3A_240 = arith.constant 0 : i32
        %dma_start3A_241 = tpu.memref_slice %arg11[%dma_start3A_238, %dma_start3A_239, %dma_start3A_240] : memref<2x88x128xf32, #tpu.memory_space<vmem>> -> memref<1x88x128xf32, #tpu.memory_space<vmem>>
        %dma_start3A_242 = tpu.memref_squeeze %dma_start3A_241 : memref<1x88x128xf32, #tpu.memory_space<vmem>> -> memref<88x128xf32, #tpu.memory_space<vmem>>
        %dma_start3A_243 = arith.constant 0 : i32
        %dma_start3A_244 = tpu.memref_slice %arg9[%dma_start3A_237, %dma_start3A_243] : memref<4x88xi32, #tpu.memory_space<vmem>> -> memref<1x88xi32, #tpu.memory_space<vmem>>
        %dma_start3A_245 = tpu.memref_squeeze %dma_start3A_244 : memref<1x88xi32, #tpu.memory_space<vmem>> -> memref<88xi32, #tpu.memory_space<vmem>>
        %dma_start3A_246 = arith.constant 0 : i32
        %dma_start3A_247 = arith.constant 0 : i32
        %dma_start3A_248 = tpu.memref_slice %arg5[%dma_start3A_246, %dma_start3A_247] : memref<70000x128xf32, #tpu.memory_space<hbm>> -> memref<70000x128xf32, #tpu.memory_space<hbm>>
        tpu.enqueue_indirect_dma source(%dma_start3A_248 : memref<70000x128xf32, #tpu.memory_space<hbm>>) target(%dma_start3A_242 : memref<88x128xf32, #tpu.memory_space<vmem>>) offsets(%dma_start3A_245 : memref<88xi32, #tpu.memory_space<vmem>>) semaphore(%arg20 : memref<!tpu.dma_semaphore, #tpu.memory_space<semaphore_mem>>)
      } else {
      }
      %lt3A_182 = arith.cmpi slt, %add3A_160, %squeeze3A : i32
      %convert_element_type3A_183 = arith.extui %lt3A_182 : i1 to i32
      %cond3A_184 = arith.constant 0 : i32
      %cond3A_185 = arith.cmpi ne, %convert_element_type3A_183, %cond3A_184 : i32
      scf.if %cond3A_185 {
        %dma_wait3A_215 = arith.constant 0 : i32
        %dma_wait3A_216 = arith.constant 0 : i32
        %dma_wait3A_217 = arith.constant 0 : i32
        %dma_wait3A_218 = tpu.memref_slice %arg11[%dma_wait3A_215, %dma_wait3A_216, %dma_wait3A_217] : memref<2x88x128xf32, #tpu.memory_space<vmem>> -> memref<1x88x128xf32, #tpu.memory_space<vmem>>
        %dma_wait3A_219 = tpu.memref_squeeze %dma_wait3A_218 : memref<1x88x128xf32, #tpu.memory_space<vmem>> -> memref<88x128xf32, #tpu.memory_space<vmem>>
        %dma_wait3A_220 = arith.constant 0 : i32
        %dma_wait3A_221 = arith.constant 0 : i32
        %dma_wait3A_222 = tpu.memref_slice %arg5[%dma_wait3A_220, %dma_wait3A_221] : memref<70000x128xf32, #tpu.memory_space<hbm>> -> memref<88x128xf32, #tpu.memory_space<hbm>>
        %dma_wait3A_223 = arith.constant 0 : i32
        %dma_wait3A_224 = arith.constant 0 : i32
        %dma_wait3A_225 = tpu.memref_slice %arg11[%dma_wait3A_215, %dma_wait3A_223, %dma_wait3A_224] : memref<2x88x128xf32, #tpu.memory_space<vmem>> -> memref<1x88x128xf32, #tpu.memory_space<vmem>>
        %dma_wait3A_226 = tpu.memref_squeeze %dma_wait3A_225 : memref<1x88x128xf32, #tpu.memory_space<vmem>> -> memref<88x128xf32, #tpu.memory_space<vmem>>
        %dma_wait3A_227 = arith.constant 0 : i32
        %dma_wait3A_228 = arith.constant 0 : i32
        %dma_wait3A_229 = tpu.memref_slice %arg5[%dma_wait3A_227, %dma_wait3A_228] : memref<70000x128xf32, #tpu.memory_space<hbm>> -> memref<88x128xf32, #tpu.memory_space<hbm>>
        tpu.wait_dma2 semaphore(%arg19 : memref<!tpu.dma_semaphore, #tpu.memory_space<semaphore_mem>>) src(%dma_wait3A_229 : memref<88x128xf32, #tpu.memory_space<hbm>>) dst(%dma_wait3A_226 : memref<88x128xf32, #tpu.memory_space<vmem>>)
        %dma_start3A_230 = arith.constant 0 : i32
        %dma_start3A_231 = arith.constant 2 : i32
        %dma_start3A_232 = arith.constant 0 : i32
        %dma_start3A_233 = arith.constant 0 : i32
        %dma_start3A_234 = tpu.memref_slice %arg11[%dma_start3A_230, %dma_start3A_232, %dma_start3A_233] : memref<2x88x128xf32, #tpu.memory_space<vmem>> -> memref<1x88x128xf32, #tpu.memory_space<vmem>>
        %dma_start3A_235 = tpu.memref_squeeze %dma_start3A_234 : memref<1x88x128xf32, #tpu.memory_space<vmem>> -> memref<88x128xf32, #tpu.memory_space<vmem>>
        %dma_start3A_236 = arith.constant 0 : i32
        %dma_start3A_237 = tpu.memref_slice %arg10[%dma_start3A_231, %dma_start3A_236] : memref<4x88xi32, #tpu.memory_space<vmem>> -> memref<1x88xi32, #tpu.memory_space<vmem>>
        %dma_start3A_238 = tpu.memref_squeeze %dma_start3A_237 : memref<1x88xi32, #tpu.memory_space<vmem>> -> memref<88xi32, #tpu.memory_space<vmem>>
        %dma_start3A_239 = arith.constant 0 : i32
        %dma_start3A_240 = arith.constant 0 : i32
        %dma_start3A_241 = tpu.memref_slice %arg14[%dma_start3A_239, %dma_start3A_240] : memref<5120x128xf32, #tpu.memory_space<vmem_shared>> -> memref<5120x128xf32, #tpu.memory_space<vmem_shared>>
        tpu.enqueue_indirect_dma source(%dma_start3A_235 : memref<88x128xf32, #tpu.memory_space<vmem>>) target(%dma_start3A_241 : memref<5120x128xf32, #tpu.memory_space<vmem_shared>>) offsets(%dma_start3A_238 : memref<88xi32, #tpu.memory_space<vmem>>) semaphore(%arg21 : memref<!tpu.dma_semaphore, #tpu.memory_space<semaphore_mem>>) {add = true}
      } else {
      }
      %mul3A_186 = arith.constant 4 : i32
      %mul3A_187 = arith.muli %while3A_100, %mul3A_186 : i32
      %add3A_188 = arith.constant 3 : i32
      %add3A_189 = arith.addi %mul3A_187, %add3A_188 : i32
      %ge3A_190 = arith.constant 1 : i32
      %ge3A_191 = arith.cmpi sge, %add3A_189, %ge3A_190 : i32
      %sub3A_192 = arith.constant 1 : i32
      %sub3A_193 = arith.subi %add3A_189, %sub3A_192 : i32
      %lt3A_194 = arith.cmpi slt, %sub3A_193, %squeeze3A : i32
      %and3A_195 = arith.andi %ge3A_191, %lt3A_194 : i1
      %convert_element_type3A_196 = arith.extui %and3A_195 : i1 to i32
      %cond3A_197 = arith.constant 0 : i32
      %cond3A_198 = arith.cmpi ne, %convert_element_type3A_196, %cond3A_197 : i32
      scf.if %cond3A_198 {
        %dma_wait3A_215 = arith.constant 0 : i32
        %dma_wait3A_216 = arith.constant 0 : i32
        %dma_wait3A_217 = arith.constant 0 : i32
        %dma_wait3A_218 = tpu.memref_slice %arg11[%dma_wait3A_215, %dma_wait3A_216, %dma_wait3A_217] : memref<2x88x128xf32, #tpu.memory_space<vmem>> -> memref<1x88x128xf32, #tpu.memory_space<vmem>>
        %dma_wait3A_219 = tpu.memref_squeeze %dma_wait3A_218 : memref<1x88x128xf32, #tpu.memory_space<vmem>> -> memref<88x128xf32, #tpu.memory_space<vmem>>
        %dma_wait3A_220 = arith.constant 0 : i32
        %dma_wait3A_221 = arith.constant 0 : i32
        %dma_wait3A_222 = tpu.memref_slice %arg14[%dma_wait3A_220, %dma_wait3A_221] : memref<5120x128xf32, #tpu.memory_space<vmem_shared>> -> memref<88x128xf32, #tpu.memory_space<vmem_shared>>
        %dma_wait3A_223 = arith.constant 0 : i32
        %dma_wait3A_224 = arith.constant 0 : i32
        %dma_wait3A_225 = tpu.memref_slice %arg14[%dma_wait3A_223, %dma_wait3A_224] : memref<5120x128xf32, #tpu.memory_space<vmem_shared>> -> memref<88x128xf32, #tpu.memory_space<vmem_shared>>
        %dma_wait3A_226 = arith.constant 0 : i32
        %dma_wait3A_227 = arith.constant 0 : i32
        %dma_wait3A_228 = tpu.memref_slice %arg11[%dma_wait3A_215, %dma_wait3A_226, %dma_wait3A_227] : memref<2x88x128xf32, #tpu.memory_space<vmem>> -> memref<1x88x128xf32, #tpu.memory_space<vmem>>
        %dma_wait3A_229 = tpu.memref_squeeze %dma_wait3A_228 : memref<1x88x128xf32, #tpu.memory_space<vmem>> -> memref<88x128xf32, #tpu.memory_space<vmem>>
        tpu.wait_dma2 semaphore(%arg21 : memref<!tpu.dma_semaphore, #tpu.memory_space<semaphore_mem>>) src(%dma_wait3A_229 : memref<88x128xf32, #tpu.memory_space<vmem>>) dst(%dma_wait3A_225 : memref<88x128xf32, #tpu.memory_space<vmem_shared>>)
      } else {
      }
      %add3A_199 = arith.constant 3 : i32
      %add3A_200 = arith.addi %add3A_189, %add3A_199 : i32
      %lt3A_201 = arith.cmpi slt, %add3A_200, %squeeze3A : i32
      %convert_element_type3A_202 = arith.extui %lt3A_201 : i1 to i32
      %cond3A_203 = arith.constant 0 : i32
      %cond3A_204 = arith.cmpi ne, %convert_element_type3A_202, %cond3A_203 : i32
      scf.if %cond3A_204 {
        %add3A_215 = arith.constant 3 : i32
        %add3A_216 = arith.addi %add3A_189, %add3A_215 : i32
        %mul3A_217 = arith.constant 88 : i32
        %mul3A_218 = arith.muli %add3A_216, %mul3A_217 : i32
        %add3A_219 = arith.addi %mul3A_4, %mul3A_218 : i32
        %multiple_of3A = tpu.assume_multiple %add3A_219, 8 : i32
        %dma_start3A_220 = arith.constant 2 : i32
        %dma_start3A_221 = arith.constant 0 : i32
        %dma_start3A_222 = tpu.memref_slice %arg9[%dma_start3A_220, %dma_start3A_221] : memref<4x88xi32, #tpu.memory_space<vmem>> -> memref<1x88xi32, #tpu.memory_space<vmem>>
        %dma_start3A_223 = tpu.memref_squeeze %dma_start3A_222 : memref<1x88xi32, #tpu.memory_space<vmem>> -> memref<88xi32, #tpu.memory_space<vmem>>
        %dma_start3A_224 = tpu.memref_slice %arg2[%multiple_of3A] : memref<658944xi32, #tpu.memory_space<hbm>> -> memref<88xi32, #tpu.memory_space<hbm>>
        %dma_start3A_225 = arith.constant 0 : i32
        %dma_start3A_226 = tpu.memref_slice %arg9[%dma_start3A_220, %dma_start3A_225] : memref<4x88xi32, #tpu.memory_space<vmem>> -> memref<1x88xi32, #tpu.memory_space<vmem>>
        %dma_start3A_227 = tpu.memref_squeeze %dma_start3A_226 : memref<1x88xi32, #tpu.memory_space<vmem>> -> memref<88xi32, #tpu.memory_space<vmem>>
        %dma_start3A_228 = tpu.memref_slice %arg2[%multiple_of3A] : memref<658944xi32, #tpu.memory_space<hbm>> -> memref<88xi32, #tpu.memory_space<hbm>>
        tpu.enqueue_dma source(%dma_start3A_228 : memref<88xi32, #tpu.memory_space<hbm>>) target(%dma_start3A_227 : memref<88xi32, #tpu.memory_space<vmem>>) target_semaphore(%arg17 : memref<!tpu.dma_semaphore, #tpu.memory_space<semaphore_mem>>)
        %dma_start3A_229 = arith.constant 2 : i32
        %dma_start3A_230 = arith.constant 0 : i32
        %dma_start3A_231 = tpu.memref_slice %arg10[%dma_start3A_229, %dma_start3A_230] : memref<4x88xi32, #tpu.memory_space<vmem>> -> memref<1x88xi32, #tpu.memory_space<vmem>>
        %dma_start3A_232 = tpu.memref_squeeze %dma_start3A_231 : memref<1x88xi32, #tpu.memory_space<vmem>> -> memref<88xi32, #tpu.memory_space<vmem>>
        %dma_start3A_233 = tpu.memref_slice %arg3[%multiple_of3A] : memref<658944xi32, #tpu.memory_space<hbm>> -> memref<88xi32, #tpu.memory_space<hbm>>
        %dma_start3A_234 = arith.constant 0 : i32
        %dma_start3A_235 = tpu.memref_slice %arg10[%dma_start3A_229, %dma_start3A_234] : memref<4x88xi32, #tpu.memory_space<vmem>> -> memref<1x88xi32, #tpu.memory_space<vmem>>
        %dma_start3A_236 = tpu.memref_squeeze %dma_start3A_235 : memref<1x88xi32, #tpu.memory_space<vmem>> -> memref<88xi32, #tpu.memory_space<vmem>>
        %dma_start3A_237 = tpu.memref_slice %arg3[%multiple_of3A] : memref<658944xi32, #tpu.memory_space<hbm>> -> memref<88xi32, #tpu.memory_space<hbm>>
        tpu.enqueue_dma source(%dma_start3A_237 : memref<88xi32, #tpu.memory_space<hbm>>) target(%dma_start3A_236 : memref<88xi32, #tpu.memory_space<vmem>>) target_semaphore(%arg17 : memref<!tpu.dma_semaphore, #tpu.memory_space<semaphore_mem>>)
      } else {
      }
      %add3A_205 = arith.constant 1 : i32
      %add3A_206 = arith.addi %add3A_189, %add3A_205 : i32
      %lt3A_207 = arith.cmpi slt, %add3A_206, %squeeze3A : i32
      %convert_element_type3A_208 = arith.extui %lt3A_207 : i1 to i32
      %cond3A_209 = arith.constant 0 : i32
      %cond3A_210 = arith.cmpi ne, %convert_element_type3A_208, %cond3A_209 : i32
      scf.if %cond3A_210 {
        %dma_wait3A_215 = arith.constant 0 : i32
        %dma_wait3A_216 = arith.constant 0 : i32
        %dma_wait3A_217 = tpu.memref_slice %arg9[%dma_wait3A_215, %dma_wait3A_216] : memref<4x88xi32, #tpu.memory_space<vmem>> -> memref<1x88xi32, #tpu.memory_space<vmem>>
        %dma_wait3A_218 = tpu.memref_squeeze %dma_wait3A_217 : memref<1x88xi32, #tpu.memory_space<vmem>> -> memref<88xi32, #tpu.memory_space<vmem>>
        %dma_wait3A_219 = arith.constant 0 : i32
        %dma_wait3A_220 = tpu.memref_slice %arg2[%dma_wait3A_219] : memref<658944xi32, #tpu.memory_space<hbm>> -> memref<88xi32, #tpu.memory_space<hbm>>
        %dma_wait3A_221 = arith.constant 0 : i32
        %dma_wait3A_222 = tpu.memref_slice %arg9[%dma_wait3A_215, %dma_wait3A_221] : memref<4x88xi32, #tpu.memory_space<vmem>> -> memref<1x88xi32, #tpu.memory_space<vmem>>
        %dma_wait3A_223 = tpu.memref_squeeze %dma_wait3A_222 : memref<1x88xi32, #tpu.memory_space<vmem>> -> memref<88xi32, #tpu.memory_space<vmem>>
        %dma_wait3A_224 = arith.constant 0 : i32
        %dma_wait3A_225 = tpu.memref_slice %arg2[%dma_wait3A_224] : memref<658944xi32, #tpu.memory_space<hbm>> -> memref<88xi32, #tpu.memory_space<hbm>>
        tpu.wait_dma2 semaphore(%arg15 : memref<!tpu.dma_semaphore, #tpu.memory_space<semaphore_mem>>) src(%dma_wait3A_225 : memref<88xi32, #tpu.memory_space<hbm>>) dst(%dma_wait3A_223 : memref<88xi32, #tpu.memory_space<vmem>>)
        %dma_wait3A_226 = arith.constant 0 : i32
        %dma_wait3A_227 = arith.constant 0 : i32
        %dma_wait3A_228 = tpu.memref_slice %arg10[%dma_wait3A_226, %dma_wait3A_227] : memref<4x88xi32, #tpu.memory_space<vmem>> -> memref<1x88xi32, #tpu.memory_space<vmem>>
        %dma_wait3A_229 = tpu.memref_squeeze %dma_wait3A_228 : memref<1x88xi32, #tpu.memory_space<vmem>> -> memref<88xi32, #tpu.memory_space<vmem>>
        %dma_wait3A_230 = arith.constant 0 : i32
        %dma_wait3A_231 = tpu.memref_slice %arg2[%dma_wait3A_230] : memref<658944xi32, #tpu.memory_space<hbm>> -> memref<88xi32, #tpu.memory_space<hbm>>
        %dma_wait3A_232 = arith.constant 0 : i32
        %dma_wait3A_233 = tpu.memref_slice %arg10[%dma_wait3A_226, %dma_wait3A_232] : memref<4x88xi32, #tpu.memory_space<vmem>> -> memref<1x88xi32, #tpu.memory_space<vmem>>
        %dma_wait3A_234 = tpu.memref_squeeze %dma_wait3A_233 : memref<1x88xi32, #tpu.memory_space<vmem>> -> memref<88xi32, #tpu.memory_space<vmem>>
        %dma_wait3A_235 = arith.constant 0 : i32
        %dma_wait3A_236 = tpu.memref_slice %arg2[%dma_wait3A_235] : memref<658944xi32, #tpu.memory_space<hbm>> -> memref<88xi32, #tpu.memory_space<hbm>>
        tpu.wait_dma2 semaphore(%arg15 : memref<!tpu.dma_semaphore, #tpu.memory_space<semaphore_mem>>) src(%dma_wait3A_236 : memref<88xi32, #tpu.memory_space<hbm>>) dst(%dma_wait3A_234 : memref<88xi32, #tpu.memory_space<vmem>>)
        %dma_start3A_237 = arith.constant 0 : i32
        %dma_start3A_238 = arith.constant 0 : i32
        %dma_start3A_239 = arith.constant 0 : i32
        %dma_start3A_240 = arith.constant 0 : i32
        %dma_start3A_241 = tpu.memref_slice %arg11[%dma_start3A_238, %dma_start3A_239, %dma_start3A_240] : memref<2x88x128xf32, #tpu.memory_space<vmem>> -> memref<1x88x128xf32, #tpu.memory_space<vmem>>
        %dma_start3A_242 = tpu.memref_squeeze %dma_start3A_241 : memref<1x88x128xf32, #tpu.memory_space<vmem>> -> memref<88x128xf32, #tpu.memory_space<vmem>>
        %dma_start3A_243 = arith.constant 0 : i32
        %dma_start3A_244 = tpu.memref_slice %arg9[%dma_start3A_237, %dma_start3A_243] : memref<4x88xi32, #tpu.memory_space<vmem>> -> memref<1x88xi32, #tpu.memory_space<vmem>>
        %dma_start3A_245 = tpu.memref_squeeze %dma_start3A_244 : memref<1x88xi32, #tpu.memory_space<vmem>> -> memref<88xi32, #tpu.memory_space<vmem>>
        %dma_start3A_246 = arith.constant 0 : i32
        %dma_start3A_247 = arith.constant 0 : i32
        %dma_start3A_248 = tpu.memref_slice %arg5[%dma_start3A_246, %dma_start3A_247] : memref<70000x128xf32, #tpu.memory_space<hbm>> -> memref<70000x128xf32, #tpu.memory_space<hbm>>
        tpu.enqueue_indirect_dma source(%dma_start3A_248 : memref<70000x128xf32, #tpu.memory_space<hbm>>) target(%dma_start3A_242 : memref<88x128xf32, #tpu.memory_space<vmem>>) offsets(%dma_start3A_245 : memref<88xi32, #tpu.memory_space<vmem>>) semaphore(%arg19 : memref<!tpu.dma_semaphore, #tpu.memory_space<semaphore_mem>>)
      } else {
      }
      %lt3A_211 = arith.cmpi slt, %add3A_189, %squeeze3A : i32
      %convert_element_type3A_212 = arith.extui %lt3A_211 : i1 to i32
      %cond3A_213 = arith.constant 0 : i32
      %cond3A_214 = arith.cmpi ne, %convert_element_type3A_212, %cond3A_213 : i32
      scf.if %cond3A_214 {
        %dma_wait3A_215 = arith.constant 1 : i32
        %dma_wait3A_216 = arith.constant 0 : i32
        %dma_wait3A_217 = arith.constant 0 : i32
        %dma_wait3A_218 = tpu.memref_slice %arg11[%dma_wait3A_215, %dma_wait3A_216, %dma_wait3A_217] : memref<2x88x128xf32, #tpu.memory_space<vmem>> -> memref<1x88x128xf32, #tpu.memory_space<vmem>>
        %dma_wait3A_219 = tpu.memref_squeeze %dma_wait3A_218 : memref<1x88x128xf32, #tpu.memory_space<vmem>> -> memref<88x128xf32, #tpu.memory_space<vmem>>
        %dma_wait3A_220 = arith.constant 0 : i32
        %dma_wait3A_221 = arith.constant 0 : i32
        %dma_wait3A_222 = tpu.memref_slice %arg5[%dma_wait3A_220, %dma_wait3A_221] : memref<70000x128xf32, #tpu.memory_space<hbm>> -> memref<88x128xf32, #tpu.memory_space<hbm>>
        %dma_wait3A_223 = arith.constant 0 : i32
        %dma_wait3A_224 = arith.constant 0 : i32
        %dma_wait3A_225 = tpu.memref_slice %arg11[%dma_wait3A_215, %dma_wait3A_223, %dma_wait3A_224] : memref<2x88x128xf32, #tpu.memory_space<vmem>> -> memref<1x88x128xf32, #tpu.memory_space<vmem>>
        %dma_wait3A_226 = tpu.memref_squeeze %dma_wait3A_225 : memref<1x88x128xf32, #tpu.memory_space<vmem>> -> memref<88x128xf32, #tpu.memory_space<vmem>>
        %dma_wait3A_227 = arith.constant 0 : i32
        %dma_wait3A_228 = arith.constant 0 : i32
        %dma_wait3A_229 = tpu.memref_slice %arg5[%dma_wait3A_227, %dma_wait3A_228] : memref<70000x128xf32, #tpu.memory_space<hbm>> -> memref<88x128xf32, #tpu.memory_space<hbm>>
        tpu.wait_dma2 semaphore(%arg20 : memref<!tpu.dma_semaphore, #tpu.memory_space<semaphore_mem>>) src(%dma_wait3A_229 : memref<88x128xf32, #tpu.memory_space<hbm>>) dst(%dma_wait3A_226 : memref<88x128xf32, #tpu.memory_space<vmem>>)
        %dma_start3A_230 = arith.constant 1 : i32
        %dma_start3A_231 = arith.constant 3 : i32
        %dma_start3A_232 = arith.constant 0 : i32
        %dma_start3A_233 = arith.constant 0 : i32
        %dma_start3A_234 = tpu.memref_slice %arg11[%dma_start3A_230, %dma_start3A_232, %dma_start3A_233] : memref<2x88x128xf32, #tpu.memory_space<vmem>> -> memref<1x88x128xf32, #tpu.memory_space<vmem>>
        %dma_start3A_235 = tpu.memref_squeeze %dma_start3A_234 : memref<1x88x128xf32, #tpu.memory_space<vmem>> -> memref<88x128xf32, #tpu.memory_space<vmem>>
        %dma_start3A_236 = arith.constant 0 : i32
        %dma_start3A_237 = tpu.memref_slice %arg10[%dma_start3A_231, %dma_start3A_236] : memref<4x88xi32, #tpu.memory_space<vmem>> -> memref<1x88xi32, #tpu.memory_space<vmem>>
        %dma_start3A_238 = tpu.memref_squeeze %dma_start3A_237 : memref<1x88xi32, #tpu.memory_space<vmem>> -> memref<88xi32, #tpu.memory_space<vmem>>
        %dma_start3A_239 = arith.constant 0 : i32
        %dma_start3A_240 = arith.constant 0 : i32
        %dma_start3A_241 = tpu.memref_slice %arg14[%dma_start3A_239, %dma_start3A_240] : memref<5120x128xf32, #tpu.memory_space<vmem_shared>> -> memref<5120x128xf32, #tpu.memory_space<vmem_shared>>
        tpu.enqueue_indirect_dma source(%dma_start3A_235 : memref<88x128xf32, #tpu.memory_space<vmem>>) target(%dma_start3A_241 : memref<5120x128xf32, #tpu.memory_space<vmem_shared>>) offsets(%dma_start3A_238 : memref<88xi32, #tpu.memory_space<vmem>>) semaphore(%arg22 : memref<!tpu.dma_semaphore, #tpu.memory_space<semaphore_mem>>) {add = true}
      } else {
      }
    }
    %barrier3A_59 = arith.constant 0 : index
    tpu.barrier barrier_id(%barrier3A_59)
    %broadcast_in_dim3A = arith.constant 0.000000e+00 : f32
    %broadcast_in_dim3A_60 = vector.broadcast %broadcast_in_dim3A : f32 to vector<16xf32>
    %broadcast_in_dim3A_61 = arith.constant 0.000000e+00 : f32
    %broadcast_in_dim3A_62 = vector.broadcast %broadcast_in_dim3A_61 : f32 to vector<16xf32>
    %broadcast_in_dim3A_63 = arith.constant 0.000000e+00 : f32
    %broadcast_in_dim3A_64 = vector.broadcast %broadcast_in_dim3A_63 : f32 to vector<16xf32>
    %broadcast_in_dim3A_65 = arith.constant 0.000000e+00 : f32
    %broadcast_in_dim3A_66 = vector.broadcast %broadcast_in_dim3A_65 : f32 to vector<16xf32>
    %broadcast_in_dim3A_67 = arith.constant 0.000000e+00 : f32
    %broadcast_in_dim3A_68 = vector.broadcast %broadcast_in_dim3A_67 : f32 to vector<16xf32>
    %broadcast_in_dim3A_69 = arith.constant 0.000000e+00 : f32
    %broadcast_in_dim3A_70 = vector.broadcast %broadcast_in_dim3A_69 : f32 to vector<16xf32>
    %broadcast_in_dim3A_71 = arith.constant 0.000000e+00 : f32
    %broadcast_in_dim3A_72 = vector.broadcast %broadcast_in_dim3A_71 : f32 to vector<16xf32>
    %broadcast_in_dim3A_73 = arith.constant 0.000000e+00 : f32
    %broadcast_in_dim3A_74 = vector.broadcast %broadcast_in_dim3A_73 : f32 to vector<16xf32>
    %scan3A = arith.constant 0 : i32
    %scan3A_75 = arith.constant 8 : i32
    %scan3A_76 = arith.addi %scan3A, %scan3A_75 : i32
    %scan3A_77 = arith.constant 1 : i32
    %scan3A_78:8 = scf.for %scan3A_100 = %scan3A to %scan3A_76 step %scan3A_77 iter_args(%scan3A_101 = %broadcast_in_dim3A_60, %scan3A_102 = %broadcast_in_dim3A_62, %scan3A_103 = %broadcast_in_dim3A_64, %scan3A_104 = %broadcast_in_dim3A_66, %scan3A_105 = %broadcast_in_dim3A_68, %scan3A_106 = %broadcast_in_dim3A_70, %scan3A_107 = %broadcast_in_dim3A_72, %scan3A_108 = %broadcast_in_dim3A_74) -> (vector<16xf32>, vector<16xf32>, vector<16xf32>, vector<16xf32>, vector<16xf32>, vector<16xf32>, vector<16xf32>, vector<16xf32>)  : i32 {
      %mul3A_109 = arith.constant 40 : i32
      %mul3A_110 = arith.muli %scan3A_100, %mul3A_109 : i32
      %add3A_111 = arith.addi %mul3A_0, %mul3A_110 : i32
      %lt3A = arith.constant 5000 : i32
      %lt3A_112 = arith.cmpi slt, %add3A_111, %lt3A : i32
      %convert_element_type3A_113 = arith.extui %lt3A_112 : i1 to i32
      %cond3A_114 = arith.constant 0 : i32
      %cond3A_115 = arith.cmpi ne, %convert_element_type3A_113, %cond3A_114 : i32
      %cond3A_116:8 = scf.if %cond3A_115 -> (vector<16xf32>, vector<16xf32>, vector<16xf32>, vector<16xf32>, vector<16xf32>, vector<16xf32>, vector<16xf32>, vector<16xf32>) {
        %run_scoped3A = arith.constant 0 : i32
        "tpu.region"() ({
          %run_scoped3A_127 = tpu.sem_alloc : memref<!tpu.dma_semaphore, #tpu.memory_space<semaphore_mem>>
          %dma_start3A_128 = arith.constant 0 : i32
          %dma_start3A_129 = arith.constant 0 : i32
          %dma_start3A_130 = tpu.memref_slice %arg11[%run_scoped3A, %dma_start3A_128, %dma_start3A_129] : memref<2x88x128xf32, #tpu.memory_space<vmem>> -> memref<1x40x128xf32, #tpu.memory_space<vmem>>
          %dma_start3A_131 = tpu.memref_squeeze %dma_start3A_130 : memref<1x40x128xf32, #tpu.memory_space<vmem>> -> memref<40x128xf32, #tpu.memory_space<vmem>>
          %dma_start3A_132 = arith.constant 0 : i32
          %dma_start3A_133 = tpu.memref_slice %arg14[%add3A_111, %dma_start3A_132] : memref<5120x128xf32, #tpu.memory_space<vmem_shared>> -> memref<40x128xf32, #tpu.memory_space<vmem_shared>>
          %dma_start3A_134 = arith.constant 0 : i32
          %dma_start3A_135 = arith.constant 0 : i32
          %dma_start3A_136 = tpu.memref_slice %arg11[%run_scoped3A, %dma_start3A_134, %dma_start3A_135] : memref<2x88x128xf32, #tpu.memory_space<vmem>> -> memref<1x40x128xf32, #tpu.memory_space<vmem>>
          %dma_start3A_137 = tpu.memref_squeeze %dma_start3A_136 : memref<1x40x128xf32, #tpu.memory_space<vmem>> -> memref<40x128xf32, #tpu.memory_space<vmem>>
          %dma_start3A_138 = arith.constant 0 : i32
          %dma_start3A_139 = tpu.memref_slice %arg14[%add3A_111, %dma_start3A_138] : memref<5120x128xf32, #tpu.memory_space<vmem_shared>> -> memref<40x128xf32, #tpu.memory_space<vmem_shared>>
          tpu.enqueue_dma source(%dma_start3A_139 : memref<40x128xf32, #tpu.memory_space<vmem_shared>>) target(%dma_start3A_137 : memref<40x128xf32, #tpu.memory_space<vmem>>) target_semaphore(%run_scoped3A_127 : memref<!tpu.dma_semaphore, #tpu.memory_space<semaphore_mem>>)
          %dma_wait3A_140 = arith.constant 0 : i32
          %dma_wait3A_141 = arith.constant 0 : i32
          %dma_wait3A_142 = tpu.memref_slice %arg11[%run_scoped3A, %dma_wait3A_140, %dma_wait3A_141] : memref<2x88x128xf32, #tpu.memory_space<vmem>> -> memref<1x40x128xf32, #tpu.memory_space<vmem>>
          %dma_wait3A_143 = tpu.memref_squeeze %dma_wait3A_142 : memref<1x40x128xf32, #tpu.memory_space<vmem>> -> memref<40x128xf32, #tpu.memory_space<vmem>>
          %dma_wait3A_144 = arith.constant 0 : i32
          %dma_wait3A_145 = tpu.memref_slice %arg14[%add3A_111, %dma_wait3A_144] : memref<5120x128xf32, #tpu.memory_space<vmem_shared>> -> memref<40x128xf32, #tpu.memory_space<vmem_shared>>
          %dma_wait3A_146 = arith.constant 0 : i32
          %dma_wait3A_147 = arith.constant 0 : i32
          %dma_wait3A_148 = tpu.memref_slice %arg11[%run_scoped3A, %dma_wait3A_146, %dma_wait3A_147] : memref<2x88x128xf32, #tpu.memory_space<vmem>> -> memref<1x40x128xf32, #tpu.memory_space<vmem>>
          %dma_wait3A_149 = tpu.memref_squeeze %dma_wait3A_148 : memref<1x40x128xf32, #tpu.memory_space<vmem>> -> memref<40x128xf32, #tpu.memory_space<vmem>>
          %dma_wait3A_150 = arith.constant 0 : i32
          %dma_wait3A_151 = tpu.memref_slice %arg14[%add3A_111, %dma_wait3A_150] : memref<5120x128xf32, #tpu.memory_space<vmem_shared>> -> memref<40x128xf32, #tpu.memory_space<vmem_shared>>
          tpu.wait_dma2 semaphore(%run_scoped3A_127 : memref<!tpu.dma_semaphore, #tpu.memory_space<semaphore_mem>>) src(%dma_wait3A_151 : memref<40x128xf32, #tpu.memory_space<vmem_shared>>) dst(%dma_wait3A_149 : memref<40x128xf32, #tpu.memory_space<vmem>>)
          tpu.yield
        }) : () -> ()
        %scan3A_117 = arith.constant 0 : i32
        %scan3A_118 = arith.constant 40 : i32
        %scan3A_119 = arith.addi %scan3A_117, %scan3A_118 : i32
        %scan3A_120 = arith.constant 1 : i32
        %scan3A_121:8 = scf.for %scan3A_127 = %scan3A_117 to %scan3A_119 step %scan3A_120 iter_args(%scan3A_128 = %scan3A_101, %scan3A_129 = %scan3A_102, %scan3A_130 = %scan3A_103, %scan3A_131 = %scan3A_104, %scan3A_132 = %scan3A_105, %scan3A_133 = %scan3A_106, %scan3A_134 = %scan3A_107, %scan3A_135 = %scan3A_108) -> (vector<16xf32>, vector<16xf32>, vector<16xf32>, vector<16xf32>, vector<16xf32>, vector<16xf32>, vector<16xf32>, vector<16xf32>)  : i32 {
          %get3A_136 = arith.constant 0 : i32
          %get3A_137 = arith.index_cast %get3A_136 : i32 to index
          %get3A_138 = arith.index_cast %scan3A_127 : i32 to index
          %get3A_139 = arith.constant 0 : index
          %get3A_140 = tpu.vector_load %arg11[%get3A_137, %get3A_138, %get3A_139] {strides = array<i32>} : memref<2x88x128xf32, #tpu.memory_space<vmem>>, vector<16xf32>,
          %max3A = arith.constant 0.000000e+00 : f32
          %max3A_141 = vector.broadcast %max3A : f32 to vector<16xf32>
          %max3A_142 = arith.maximumf %get3A_140, %max3A_141 : vector<16xf32>
          %swap3A_143 = arith.constant 0 : i32
          %swap3A_144 = arith.index_cast %swap3A_143 : i32 to index
          %swap3A_145 = arith.index_cast %scan3A_127 : i32 to index
          %swap3A_146 = arith.constant 0 : index
          %swap3A_147 = tpu.vector_load %arg11[%swap3A_144, %swap3A_145, %swap3A_146] {strides = array<i32>} : memref<2x88x128xf32, #tpu.memory_space<vmem>>, vector<16xf32>,
          tpu.vector_store %arg11[%swap3A_144, %swap3A_145, %swap3A_146], %max3A_142 {strides = array<i32>} : memref<2x88x128xf32, #tpu.memory_space<vmem>>, vector<16xf32>,
          %add3A_148 = arith.addf %scan3A_128, %max3A_142 : vector<16xf32>
          %get3A_149 = arith.constant 0 : i32
          %get3A_150 = arith.index_cast %get3A_149 : i32 to index
          %get3A_151 = arith.index_cast %scan3A_127 : i32 to index
          %get3A_152 = arith.constant 16 : index
          %get3A_153 = tpu.vector_load %arg11[%get3A_150, %get3A_151, %get3A_152] {strides = array<i32>} : memref<2x88x128xf32, #tpu.memory_space<vmem>>, vector<16xf32>,
          %max3A_154 = arith.constant 0.000000e+00 : f32
          %max3A_155 = vector.broadcast %max3A_154 : f32 to vector<16xf32>
          %max3A_156 = arith.maximumf %get3A_153, %max3A_155 : vector<16xf32>
          %swap3A_157 = arith.constant 0 : i32
          %swap3A_158 = arith.index_cast %swap3A_157 : i32 to index
          %swap3A_159 = arith.index_cast %scan3A_127 : i32 to index
          %swap3A_160 = arith.constant 16 : index
          %swap3A_161 = tpu.vector_load %arg11[%swap3A_158, %swap3A_159, %swap3A_160] {strides = array<i32>} : memref<2x88x128xf32, #tpu.memory_space<vmem>>, vector<16xf32>,
          tpu.vector_store %arg11[%swap3A_158, %swap3A_159, %swap3A_160], %max3A_156 {strides = array<i32>} : memref<2x88x128xf32, #tpu.memory_space<vmem>>, vector<16xf32>,
          %add3A_162 = arith.addf %scan3A_129, %max3A_156 : vector<16xf32>
          %get3A_163 = arith.constant 0 : i32
          %get3A_164 = arith.index_cast %get3A_163 : i32 to index
          %get3A_165 = arith.index_cast %scan3A_127 : i32 to index
          %get3A_166 = arith.constant 32 : index
          %get3A_167 = tpu.vector_load %arg11[%get3A_164, %get3A_165, %get3A_166] {strides = array<i32>} : memref<2x88x128xf32, #tpu.memory_space<vmem>>, vector<16xf32>,
          %max3A_168 = arith.constant 0.000000e+00 : f32
          %max3A_169 = vector.broadcast %max3A_168 : f32 to vector<16xf32>
          %max3A_170 = arith.maximumf %get3A_167, %max3A_169 : vector<16xf32>
          %swap3A_171 = arith.constant 0 : i32
          %swap3A_172 = arith.index_cast %swap3A_171 : i32 to index
          %swap3A_173 = arith.index_cast %scan3A_127 : i32 to index
          %swap3A_174 = arith.constant 32 : index
          %swap3A_175 = tpu.vector_load %arg11[%swap3A_172, %swap3A_173, %swap3A_174] {strides = array<i32>} : memref<2x88x128xf32, #tpu.memory_space<vmem>>, vector<16xf32>,
          tpu.vector_store %arg11[%swap3A_172, %swap3A_173, %swap3A_174], %max3A_170 {strides = array<i32>} : memref<2x88x128xf32, #tpu.memory_space<vmem>>, vector<16xf32>,
          %add3A_176 = arith.addf %scan3A_130, %max3A_170 : vector<16xf32>
          %get3A_177 = arith.constant 0 : i32
          %get3A_178 = arith.index_cast %get3A_177 : i32 to index
          %get3A_179 = arith.index_cast %scan3A_127 : i32 to index
          %get3A_180 = arith.constant 48 : index
          %get3A_181 = tpu.vector_load %arg11[%get3A_178, %get3A_179, %get3A_180] {strides = array<i32>} : memref<2x88x128xf32, #tpu.memory_space<vmem>>, vector<16xf32>,
          %max3A_182 = arith.constant 0.000000e+00 : f32
          %max3A_183 = vector.broadcast %max3A_182 : f32 to vector<16xf32>
          %max3A_184 = arith.maximumf %get3A_181, %max3A_183 : vector<16xf32>
          %swap3A_185 = arith.constant 0 : i32
          %swap3A_186 = arith.index_cast %swap3A_185 : i32 to index
          %swap3A_187 = arith.index_cast %scan3A_127 : i32 to index
          %swap3A_188 = arith.constant 48 : index
          %swap3A_189 = tpu.vector_load %arg11[%swap3A_186, %swap3A_187, %swap3A_188] {strides = array<i32>} : memref<2x88x128xf32, #tpu.memory_space<vmem>>, vector<16xf32>,
          tpu.vector_store %arg11[%swap3A_186, %swap3A_187, %swap3A_188], %max3A_184 {strides = array<i32>} : memref<2x88x128xf32, #tpu.memory_space<vmem>>, vector<16xf32>,
          %add3A_190 = arith.addf %scan3A_131, %max3A_184 : vector<16xf32>
          %get3A_191 = arith.constant 0 : i32
          %get3A_192 = arith.index_cast %get3A_191 : i32 to index
          %get3A_193 = arith.index_cast %scan3A_127 : i32 to index
          %get3A_194 = arith.constant 64 : index
          %get3A_195 = tpu.vector_load %arg11[%get3A_192, %get3A_193, %get3A_194] {strides = array<i32>} : memref<2x88x128xf32, #tpu.memory_space<vmem>>, vector<16xf32>,
          %max3A_196 = arith.constant 0.000000e+00 : f32
          %max3A_197 = vector.broadcast %max3A_196 : f32 to vector<16xf32>
          %max3A_198 = arith.maximumf %get3A_195, %max3A_197 : vector<16xf32>
          %swap3A_199 = arith.constant 0 : i32
          %swap3A_200 = arith.index_cast %swap3A_199 : i32 to index
          %swap3A_201 = arith.index_cast %scan3A_127 : i32 to index
          %swap3A_202 = arith.constant 64 : index
          %swap3A_203 = tpu.vector_load %arg11[%swap3A_200, %swap3A_201, %swap3A_202] {strides = array<i32>} : memref<2x88x128xf32, #tpu.memory_space<vmem>>, vector<16xf32>,
          tpu.vector_store %arg11[%swap3A_200, %swap3A_201, %swap3A_202], %max3A_198 {strides = array<i32>} : memref<2x88x128xf32, #tpu.memory_space<vmem>>, vector<16xf32>,
          %add3A_204 = arith.addf %scan3A_132, %max3A_198 : vector<16xf32>
          %get3A_205 = arith.constant 0 : i32
          %get3A_206 = arith.index_cast %get3A_205 : i32 to index
          %get3A_207 = arith.index_cast %scan3A_127 : i32 to index
          %get3A_208 = arith.constant 80 : index
          %get3A_209 = tpu.vector_load %arg11[%get3A_206, %get3A_207, %get3A_208] {strides = array<i32>} : memref<2x88x128xf32, #tpu.memory_space<vmem>>, vector<16xf32>,
          %max3A_210 = arith.constant 0.000000e+00 : f32
          %max3A_211 = vector.broadcast %max3A_210 : f32 to vector<16xf32>
          %max3A_212 = arith.maximumf %get3A_209, %max3A_211 : vector<16xf32>
          %swap3A_213 = arith.constant 0 : i32
          %swap3A_214 = arith.index_cast %swap3A_213 : i32 to index
          %swap3A_215 = arith.index_cast %scan3A_127 : i32 to index
          %swap3A_216 = arith.constant 80 : index
          %swap3A_217 = tpu.vector_load %arg11[%swap3A_214, %swap3A_215, %swap3A_216] {strides = array<i32>} : memref<2x88x128xf32, #tpu.memory_space<vmem>>, vector<16xf32>,
          tpu.vector_store %arg11[%swap3A_214, %swap3A_215, %swap3A_216], %max3A_212 {strides = array<i32>} : memref<2x88x128xf32, #tpu.memory_space<vmem>>, vector<16xf32>,
          %add3A_218 = arith.addf %scan3A_133, %max3A_212 : vector<16xf32>
          %get3A_219 = arith.constant 0 : i32
          %get3A_220 = arith.index_cast %get3A_219 : i32 to index
          %get3A_221 = arith.index_cast %scan3A_127 : i32 to index
          %get3A_222 = arith.constant 96 : index
          %get3A_223 = tpu.vector_load %arg11[%get3A_220, %get3A_221, %get3A_222] {strides = array<i32>} : memref<2x88x128xf32, #tpu.memory_space<vmem>>, vector<16xf32>,
          %max3A_224 = arith.constant 0.000000e+00 : f32
          %max3A_225 = vector.broadcast %max3A_224 : f32 to vector<16xf32>
          %max3A_226 = arith.maximumf %get3A_223, %max3A_225 : vector<16xf32>
          %swap3A_227 = arith.constant 0 : i32
          %swap3A_228 = arith.index_cast %swap3A_227 : i32 to index
          %swap3A_229 = arith.index_cast %scan3A_127 : i32 to index
          %swap3A_230 = arith.constant 96 : index
          %swap3A_231 = tpu.vector_load %arg11[%swap3A_228, %swap3A_229, %swap3A_230] {strides = array<i32>} : memref<2x88x128xf32, #tpu.memory_space<vmem>>, vector<16xf32>,
          tpu.vector_store %arg11[%swap3A_228, %swap3A_229, %swap3A_230], %max3A_226 {strides = array<i32>} : memref<2x88x128xf32, #tpu.memory_space<vmem>>, vector<16xf32>,
          %add3A_232 = arith.addf %scan3A_134, %max3A_226 : vector<16xf32>
          %get3A_233 = arith.constant 0 : i32
          %get3A_234 = arith.index_cast %get3A_233 : i32 to index
          %get3A_235 = arith.index_cast %scan3A_127 : i32 to index
          %get3A_236 = arith.constant 112 : index
          %get3A_237 = tpu.vector_load %arg11[%get3A_234, %get3A_235, %get3A_236] {strides = array<i32>} : memref<2x88x128xf32, #tpu.memory_space<vmem>>, vector<16xf32>,
          %max3A_238 = arith.constant 0.000000e+00 : f32
          %max3A_239 = vector.broadcast %max3A_238 : f32 to vector<16xf32>
          %max3A_240 = arith.maximumf %get3A_237, %max3A_239 : vector<16xf32>
          %swap3A_241 = arith.constant 0 : i32
          %swap3A_242 = arith.index_cast %swap3A_241 : i32 to index
          %swap3A_243 = arith.index_cast %scan3A_127 : i32 to index
          %swap3A_244 = arith.constant 112 : index
          %swap3A_245 = tpu.vector_load %arg11[%swap3A_242, %swap3A_243, %swap3A_244] {strides = array<i32>} : memref<2x88x128xf32, #tpu.memory_space<vmem>>, vector<16xf32>,
          tpu.vector_store %arg11[%swap3A_242, %swap3A_243, %swap3A_244], %max3A_240 {strides = array<i32>} : memref<2x88x128xf32, #tpu.memory_space<vmem>>, vector<16xf32>,
          %add3A_246 = arith.addf %scan3A_135, %max3A_240 : vector<16xf32>
          scf.yield %add3A_148, %add3A_162, %add3A_176, %add3A_190, %add3A_204, %add3A_218, %add3A_232, %add3A_246 : vector<16xf32>, vector<16xf32>, vector<16xf32>, vector<16xf32>, vector<16xf32>, vector<16xf32>, vector<16xf32>, vector<16xf32>
        }
        %scan3A_122 = arith.constant 40 : i32
        %mul3A_123 = arith.constant 5000 : i32
        %mul3A_124 = arith.muli %arg0, %mul3A_123 : i32
        %add3A_125 = arith.addi %mul3A_124, %add3A_111 : i32
        %run_scoped3A_126 = arith.constant 0 : i32
        "tpu.region"() ({
          %run_scoped3A_127 = tpu.sem_alloc : memref<!tpu.dma_semaphore, #tpu.memory_space<semaphore_mem>>
          %dma_start3A_128 = arith.constant 0 : i32
          %dma_start3A_129 = arith.constant 0 : i32
          %dma_start3A_130 = tpu.memref_slice %arg11[%run_scoped3A_126, %dma_start3A_128, %dma_start3A_129] : memref<2x88x128xf32, #tpu.memory_space<vmem>> -> memref<1x40x128xf32, #tpu.memory_space<vmem>>
          %dma_start3A_131 = tpu.memref_squeeze %dma_start3A_130 : memref<1x40x128xf32, #tpu.memory_space<vmem>> -> memref<40x128xf32, #tpu.memory_space<vmem>>
          %dma_start3A_132 = arith.constant 0 : i32
          %dma_start3A_133 = tpu.memref_slice %arg7[%add3A_125, %dma_start3A_132] : memref<10000x128xf32, #tpu.memory_space<hbm>> -> memref<40x128xf32, #tpu.memory_space<hbm>>
          %dma_start3A_134 = arith.constant 0 : i32
          %dma_start3A_135 = tpu.memref_slice %arg7[%add3A_125, %dma_start3A_134] : memref<10000x128xf32, #tpu.memory_space<hbm>> -> memref<40x128xf32, #tpu.memory_space<hbm>>
          %dma_start3A_136 = arith.constant 0 : i32
          %dma_start3A_137 = arith.constant 0 : i32
          %dma_start3A_138 = tpu.memref_slice %arg11[%run_scoped3A_126, %dma_start3A_136, %dma_start3A_137] : memref<2x88x128xf32, #tpu.memory_space<vmem>> -> memref<1x40x128xf32, #tpu.memory_space<vmem>>
          %dma_start3A_139 = tpu.memref_squeeze %dma_start3A_138 : memref<1x40x128xf32, #tpu.memory_space<vmem>> -> memref<40x128xf32, #tpu.memory_space<vmem>>
          tpu.enqueue_dma source(%dma_start3A_139 : memref<40x128xf32, #tpu.memory_space<vmem>>) target(%dma_start3A_135 : memref<40x128xf32, #tpu.memory_space<hbm>>) target_semaphore(%run_scoped3A_127 : memref<!tpu.dma_semaphore, #tpu.memory_space<semaphore_mem>>)
          %dma_wait3A_140 = arith.constant 0 : i32
          %dma_wait3A_141 = arith.constant 0 : i32
          %dma_wait3A_142 = tpu.memref_slice %arg11[%run_scoped3A_126, %dma_wait3A_140, %dma_wait3A_141] : memref<2x88x128xf32, #tpu.memory_space<vmem>> -> memref<1x40x128xf32, #tpu.memory_space<vmem>>
          %dma_wait3A_143 = tpu.memref_squeeze %dma_wait3A_142 : memref<1x40x128xf32, #tpu.memory_space<vmem>> -> memref<40x128xf32, #tpu.memory_space<vmem>>
          %dma_wait3A_144 = arith.constant 0 : i32
          %dma_wait3A_145 = tpu.memref_slice %arg7[%add3A_125, %dma_wait3A_144] : memref<10000x128xf32, #tpu.memory_space<hbm>> -> memref<40x128xf32, #tpu.memory_space<hbm>>
          %dma_wait3A_146 = arith.constant 0 : i32
          %dma_wait3A_147 = tpu.memref_slice %arg7[%add3A_125, %dma_wait3A_146] : memref<10000x128xf32, #tpu.memory_space<hbm>> -> memref<40x128xf32, #tpu.memory_space<hbm>>
          %dma_wait3A_148 = arith.constant 0 : i32
          %dma_wait3A_149 = arith.constant 0 : i32
          %dma_wait3A_150 = tpu.memref_slice %arg11[%run_scoped3A_126, %dma_wait3A_148, %dma_wait3A_149] : memref<2x88x128xf32, #tpu.memory_space<vmem>> -> memref<1x40x128xf32, #tpu.memory_space<vmem>>
          %dma_wait3A_151 = tpu.memref_squeeze %dma_wait3A_150 : memref<1x40x128xf32, #tpu.memory_space<vmem>> -> memref<40x128xf32, #tpu.memory_space<vmem>>
          tpu.wait_dma2 semaphore(%run_scoped3A_127 : memref<!tpu.dma_semaphore, #tpu.memory_space<semaphore_mem>>) src(%dma_wait3A_151 : memref<40x128xf32, #tpu.memory_space<vmem>>) dst(%dma_wait3A_147 : memref<40x128xf32, #tpu.memory_space<hbm>>)
          tpu.yield
        }) : () -> ()
        scf.yield %scan3A_121#0, %scan3A_121#1, %scan3A_121#2, %scan3A_121#3, %scan3A_121#4, %scan3A_121#5, %scan3A_121#6, %scan3A_121#7 : vector<16xf32>, vector<16xf32>, vector<16xf32>, vector<16xf32>, vector<16xf32>, vector<16xf32>, vector<16xf32>, vector<16xf32>
      } else {
        scf.yield %scan3A_101, %scan3A_102, %scan3A_103, %scan3A_104, %scan3A_105, %scan3A_106, %scan3A_107, %scan3A_108 : vector<16xf32>, vector<16xf32>, vector<16xf32>, vector<16xf32>, vector<16xf32>, vector<16xf32>, vector<16xf32>, vector<16xf32>
      }
      scf.yield %cond3A_116#0, %cond3A_116#1, %cond3A_116#2, %cond3A_116#3, %cond3A_116#4, %cond3A_116#5, %cond3A_116#6, %cond3A_116#7 : vector<16xf32>, vector<16xf32>, vector<16xf32>, vector<16xf32>, vector<16xf32>, vector<16xf32>, vector<16xf32>, vector<16xf32>
    }
    %scan3A_79 = arith.constant 8 : i32
    %swap3A = arith.constant 0 : index
    %swap3A_80 = tpu.vector_load %arg13[%swap3A] {strides = array<i32>} : memref<128xf32, #tpu.memory_space<vmem>>, vector<16xf32>,
    tpu.vector_store %arg13[%swap3A], %scan3A_78#0 {strides = array<i32>} : memref<128xf32, #tpu.memory_space<vmem>>, vector<16xf32>,
    %swap3A_81 = arith.constant 16 : index
    %swap3A_82 = tpu.vector_load %arg13[%swap3A_81] {strides = array<i32>} : memref<128xf32, #tpu.memory_space<vmem>>, vector<16xf32>,
    tpu.vector_store %arg13[%swap3A_81], %scan3A_78#1 {strides = array<i32>} : memref<128xf32, #tpu.memory_space<vmem>>, vector<16xf32>,
    %swap3A_83 = arith.constant 32 : index
    %swap3A_84 = tpu.vector_load %arg13[%swap3A_83] {strides = array<i32>} : memref<128xf32, #tpu.memory_space<vmem>>, vector<16xf32>,
    tpu.vector_store %arg13[%swap3A_83], %scan3A_78#2 {strides = array<i32>} : memref<128xf32, #tpu.memory_space<vmem>>, vector<16xf32>,
    %swap3A_85 = arith.constant 48 : index
    %swap3A_86 = tpu.vector_load %arg13[%swap3A_85] {strides = array<i32>} : memref<128xf32, #tpu.memory_space<vmem>>, vector<16xf32>,
    tpu.vector_store %arg13[%swap3A_85], %scan3A_78#3 {strides = array<i32>} : memref<128xf32, #tpu.memory_space<vmem>>, vector<16xf32>,
    %swap3A_87 = arith.constant 64 : index
    %swap3A_88 = tpu.vector_load %arg13[%swap3A_87] {strides = array<i32>} : memref<128xf32, #tpu.memory_space<vmem>>, vector<16xf32>,
    tpu.vector_store %arg13[%swap3A_87], %scan3A_78#4 {strides = array<i32>} : memref<128xf32, #tpu.memory_space<vmem>>, vector<16xf32>,
    %swap3A_89 = arith.constant 80 : index
    %swap3A_90 = tpu.vector_load %arg13[%swap3A_89] {strides = array<i32>} : memref<128xf32, #tpu.memory_space<vmem>>, vector<16xf32>,
    tpu.vector_store %arg13[%swap3A_89], %scan3A_78#5 {strides = array<i32>} : memref<128xf32, #tpu.memory_space<vmem>>, vector<16xf32>,
    %swap3A_91 = arith.constant 96 : index
    %swap3A_92 = tpu.vector_load %arg13[%swap3A_91] {strides = array<i32>} : memref<128xf32, #tpu.memory_space<vmem>>, vector<16xf32>,
    tpu.vector_store %arg13[%swap3A_91], %scan3A_78#6 {strides = array<i32>} : memref<128xf32, #tpu.memory_space<vmem>>, vector<16xf32>,
    %swap3A_93 = arith.constant 112 : index
    %swap3A_94 = tpu.vector_load %arg13[%swap3A_93] {strides = array<i32>} : memref<128xf32, #tpu.memory_space<vmem>>, vector<16xf32>,
    tpu.vector_store %arg13[%swap3A_93], %scan3A_78#7 {strides = array<i32>} : memref<128xf32, #tpu.memory_space<vmem>>, vector<16xf32>,
    %mul3A_95 = arith.constant 16 : i32
    %mul3A_96 = arith.muli %arg0, %mul3A_95 : i32
    %add3A_97 = arith.addi %mul3A_96, %arg1 : i32
    %mul3A_98 = arith.constant 128 : i32
    %mul3A_99 = arith.muli %add3A_97, %mul3A_98 : i32
    "tpu.region"() ({
      %run_scoped3A = tpu.sem_alloc : memref<!tpu.dma_semaphore, #tpu.memory_space<semaphore_mem>>
      %dma_start3A_100 = tpu.memref_slice %arg8[%mul3A_99] : memref<4096xf32, #tpu.memory_space<hbm>> -> memref<128xf32, #tpu.memory_space<hbm>>
      %dma_start3A_101 = tpu.memref_slice %arg8[%mul3A_99] : memref<4096xf32, #tpu.memory_space<hbm>> -> memref<128xf32, #tpu.memory_space<hbm>>
      tpu.enqueue_dma source(%arg13 : memref<128xf32, #tpu.memory_space<vmem>>) target(%dma_start3A_101 : memref<128xf32, #tpu.memory_space<hbm>>) target_semaphore(%run_scoped3A : memref<!tpu.dma_semaphore, #tpu.memory_space<semaphore_mem>>)
      %dma_wait3A_102 = tpu.memref_slice %arg8[%mul3A_99] : memref<4096xf32, #tpu.memory_space<hbm>> -> memref<128xf32, #tpu.memory_space<hbm>>
      %dma_wait3A_103 = tpu.memref_slice %arg8[%mul3A_99] : memref<4096xf32, #tpu.memory_space<hbm>> -> memref<128xf32, #tpu.memory_space<hbm>>
      tpu.wait_dma2 semaphore(%run_scoped3A : memref<!tpu.dma_semaphore, #tpu.memory_space<semaphore_mem>>) src(%arg13 : memref<128xf32, #tpu.memory_space<vmem>>) dst(%dma_wait3A_103 : memref<128xf32, #tpu.memory_space<hbm>>)
      tpu.yield
    }) : () -> ()
    return
  }
}

#map = affine_map<(d0, d1) -> (0)>
#map1 = affine_map<(d0, d1) -> (0, 0)>
#map2 = affine_map<(d0, d1) -> (0, 0, 0)>
module attributes {stable_mosaic.version = 14 : i64} {
  func.func @body(%arg0: i32, %arg1: i32, %arg2: memref<658944xi32, #tpu.memory_space<hbm>>, %arg3: memref<658944xi32, #tpu.memory_space<hbm>>, %arg4: memref<512xi32, #tpu.memory_space<hbm>>, %arg5: memref<70000x128xf32, #tpu.memory_space<hbm>>, %arg6: memref<5120x128xf32, #tpu.memory_space<hbm>>, %arg7: memref<2x5120x128xf32, #tpu.memory_space<hbm>>, %arg8: memref<4x88xi32, #tpu.memory_space<vmem>>, %arg9: memref<4x88xi32, #tpu.memory_space<vmem>>, %arg10: memref<2x88x128xf32, #tpu.memory_space<vmem>>, %arg11: memref<16xi32, #tpu.memory_space<vmem>>, %arg12: memref<128xf32, #tpu.memory_space<vmem>>, %arg13: memref<5120x128xf32, #tpu.memory_space<vmem_shared>>, %arg14: memref<!tpu.dma_semaphore, #tpu.memory_space<semaphore_mem>>, %arg15: memref<!tpu.dma_semaphore, #tpu.memory_space<semaphore_mem>>, %arg16: memref<!tpu.dma_semaphore, #tpu.memory_space<semaphore_mem>>, %arg17: memref<!tpu.dma_semaphore, #tpu.memory_space<semaphore_mem>>, %arg18: memref<!tpu.dma_semaphore, #tpu.memory_space<semaphore_mem>>, %arg19: memref<!tpu.dma_semaphore, #tpu.memory_space<semaphore_mem>>, %arg20: memref<!tpu.dma_semaphore, #tpu.memory_space<semaphore_mem>>, %arg21: memref<!tpu.dma_semaphore, #tpu.memory_space<semaphore_mem>>, %arg22: memref<!tpu.dma_semaphore, #tpu.memory_space<semaphore_mem>>) attributes {dimension_semantics = [#tpu.dimension_semantics<core_parallel>, #tpu.dimension_semantics<subcore_parallel>], iteration_bounds = array<i64: 2, 16>, scalar_prefetch = 0 : i64, scratch_operands = 15 : i64, tpu.core_type = #tpu.core_type<sc_vector_subcore>, window_params = [{transform_indices = #map}, {transform_indices = #map}, {transform_indices = #map}, {transform_indices = #map1}, {transform_indices = #map1}, {transform_indices = #map2}]} {
    %mul3A = arith.constant 320 : i32
    %mul3A_0 = arith.muli %arg1, %mul3A : i32
    %mul3A_1 = arith.constant 16 : i32
    %mul3A_2 = arith.muli %arg0, %mul3A_1 : i32
    %add3A = arith.addi %mul3A_2, %arg1 : i32
    %mul3A_3 = arith.constant 20592 : i32
    %mul3A_4 = arith.muli %add3A, %mul3A_3 : i32
    %mul3A_5 = arith.constant 16 : i32
    %mul3A_6 = arith.muli %arg0, %mul3A_5 : i32
    %add3A_7 = arith.addi %mul3A_6, %arg1 : i32
    %mul3A_8 = arith.constant 16 : i32
    %mul3A_9 = arith.muli %add3A_7, %mul3A_8 : i32
    %dma_start3A = tpu.memref_slice %arg4[%mul3A_9] : memref<512xi32, #tpu.memory_space<hbm>> -> memref<16xi32, #tpu.memory_space<hbm>>
    %dma_start3A_10 = tpu.memref_slice %arg4[%mul3A_9] : memref<512xi32, #tpu.memory_space<hbm>> -> memref<16xi32, #tpu.memory_space<hbm>>
    tpu.enqueue_dma source(%dma_start3A_10 : memref<16xi32, #tpu.memory_space<hbm>>) target(%arg11 : memref<16xi32, #tpu.memory_space<vmem>>) target_semaphore(%arg22 : memref<!tpu.dma_semaphore, #tpu.memory_space<semaphore_mem>>)
    "tpu.region"() ({
      %run_scoped3A = tpu.sem_alloc : memref<!tpu.dma_semaphore, #tpu.memory_space<semaphore_mem>>
      %dma_start3A_60 = arith.constant 0 : i32
      %dma_start3A_61 = tpu.memref_slice %arg13[%mul3A_0, %dma_start3A_60] : memref<5120x128xf32, #tpu.memory_space<vmem_shared>> -> memref<320x128xf32, #tpu.memory_space<vmem_shared>>
      %dma_start3A_62 = arith.constant 0 : i32
      %dma_start3A_63 = tpu.memref_slice %arg6[%mul3A_0, %dma_start3A_62] : memref<5120x128xf32, #tpu.memory_space<hbm>> -> memref<320x128xf32, #tpu.memory_space<hbm>>
      tpu.enqueue_dma source(%dma_start3A_63 : memref<320x128xf32, #tpu.memory_space<hbm>>) target(%dma_start3A_61 : memref<320x128xf32, #tpu.memory_space<vmem_shared>>) target_semaphore(%run_scoped3A : memref<!tpu.dma_semaphore, #tpu.memory_space<semaphore_mem>>)
      %dma_wait3A_64 = arith.constant 0 : i32
      %dma_wait3A_65 = tpu.memref_slice %arg13[%mul3A_0, %dma_wait3A_64] : memref<5120x128xf32, #tpu.memory_space<vmem_shared>> -> memref<320x128xf32, #tpu.memory_space<vmem_shared>>
      %dma_wait3A_66 = arith.constant 0 : i32
      %dma_wait3A_67 = tpu.memref_slice %arg6[%mul3A_0, %dma_wait3A_66] : memref<5120x128xf32, #tpu.memory_space<hbm>> -> memref<320x128xf32, #tpu.memory_space<hbm>>
      tpu.wait_dma2 semaphore(%run_scoped3A : memref<!tpu.dma_semaphore, #tpu.memory_space<semaphore_mem>>) src(%dma_wait3A_67 : memref<320x128xf32, #tpu.memory_space<hbm>>) dst(%dma_wait3A_65 : memref<320x128xf32, #tpu.memory_space<vmem_shared>>)
      tpu.yield
    }) : () -> ()
    %dma_wait3A = arith.constant 0 : i32
    %dma_wait3A_11 = tpu.memref_slice %arg4[%dma_wait3A] : memref<512xi32, #tpu.memory_space<hbm>> -> memref<16xi32, #tpu.memory_space<hbm>>
    %dma_wait3A_12 = arith.constant 0 : i32
    %dma_wait3A_13 = tpu.memref_slice %arg4[%dma_wait3A_12] : memref<512xi32, #tpu.memory_space<hbm>> -> memref<16xi32, #tpu.memory_space<hbm>>
    tpu.wait_dma2 semaphore(%arg22 : memref<!tpu.dma_semaphore, #tpu.memory_space<semaphore_mem>>) src(%dma_wait3A_13 : memref<16xi32, #tpu.memory_space<hbm>>) dst(%arg11 : memref<16xi32, #tpu.memory_space<vmem>>)
    %get3A = arith.constant 0 : index
    %get3A_14 = tpu.vector_load %arg11[%get3A] {strides = array<i32>} : memref<16xi32, #tpu.memory_space<vmem>>, vector<16xi32>,
    %slice3A = vector.extract_strided_slice %get3A_14 {offsets = [0], sizes = [1], strides = [1]} : vector<16xi32> to vector<1xi32>
    %squeeze3A = vector.extract %slice3A[0] : i32 from vector<1xi32>
    %barrier3A = arith.constant 0 : index
    tpu.barrier barrier_id(%barrier3A)
    %gt3A = arith.constant 0 : i32
    %gt3A_15 = arith.cmpi sgt, %squeeze3A, %gt3A : i32
    %convert_element_type3A = arith.extui %gt3A_15 : i1 to i32
    %cond3A = arith.constant 0 : i32
    %cond3A_16 = arith.cmpi ne, %convert_element_type3A, %cond3A : i32
    scf.if %cond3A_16 {
      %add3A_60 = arith.constant 0 : i32
      %add3A_61 = arith.addi %mul3A_4, %add3A_60 : i32
      %multiple_of3A = tpu.assume_multiple %add3A_61, 8 : i32
      %dma_start3A_62 = arith.constant 0 : i32
      %dma_start3A_63 = arith.constant 0 : i32
      %dma_start3A_64 = tpu.memref_slice %arg8[%dma_start3A_62, %dma_start3A_63] : memref<4x88xi32, #tpu.memory_space<vmem>> -> memref<1x88xi32, #tpu.memory_space<vmem>>
      %dma_start3A_65 = tpu.memref_squeeze %dma_start3A_64 : memref<1x88xi32, #tpu.memory_space<vmem>> -> memref<88xi32, #tpu.memory_space<vmem>>
      %dma_start3A_66 = tpu.memref_slice %arg2[%multiple_of3A] : memref<658944xi32, #tpu.memory_space<hbm>> -> memref<88xi32, #tpu.memory_space<hbm>>
      %dma_start3A_67 = arith.constant 0 : i32
      %dma_start3A_68 = tpu.memref_slice %arg8[%dma_start3A_62, %dma_start3A_67] : memref<4x88xi32, #tpu.memory_space<vmem>> -> memref<1x88xi32, #tpu.memory_space<vmem>>
      %dma_start3A_69 = tpu.memref_squeeze %dma_start3A_68 : memref<1x88xi32, #tpu.memory_space<vmem>> -> memref<88xi32, #tpu.memory_space<vmem>>
      %dma_start3A_70 = tpu.memref_slice %arg2[%multiple_of3A] : memref<658944xi32, #tpu.memory_space<hbm>> -> memref<88xi32, #tpu.memory_space<hbm>>
      tpu.enqueue_dma source(%dma_start3A_70 : memref<88xi32, #tpu.memory_space<hbm>>) target(%dma_start3A_69 : memref<88xi32, #tpu.memory_space<vmem>>) target_semaphore(%arg14 : memref<!tpu.dma_semaphore, #tpu.memory_space<semaphore_mem>>)
      %dma_start3A_71 = arith.constant 0 : i32
      %dma_start3A_72 = arith.constant 0 : i32
      %dma_start3A_73 = tpu.memref_slice %arg9[%dma_start3A_71, %dma_start3A_72] : memref<4x88xi32, #tpu.memory_space<vmem>> -> memref<1x88xi32, #tpu.memory_space<vmem>>
      %dma_start3A_74 = tpu.memref_squeeze %dma_start3A_73 : memref<1x88xi32, #tpu.memory_space<vmem>> -> memref<88xi32, #tpu.memory_space<vmem>>
      %dma_start3A_75 = tpu.memref_slice %arg3[%multiple_of3A] : memref<658944xi32, #tpu.memory_space<hbm>> -> memref<88xi32, #tpu.memory_space<hbm>>
      %dma_start3A_76 = arith.constant 0 : i32
      %dma_start3A_77 = tpu.memref_slice %arg9[%dma_start3A_71, %dma_start3A_76] : memref<4x88xi32, #tpu.memory_space<vmem>> -> memref<1x88xi32, #tpu.memory_space<vmem>>
      %dma_start3A_78 = tpu.memref_squeeze %dma_start3A_77 : memref<1x88xi32, #tpu.memory_space<vmem>> -> memref<88xi32, #tpu.memory_space<vmem>>
      %dma_start3A_79 = tpu.memref_slice %arg3[%multiple_of3A] : memref<658944xi32, #tpu.memory_space<hbm>> -> memref<88xi32, #tpu.memory_space<hbm>>
      tpu.enqueue_dma source(%dma_start3A_79 : memref<88xi32, #tpu.memory_space<hbm>>) target(%dma_start3A_78 : memref<88xi32, #tpu.memory_space<vmem>>) target_semaphore(%arg14 : memref<!tpu.dma_semaphore, #tpu.memory_space<semaphore_mem>>)
    } else {
    }
    %gt3A_17 = arith.constant 1 : i32
    %gt3A_18 = arith.cmpi sgt, %squeeze3A, %gt3A_17 : i32
    %convert_element_type3A_19 = arith.extui %gt3A_18 : i1 to i32
    %cond3A_20 = arith.constant 0 : i32
    %cond3A_21 = arith.cmpi ne, %convert_element_type3A_19, %cond3A_20 : i32
    scf.if %cond3A_21 {
      %add3A_60 = arith.constant 88 : i32
      %add3A_61 = arith.addi %mul3A_4, %add3A_60 : i32
      %multiple_of3A = tpu.assume_multiple %add3A_61, 8 : i32
      %dma_start3A_62 = arith.constant 1 : i32
      %dma_start3A_63 = arith.constant 0 : i32
      %dma_start3A_64 = tpu.memref_slice %arg8[%dma_start3A_62, %dma_start3A_63] : memref<4x88xi32, #tpu.memory_space<vmem>> -> memref<1x88xi32, #tpu.memory_space<vmem>>
      %dma_start3A_65 = tpu.memref_squeeze %dma_start3A_64 : memref<1x88xi32, #tpu.memory_space<vmem>> -> memref<88xi32, #tpu.memory_space<vmem>>
      %dma_start3A_66 = tpu.memref_slice %arg2[%multiple_of3A] : memref<658944xi32, #tpu.memory_space<hbm>> -> memref<88xi32, #tpu.memory_space<hbm>>
      %dma_start3A_67 = arith.constant 0 : i32
      %dma_start3A_68 = tpu.memref_slice %arg8[%dma_start3A_62, %dma_start3A_67] : memref<4x88xi32, #tpu.memory_space<vmem>> -> memref<1x88xi32, #tpu.memory_space<vmem>>
      %dma_start3A_69 = tpu.memref_squeeze %dma_start3A_68 : memref<1x88xi32, #tpu.memory_space<vmem>> -> memref<88xi32, #tpu.memory_space<vmem>>
      %dma_start3A_70 = tpu.memref_slice %arg2[%multiple_of3A] : memref<658944xi32, #tpu.memory_space<hbm>> -> memref<88xi32, #tpu.memory_space<hbm>>
      tpu.enqueue_dma source(%dma_start3A_70 : memref<88xi32, #tpu.memory_space<hbm>>) target(%dma_start3A_69 : memref<88xi32, #tpu.memory_space<vmem>>) target_semaphore(%arg15 : memref<!tpu.dma_semaphore, #tpu.memory_space<semaphore_mem>>)
      %dma_start3A_71 = arith.constant 1 : i32
      %dma_start3A_72 = arith.constant 0 : i32
      %dma_start3A_73 = tpu.memref_slice %arg9[%dma_start3A_71, %dma_start3A_72] : memref<4x88xi32, #tpu.memory_space<vmem>> -> memref<1x88xi32, #tpu.memory_space<vmem>>
      %dma_start3A_74 = tpu.memref_squeeze %dma_start3A_73 : memref<1x88xi32, #tpu.memory_space<vmem>> -> memref<88xi32, #tpu.memory_space<vmem>>
      %dma_start3A_75 = tpu.memref_slice %arg3[%multiple_of3A] : memref<658944xi32, #tpu.memory_space<hbm>> -> memref<88xi32, #tpu.memory_space<hbm>>
      %dma_start3A_76 = arith.constant 0 : i32
      %dma_start3A_77 = tpu.memref_slice %arg9[%dma_start3A_71, %dma_start3A_76] : memref<4x88xi32, #tpu.memory_space<vmem>> -> memref<1x88xi32, #tpu.memory_space<vmem>>
      %dma_start3A_78 = tpu.memref_squeeze %dma_start3A_77 : memref<1x88xi32, #tpu.memory_space<vmem>> -> memref<88xi32, #tpu.memory_space<vmem>>
      %dma_start3A_79 = tpu.memref_slice %arg3[%multiple_of3A] : memref<658944xi32, #tpu.memory_space<hbm>> -> memref<88xi32, #tpu.memory_space<hbm>>
      tpu.enqueue_dma source(%dma_start3A_79 : memref<88xi32, #tpu.memory_space<hbm>>) target(%dma_start3A_78 : memref<88xi32, #tpu.memory_space<vmem>>) target_semaphore(%arg15 : memref<!tpu.dma_semaphore, #tpu.memory_space<semaphore_mem>>)
    } else {
    }
    %gt3A_22 = arith.constant 2 : i32
    %gt3A_23 = arith.cmpi sgt, %squeeze3A, %gt3A_22 : i32
    %convert_element_type3A_24 = arith.extui %gt3A_23 : i1 to i32
    %cond3A_25 = arith.constant 0 : i32
    %cond3A_26 = arith.cmpi ne, %convert_element_type3A_24, %cond3A_25 : i32
    scf.if %cond3A_26 {
      %add3A_60 = arith.constant 176 : i32
      %add3A_61 = arith.addi %mul3A_4, %add3A_60 : i32
      %multiple_of3A = tpu.assume_multiple %add3A_61, 8 : i32
      %dma_start3A_62 = arith.constant 2 : i32
      %dma_start3A_63 = arith.constant 0 : i32
      %dma_start3A_64 = tpu.memref_slice %arg8[%dma_start3A_62, %dma_start3A_63] : memref<4x88xi32, #tpu.memory_space<vmem>> -> memref<1x88xi32, #tpu.memory_space<vmem>>
      %dma_start3A_65 = tpu.memref_squeeze %dma_start3A_64 : memref<1x88xi32, #tpu.memory_space<vmem>> -> memref<88xi32, #tpu.memory_space<vmem>>
      %dma_start3A_66 = tpu.memref_slice %arg2[%multiple_of3A] : memref<658944xi32, #tpu.memory_space<hbm>> -> memref<88xi32, #tpu.memory_space<hbm>>
      %dma_start3A_67 = arith.constant 0 : i32
      %dma_start3A_68 = tpu.memref_slice %arg8[%dma_start3A_62, %dma_start3A_67] : memref<4x88xi32, #tpu.memory_space<vmem>> -> memref<1x88xi32, #tpu.memory_space<vmem>>
      %dma_start3A_69 = tpu.memref_squeeze %dma_start3A_68 : memref<1x88xi32, #tpu.memory_space<vmem>> -> memref<88xi32, #tpu.memory_space<vmem>>
      %dma_start3A_70 = tpu.memref_slice %arg2[%multiple_of3A] : memref<658944xi32, #tpu.memory_space<hbm>> -> memref<88xi32, #tpu.memory_space<hbm>>
      tpu.enqueue_dma source(%dma_start3A_70 : memref<88xi32, #tpu.memory_space<hbm>>) target(%dma_start3A_69 : memref<88xi32, #tpu.memory_space<vmem>>) target_semaphore(%arg16 : memref<!tpu.dma_semaphore, #tpu.memory_space<semaphore_mem>>)
      %dma_start3A_71 = arith.constant 2 : i32
      %dma_start3A_72 = arith.constant 0 : i32
      %dma_start3A_73 = tpu.memref_slice %arg9[%dma_start3A_71, %dma_start3A_72] : memref<4x88xi32, #tpu.memory_space<vmem>> -> memref<1x88xi32, #tpu.memory_space<vmem>>
      %dma_start3A_74 = tpu.memref_squeeze %dma_start3A_73 : memref<1x88xi32, #tpu.memory_space<vmem>> -> memref<88xi32, #tpu.memory_space<vmem>>
      %dma_start3A_75 = tpu.memref_slice %arg3[%multiple_of3A] : memref<658944xi32, #tpu.memory_space<hbm>> -> memref<88xi32, #tpu.memory_space<hbm>>
      %dma_start3A_76 = arith.constant 0 : i32
      %dma_start3A_77 = tpu.memref_slice %arg9[%dma_start3A_71, %dma_start3A_76] : memref<4x88xi32, #tpu.memory_space<vmem>> -> memref<1x88xi32, #tpu.memory_space<vmem>>
      %dma_start3A_78 = tpu.memref_squeeze %dma_start3A_77 : memref<1x88xi32, #tpu.memory_space<vmem>> -> memref<88xi32, #tpu.memory_space<vmem>>
      %dma_start3A_79 = tpu.memref_slice %arg3[%multiple_of3A] : memref<658944xi32, #tpu.memory_space<hbm>> -> memref<88xi32, #tpu.memory_space<hbm>>
      tpu.enqueue_dma source(%dma_start3A_79 : memref<88xi32, #tpu.memory_space<hbm>>) target(%dma_start3A_78 : memref<88xi32, #tpu.memory_space<vmem>>) target_semaphore(%arg16 : memref<!tpu.dma_semaphore, #tpu.memory_space<semaphore_mem>>)
    } else {
    }
    %gt3A_27 = arith.constant 0 : i32
    %gt3A_28 = arith.cmpi sgt, %squeeze3A, %gt3A_27 : i32
    %convert_element_type3A_29 = arith.extui %gt3A_28 : i1 to i32
    %cond3A_30 = arith.constant 0 : i32
    %cond3A_31 = arith.cmpi ne, %convert_element_type3A_29, %cond3A_30 : i32
    scf.if %cond3A_31 {
      %dma_wait3A_60 = arith.constant 0 : i32
      %dma_wait3A_61 = arith.constant 0 : i32
      %dma_wait3A_62 = tpu.memref_slice %arg8[%dma_wait3A_60, %dma_wait3A_61] : memref<4x88xi32, #tpu.memory_space<vmem>> -> memref<1x88xi32, #tpu.memory_space<vmem>>
      %dma_wait3A_63 = tpu.memref_squeeze %dma_wait3A_62 : memref<1x88xi32, #tpu.memory_space<vmem>> -> memref<88xi32, #tpu.memory_space<vmem>>
      %dma_wait3A_64 = arith.constant 0 : i32
      %dma_wait3A_65 = tpu.memref_slice %arg2[%dma_wait3A_64] : memref<658944xi32, #tpu.memory_space<hbm>> -> memref<88xi32, #tpu.memory_space<hbm>>
      %dma_wait3A_66 = arith.constant 0 : i32
      %dma_wait3A_67 = tpu.memref_slice %arg8[%dma_wait3A_60, %dma_wait3A_66] : memref<4x88xi32, #tpu.memory_space<vmem>> -> memref<1x88xi32, #tpu.memory_space<vmem>>
      %dma_wait3A_68 = tpu.memref_squeeze %dma_wait3A_67 : memref<1x88xi32, #tpu.memory_space<vmem>> -> memref<88xi32, #tpu.memory_space<vmem>>
      %dma_wait3A_69 = arith.constant 0 : i32
      %dma_wait3A_70 = tpu.memref_slice %arg2[%dma_wait3A_69] : memref<658944xi32, #tpu.memory_space<hbm>> -> memref<88xi32, #tpu.memory_space<hbm>>
      tpu.wait_dma2 semaphore(%arg14 : memref<!tpu.dma_semaphore, #tpu.memory_space<semaphore_mem>>) src(%dma_wait3A_70 : memref<88xi32, #tpu.memory_space<hbm>>) dst(%dma_wait3A_68 : memref<88xi32, #tpu.memory_space<vmem>>)
      %dma_wait3A_71 = arith.constant 0 : i32
      %dma_wait3A_72 = arith.constant 0 : i32
      %dma_wait3A_73 = tpu.memref_slice %arg9[%dma_wait3A_71, %dma_wait3A_72] : memref<4x88xi32, #tpu.memory_space<vmem>> -> memref<1x88xi32, #tpu.memory_space<vmem>>
      %dma_wait3A_74 = tpu.memref_squeeze %dma_wait3A_73 : memref<1x88xi32, #tpu.memory_space<vmem>> -> memref<88xi32, #tpu.memory_space<vmem>>
      %dma_wait3A_75 = arith.constant 0 : i32
      %dma_wait3A_76 = tpu.memref_slice %arg2[%dma_wait3A_75] : memref<658944xi32, #tpu.memory_space<hbm>> -> memref<88xi32, #tpu.memory_space<hbm>>
      %dma_wait3A_77 = arith.constant 0 : i32
      %dma_wait3A_78 = tpu.memref_slice %arg9[%dma_wait3A_71, %dma_wait3A_77] : memref<4x88xi32, #tpu.memory_space<vmem>> -> memref<1x88xi32, #tpu.memory_space<vmem>>
      %dma_wait3A_79 = tpu.memref_squeeze %dma_wait3A_78 : memref<1x88xi32, #tpu.memory_space<vmem>> -> memref<88xi32, #tpu.memory_space<vmem>>
      %dma_wait3A_80 = arith.constant 0 : i32
      %dma_wait3A_81 = tpu.memref_slice %arg2[%dma_wait3A_80] : memref<658944xi32, #tpu.memory_space<hbm>> -> memref<88xi32, #tpu.memory_space<hbm>>
      tpu.wait_dma2 semaphore(%arg14 : memref<!tpu.dma_semaphore, #tpu.memory_space<semaphore_mem>>) src(%dma_wait3A_81 : memref<88xi32, #tpu.memory_space<hbm>>) dst(%dma_wait3A_79 : memref<88xi32, #tpu.memory_space<vmem>>)
      %dma_start3A_82 = arith.constant 0 : i32
      %dma_start3A_83 = arith.constant 0 : i32
      %dma_start3A_84 = arith.constant 0 : i32
      %dma_start3A_85 = arith.constant 0 : i32
      %dma_start3A_86 = tpu.memref_slice %arg10[%dma_start3A_83, %dma_start3A_84, %dma_start3A_85] : memref<2x88x128xf32, #tpu.memory_space<vmem>> -> memref<1x88x128xf32, #tpu.memory_space<vmem>>
      %dma_start3A_87 = tpu.memref_squeeze %dma_start3A_86 : memref<1x88x128xf32, #tpu.memory_space<vmem>> -> memref<88x128xf32, #tpu.memory_space<vmem>>
      %dma_start3A_88 = arith.constant 0 : i32
      %dma_start3A_89 = tpu.memref_slice %arg8[%dma_start3A_82, %dma_start3A_88] : memref<4x88xi32, #tpu.memory_space<vmem>> -> memref<1x88xi32, #tpu.memory_space<vmem>>
      %dma_start3A_90 = tpu.memref_squeeze %dma_start3A_89 : memref<1x88xi32, #tpu.memory_space<vmem>> -> memref<88xi32, #tpu.memory_space<vmem>>
      %dma_start3A_91 = arith.constant 0 : i32
      %dma_start3A_92 = arith.constant 0 : i32
      %dma_start3A_93 = tpu.memref_slice %arg5[%dma_start3A_91, %dma_start3A_92] : memref<70000x128xf32, #tpu.memory_space<hbm>> -> memref<70000x128xf32, #tpu.memory_space<hbm>>
      tpu.enqueue_indirect_dma source(%dma_start3A_93 : memref<70000x128xf32, #tpu.memory_space<hbm>>) target(%dma_start3A_87 : memref<88x128xf32, #tpu.memory_space<vmem>>) offsets(%dma_start3A_90 : memref<88xi32, #tpu.memory_space<vmem>>) semaphore(%arg18 : memref<!tpu.dma_semaphore, #tpu.memory_space<semaphore_mem>>)
    } else {
    }
    %add3A_32 = arith.constant 4 : i32
    %add3A_33 = arith.addi %squeeze3A, %add3A_32 : i32
    %jit3A = arith.constant 4 : i32
    %div3A = arith.divsi %add3A_33, %jit3A : i32
    %sign3A = arith.constant 0 : i32
    %sign3A_34 = arith.cmpi sgt, %add3A_33, %sign3A : i32
    %sign3A_35 = arith.extui %sign3A_34 : i1 to i32
    %sign3A_36 = arith.constant 0 : i32
    %sign3A_37 = arith.cmpi slt, %add3A_33, %sign3A_36 : i32
    %sign3A_38 = arith.extui %sign3A_37 : i1 to i32
    %sign3A_39 = arith.subi %sign3A_35, %sign3A_38 : i32
    %sign3A_40 = arith.constant 0 : i32
    %sign3A_41 = arith.cmpi sgt, %jit3A, %sign3A_40 : i32
    %sign3A_42 = arith.extui %sign3A_41 : i1 to i32
    %sign3A_43 = arith.constant 0 : i32
    %sign3A_44 = arith.cmpi slt, %jit3A, %sign3A_43 : i32
    %sign3A_45 = arith.extui %sign3A_44 : i1 to i32
    %sign3A_46 = arith.subi %sign3A_42, %sign3A_45 : i32
    %ne3A = arith.cmpi ne, %sign3A_39, %sign3A_46 : i32
    %rem3A = arith.remsi %add3A_33, %jit3A : i32
    %ne3A_47 = arith.constant 0 : i32
    %ne3A_48 = arith.cmpi ne, %rem3A, %ne3A_47 : i32
    %and3A = arith.andi %ne3A, %ne3A_48 : i1
    %sub3A = arith.constant 1 : i32
    %sub3A_49 = arith.subi %div3A, %sub3A : i32
    %select_n3A = arith.select %and3A, %sub3A_49, %div3A : i32
    %while3A = arith.constant 0 : i32
    %while3A_50 = arith.constant 0 : i32
    %while3A_51 = arith.subi %select_n3A, %while3A_50 : i32
    %while3A_52 = arith.addi %while3A_50, %while3A_51 : i32
    %while3A_53 = arith.constant 1 : i32
    %while3A_54 = arith.divsi %while3A_51, %while3A_53 : i32
    %while3A_55 = arith.muli %while3A_54, %while3A_53 : i32
    %while3A_56 = arith.addi %while3A_50, %while3A_55 : i32
    %while3A_57 = arith.constant 1 : i32
    scf.for %while3A_60 = %while3A_50 to %while3A_56 step %while3A_57  : i32 {
      %mul3A_61 = arith.constant 4 : i32
      %mul3A_62 = arith.muli %while3A_60, %mul3A_61 : i32
      %add3A_63 = arith.constant 0 : i32
      %add3A_64 = arith.addi %mul3A_62, %add3A_63 : i32
      %ge3A = arith.constant 1 : i32
      %ge3A_65 = arith.cmpi sge, %add3A_64, %ge3A : i32
      %sub3A_66 = arith.constant 1 : i32
      %sub3A_67 = arith.subi %add3A_64, %sub3A_66 : i32
      %lt3A = arith.cmpi slt, %sub3A_67, %squeeze3A : i32
      %and3A_68 = arith.andi %ge3A_65, %lt3A : i1
      %convert_element_type3A_69 = arith.extui %and3A_68 : i1 to i32
      %cond3A_70 = arith.constant 0 : i32
      %cond3A_71 = arith.cmpi ne, %convert_element_type3A_69, %cond3A_70 : i32
      scf.if %cond3A_71 {
        %dma_wait3A_175 = arith.constant 1 : i32
        %dma_wait3A_176 = arith.constant 0 : i32
        %dma_wait3A_177 = arith.constant 0 : i32
        %dma_wait3A_178 = tpu.memref_slice %arg10[%dma_wait3A_175, %dma_wait3A_176, %dma_wait3A_177] : memref<2x88x128xf32, #tpu.memory_space<vmem>> -> memref<1x88x128xf32, #tpu.memory_space<vmem>>
        %dma_wait3A_179 = tpu.memref_squeeze %dma_wait3A_178 : memref<1x88x128xf32, #tpu.memory_space<vmem>> -> memref<88x128xf32, #tpu.memory_space<vmem>>
        %dma_wait3A_180 = arith.constant 0 : i32
        %dma_wait3A_181 = arith.constant 0 : i32
        %dma_wait3A_182 = tpu.memref_slice %arg13[%dma_wait3A_180, %dma_wait3A_181] : memref<5120x128xf32, #tpu.memory_space<vmem_shared>> -> memref<88x128xf32, #tpu.memory_space<vmem_shared>>
        %dma_wait3A_183 = arith.constant 0 : i32
        %dma_wait3A_184 = arith.constant 0 : i32
        %dma_wait3A_185 = tpu.memref_slice %arg13[%dma_wait3A_183, %dma_wait3A_184] : memref<5120x128xf32, #tpu.memory_space<vmem_shared>> -> memref<88x128xf32, #tpu.memory_space<vmem_shared>>
        %dma_wait3A_186 = arith.constant 0 : i32
        %dma_wait3A_187 = arith.constant 0 : i32
        %dma_wait3A_188 = tpu.memref_slice %arg10[%dma_wait3A_175, %dma_wait3A_186, %dma_wait3A_187] : memref<2x88x128xf32, #tpu.memory_space<vmem>> -> memref<1x88x128xf32, #tpu.memory_space<vmem>>
        %dma_wait3A_189 = tpu.memref_squeeze %dma_wait3A_188 : memref<1x88x128xf32, #tpu.memory_space<vmem>> -> memref<88x128xf32, #tpu.memory_space<vmem>>
        tpu.wait_dma2 semaphore(%arg21 : memref<!tpu.dma_semaphore, #tpu.memory_space<semaphore_mem>>) src(%dma_wait3A_189 : memref<88x128xf32, #tpu.memory_space<vmem>>) dst(%dma_wait3A_185 : memref<88x128xf32, #tpu.memory_space<vmem_shared>>)
      } else {
      }
      %add3A_72 = arith.constant 3 : i32
      %add3A_73 = arith.addi %add3A_64, %add3A_72 : i32
      %lt3A_74 = arith.cmpi slt, %add3A_73, %squeeze3A : i32
      %convert_element_type3A_75 = arith.extui %lt3A_74 : i1 to i32
      %cond3A_76 = arith.constant 0 : i32
      %cond3A_77 = arith.cmpi ne, %convert_element_type3A_75, %cond3A_76 : i32
      scf.if %cond3A_77 {
        %add3A_175 = arith.constant 3 : i32
        %add3A_176 = arith.addi %add3A_64, %add3A_175 : i32
        %mul3A_177 = arith.constant 88 : i32
        %mul3A_178 = arith.muli %add3A_176, %mul3A_177 : i32
        %add3A_179 = arith.addi %mul3A_4, %mul3A_178 : i32
        %multiple_of3A = tpu.assume_multiple %add3A_179, 8 : i32
        %dma_start3A_180 = arith.constant 3 : i32
        %dma_start3A_181 = arith.constant 0 : i32
        %dma_start3A_182 = tpu.memref_slice %arg8[%dma_start3A_180, %dma_start3A_181] : memref<4x88xi32, #tpu.memory_space<vmem>> -> memref<1x88xi32, #tpu.memory_space<vmem>>
        %dma_start3A_183 = tpu.memref_squeeze %dma_start3A_182 : memref<1x88xi32, #tpu.memory_space<vmem>> -> memref<88xi32, #tpu.memory_space<vmem>>
        %dma_start3A_184 = tpu.memref_slice %arg2[%multiple_of3A] : memref<658944xi32, #tpu.memory_space<hbm>> -> memref<88xi32, #tpu.memory_space<hbm>>
        %dma_start3A_185 = arith.constant 0 : i32
        %dma_start3A_186 = tpu.memref_slice %arg8[%dma_start3A_180, %dma_start3A_185] : memref<4x88xi32, #tpu.memory_space<vmem>> -> memref<1x88xi32, #tpu.memory_space<vmem>>
        %dma_start3A_187 = tpu.memref_squeeze %dma_start3A_186 : memref<1x88xi32, #tpu.memory_space<vmem>> -> memref<88xi32, #tpu.memory_space<vmem>>
        %dma_start3A_188 = tpu.memref_slice %arg2[%multiple_of3A] : memref<658944xi32, #tpu.memory_space<hbm>> -> memref<88xi32, #tpu.memory_space<hbm>>
        tpu.enqueue_dma source(%dma_start3A_188 : memref<88xi32, #tpu.memory_space<hbm>>) target(%dma_start3A_187 : memref<88xi32, #tpu.memory_space<vmem>>) target_semaphore(%arg17 : memref<!tpu.dma_semaphore, #tpu.memory_space<semaphore_mem>>)
        %dma_start3A_189 = arith.constant 3 : i32
        %dma_start3A_190 = arith.constant 0 : i32
        %dma_start3A_191 = tpu.memref_slice %arg9[%dma_start3A_189, %dma_start3A_190] : memref<4x88xi32, #tpu.memory_space<vmem>> -> memref<1x88xi32, #tpu.memory_space<vmem>>
        %dma_start3A_192 = tpu.memref_squeeze %dma_start3A_191 : memref<1x88xi32, #tpu.memory_space<vmem>> -> memref<88xi32, #tpu.memory_space<vmem>>
        %dma_start3A_193 = tpu.memref_slice %arg3[%multiple_of3A] : memref<658944xi32, #tpu.memory_space<hbm>> -> memref<88xi32, #tpu.memory_space<hbm>>
        %dma_start3A_194 = arith.constant 0 : i32
        %dma_start3A_195 = tpu.memref_slice %arg9[%dma_start3A_189, %dma_start3A_194] : memref<4x88xi32, #tpu.memory_space<vmem>> -> memref<1x88xi32, #tpu.memory_space<vmem>>
        %dma_start3A_196 = tpu.memref_squeeze %dma_start3A_195 : memref<1x88xi32, #tpu.memory_space<vmem>> -> memref<88xi32, #tpu.memory_space<vmem>>
        %dma_start3A_197 = tpu.memref_slice %arg3[%multiple_of3A] : memref<658944xi32, #tpu.memory_space<hbm>> -> memref<88xi32, #tpu.memory_space<hbm>>
        tpu.enqueue_dma source(%dma_start3A_197 : memref<88xi32, #tpu.memory_space<hbm>>) target(%dma_start3A_196 : memref<88xi32, #tpu.memory_space<vmem>>) target_semaphore(%arg17 : memref<!tpu.dma_semaphore, #tpu.memory_space<semaphore_mem>>)
      } else {
      }
      %add3A_78 = arith.constant 1 : i32
      %add3A_79 = arith.addi %add3A_64, %add3A_78 : i32
      %lt3A_80 = arith.cmpi slt, %add3A_79, %squeeze3A : i32
      %convert_element_type3A_81 = arith.extui %lt3A_80 : i1 to i32
      %cond3A_82 = arith.constant 0 : i32
      %cond3A_83 = arith.cmpi ne, %convert_element_type3A_81, %cond3A_82 : i32
      scf.if %cond3A_83 {
        %dma_wait3A_175 = arith.constant 1 : i32
        %dma_wait3A_176 = arith.constant 0 : i32
        %dma_wait3A_177 = tpu.memref_slice %arg8[%dma_wait3A_175, %dma_wait3A_176] : memref<4x88xi32, #tpu.memory_space<vmem>> -> memref<1x88xi32, #tpu.memory_space<vmem>>
        %dma_wait3A_178 = tpu.memref_squeeze %dma_wait3A_177 : memref<1x88xi32, #tpu.memory_space<vmem>> -> memref<88xi32, #tpu.memory_space<vmem>>
        %dma_wait3A_179 = arith.constant 0 : i32
        %dma_wait3A_180 = tpu.memref_slice %arg2[%dma_wait3A_179] : memref<658944xi32, #tpu.memory_space<hbm>> -> memref<88xi32, #tpu.memory_space<hbm>>
        %dma_wait3A_181 = arith.constant 0 : i32
        %dma_wait3A_182 = tpu.memref_slice %arg8[%dma_wait3A_175, %dma_wait3A_181] : memref<4x88xi32, #tpu.memory_space<vmem>> -> memref<1x88xi32, #tpu.memory_space<vmem>>
        %dma_wait3A_183 = tpu.memref_squeeze %dma_wait3A_182 : memref<1x88xi32, #tpu.memory_space<vmem>> -> memref<88xi32, #tpu.memory_space<vmem>>
        %dma_wait3A_184 = arith.constant 0 : i32
        %dma_wait3A_185 = tpu.memref_slice %arg2[%dma_wait3A_184] : memref<658944xi32, #tpu.memory_space<hbm>> -> memref<88xi32, #tpu.memory_space<hbm>>
        tpu.wait_dma2 semaphore(%arg15 : memref<!tpu.dma_semaphore, #tpu.memory_space<semaphore_mem>>) src(%dma_wait3A_185 : memref<88xi32, #tpu.memory_space<hbm>>) dst(%dma_wait3A_183 : memref<88xi32, #tpu.memory_space<vmem>>)
        %dma_wait3A_186 = arith.constant 1 : i32
        %dma_wait3A_187 = arith.constant 0 : i32
        %dma_wait3A_188 = tpu.memref_slice %arg9[%dma_wait3A_186, %dma_wait3A_187] : memref<4x88xi32, #tpu.memory_space<vmem>> -> memref<1x88xi32, #tpu.memory_space<vmem>>
        %dma_wait3A_189 = tpu.memref_squeeze %dma_wait3A_188 : memref<1x88xi32, #tpu.memory_space<vmem>> -> memref<88xi32, #tpu.memory_space<vmem>>
        %dma_wait3A_190 = arith.constant 0 : i32
        %dma_wait3A_191 = tpu.memref_slice %arg2[%dma_wait3A_190] : memref<658944xi32, #tpu.memory_space<hbm>> -> memref<88xi32, #tpu.memory_space<hbm>>
        %dma_wait3A_192 = arith.constant 0 : i32
        %dma_wait3A_193 = tpu.memref_slice %arg9[%dma_wait3A_186, %dma_wait3A_192] : memref<4x88xi32, #tpu.memory_space<vmem>> -> memref<1x88xi32, #tpu.memory_space<vmem>>
        %dma_wait3A_194 = tpu.memref_squeeze %dma_wait3A_193 : memref<1x88xi32, #tpu.memory_space<vmem>> -> memref<88xi32, #tpu.memory_space<vmem>>
        %dma_wait3A_195 = arith.constant 0 : i32
        %dma_wait3A_196 = tpu.memref_slice %arg2[%dma_wait3A_195] : memref<658944xi32, #tpu.memory_space<hbm>> -> memref<88xi32, #tpu.memory_space<hbm>>
        tpu.wait_dma2 semaphore(%arg15 : memref<!tpu.dma_semaphore, #tpu.memory_space<semaphore_mem>>) src(%dma_wait3A_196 : memref<88xi32, #tpu.memory_space<hbm>>) dst(%dma_wait3A_194 : memref<88xi32, #tpu.memory_space<vmem>>)
        %dma_start3A_197 = arith.constant 1 : i32
        %dma_start3A_198 = arith.constant 1 : i32
        %dma_start3A_199 = arith.constant 0 : i32
        %dma_start3A_200 = arith.constant 0 : i32
        %dma_start3A_201 = tpu.memref_slice %arg10[%dma_start3A_198, %dma_start3A_199, %dma_start3A_200] : memref<2x88x128xf32, #tpu.memory_space<vmem>> -> memref<1x88x128xf32, #tpu.memory_space<vmem>>
        %dma_start3A_202 = tpu.memref_squeeze %dma_start3A_201 : memref<1x88x128xf32, #tpu.memory_space<vmem>> -> memref<88x128xf32, #tpu.memory_space<vmem>>
        %dma_start3A_203 = arith.constant 0 : i32
        %dma_start3A_204 = tpu.memref_slice %arg8[%dma_start3A_197, %dma_start3A_203] : memref<4x88xi32, #tpu.memory_space<vmem>> -> memref<1x88xi32, #tpu.memory_space<vmem>>
        %dma_start3A_205 = tpu.memref_squeeze %dma_start3A_204 : memref<1x88xi32, #tpu.memory_space<vmem>> -> memref<88xi32, #tpu.memory_space<vmem>>
        %dma_start3A_206 = arith.constant 0 : i32
        %dma_start3A_207 = arith.constant 0 : i32
        %dma_start3A_208 = tpu.memref_slice %arg5[%dma_start3A_206, %dma_start3A_207] : memref<70000x128xf32, #tpu.memory_space<hbm>> -> memref<70000x128xf32, #tpu.memory_space<hbm>>
        tpu.enqueue_indirect_dma source(%dma_start3A_208 : memref<70000x128xf32, #tpu.memory_space<hbm>>) target(%dma_start3A_202 : memref<88x128xf32, #tpu.memory_space<vmem>>) offsets(%dma_start3A_205 : memref<88xi32, #tpu.memory_space<vmem>>) semaphore(%arg19 : memref<!tpu.dma_semaphore, #tpu.memory_space<semaphore_mem>>)
      } else {
      }
      %lt3A_84 = arith.cmpi slt, %add3A_64, %squeeze3A : i32
      %convert_element_type3A_85 = arith.extui %lt3A_84 : i1 to i32
      %cond3A_86 = arith.constant 0 : i32
      %cond3A_87 = arith.cmpi ne, %convert_element_type3A_85, %cond3A_86 : i32
      scf.if %cond3A_87 {
        %dma_wait3A_175 = arith.constant 0 : i32
        %dma_wait3A_176 = arith.constant 0 : i32
        %dma_wait3A_177 = arith.constant 0 : i32
        %dma_wait3A_178 = tpu.memref_slice %arg10[%dma_wait3A_175, %dma_wait3A_176, %dma_wait3A_177] : memref<2x88x128xf32, #tpu.memory_space<vmem>> -> memref<1x88x128xf32, #tpu.memory_space<vmem>>
        %dma_wait3A_179 = tpu.memref_squeeze %dma_wait3A_178 : memref<1x88x128xf32, #tpu.memory_space<vmem>> -> memref<88x128xf32, #tpu.memory_space<vmem>>
        %dma_wait3A_180 = arith.constant 0 : i32
        %dma_wait3A_181 = arith.constant 0 : i32
        %dma_wait3A_182 = tpu.memref_slice %arg5[%dma_wait3A_180, %dma_wait3A_181] : memref<70000x128xf32, #tpu.memory_space<hbm>> -> memref<88x128xf32, #tpu.memory_space<hbm>>
        %dma_wait3A_183 = arith.constant 0 : i32
        %dma_wait3A_184 = arith.constant 0 : i32
        %dma_wait3A_185 = tpu.memref_slice %arg10[%dma_wait3A_175, %dma_wait3A_183, %dma_wait3A_184] : memref<2x88x128xf32, #tpu.memory_space<vmem>> -> memref<1x88x128xf32, #tpu.memory_space<vmem>>
        %dma_wait3A_186 = tpu.memref_squeeze %dma_wait3A_185 : memref<1x88x128xf32, #tpu.memory_space<vmem>> -> memref<88x128xf32, #tpu.memory_space<vmem>>
        %dma_wait3A_187 = arith.constant 0 : i32
        %dma_wait3A_188 = arith.constant 0 : i32
        %dma_wait3A_189 = tpu.memref_slice %arg5[%dma_wait3A_187, %dma_wait3A_188] : memref<70000x128xf32, #tpu.memory_space<hbm>> -> memref<88x128xf32, #tpu.memory_space<hbm>>
        tpu.wait_dma2 semaphore(%arg18 : memref<!tpu.dma_semaphore, #tpu.memory_space<semaphore_mem>>) src(%dma_wait3A_189 : memref<88x128xf32, #tpu.memory_space<hbm>>) dst(%dma_wait3A_186 : memref<88x128xf32, #tpu.memory_space<vmem>>)
        %dma_start3A_190 = arith.constant 0 : i32
        %dma_start3A_191 = arith.constant 0 : i32
        %dma_start3A_192 = arith.constant 0 : i32
        %dma_start3A_193 = arith.constant 0 : i32
        %dma_start3A_194 = tpu.memref_slice %arg10[%dma_start3A_190, %dma_start3A_192, %dma_start3A_193] : memref<2x88x128xf32, #tpu.memory_space<vmem>> -> memref<1x88x128xf32, #tpu.memory_space<vmem>>
        %dma_start3A_195 = tpu.memref_squeeze %dma_start3A_194 : memref<1x88x128xf32, #tpu.memory_space<vmem>> -> memref<88x128xf32, #tpu.memory_space<vmem>>
        %dma_start3A_196 = arith.constant 0 : i32
        %dma_start3A_197 = tpu.memref_slice %arg9[%dma_start3A_191, %dma_start3A_196] : memref<4x88xi32, #tpu.memory_space<vmem>> -> memref<1x88xi32, #tpu.memory_space<vmem>>
        %dma_start3A_198 = tpu.memref_squeeze %dma_start3A_197 : memref<1x88xi32, #tpu.memory_space<vmem>> -> memref<88xi32, #tpu.memory_space<vmem>>
        %dma_start3A_199 = arith.constant 0 : i32
        %dma_start3A_200 = arith.constant 0 : i32
        %dma_start3A_201 = tpu.memref_slice %arg13[%dma_start3A_199, %dma_start3A_200] : memref<5120x128xf32, #tpu.memory_space<vmem_shared>> -> memref<5120x128xf32, #tpu.memory_space<vmem_shared>>
        tpu.enqueue_indirect_dma source(%dma_start3A_195 : memref<88x128xf32, #tpu.memory_space<vmem>>) target(%dma_start3A_201 : memref<5120x128xf32, #tpu.memory_space<vmem_shared>>) offsets(%dma_start3A_198 : memref<88xi32, #tpu.memory_space<vmem>>) semaphore(%arg20 : memref<!tpu.dma_semaphore, #tpu.memory_space<semaphore_mem>>) {add = true}
      } else {
      }
      %mul3A_88 = arith.constant 4 : i32
      %mul3A_89 = arith.muli %while3A_60, %mul3A_88 : i32
      %add3A_90 = arith.constant 1 : i32
      %add3A_91 = arith.addi %mul3A_89, %add3A_90 : i32
      %ge3A_92 = arith.constant 1 : i32
      %ge3A_93 = arith.cmpi sge, %add3A_91, %ge3A_92 : i32
      %sub3A_94 = arith.constant 1 : i32
      %sub3A_95 = arith.subi %add3A_91, %sub3A_94 : i32
      %lt3A_96 = arith.cmpi slt, %sub3A_95, %squeeze3A : i32
      %and3A_97 = arith.andi %ge3A_93, %lt3A_96 : i1
      %convert_element_type3A_98 = arith.extui %and3A_97 : i1 to i32
      %cond3A_99 = arith.constant 0 : i32
      %cond3A_100 = arith.cmpi ne, %convert_element_type3A_98, %cond3A_99 : i32
      scf.if %cond3A_100 {
        %dma_wait3A_175 = arith.constant 0 : i32
        %dma_wait3A_176 = arith.constant 0 : i32
        %dma_wait3A_177 = arith.constant 0 : i32
        %dma_wait3A_178 = tpu.memref_slice %arg10[%dma_wait3A_175, %dma_wait3A_176, %dma_wait3A_177] : memref<2x88x128xf32, #tpu.memory_space<vmem>> -> memref<1x88x128xf32, #tpu.memory_space<vmem>>
        %dma_wait3A_179 = tpu.memref_squeeze %dma_wait3A_178 : memref<1x88x128xf32, #tpu.memory_space<vmem>> -> memref<88x128xf32, #tpu.memory_space<vmem>>
        %dma_wait3A_180 = arith.constant 0 : i32
        %dma_wait3A_181 = arith.constant 0 : i32
        %dma_wait3A_182 = tpu.memref_slice %arg13[%dma_wait3A_180, %dma_wait3A_181] : memref<5120x128xf32, #tpu.memory_space<vmem_shared>> -> memref<88x128xf32, #tpu.memory_space<vmem_shared>>
        %dma_wait3A_183 = arith.constant 0 : i32
        %dma_wait3A_184 = arith.constant 0 : i32
        %dma_wait3A_185 = tpu.memref_slice %arg13[%dma_wait3A_183, %dma_wait3A_184] : memref<5120x128xf32, #tpu.memory_space<vmem_shared>> -> memref<88x128xf32, #tpu.memory_space<vmem_shared>>
        %dma_wait3A_186 = arith.constant 0 : i32
        %dma_wait3A_187 = arith.constant 0 : i32
        %dma_wait3A_188 = tpu.memref_slice %arg10[%dma_wait3A_175, %dma_wait3A_186, %dma_wait3A_187] : memref<2x88x128xf32, #tpu.memory_space<vmem>> -> memref<1x88x128xf32, #tpu.memory_space<vmem>>
        %dma_wait3A_189 = tpu.memref_squeeze %dma_wait3A_188 : memref<1x88x128xf32, #tpu.memory_space<vmem>> -> memref<88x128xf32, #tpu.memory_space<vmem>>
        tpu.wait_dma2 semaphore(%arg20 : memref<!tpu.dma_semaphore, #tpu.memory_space<semaphore_mem>>) src(%dma_wait3A_189 : memref<88x128xf32, #tpu.memory_space<vmem>>) dst(%dma_wait3A_185 : memref<88x128xf32, #tpu.memory_space<vmem_shared>>)
      } else {
      }
      %add3A_101 = arith.constant 3 : i32
      %add3A_102 = arith.addi %add3A_91, %add3A_101 : i32
      %lt3A_103 = arith.cmpi slt, %add3A_102, %squeeze3A : i32
      %convert_element_type3A_104 = arith.extui %lt3A_103 : i1 to i32
      %cond3A_105 = arith.constant 0 : i32
      %cond3A_106 = arith.cmpi ne, %convert_element_type3A_104, %cond3A_105 : i32
      scf.if %cond3A_106 {
        %add3A_175 = arith.constant 3 : i32
        %add3A_176 = arith.addi %add3A_91, %add3A_175 : i32
        %mul3A_177 = arith.constant 88 : i32
        %mul3A_178 = arith.muli %add3A_176, %mul3A_177 : i32
        %add3A_179 = arith.addi %mul3A_4, %mul3A_178 : i32
        %multiple_of3A = tpu.assume_multiple %add3A_179, 8 : i32
        %dma_start3A_180 = arith.constant 0 : i32
        %dma_start3A_181 = arith.constant 0 : i32
        %dma_start3A_182 = tpu.memref_slice %arg8[%dma_start3A_180, %dma_start3A_181] : memref<4x88xi32, #tpu.memory_space<vmem>> -> memref<1x88xi32, #tpu.memory_space<vmem>>
        %dma_start3A_183 = tpu.memref_squeeze %dma_start3A_182 : memref<1x88xi32, #tpu.memory_space<vmem>> -> memref<88xi32, #tpu.memory_space<vmem>>
        %dma_start3A_184 = tpu.memref_slice %arg2[%multiple_of3A] : memref<658944xi32, #tpu.memory_space<hbm>> -> memref<88xi32, #tpu.memory_space<hbm>>
        %dma_start3A_185 = arith.constant 0 : i32
        %dma_start3A_186 = tpu.memref_slice %arg8[%dma_start3A_180, %dma_start3A_185] : memref<4x88xi32, #tpu.memory_space<vmem>> -> memref<1x88xi32, #tpu.memory_space<vmem>>
        %dma_start3A_187 = tpu.memref_squeeze %dma_start3A_186 : memref<1x88xi32, #tpu.memory_space<vmem>> -> memref<88xi32, #tpu.memory_space<vmem>>
        %dma_start3A_188 = tpu.memref_slice %arg2[%multiple_of3A] : memref<658944xi32, #tpu.memory_space<hbm>> -> memref<88xi32, #tpu.memory_space<hbm>>
        tpu.enqueue_dma source(%dma_start3A_188 : memref<88xi32, #tpu.memory_space<hbm>>) target(%dma_start3A_187 : memref<88xi32, #tpu.memory_space<vmem>>) target_semaphore(%arg14 : memref<!tpu.dma_semaphore, #tpu.memory_space<semaphore_mem>>)
        %dma_start3A_189 = arith.constant 0 : i32
        %dma_start3A_190 = arith.constant 0 : i32
        %dma_start3A_191 = tpu.memref_slice %arg9[%dma_start3A_189, %dma_start3A_190] : memref<4x88xi32, #tpu.memory_space<vmem>> -> memref<1x88xi32, #tpu.memory_space<vmem>>
        %dma_start3A_192 = tpu.memref_squeeze %dma_start3A_191 : memref<1x88xi32, #tpu.memory_space<vmem>> -> memref<88xi32, #tpu.memory_space<vmem>>
        %dma_start3A_193 = tpu.memref_slice %arg3[%multiple_of3A] : memref<658944xi32, #tpu.memory_space<hbm>> -> memref<88xi32, #tpu.memory_space<hbm>>
        %dma_start3A_194 = arith.constant 0 : i32
        %dma_start3A_195 = tpu.memref_slice %arg9[%dma_start3A_189, %dma_start3A_194] : memref<4x88xi32, #tpu.memory_space<vmem>> -> memref<1x88xi32, #tpu.memory_space<vmem>>
        %dma_start3A_196 = tpu.memref_squeeze %dma_start3A_195 : memref<1x88xi32, #tpu.memory_space<vmem>> -> memref<88xi32, #tpu.memory_space<vmem>>
        %dma_start3A_197 = tpu.memref_slice %arg3[%multiple_of3A] : memref<658944xi32, #tpu.memory_space<hbm>> -> memref<88xi32, #tpu.memory_space<hbm>>
        tpu.enqueue_dma source(%dma_start3A_197 : memref<88xi32, #tpu.memory_space<hbm>>) target(%dma_start3A_196 : memref<88xi32, #tpu.memory_space<vmem>>) target_semaphore(%arg14 : memref<!tpu.dma_semaphore, #tpu.memory_space<semaphore_mem>>)
      } else {
      }
      %add3A_107 = arith.constant 1 : i32
      %add3A_108 = arith.addi %add3A_91, %add3A_107 : i32
      %lt3A_109 = arith.cmpi slt, %add3A_108, %squeeze3A : i32
      %convert_element_type3A_110 = arith.extui %lt3A_109 : i1 to i32
      %cond3A_111 = arith.constant 0 : i32
      %cond3A_112 = arith.cmpi ne, %convert_element_type3A_110, %cond3A_111 : i32
      scf.if %cond3A_112 {
        %dma_wait3A_175 = arith.constant 2 : i32
        %dma_wait3A_176 = arith.constant 0 : i32
        %dma_wait3A_177 = tpu.memref_slice %arg8[%dma_wait3A_175, %dma_wait3A_176] : memref<4x88xi32, #tpu.memory_space<vmem>> -> memref<1x88xi32, #tpu.memory_space<vmem>>
        %dma_wait3A_178 = tpu.memref_squeeze %dma_wait3A_177 : memref<1x88xi32, #tpu.memory_space<vmem>> -> memref<88xi32, #tpu.memory_space<vmem>>
        %dma_wait3A_179 = arith.constant 0 : i32
        %dma_wait3A_180 = tpu.memref_slice %arg2[%dma_wait3A_179] : memref<658944xi32, #tpu.memory_space<hbm>> -> memref<88xi32, #tpu.memory_space<hbm>>
        %dma_wait3A_181 = arith.constant 0 : i32
        %dma_wait3A_182 = tpu.memref_slice %arg8[%dma_wait3A_175, %dma_wait3A_181] : memref<4x88xi32, #tpu.memory_space<vmem>> -> memref<1x88xi32, #tpu.memory_space<vmem>>
        %dma_wait3A_183 = tpu.memref_squeeze %dma_wait3A_182 : memref<1x88xi32, #tpu.memory_space<vmem>> -> memref<88xi32, #tpu.memory_space<vmem>>
        %dma_wait3A_184 = arith.constant 0 : i32
        %dma_wait3A_185 = tpu.memref_slice %arg2[%dma_wait3A_184] : memref<658944xi32, #tpu.memory_space<hbm>> -> memref<88xi32, #tpu.memory_space<hbm>>
        tpu.wait_dma2 semaphore(%arg16 : memref<!tpu.dma_semaphore, #tpu.memory_space<semaphore_mem>>) src(%dma_wait3A_185 : memref<88xi32, #tpu.memory_space<hbm>>) dst(%dma_wait3A_183 : memref<88xi32, #tpu.memory_space<vmem>>)
        %dma_wait3A_186 = arith.constant 2 : i32
        %dma_wait3A_187 = arith.constant 0 : i32
        %dma_wait3A_188 = tpu.memref_slice %arg9[%dma_wait3A_186, %dma_wait3A_187] : memref<4x88xi32, #tpu.memory_space<vmem>> -> memref<1x88xi32, #tpu.memory_space<vmem>>
        %dma_wait3A_189 = tpu.memref_squeeze %dma_wait3A_188 : memref<1x88xi32, #tpu.memory_space<vmem>> -> memref<88xi32, #tpu.memory_space<vmem>>
        %dma_wait3A_190 = arith.constant 0 : i32
        %dma_wait3A_191 = tpu.memref_slice %arg2[%dma_wait3A_190] : memref<658944xi32, #tpu.memory_space<hbm>> -> memref<88xi32, #tpu.memory_space<hbm>>
        %dma_wait3A_192 = arith.constant 0 : i32
        %dma_wait3A_193 = tpu.memref_slice %arg9[%dma_wait3A_186, %dma_wait3A_192] : memref<4x88xi32, #tpu.memory_space<vmem>> -> memref<1x88xi32, #tpu.memory_space<vmem>>
        %dma_wait3A_194 = tpu.memref_squeeze %dma_wait3A_193 : memref<1x88xi32, #tpu.memory_space<vmem>> -> memref<88xi32, #tpu.memory_space<vmem>>
        %dma_wait3A_195 = arith.constant 0 : i32
        %dma_wait3A_196 = tpu.memref_slice %arg2[%dma_wait3A_195] : memref<658944xi32, #tpu.memory_space<hbm>> -> memref<88xi32, #tpu.memory_space<hbm>>
        tpu.wait_dma2 semaphore(%arg16 : memref<!tpu.dma_semaphore, #tpu.memory_space<semaphore_mem>>) src(%dma_wait3A_196 : memref<88xi32, #tpu.memory_space<hbm>>) dst(%dma_wait3A_194 : memref<88xi32, #tpu.memory_space<vmem>>)
        %dma_start3A_197 = arith.constant 2 : i32
        %dma_start3A_198 = arith.constant 0 : i32
        %dma_start3A_199 = arith.constant 0 : i32
        %dma_start3A_200 = arith.constant 0 : i32
        %dma_start3A_201 = tpu.memref_slice %arg10[%dma_start3A_198, %dma_start3A_199, %dma_start3A_200] : memref<2x88x128xf32, #tpu.memory_space<vmem>> -> memref<1x88x128xf32, #tpu.memory_space<vmem>>
        %dma_start3A_202 = tpu.memref_squeeze %dma_start3A_201 : memref<1x88x128xf32, #tpu.memory_space<vmem>> -> memref<88x128xf32, #tpu.memory_space<vmem>>
        %dma_start3A_203 = arith.constant 0 : i32
        %dma_start3A_204 = tpu.memref_slice %arg8[%dma_start3A_197, %dma_start3A_203] : memref<4x88xi32, #tpu.memory_space<vmem>> -> memref<1x88xi32, #tpu.memory_space<vmem>>
        %dma_start3A_205 = tpu.memref_squeeze %dma_start3A_204 : memref<1x88xi32, #tpu.memory_space<vmem>> -> memref<88xi32, #tpu.memory_space<vmem>>
        %dma_start3A_206 = arith.constant 0 : i32
        %dma_start3A_207 = arith.constant 0 : i32
        %dma_start3A_208 = tpu.memref_slice %arg5[%dma_start3A_206, %dma_start3A_207] : memref<70000x128xf32, #tpu.memory_space<hbm>> -> memref<70000x128xf32, #tpu.memory_space<hbm>>
        tpu.enqueue_indirect_dma source(%dma_start3A_208 : memref<70000x128xf32, #tpu.memory_space<hbm>>) target(%dma_start3A_202 : memref<88x128xf32, #tpu.memory_space<vmem>>) offsets(%dma_start3A_205 : memref<88xi32, #tpu.memory_space<vmem>>) semaphore(%arg18 : memref<!tpu.dma_semaphore, #tpu.memory_space<semaphore_mem>>)
      } else {
      }
      %lt3A_113 = arith.cmpi slt, %add3A_91, %squeeze3A : i32
      %convert_element_type3A_114 = arith.extui %lt3A_113 : i1 to i32
      %cond3A_115 = arith.constant 0 : i32
      %cond3A_116 = arith.cmpi ne, %convert_element_type3A_114, %cond3A_115 : i32
      scf.if %cond3A_116 {
        %dma_wait3A_175 = arith.constant 1 : i32
        %dma_wait3A_176 = arith.constant 0 : i32
        %dma_wait3A_177 = arith.constant 0 : i32
        %dma_wait3A_178 = tpu.memref_slice %arg10[%dma_wait3A_175, %dma_wait3A_176, %dma_wait3A_177] : memref<2x88x128xf32, #tpu.memory_space<vmem>> -> memref<1x88x128xf32, #tpu.memory_space<vmem>>
        %dma_wait3A_179 = tpu.memref_squeeze %dma_wait3A_178 : memref<1x88x128xf32, #tpu.memory_space<vmem>> -> memref<88x128xf32, #tpu.memory_space<vmem>>
        %dma_wait3A_180 = arith.constant 0 : i32
        %dma_wait3A_181 = arith.constant 0 : i32
        %dma_wait3A_182 = tpu.memref_slice %arg5[%dma_wait3A_180, %dma_wait3A_181] : memref<70000x128xf32, #tpu.memory_space<hbm>> -> memref<88x128xf32, #tpu.memory_space<hbm>>
        %dma_wait3A_183 = arith.constant 0 : i32
        %dma_wait3A_184 = arith.constant 0 : i32
        %dma_wait3A_185 = tpu.memref_slice %arg10[%dma_wait3A_175, %dma_wait3A_183, %dma_wait3A_184] : memref<2x88x128xf32, #tpu.memory_space<vmem>> -> memref<1x88x128xf32, #tpu.memory_space<vmem>>
        %dma_wait3A_186 = tpu.memref_squeeze %dma_wait3A_185 : memref<1x88x128xf32, #tpu.memory_space<vmem>> -> memref<88x128xf32, #tpu.memory_space<vmem>>
        %dma_wait3A_187 = arith.constant 0 : i32
        %dma_wait3A_188 = arith.constant 0 : i32
        %dma_wait3A_189 = tpu.memref_slice %arg5[%dma_wait3A_187, %dma_wait3A_188] : memref<70000x128xf32, #tpu.memory_space<hbm>> -> memref<88x128xf32, #tpu.memory_space<hbm>>
        tpu.wait_dma2 semaphore(%arg19 : memref<!tpu.dma_semaphore, #tpu.memory_space<semaphore_mem>>) src(%dma_wait3A_189 : memref<88x128xf32, #tpu.memory_space<hbm>>) dst(%dma_wait3A_186 : memref<88x128xf32, #tpu.memory_space<vmem>>)
        %dma_start3A_190 = arith.constant 1 : i32
        %dma_start3A_191 = arith.constant 1 : i32
        %dma_start3A_192 = arith.constant 0 : i32
        %dma_start3A_193 = arith.constant 0 : i32
        %dma_start3A_194 = tpu.memref_slice %arg10[%dma_start3A_190, %dma_start3A_192, %dma_start3A_193] : memref<2x88x128xf32, #tpu.memory_space<vmem>> -> memref<1x88x128xf32, #tpu.memory_space<vmem>>
        %dma_start3A_195 = tpu.memref_squeeze %dma_start3A_194 : memref<1x88x128xf32, #tpu.memory_space<vmem>> -> memref<88x128xf32, #tpu.memory_space<vmem>>
        %dma_start3A_196 = arith.constant 0 : i32
        %dma_start3A_197 = tpu.memref_slice %arg9[%dma_start3A_191, %dma_start3A_196] : memref<4x88xi32, #tpu.memory_space<vmem>> -> memref<1x88xi32, #tpu.memory_space<vmem>>
        %dma_start3A_198 = tpu.memref_squeeze %dma_start3A_197 : memref<1x88xi32, #tpu.memory_space<vmem>> -> memref<88xi32, #tpu.memory_space<vmem>>
        %dma_start3A_199 = arith.constant 0 : i32
        %dma_start3A_200 = arith.constant 0 : i32
        %dma_start3A_201 = tpu.memref_slice %arg13[%dma_start3A_199, %dma_start3A_200] : memref<5120x128xf32, #tpu.memory_space<vmem_shared>> -> memref<5120x128xf32, #tpu.memory_space<vmem_shared>>
        tpu.enqueue_indirect_dma source(%dma_start3A_195 : memref<88x128xf32, #tpu.memory_space<vmem>>) target(%dma_start3A_201 : memref<5120x128xf32, #tpu.memory_space<vmem_shared>>) offsets(%dma_start3A_198 : memref<88xi32, #tpu.memory_space<vmem>>) semaphore(%arg21 : memref<!tpu.dma_semaphore, #tpu.memory_space<semaphore_mem>>) {add = true}
      } else {
      }
      %mul3A_117 = arith.constant 4 : i32
      %mul3A_118 = arith.muli %while3A_60, %mul3A_117 : i32
      %add3A_119 = arith.constant 2 : i32
      %add3A_120 = arith.addi %mul3A_118, %add3A_119 : i32
      %ge3A_121 = arith.constant 1 : i32
      %ge3A_122 = arith.cmpi sge, %add3A_120, %ge3A_121 : i32
      %sub3A_123 = arith.constant 1 : i32
      %sub3A_124 = arith.subi %add3A_120, %sub3A_123 : i32
      %lt3A_125 = arith.cmpi slt, %sub3A_124, %squeeze3A : i32
      %and3A_126 = arith.andi %ge3A_122, %lt3A_125 : i1
      %convert_element_type3A_127 = arith.extui %and3A_126 : i1 to i32
      %cond3A_128 = arith.constant 0 : i32
      %cond3A_129 = arith.cmpi ne, %convert_element_type3A_127, %cond3A_128 : i32
      scf.if %cond3A_129 {
        %dma_wait3A_175 = arith.constant 1 : i32
        %dma_wait3A_176 = arith.constant 0 : i32
        %dma_wait3A_177 = arith.constant 0 : i32
        %dma_wait3A_178 = tpu.memref_slice %arg10[%dma_wait3A_175, %dma_wait3A_176, %dma_wait3A_177] : memref<2x88x128xf32, #tpu.memory_space<vmem>> -> memref<1x88x128xf32, #tpu.memory_space<vmem>>
        %dma_wait3A_179 = tpu.memref_squeeze %dma_wait3A_178 : memref<1x88x128xf32, #tpu.memory_space<vmem>> -> memref<88x128xf32, #tpu.memory_space<vmem>>
        %dma_wait3A_180 = arith.constant 0 : i32
        %dma_wait3A_181 = arith.constant 0 : i32
        %dma_wait3A_182 = tpu.memref_slice %arg13[%dma_wait3A_180, %dma_wait3A_181] : memref<5120x128xf32, #tpu.memory_space<vmem_shared>> -> memref<88x128xf32, #tpu.memory_space<vmem_shared>>
        %dma_wait3A_183 = arith.constant 0 : i32
        %dma_wait3A_184 = arith.constant 0 : i32
        %dma_wait3A_185 = tpu.memref_slice %arg13[%dma_wait3A_183, %dma_wait3A_184] : memref<5120x128xf32, #tpu.memory_space<vmem_shared>> -> memref<88x128xf32, #tpu.memory_space<vmem_shared>>
        %dma_wait3A_186 = arith.constant 0 : i32
        %dma_wait3A_187 = arith.constant 0 : i32
        %dma_wait3A_188 = tpu.memref_slice %arg10[%dma_wait3A_175, %dma_wait3A_186, %dma_wait3A_187] : memref<2x88x128xf32, #tpu.memory_space<vmem>> -> memref<1x88x128xf32, #tpu.memory_space<vmem>>
        %dma_wait3A_189 = tpu.memref_squeeze %dma_wait3A_188 : memref<1x88x128xf32, #tpu.memory_space<vmem>> -> memref<88x128xf32, #tpu.memory_space<vmem>>
        tpu.wait_dma2 semaphore(%arg21 : memref<!tpu.dma_semaphore, #tpu.memory_space<semaphore_mem>>) src(%dma_wait3A_189 : memref<88x128xf32, #tpu.memory_space<vmem>>) dst(%dma_wait3A_185 : memref<88x128xf32, #tpu.memory_space<vmem_shared>>)
      } else {
      }
      %add3A_130 = arith.constant 3 : i32
      %add3A_131 = arith.addi %add3A_120, %add3A_130 : i32
      %lt3A_132 = arith.cmpi slt, %add3A_131, %squeeze3A : i32
      %convert_element_type3A_133 = arith.extui %lt3A_132 : i1 to i32
      %cond3A_134 = arith.constant 0 : i32
      %cond3A_135 = arith.cmpi ne, %convert_element_type3A_133, %cond3A_134 : i32
      scf.if %cond3A_135 {
        %add3A_175 = arith.constant 3 : i32
        %add3A_176 = arith.addi %add3A_120, %add3A_175 : i32
        %mul3A_177 = arith.constant 88 : i32
        %mul3A_178 = arith.muli %add3A_176, %mul3A_177 : i32
        %add3A_179 = arith.addi %mul3A_4, %mul3A_178 : i32
        %multiple_of3A = tpu.assume_multiple %add3A_179, 8 : i32
        %dma_start3A_180 = arith.constant 1 : i32
        %dma_start3A_181 = arith.constant 0 : i32
        %dma_start3A_182 = tpu.memref_slice %arg8[%dma_start3A_180, %dma_start3A_181] : memref<4x88xi32, #tpu.memory_space<vmem>> -> memref<1x88xi32, #tpu.memory_space<vmem>>
        %dma_start3A_183 = tpu.memref_squeeze %dma_start3A_182 : memref<1x88xi32, #tpu.memory_space<vmem>> -> memref<88xi32, #tpu.memory_space<vmem>>
        %dma_start3A_184 = tpu.memref_slice %arg2[%multiple_of3A] : memref<658944xi32, #tpu.memory_space<hbm>> -> memref<88xi32, #tpu.memory_space<hbm>>
        %dma_start3A_185 = arith.constant 0 : i32
        %dma_start3A_186 = tpu.memref_slice %arg8[%dma_start3A_180, %dma_start3A_185] : memref<4x88xi32, #tpu.memory_space<vmem>> -> memref<1x88xi32, #tpu.memory_space<vmem>>
        %dma_start3A_187 = tpu.memref_squeeze %dma_start3A_186 : memref<1x88xi32, #tpu.memory_space<vmem>> -> memref<88xi32, #tpu.memory_space<vmem>>
        %dma_start3A_188 = tpu.memref_slice %arg2[%multiple_of3A] : memref<658944xi32, #tpu.memory_space<hbm>> -> memref<88xi32, #tpu.memory_space<hbm>>
        tpu.enqueue_dma source(%dma_start3A_188 : memref<88xi32, #tpu.memory_space<hbm>>) target(%dma_start3A_187 : memref<88xi32, #tpu.memory_space<vmem>>) target_semaphore(%arg15 : memref<!tpu.dma_semaphore, #tpu.memory_space<semaphore_mem>>)
        %dma_start3A_189 = arith.constant 1 : i32
        %dma_start3A_190 = arith.constant 0 : i32
        %dma_start3A_191 = tpu.memref_slice %arg9[%dma_start3A_189, %dma_start3A_190] : memref<4x88xi32, #tpu.memory_space<vmem>> -> memref<1x88xi32, #tpu.memory_space<vmem>>
        %dma_start3A_192 = tpu.memref_squeeze %dma_start3A_191 : memref<1x88xi32, #tpu.memory_space<vmem>> -> memref<88xi32, #tpu.memory_space<vmem>>
        %dma_start3A_193 = tpu.memref_slice %arg3[%multiple_of3A] : memref<658944xi32, #tpu.memory_space<hbm>> -> memref<88xi32, #tpu.memory_space<hbm>>
        %dma_start3A_194 = arith.constant 0 : i32
        %dma_start3A_195 = tpu.memref_slice %arg9[%dma_start3A_189, %dma_start3A_194] : memref<4x88xi32, #tpu.memory_space<vmem>> -> memref<1x88xi32, #tpu.memory_space<vmem>>
        %dma_start3A_196 = tpu.memref_squeeze %dma_start3A_195 : memref<1x88xi32, #tpu.memory_space<vmem>> -> memref<88xi32, #tpu.memory_space<vmem>>
        %dma_start3A_197 = tpu.memref_slice %arg3[%multiple_of3A] : memref<658944xi32, #tpu.memory_space<hbm>> -> memref<88xi32, #tpu.memory_space<hbm>>
        tpu.enqueue_dma source(%dma_start3A_197 : memref<88xi32, #tpu.memory_space<hbm>>) target(%dma_start3A_196 : memref<88xi32, #tpu.memory_space<vmem>>) target_semaphore(%arg15 : memref<!tpu.dma_semaphore, #tpu.memory_space<semaphore_mem>>)
      } else {
      }
      %add3A_136 = arith.constant 1 : i32
      %add3A_137 = arith.addi %add3A_120, %add3A_136 : i32
      %lt3A_138 = arith.cmpi slt, %add3A_137, %squeeze3A : i32
      %convert_element_type3A_139 = arith.extui %lt3A_138 : i1 to i32
      %cond3A_140 = arith.constant 0 : i32
      %cond3A_141 = arith.cmpi ne, %convert_element_type3A_139, %cond3A_140 : i32
      scf.if %cond3A_141 {
        %dma_wait3A_175 = arith.constant 3 : i32
        %dma_wait3A_176 = arith.constant 0 : i32
        %dma_wait3A_177 = tpu.memref_slice %arg8[%dma_wait3A_175, %dma_wait3A_176] : memref<4x88xi32, #tpu.memory_space<vmem>> -> memref<1x88xi32, #tpu.memory_space<vmem>>
        %dma_wait3A_178 = tpu.memref_squeeze %dma_wait3A_177 : memref<1x88xi32, #tpu.memory_space<vmem>> -> memref<88xi32, #tpu.memory_space<vmem>>
        %dma_wait3A_179 = arith.constant 0 : i32
        %dma_wait3A_180 = tpu.memref_slice %arg2[%dma_wait3A_179] : memref<658944xi32, #tpu.memory_space<hbm>> -> memref<88xi32, #tpu.memory_space<hbm>>
        %dma_wait3A_181 = arith.constant 0 : i32
        %dma_wait3A_182 = tpu.memref_slice %arg8[%dma_wait3A_175, %dma_wait3A_181] : memref<4x88xi32, #tpu.memory_space<vmem>> -> memref<1x88xi32, #tpu.memory_space<vmem>>
        %dma_wait3A_183 = tpu.memref_squeeze %dma_wait3A_182 : memref<1x88xi32, #tpu.memory_space<vmem>> -> memref<88xi32, #tpu.memory_space<vmem>>
        %dma_wait3A_184 = arith.constant 0 : i32
        %dma_wait3A_185 = tpu.memref_slice %arg2[%dma_wait3A_184] : memref<658944xi32, #tpu.memory_space<hbm>> -> memref<88xi32, #tpu.memory_space<hbm>>
        tpu.wait_dma2 semaphore(%arg17 : memref<!tpu.dma_semaphore, #tpu.memory_space<semaphore_mem>>) src(%dma_wait3A_185 : memref<88xi32, #tpu.memory_space<hbm>>) dst(%dma_wait3A_183 : memref<88xi32, #tpu.memory_space<vmem>>)
        %dma_wait3A_186 = arith.constant 3 : i32
        %dma_wait3A_187 = arith.constant 0 : i32
        %dma_wait3A_188 = tpu.memref_slice %arg9[%dma_wait3A_186, %dma_wait3A_187] : memref<4x88xi32, #tpu.memory_space<vmem>> -> memref<1x88xi32, #tpu.memory_space<vmem>>
        %dma_wait3A_189 = tpu.memref_squeeze %dma_wait3A_188 : memref<1x88xi32, #tpu.memory_space<vmem>> -> memref<88xi32, #tpu.memory_space<vmem>>
        %dma_wait3A_190 = arith.constant 0 : i32
        %dma_wait3A_191 = tpu.memref_slice %arg2[%dma_wait3A_190] : memref<658944xi32, #tpu.memory_space<hbm>> -> memref<88xi32, #tpu.memory_space<hbm>>
        %dma_wait3A_192 = arith.constant 0 : i32
        %dma_wait3A_193 = tpu.memref_slice %arg9[%dma_wait3A_186, %dma_wait3A_192] : memref<4x88xi32, #tpu.memory_space<vmem>> -> memref<1x88xi32, #tpu.memory_space<vmem>>
        %dma_wait3A_194 = tpu.memref_squeeze %dma_wait3A_193 : memref<1x88xi32, #tpu.memory_space<vmem>> -> memref<88xi32, #tpu.memory_space<vmem>>
        %dma_wait3A_195 = arith.constant 0 : i32
        %dma_wait3A_196 = tpu.memref_slice %arg2[%dma_wait3A_195] : memref<658944xi32, #tpu.memory_space<hbm>> -> memref<88xi32, #tpu.memory_space<hbm>>
        tpu.wait_dma2 semaphore(%arg17 : memref<!tpu.dma_semaphore, #tpu.memory_space<semaphore_mem>>) src(%dma_wait3A_196 : memref<88xi32, #tpu.memory_space<hbm>>) dst(%dma_wait3A_194 : memref<88xi32, #tpu.memory_space<vmem>>)
        %dma_start3A_197 = arith.constant 3 : i32
        %dma_start3A_198 = arith.constant 1 : i32
        %dma_start3A_199 = arith.constant 0 : i32
        %dma_start3A_200 = arith.constant 0 : i32
        %dma_start3A_201 = tpu.memref_slice %arg10[%dma_start3A_198, %dma_start3A_199, %dma_start3A_200] : memref<2x88x128xf32, #tpu.memory_space<vmem>> -> memref<1x88x128xf32, #tpu.memory_space<vmem>>
        %dma_start3A_202 = tpu.memref_squeeze %dma_start3A_201 : memref<1x88x128xf32, #tpu.memory_space<vmem>> -> memref<88x128xf32, #tpu.memory_space<vmem>>
        %dma_start3A_203 = arith.constant 0 : i32
        %dma_start3A_204 = tpu.memref_slice %arg8[%dma_start3A_197, %dma_start3A_203] : memref<4x88xi32, #tpu.memory_space<vmem>> -> memref<1x88xi32, #tpu.memory_space<vmem>>
        %dma_start3A_205 = tpu.memref_squeeze %dma_start3A_204 : memref<1x88xi32, #tpu.memory_space<vmem>> -> memref<88xi32, #tpu.memory_space<vmem>>
        %dma_start3A_206 = arith.constant 0 : i32
        %dma_start3A_207 = arith.constant 0 : i32
        %dma_start3A_208 = tpu.memref_slice %arg5[%dma_start3A_206, %dma_start3A_207] : memref<70000x128xf32, #tpu.memory_space<hbm>> -> memref<70000x128xf32, #tpu.memory_space<hbm>>
        tpu.enqueue_indirect_dma source(%dma_start3A_208 : memref<70000x128xf32, #tpu.memory_space<hbm>>) target(%dma_start3A_202 : memref<88x128xf32, #tpu.memory_space<vmem>>) offsets(%dma_start3A_205 : memref<88xi32, #tpu.memory_space<vmem>>) semaphore(%arg19 : memref<!tpu.dma_semaphore, #tpu.memory_space<semaphore_mem>>)
      } else {
      }
      %lt3A_142 = arith.cmpi slt, %add3A_120, %squeeze3A : i32
      %convert_element_type3A_143 = arith.extui %lt3A_142 : i1 to i32
      %cond3A_144 = arith.constant 0 : i32
      %cond3A_145 = arith.cmpi ne, %convert_element_type3A_143, %cond3A_144 : i32
      scf.if %cond3A_145 {
        %dma_wait3A_175 = arith.constant 0 : i32
        %dma_wait3A_176 = arith.constant 0 : i32
        %dma_wait3A_177 = arith.constant 0 : i32
        %dma_wait3A_178 = tpu.memref_slice %arg10[%dma_wait3A_175, %dma_wait3A_176, %dma_wait3A_177] : memref<2x88x128xf32, #tpu.memory_space<vmem>> -> memref<1x88x128xf32, #tpu.memory_space<vmem>>
        %dma_wait3A_179 = tpu.memref_squeeze %dma_wait3A_178 : memref<1x88x128xf32, #tpu.memory_space<vmem>> -> memref<88x128xf32, #tpu.memory_space<vmem>>
        %dma_wait3A_180 = arith.constant 0 : i32
        %dma_wait3A_181 = arith.constant 0 : i32
        %dma_wait3A_182 = tpu.memref_slice %arg5[%dma_wait3A_180, %dma_wait3A_181] : memref<70000x128xf32, #tpu.memory_space<hbm>> -> memref<88x128xf32, #tpu.memory_space<hbm>>
        %dma_wait3A_183 = arith.constant 0 : i32
        %dma_wait3A_184 = arith.constant 0 : i32
        %dma_wait3A_185 = tpu.memref_slice %arg10[%dma_wait3A_175, %dma_wait3A_183, %dma_wait3A_184] : memref<2x88x128xf32, #tpu.memory_space<vmem>> -> memref<1x88x128xf32, #tpu.memory_space<vmem>>
        %dma_wait3A_186 = tpu.memref_squeeze %dma_wait3A_185 : memref<1x88x128xf32, #tpu.memory_space<vmem>> -> memref<88x128xf32, #tpu.memory_space<vmem>>
        %dma_wait3A_187 = arith.constant 0 : i32
        %dma_wait3A_188 = arith.constant 0 : i32
        %dma_wait3A_189 = tpu.memref_slice %arg5[%dma_wait3A_187, %dma_wait3A_188] : memref<70000x128xf32, #tpu.memory_space<hbm>> -> memref<88x128xf32, #tpu.memory_space<hbm>>
        tpu.wait_dma2 semaphore(%arg18 : memref<!tpu.dma_semaphore, #tpu.memory_space<semaphore_mem>>) src(%dma_wait3A_189 : memref<88x128xf32, #tpu.memory_space<hbm>>) dst(%dma_wait3A_186 : memref<88x128xf32, #tpu.memory_space<vmem>>)
        %dma_start3A_190 = arith.constant 0 : i32
        %dma_start3A_191 = arith.constant 2 : i32
        %dma_start3A_192 = arith.constant 0 : i32
        %dma_start3A_193 = arith.constant 0 : i32
        %dma_start3A_194 = tpu.memref_slice %arg10[%dma_start3A_190, %dma_start3A_192, %dma_start3A_193] : memref<2x88x128xf32, #tpu.memory_space<vmem>> -> memref<1x88x128xf32, #tpu.memory_space<vmem>>
        %dma_start3A_195 = tpu.memref_squeeze %dma_start3A_194 : memref<1x88x128xf32, #tpu.memory_space<vmem>> -> memref<88x128xf32, #tpu.memory_space<vmem>>
        %dma_start3A_196 = arith.constant 0 : i32
        %dma_start3A_197 = tpu.memref_slice %arg9[%dma_start3A_191, %dma_start3A_196] : memref<4x88xi32, #tpu.memory_space<vmem>> -> memref<1x88xi32, #tpu.memory_space<vmem>>
        %dma_start3A_198 = tpu.memref_squeeze %dma_start3A_197 : memref<1x88xi32, #tpu.memory_space<vmem>> -> memref<88xi32, #tpu.memory_space<vmem>>
        %dma_start3A_199 = arith.constant 0 : i32
        %dma_start3A_200 = arith.constant 0 : i32
        %dma_start3A_201 = tpu.memref_slice %arg13[%dma_start3A_199, %dma_start3A_200] : memref<5120x128xf32, #tpu.memory_space<vmem_shared>> -> memref<5120x128xf32, #tpu.memory_space<vmem_shared>>
        tpu.enqueue_indirect_dma source(%dma_start3A_195 : memref<88x128xf32, #tpu.memory_space<vmem>>) target(%dma_start3A_201 : memref<5120x128xf32, #tpu.memory_space<vmem_shared>>) offsets(%dma_start3A_198 : memref<88xi32, #tpu.memory_space<vmem>>) semaphore(%arg20 : memref<!tpu.dma_semaphore, #tpu.memory_space<semaphore_mem>>) {add = true}
      } else {
      }
      %mul3A_146 = arith.constant 4 : i32
      %mul3A_147 = arith.muli %while3A_60, %mul3A_146 : i32
      %add3A_148 = arith.constant 3 : i32
      %add3A_149 = arith.addi %mul3A_147, %add3A_148 : i32
      %ge3A_150 = arith.constant 1 : i32
      %ge3A_151 = arith.cmpi sge, %add3A_149, %ge3A_150 : i32
      %sub3A_152 = arith.constant 1 : i32
      %sub3A_153 = arith.subi %add3A_149, %sub3A_152 : i32
      %lt3A_154 = arith.cmpi slt, %sub3A_153, %squeeze3A : i32
      %and3A_155 = arith.andi %ge3A_151, %lt3A_154 : i1
      %convert_element_type3A_156 = arith.extui %and3A_155 : i1 to i32
      %cond3A_157 = arith.constant 0 : i32
      %cond3A_158 = arith.cmpi ne, %convert_element_type3A_156, %cond3A_157 : i32
      scf.if %cond3A_158 {
        %dma_wait3A_175 = arith.constant 0 : i32
        %dma_wait3A_176 = arith.constant 0 : i32
        %dma_wait3A_177 = arith.constant 0 : i32
        %dma_wait3A_178 = tpu.memref_slice %arg10[%dma_wait3A_175, %dma_wait3A_176, %dma_wait3A_177] : memref<2x88x128xf32, #tpu.memory_space<vmem>> -> memref<1x88x128xf32, #tpu.memory_space<vmem>>
        %dma_wait3A_179 = tpu.memref_squeeze %dma_wait3A_178 : memref<1x88x128xf32, #tpu.memory_space<vmem>> -> memref<88x128xf32, #tpu.memory_space<vmem>>
        %dma_wait3A_180 = arith.constant 0 : i32
        %dma_wait3A_181 = arith.constant 0 : i32
        %dma_wait3A_182 = tpu.memref_slice %arg13[%dma_wait3A_180, %dma_wait3A_181] : memref<5120x128xf32, #tpu.memory_space<vmem_shared>> -> memref<88x128xf32, #tpu.memory_space<vmem_shared>>
        %dma_wait3A_183 = arith.constant 0 : i32
        %dma_wait3A_184 = arith.constant 0 : i32
        %dma_wait3A_185 = tpu.memref_slice %arg13[%dma_wait3A_183, %dma_wait3A_184] : memref<5120x128xf32, #tpu.memory_space<vmem_shared>> -> memref<88x128xf32, #tpu.memory_space<vmem_shared>>
        %dma_wait3A_186 = arith.constant 0 : i32
        %dma_wait3A_187 = arith.constant 0 : i32
        %dma_wait3A_188 = tpu.memref_slice %arg10[%dma_wait3A_175, %dma_wait3A_186, %dma_wait3A_187] : memref<2x88x128xf32, #tpu.memory_space<vmem>> -> memref<1x88x128xf32, #tpu.memory_space<vmem>>
        %dma_wait3A_189 = tpu.memref_squeeze %dma_wait3A_188 : memref<1x88x128xf32, #tpu.memory_space<vmem>> -> memref<88x128xf32, #tpu.memory_space<vmem>>
        tpu.wait_dma2 semaphore(%arg20 : memref<!tpu.dma_semaphore, #tpu.memory_space<semaphore_mem>>) src(%dma_wait3A_189 : memref<88x128xf32, #tpu.memory_space<vmem>>) dst(%dma_wait3A_185 : memref<88x128xf32, #tpu.memory_space<vmem_shared>>)
      } else {
      }
      %add3A_159 = arith.constant 3 : i32
      %add3A_160 = arith.addi %add3A_149, %add3A_159 : i32
      %lt3A_161 = arith.cmpi slt, %add3A_160, %squeeze3A : i32
      %convert_element_type3A_162 = arith.extui %lt3A_161 : i1 to i32
      %cond3A_163 = arith.constant 0 : i32
      %cond3A_164 = arith.cmpi ne, %convert_element_type3A_162, %cond3A_163 : i32
      scf.if %cond3A_164 {
        %add3A_175 = arith.constant 3 : i32
        %add3A_176 = arith.addi %add3A_149, %add3A_175 : i32
        %mul3A_177 = arith.constant 88 : i32
        %mul3A_178 = arith.muli %add3A_176, %mul3A_177 : i32
        %add3A_179 = arith.addi %mul3A_4, %mul3A_178 : i32
        %multiple_of3A = tpu.assume_multiple %add3A_179, 8 : i32
        %dma_start3A_180 = arith.constant 2 : i32
        %dma_start3A_181 = arith.constant 0 : i32
        %dma_start3A_182 = tpu.memref_slice %arg8[%dma_start3A_180, %dma_start3A_181] : memref<4x88xi32, #tpu.memory_space<vmem>> -> memref<1x88xi32, #tpu.memory_space<vmem>>
        %dma_start3A_183 = tpu.memref_squeeze %dma_start3A_182 : memref<1x88xi32, #tpu.memory_space<vmem>> -> memref<88xi32, #tpu.memory_space<vmem>>
        %dma_start3A_184 = tpu.memref_slice %arg2[%multiple_of3A] : memref<658944xi32, #tpu.memory_space<hbm>> -> memref<88xi32, #tpu.memory_space<hbm>>
        %dma_start3A_185 = arith.constant 0 : i32
        %dma_start3A_186 = tpu.memref_slice %arg8[%dma_start3A_180, %dma_start3A_185] : memref<4x88xi32, #tpu.memory_space<vmem>> -> memref<1x88xi32, #tpu.memory_space<vmem>>
        %dma_start3A_187 = tpu.memref_squeeze %dma_start3A_186 : memref<1x88xi32, #tpu.memory_space<vmem>> -> memref<88xi32, #tpu.memory_space<vmem>>
        %dma_start3A_188 = tpu.memref_slice %arg2[%multiple_of3A] : memref<658944xi32, #tpu.memory_space<hbm>> -> memref<88xi32, #tpu.memory_space<hbm>>
        tpu.enqueue_dma source(%dma_start3A_188 : memref<88xi32, #tpu.memory_space<hbm>>) target(%dma_start3A_187 : memref<88xi32, #tpu.memory_space<vmem>>) target_semaphore(%arg16 : memref<!tpu.dma_semaphore, #tpu.memory_space<semaphore_mem>>)
        %dma_start3A_189 = arith.constant 2 : i32
        %dma_start3A_190 = arith.constant 0 : i32
        %dma_start3A_191 = tpu.memref_slice %arg9[%dma_start3A_189, %dma_start3A_190] : memref<4x88xi32, #tpu.memory_space<vmem>> -> memref<1x88xi32, #tpu.memory_space<vmem>>
        %dma_start3A_192 = tpu.memref_squeeze %dma_start3A_191 : memref<1x88xi32, #tpu.memory_space<vmem>> -> memref<88xi32, #tpu.memory_space<vmem>>
        %dma_start3A_193 = tpu.memref_slice %arg3[%multiple_of3A] : memref<658944xi32, #tpu.memory_space<hbm>> -> memref<88xi32, #tpu.memory_space<hbm>>
        %dma_start3A_194 = arith.constant 0 : i32
        %dma_start3A_195 = tpu.memref_slice %arg9[%dma_start3A_189, %dma_start3A_194] : memref<4x88xi32, #tpu.memory_space<vmem>> -> memref<1x88xi32, #tpu.memory_space<vmem>>
        %dma_start3A_196 = tpu.memref_squeeze %dma_start3A_195 : memref<1x88xi32, #tpu.memory_space<vmem>> -> memref<88xi32, #tpu.memory_space<vmem>>
        %dma_start3A_197 = tpu.memref_slice %arg3[%multiple_of3A] : memref<658944xi32, #tpu.memory_space<hbm>> -> memref<88xi32, #tpu.memory_space<hbm>>
        tpu.enqueue_dma source(%dma_start3A_197 : memref<88xi32, #tpu.memory_space<hbm>>) target(%dma_start3A_196 : memref<88xi32, #tpu.memory_space<vmem>>) target_semaphore(%arg16 : memref<!tpu.dma_semaphore, #tpu.memory_space<semaphore_mem>>)
      } else {
      }
      %add3A_165 = arith.constant 1 : i32
      %add3A_166 = arith.addi %add3A_149, %add3A_165 : i32
      %lt3A_167 = arith.cmpi slt, %add3A_166, %squeeze3A : i32
      %convert_element_type3A_168 = arith.extui %lt3A_167 : i1 to i32
      %cond3A_169 = arith.constant 0 : i32
      %cond3A_170 = arith.cmpi ne, %convert_element_type3A_168, %cond3A_169 : i32
      scf.if %cond3A_170 {
        %dma_wait3A_175 = arith.constant 0 : i32
        %dma_wait3A_176 = arith.constant 0 : i32
        %dma_wait3A_177 = tpu.memref_slice %arg8[%dma_wait3A_175, %dma_wait3A_176] : memref<4x88xi32, #tpu.memory_space<vmem>> -> memref<1x88xi32, #tpu.memory_space<vmem>>
        %dma_wait3A_178 = tpu.memref_squeeze %dma_wait3A_177 : memref<1x88xi32, #tpu.memory_space<vmem>> -> memref<88xi32, #tpu.memory_space<vmem>>
        %dma_wait3A_179 = arith.constant 0 : i32
        %dma_wait3A_180 = tpu.memref_slice %arg2[%dma_wait3A_179] : memref<658944xi32, #tpu.memory_space<hbm>> -> memref<88xi32, #tpu.memory_space<hbm>>
        %dma_wait3A_181 = arith.constant 0 : i32
        %dma_wait3A_182 = tpu.memref_slice %arg8[%dma_wait3A_175, %dma_wait3A_181] : memref<4x88xi32, #tpu.memory_space<vmem>> -> memref<1x88xi32, #tpu.memory_space<vmem>>
        %dma_wait3A_183 = tpu.memref_squeeze %dma_wait3A_182 : memref<1x88xi32, #tpu.memory_space<vmem>> -> memref<88xi32, #tpu.memory_space<vmem>>
        %dma_wait3A_184 = arith.constant 0 : i32
        %dma_wait3A_185 = tpu.memref_slice %arg2[%dma_wait3A_184] : memref<658944xi32, #tpu.memory_space<hbm>> -> memref<88xi32, #tpu.memory_space<hbm>>
        tpu.wait_dma2 semaphore(%arg14 : memref<!tpu.dma_semaphore, #tpu.memory_space<semaphore_mem>>) src(%dma_wait3A_185 : memref<88xi32, #tpu.memory_space<hbm>>) dst(%dma_wait3A_183 : memref<88xi32, #tpu.memory_space<vmem>>)
        %dma_wait3A_186 = arith.constant 0 : i32
        %dma_wait3A_187 = arith.constant 0 : i32
        %dma_wait3A_188 = tpu.memref_slice %arg9[%dma_wait3A_186, %dma_wait3A_187] : memref<4x88xi32, #tpu.memory_space<vmem>> -> memref<1x88xi32, #tpu.memory_space<vmem>>
        %dma_wait3A_189 = tpu.memref_squeeze %dma_wait3A_188 : memref<1x88xi32, #tpu.memory_space<vmem>> -> memref<88xi32, #tpu.memory_space<vmem>>
        %dma_wait3A_190 = arith.constant 0 : i32
        %dma_wait3A_191 = tpu.memref_slice %arg2[%dma_wait3A_190] : memref<658944xi32, #tpu.memory_space<hbm>> -> memref<88xi32, #tpu.memory_space<hbm>>
        %dma_wait3A_192 = arith.constant 0 : i32
        %dma_wait3A_193 = tpu.memref_slice %arg9[%dma_wait3A_186, %dma_wait3A_192] : memref<4x88xi32, #tpu.memory_space<vmem>> -> memref<1x88xi32, #tpu.memory_space<vmem>>
        %dma_wait3A_194 = tpu.memref_squeeze %dma_wait3A_193 : memref<1x88xi32, #tpu.memory_space<vmem>> -> memref<88xi32, #tpu.memory_space<vmem>>
        %dma_wait3A_195 = arith.constant 0 : i32
        %dma_wait3A_196 = tpu.memref_slice %arg2[%dma_wait3A_195] : memref<658944xi32, #tpu.memory_space<hbm>> -> memref<88xi32, #tpu.memory_space<hbm>>
        tpu.wait_dma2 semaphore(%arg14 : memref<!tpu.dma_semaphore, #tpu.memory_space<semaphore_mem>>) src(%dma_wait3A_196 : memref<88xi32, #tpu.memory_space<hbm>>) dst(%dma_wait3A_194 : memref<88xi32, #tpu.memory_space<vmem>>)
        %dma_start3A_197 = arith.constant 0 : i32
        %dma_start3A_198 = arith.constant 0 : i32
        %dma_start3A_199 = arith.constant 0 : i32
        %dma_start3A_200 = arith.constant 0 : i32
        %dma_start3A_201 = tpu.memref_slice %arg10[%dma_start3A_198, %dma_start3A_199, %dma_start3A_200] : memref<2x88x128xf32, #tpu.memory_space<vmem>> -> memref<1x88x128xf32, #tpu.memory_space<vmem>>
        %dma_start3A_202 = tpu.memref_squeeze %dma_start3A_201 : memref<1x88x128xf32, #tpu.memory_space<vmem>> -> memref<88x128xf32, #tpu.memory_space<vmem>>
        %dma_start3A_203 = arith.constant 0 : i32
        %dma_start3A_204 = tpu.memref_slice %arg8[%dma_start3A_197, %dma_start3A_203] : memref<4x88xi32, #tpu.memory_space<vmem>> -> memref<1x88xi32, #tpu.memory_space<vmem>>
        %dma_start3A_205 = tpu.memref_squeeze %dma_start3A_204 : memref<1x88xi32, #tpu.memory_space<vmem>> -> memref<88xi32, #tpu.memory_space<vmem>>
        %dma_start3A_206 = arith.constant 0 : i32
        %dma_start3A_207 = arith.constant 0 : i32
        %dma_start3A_208 = tpu.memref_slice %arg5[%dma_start3A_206, %dma_start3A_207] : memref<70000x128xf32, #tpu.memory_space<hbm>> -> memref<70000x128xf32, #tpu.memory_space<hbm>>
        tpu.enqueue_indirect_dma source(%dma_start3A_208 : memref<70000x128xf32, #tpu.memory_space<hbm>>) target(%dma_start3A_202 : memref<88x128xf32, #tpu.memory_space<vmem>>) offsets(%dma_start3A_205 : memref<88xi32, #tpu.memory_space<vmem>>) semaphore(%arg18 : memref<!tpu.dma_semaphore, #tpu.memory_space<semaphore_mem>>)
      } else {
      }
      %lt3A_171 = arith.cmpi slt, %add3A_149, %squeeze3A : i32
      %convert_element_type3A_172 = arith.extui %lt3A_171 : i1 to i32
      %cond3A_173 = arith.constant 0 : i32
      %cond3A_174 = arith.cmpi ne, %convert_element_type3A_172, %cond3A_173 : i32
      scf.if %cond3A_174 {
        %dma_wait3A_175 = arith.constant 1 : i32
        %dma_wait3A_176 = arith.constant 0 : i32
        %dma_wait3A_177 = arith.constant 0 : i32
        %dma_wait3A_178 = tpu.memref_slice %arg10[%dma_wait3A_175, %dma_wait3A_176, %dma_wait3A_177] : memref<2x88x128xf32, #tpu.memory_space<vmem>> -> memref<1x88x128xf32, #tpu.memory_space<vmem>>
        %dma_wait3A_179 = tpu.memref_squeeze %dma_wait3A_178 : memref<1x88x128xf32, #tpu.memory_space<vmem>> -> memref<88x128xf32, #tpu.memory_space<vmem>>
        %dma_wait3A_180 = arith.constant 0 : i32
        %dma_wait3A_181 = arith.constant 0 : i32
        %dma_wait3A_182 = tpu.memref_slice %arg5[%dma_wait3A_180, %dma_wait3A_181] : memref<70000x128xf32, #tpu.memory_space<hbm>> -> memref<88x128xf32, #tpu.memory_space<hbm>>
        %dma_wait3A_183 = arith.constant 0 : i32
        %dma_wait3A_184 = arith.constant 0 : i32
        %dma_wait3A_185 = tpu.memref_slice %arg10[%dma_wait3A_175, %dma_wait3A_183, %dma_wait3A_184] : memref<2x88x128xf32, #tpu.memory_space<vmem>> -> memref<1x88x128xf32, #tpu.memory_space<vmem>>
        %dma_wait3A_186 = tpu.memref_squeeze %dma_wait3A_185 : memref<1x88x128xf32, #tpu.memory_space<vmem>> -> memref<88x128xf32, #tpu.memory_space<vmem>>
        %dma_wait3A_187 = arith.constant 0 : i32
        %dma_wait3A_188 = arith.constant 0 : i32
        %dma_wait3A_189 = tpu.memref_slice %arg5[%dma_wait3A_187, %dma_wait3A_188] : memref<70000x128xf32, #tpu.memory_space<hbm>> -> memref<88x128xf32, #tpu.memory_space<hbm>>
        tpu.wait_dma2 semaphore(%arg19 : memref<!tpu.dma_semaphore, #tpu.memory_space<semaphore_mem>>) src(%dma_wait3A_189 : memref<88x128xf32, #tpu.memory_space<hbm>>) dst(%dma_wait3A_186 : memref<88x128xf32, #tpu.memory_space<vmem>>)
        %dma_start3A_190 = arith.constant 1 : i32
        %dma_start3A_191 = arith.constant 3 : i32
        %dma_start3A_192 = arith.constant 0 : i32
        %dma_start3A_193 = arith.constant 0 : i32
        %dma_start3A_194 = tpu.memref_slice %arg10[%dma_start3A_190, %dma_start3A_192, %dma_start3A_193] : memref<2x88x128xf32, #tpu.memory_space<vmem>> -> memref<1x88x128xf32, #tpu.memory_space<vmem>>
        %dma_start3A_195 = tpu.memref_squeeze %dma_start3A_194 : memref<1x88x128xf32, #tpu.memory_space<vmem>> -> memref<88x128xf32, #tpu.memory_space<vmem>>
        %dma_start3A_196 = arith.constant 0 : i32
        %dma_start3A_197 = tpu.memref_slice %arg9[%dma_start3A_191, %dma_start3A_196] : memref<4x88xi32, #tpu.memory_space<vmem>> -> memref<1x88xi32, #tpu.memory_space<vmem>>
        %dma_start3A_198 = tpu.memref_squeeze %dma_start3A_197 : memref<1x88xi32, #tpu.memory_space<vmem>> -> memref<88xi32, #tpu.memory_space<vmem>>
        %dma_start3A_199 = arith.constant 0 : i32
        %dma_start3A_200 = arith.constant 0 : i32
        %dma_start3A_201 = tpu.memref_slice %arg13[%dma_start3A_199, %dma_start3A_200] : memref<5120x128xf32, #tpu.memory_space<vmem_shared>> -> memref<5120x128xf32, #tpu.memory_space<vmem_shared>>
        tpu.enqueue_indirect_dma source(%dma_start3A_195 : memref<88x128xf32, #tpu.memory_space<vmem>>) target(%dma_start3A_201 : memref<5120x128xf32, #tpu.memory_space<vmem_shared>>) offsets(%dma_start3A_198 : memref<88xi32, #tpu.memory_space<vmem>>) semaphore(%arg21 : memref<!tpu.dma_semaphore, #tpu.memory_space<semaphore_mem>>) {add = true}
      } else {
      }
    }
    %while3A_58 = arith.constant 1 : i32
    scf.for %while3A_60 = %while3A_56 to %while3A_52 step %while3A_58  : i32 {
      %mul3A_61 = arith.constant 4 : i32
      %mul3A_62 = arith.muli %while3A_60, %mul3A_61 : i32
      %add3A_63 = arith.constant 0 : i32
      %add3A_64 = arith.addi %mul3A_62, %add3A_63 : i32
      %ge3A = arith.constant 1 : i32
      %ge3A_65 = arith.cmpi sge, %add3A_64, %ge3A : i32
      %sub3A_66 = arith.constant 1 : i32
      %sub3A_67 = arith.subi %add3A_64, %sub3A_66 : i32
      %lt3A = arith.cmpi slt, %sub3A_67, %squeeze3A : i32
      %and3A_68 = arith.andi %ge3A_65, %lt3A : i1
      %convert_element_type3A_69 = arith.extui %and3A_68 : i1 to i32
      %cond3A_70 = arith.constant 0 : i32
      %cond3A_71 = arith.cmpi ne, %convert_element_type3A_69, %cond3A_70 : i32
      scf.if %cond3A_71 {
        %dma_wait3A_175 = arith.constant 1 : i32
        %dma_wait3A_176 = arith.constant 0 : i32
        %dma_wait3A_177 = arith.constant 0 : i32
        %dma_wait3A_178 = tpu.memref_slice %arg10[%dma_wait3A_175, %dma_wait3A_176, %dma_wait3A_177] : memref<2x88x128xf32, #tpu.memory_space<vmem>> -> memref<1x88x128xf32, #tpu.memory_space<vmem>>
        %dma_wait3A_179 = tpu.memref_squeeze %dma_wait3A_178 : memref<1x88x128xf32, #tpu.memory_space<vmem>> -> memref<88x128xf32, #tpu.memory_space<vmem>>
        %dma_wait3A_180 = arith.constant 0 : i32
        %dma_wait3A_181 = arith.constant 0 : i32
        %dma_wait3A_182 = tpu.memref_slice %arg13[%dma_wait3A_180, %dma_wait3A_181] : memref<5120x128xf32, #tpu.memory_space<vmem_shared>> -> memref<88x128xf32, #tpu.memory_space<vmem_shared>>
        %dma_wait3A_183 = arith.constant 0 : i32
        %dma_wait3A_184 = arith.constant 0 : i32
        %dma_wait3A_185 = tpu.memref_slice %arg13[%dma_wait3A_183, %dma_wait3A_184] : memref<5120x128xf32, #tpu.memory_space<vmem_shared>> -> memref<88x128xf32, #tpu.memory_space<vmem_shared>>
        %dma_wait3A_186 = arith.constant 0 : i32
        %dma_wait3A_187 = arith.constant 0 : i32
        %dma_wait3A_188 = tpu.memref_slice %arg10[%dma_wait3A_175, %dma_wait3A_186, %dma_wait3A_187] : memref<2x88x128xf32, #tpu.memory_space<vmem>> -> memref<1x88x128xf32, #tpu.memory_space<vmem>>
        %dma_wait3A_189 = tpu.memref_squeeze %dma_wait3A_188 : memref<1x88x128xf32, #tpu.memory_space<vmem>> -> memref<88x128xf32, #tpu.memory_space<vmem>>
        tpu.wait_dma2 semaphore(%arg21 : memref<!tpu.dma_semaphore, #tpu.memory_space<semaphore_mem>>) src(%dma_wait3A_189 : memref<88x128xf32, #tpu.memory_space<vmem>>) dst(%dma_wait3A_185 : memref<88x128xf32, #tpu.memory_space<vmem_shared>>)
      } else {
      }
      %add3A_72 = arith.constant 3 : i32
      %add3A_73 = arith.addi %add3A_64, %add3A_72 : i32
      %lt3A_74 = arith.cmpi slt, %add3A_73, %squeeze3A : i32
      %convert_element_type3A_75 = arith.extui %lt3A_74 : i1 to i32
      %cond3A_76 = arith.constant 0 : i32
      %cond3A_77 = arith.cmpi ne, %convert_element_type3A_75, %cond3A_76 : i32
      scf.if %cond3A_77 {
        %add3A_175 = arith.constant 3 : i32
        %add3A_176 = arith.addi %add3A_64, %add3A_175 : i32
        %mul3A_177 = arith.constant 88 : i32
        %mul3A_178 = arith.muli %add3A_176, %mul3A_177 : i32
        %add3A_179 = arith.addi %mul3A_4, %mul3A_178 : i32
        %multiple_of3A = tpu.assume_multiple %add3A_179, 8 : i32
        %dma_start3A_180 = arith.constant 3 : i32
        %dma_start3A_181 = arith.constant 0 : i32
        %dma_start3A_182 = tpu.memref_slice %arg8[%dma_start3A_180, %dma_start3A_181] : memref<4x88xi32, #tpu.memory_space<vmem>> -> memref<1x88xi32, #tpu.memory_space<vmem>>
        %dma_start3A_183 = tpu.memref_squeeze %dma_start3A_182 : memref<1x88xi32, #tpu.memory_space<vmem>> -> memref<88xi32, #tpu.memory_space<vmem>>
        %dma_start3A_184 = tpu.memref_slice %arg2[%multiple_of3A] : memref<658944xi32, #tpu.memory_space<hbm>> -> memref<88xi32, #tpu.memory_space<hbm>>
        %dma_start3A_185 = arith.constant 0 : i32
        %dma_start3A_186 = tpu.memref_slice %arg8[%dma_start3A_180, %dma_start3A_185] : memref<4x88xi32, #tpu.memory_space<vmem>> -> memref<1x88xi32, #tpu.memory_space<vmem>>
        %dma_start3A_187 = tpu.memref_squeeze %dma_start3A_186 : memref<1x88xi32, #tpu.memory_space<vmem>> -> memref<88xi32, #tpu.memory_space<vmem>>
        %dma_start3A_188 = tpu.memref_slice %arg2[%multiple_of3A] : memref<658944xi32, #tpu.memory_space<hbm>> -> memref<88xi32, #tpu.memory_space<hbm>>
        tpu.enqueue_dma source(%dma_start3A_188 : memref<88xi32, #tpu.memory_space<hbm>>) target(%dma_start3A_187 : memref<88xi32, #tpu.memory_space<vmem>>) target_semaphore(%arg17 : memref<!tpu.dma_semaphore, #tpu.memory_space<semaphore_mem>>)
        %dma_start3A_189 = arith.constant 3 : i32
        %dma_start3A_190 = arith.constant 0 : i32
        %dma_start3A_191 = tpu.memref_slice %arg9[%dma_start3A_189, %dma_start3A_190] : memref<4x88xi32, #tpu.memory_space<vmem>> -> memref<1x88xi32, #tpu.memory_space<vmem>>
        %dma_start3A_192 = tpu.memref_squeeze %dma_start3A_191 : memref<1x88xi32, #tpu.memory_space<vmem>> -> memref<88xi32, #tpu.memory_space<vmem>>
        %dma_start3A_193 = tpu.memref_slice %arg3[%multiple_of3A] : memref<658944xi32, #tpu.memory_space<hbm>> -> memref<88xi32, #tpu.memory_space<hbm>>
        %dma_start3A_194 = arith.constant 0 : i32
        %dma_start3A_195 = tpu.memref_slice %arg9[%dma_start3A_189, %dma_start3A_194] : memref<4x88xi32, #tpu.memory_space<vmem>> -> memref<1x88xi32, #tpu.memory_space<vmem>>
        %dma_start3A_196 = tpu.memref_squeeze %dma_start3A_195 : memref<1x88xi32, #tpu.memory_space<vmem>> -> memref<88xi32, #tpu.memory_space<vmem>>
        %dma_start3A_197 = tpu.memref_slice %arg3[%multiple_of3A] : memref<658944xi32, #tpu.memory_space<hbm>> -> memref<88xi32, #tpu.memory_space<hbm>>
        tpu.enqueue_dma source(%dma_start3A_197 : memref<88xi32, #tpu.memory_space<hbm>>) target(%dma_start3A_196 : memref<88xi32, #tpu.memory_space<vmem>>) target_semaphore(%arg17 : memref<!tpu.dma_semaphore, #tpu.memory_space<semaphore_mem>>)
      } else {
      }
      %add3A_78 = arith.constant 1 : i32
      %add3A_79 = arith.addi %add3A_64, %add3A_78 : i32
      %lt3A_80 = arith.cmpi slt, %add3A_79, %squeeze3A : i32
      %convert_element_type3A_81 = arith.extui %lt3A_80 : i1 to i32
      %cond3A_82 = arith.constant 0 : i32
      %cond3A_83 = arith.cmpi ne, %convert_element_type3A_81, %cond3A_82 : i32
      scf.if %cond3A_83 {
        %dma_wait3A_175 = arith.constant 1 : i32
        %dma_wait3A_176 = arith.constant 0 : i32
        %dma_wait3A_177 = tpu.memref_slice %arg8[%dma_wait3A_175, %dma_wait3A_176] : memref<4x88xi32, #tpu.memory_space<vmem>> -> memref<1x88xi32, #tpu.memory_space<vmem>>
        %dma_wait3A_178 = tpu.memref_squeeze %dma_wait3A_177 : memref<1x88xi32, #tpu.memory_space<vmem>> -> memref<88xi32, #tpu.memory_space<vmem>>
        %dma_wait3A_179 = arith.constant 0 : i32
        %dma_wait3A_180 = tpu.memref_slice %arg2[%dma_wait3A_179] : memref<658944xi32, #tpu.memory_space<hbm>> -> memref<88xi32, #tpu.memory_space<hbm>>
        %dma_wait3A_181 = arith.constant 0 : i32
        %dma_wait3A_182 = tpu.memref_slice %arg8[%dma_wait3A_175, %dma_wait3A_181] : memref<4x88xi32, #tpu.memory_space<vmem>> -> memref<1x88xi32, #tpu.memory_space<vmem>>
        %dma_wait3A_183 = tpu.memref_squeeze %dma_wait3A_182 : memref<1x88xi32, #tpu.memory_space<vmem>> -> memref<88xi32, #tpu.memory_space<vmem>>
        %dma_wait3A_184 = arith.constant 0 : i32
        %dma_wait3A_185 = tpu.memref_slice %arg2[%dma_wait3A_184] : memref<658944xi32, #tpu.memory_space<hbm>> -> memref<88xi32, #tpu.memory_space<hbm>>
        tpu.wait_dma2 semaphore(%arg15 : memref<!tpu.dma_semaphore, #tpu.memory_space<semaphore_mem>>) src(%dma_wait3A_185 : memref<88xi32, #tpu.memory_space<hbm>>) dst(%dma_wait3A_183 : memref<88xi32, #tpu.memory_space<vmem>>)
        %dma_wait3A_186 = arith.constant 1 : i32
        %dma_wait3A_187 = arith.constant 0 : i32
        %dma_wait3A_188 = tpu.memref_slice %arg9[%dma_wait3A_186, %dma_wait3A_187] : memref<4x88xi32, #tpu.memory_space<vmem>> -> memref<1x88xi32, #tpu.memory_space<vmem>>
        %dma_wait3A_189 = tpu.memref_squeeze %dma_wait3A_188 : memref<1x88xi32, #tpu.memory_space<vmem>> -> memref<88xi32, #tpu.memory_space<vmem>>
        %dma_wait3A_190 = arith.constant 0 : i32
        %dma_wait3A_191 = tpu.memref_slice %arg2[%dma_wait3A_190] : memref<658944xi32, #tpu.memory_space<hbm>> -> memref<88xi32, #tpu.memory_space<hbm>>
        %dma_wait3A_192 = arith.constant 0 : i32
        %dma_wait3A_193 = tpu.memref_slice %arg9[%dma_wait3A_186, %dma_wait3A_192] : memref<4x88xi32, #tpu.memory_space<vmem>> -> memref<1x88xi32, #tpu.memory_space<vmem>>
        %dma_wait3A_194 = tpu.memref_squeeze %dma_wait3A_193 : memref<1x88xi32, #tpu.memory_space<vmem>> -> memref<88xi32, #tpu.memory_space<vmem>>
        %dma_wait3A_195 = arith.constant 0 : i32
        %dma_wait3A_196 = tpu.memref_slice %arg2[%dma_wait3A_195] : memref<658944xi32, #tpu.memory_space<hbm>> -> memref<88xi32, #tpu.memory_space<hbm>>
        tpu.wait_dma2 semaphore(%arg15 : memref<!tpu.dma_semaphore, #tpu.memory_space<semaphore_mem>>) src(%dma_wait3A_196 : memref<88xi32, #tpu.memory_space<hbm>>) dst(%dma_wait3A_194 : memref<88xi32, #tpu.memory_space<vmem>>)
        %dma_start3A_197 = arith.constant 1 : i32
        %dma_start3A_198 = arith.constant 1 : i32
        %dma_start3A_199 = arith.constant 0 : i32
        %dma_start3A_200 = arith.constant 0 : i32
        %dma_start3A_201 = tpu.memref_slice %arg10[%dma_start3A_198, %dma_start3A_199, %dma_start3A_200] : memref<2x88x128xf32, #tpu.memory_space<vmem>> -> memref<1x88x128xf32, #tpu.memory_space<vmem>>
        %dma_start3A_202 = tpu.memref_squeeze %dma_start3A_201 : memref<1x88x128xf32, #tpu.memory_space<vmem>> -> memref<88x128xf32, #tpu.memory_space<vmem>>
        %dma_start3A_203 = arith.constant 0 : i32
        %dma_start3A_204 = tpu.memref_slice %arg8[%dma_start3A_197, %dma_start3A_203] : memref<4x88xi32, #tpu.memory_space<vmem>> -> memref<1x88xi32, #tpu.memory_space<vmem>>
        %dma_start3A_205 = tpu.memref_squeeze %dma_start3A_204 : memref<1x88xi32, #tpu.memory_space<vmem>> -> memref<88xi32, #tpu.memory_space<vmem>>
        %dma_start3A_206 = arith.constant 0 : i32
        %dma_start3A_207 = arith.constant 0 : i32
        %dma_start3A_208 = tpu.memref_slice %arg5[%dma_start3A_206, %dma_start3A_207] : memref<70000x128xf32, #tpu.memory_space<hbm>> -> memref<70000x128xf32, #tpu.memory_space<hbm>>
        tpu.enqueue_indirect_dma source(%dma_start3A_208 : memref<70000x128xf32, #tpu.memory_space<hbm>>) target(%dma_start3A_202 : memref<88x128xf32, #tpu.memory_space<vmem>>) offsets(%dma_start3A_205 : memref<88xi32, #tpu.memory_space<vmem>>) semaphore(%arg19 : memref<!tpu.dma_semaphore, #tpu.memory_space<semaphore_mem>>)
      } else {
      }
      %lt3A_84 = arith.cmpi slt, %add3A_64, %squeeze3A : i32
      %convert_element_type3A_85 = arith.extui %lt3A_84 : i1 to i32
      %cond3A_86 = arith.constant 0 : i32
      %cond3A_87 = arith.cmpi ne, %convert_element_type3A_85, %cond3A_86 : i32
      scf.if %cond3A_87 {
        %dma_wait3A_175 = arith.constant 0 : i32
        %dma_wait3A_176 = arith.constant 0 : i32
        %dma_wait3A_177 = arith.constant 0 : i32
        %dma_wait3A_178 = tpu.memref_slice %arg10[%dma_wait3A_175, %dma_wait3A_176, %dma_wait3A_177] : memref<2x88x128xf32, #tpu.memory_space<vmem>> -> memref<1x88x128xf32, #tpu.memory_space<vmem>>
        %dma_wait3A_179 = tpu.memref_squeeze %dma_wait3A_178 : memref<1x88x128xf32, #tpu.memory_space<vmem>> -> memref<88x128xf32, #tpu.memory_space<vmem>>
        %dma_wait3A_180 = arith.constant 0 : i32
        %dma_wait3A_181 = arith.constant 0 : i32
        %dma_wait3A_182 = tpu.memref_slice %arg5[%dma_wait3A_180, %dma_wait3A_181] : memref<70000x128xf32, #tpu.memory_space<hbm>> -> memref<88x128xf32, #tpu.memory_space<hbm>>
        %dma_wait3A_183 = arith.constant 0 : i32
        %dma_wait3A_184 = arith.constant 0 : i32
        %dma_wait3A_185 = tpu.memref_slice %arg10[%dma_wait3A_175, %dma_wait3A_183, %dma_wait3A_184] : memref<2x88x128xf32, #tpu.memory_space<vmem>> -> memref<1x88x128xf32, #tpu.memory_space<vmem>>
        %dma_wait3A_186 = tpu.memref_squeeze %dma_wait3A_185 : memref<1x88x128xf32, #tpu.memory_space<vmem>> -> memref<88x128xf32, #tpu.memory_space<vmem>>
        %dma_wait3A_187 = arith.constant 0 : i32
        %dma_wait3A_188 = arith.constant 0 : i32
        %dma_wait3A_189 = tpu.memref_slice %arg5[%dma_wait3A_187, %dma_wait3A_188] : memref<70000x128xf32, #tpu.memory_space<hbm>> -> memref<88x128xf32, #tpu.memory_space<hbm>>
        tpu.wait_dma2 semaphore(%arg18 : memref<!tpu.dma_semaphore, #tpu.memory_space<semaphore_mem>>) src(%dma_wait3A_189 : memref<88x128xf32, #tpu.memory_space<hbm>>) dst(%dma_wait3A_186 : memref<88x128xf32, #tpu.memory_space<vmem>>)
        %dma_start3A_190 = arith.constant 0 : i32
        %dma_start3A_191 = arith.constant 0 : i32
        %dma_start3A_192 = arith.constant 0 : i32
        %dma_start3A_193 = arith.constant 0 : i32
        %dma_start3A_194 = tpu.memref_slice %arg10[%dma_start3A_190, %dma_start3A_192, %dma_start3A_193] : memref<2x88x128xf32, #tpu.memory_space<vmem>> -> memref<1x88x128xf32, #tpu.memory_space<vmem>>
        %dma_start3A_195 = tpu.memref_squeeze %dma_start3A_194 : memref<1x88x128xf32, #tpu.memory_space<vmem>> -> memref<88x128xf32, #tpu.memory_space<vmem>>
        %dma_start3A_196 = arith.constant 0 : i32
        %dma_start3A_197 = tpu.memref_slice %arg9[%dma_start3A_191, %dma_start3A_196] : memref<4x88xi32, #tpu.memory_space<vmem>> -> memref<1x88xi32, #tpu.memory_space<vmem>>
        %dma_start3A_198 = tpu.memref_squeeze %dma_start3A_197 : memref<1x88xi32, #tpu.memory_space<vmem>> -> memref<88xi32, #tpu.memory_space<vmem>>
        %dma_start3A_199 = arith.constant 0 : i32
        %dma_start3A_200 = arith.constant 0 : i32
        %dma_start3A_201 = tpu.memref_slice %arg13[%dma_start3A_199, %dma_start3A_200] : memref<5120x128xf32, #tpu.memory_space<vmem_shared>> -> memref<5120x128xf32, #tpu.memory_space<vmem_shared>>
        tpu.enqueue_indirect_dma source(%dma_start3A_195 : memref<88x128xf32, #tpu.memory_space<vmem>>) target(%dma_start3A_201 : memref<5120x128xf32, #tpu.memory_space<vmem_shared>>) offsets(%dma_start3A_198 : memref<88xi32, #tpu.memory_space<vmem>>) semaphore(%arg20 : memref<!tpu.dma_semaphore, #tpu.memory_space<semaphore_mem>>) {add = true}
      } else {
      }
      %mul3A_88 = arith.constant 4 : i32
      %mul3A_89 = arith.muli %while3A_60, %mul3A_88 : i32
      %add3A_90 = arith.constant 1 : i32
      %add3A_91 = arith.addi %mul3A_89, %add3A_90 : i32
      %ge3A_92 = arith.constant 1 : i32
      %ge3A_93 = arith.cmpi sge, %add3A_91, %ge3A_92 : i32
      %sub3A_94 = arith.constant 1 : i32
      %sub3A_95 = arith.subi %add3A_91, %sub3A_94 : i32
      %lt3A_96 = arith.cmpi slt, %sub3A_95, %squeeze3A : i32
      %and3A_97 = arith.andi %ge3A_93, %lt3A_96 : i1
      %convert_element_type3A_98 = arith.extui %and3A_97 : i1 to i32
      %cond3A_99 = arith.constant 0 : i32
      %cond3A_100 = arith.cmpi ne, %convert_element_type3A_98, %cond3A_99 : i32
      scf.if %cond3A_100 {
        %dma_wait3A_175 = arith.constant 0 : i32
        %dma_wait3A_176 = arith.constant 0 : i32
        %dma_wait3A_177 = arith.constant 0 : i32
        %dma_wait3A_178 = tpu.memref_slice %arg10[%dma_wait3A_175, %dma_wait3A_176, %dma_wait3A_177] : memref<2x88x128xf32, #tpu.memory_space<vmem>> -> memref<1x88x128xf32, #tpu.memory_space<vmem>>
        %dma_wait3A_179 = tpu.memref_squeeze %dma_wait3A_178 : memref<1x88x128xf32, #tpu.memory_space<vmem>> -> memref<88x128xf32, #tpu.memory_space<vmem>>
        %dma_wait3A_180 = arith.constant 0 : i32
        %dma_wait3A_181 = arith.constant 0 : i32
        %dma_wait3A_182 = tpu.memref_slice %arg13[%dma_wait3A_180, %dma_wait3A_181] : memref<5120x128xf32, #tpu.memory_space<vmem_shared>> -> memref<88x128xf32, #tpu.memory_space<vmem_shared>>
        %dma_wait3A_183 = arith.constant 0 : i32
        %dma_wait3A_184 = arith.constant 0 : i32
        %dma_wait3A_185 = tpu.memref_slice %arg13[%dma_wait3A_183, %dma_wait3A_184] : memref<5120x128xf32, #tpu.memory_space<vmem_shared>> -> memref<88x128xf32, #tpu.memory_space<vmem_shared>>
        %dma_wait3A_186 = arith.constant 0 : i32
        %dma_wait3A_187 = arith.constant 0 : i32
        %dma_wait3A_188 = tpu.memref_slice %arg10[%dma_wait3A_175, %dma_wait3A_186, %dma_wait3A_187] : memref<2x88x128xf32, #tpu.memory_space<vmem>> -> memref<1x88x128xf32, #tpu.memory_space<vmem>>
        %dma_wait3A_189 = tpu.memref_squeeze %dma_wait3A_188 : memref<1x88x128xf32, #tpu.memory_space<vmem>> -> memref<88x128xf32, #tpu.memory_space<vmem>>
        tpu.wait_dma2 semaphore(%arg20 : memref<!tpu.dma_semaphore, #tpu.memory_space<semaphore_mem>>) src(%dma_wait3A_189 : memref<88x128xf32, #tpu.memory_space<vmem>>) dst(%dma_wait3A_185 : memref<88x128xf32, #tpu.memory_space<vmem_shared>>)
      } else {
      }
      %add3A_101 = arith.constant 3 : i32
      %add3A_102 = arith.addi %add3A_91, %add3A_101 : i32
      %lt3A_103 = arith.cmpi slt, %add3A_102, %squeeze3A : i32
      %convert_element_type3A_104 = arith.extui %lt3A_103 : i1 to i32
      %cond3A_105 = arith.constant 0 : i32
      %cond3A_106 = arith.cmpi ne, %convert_element_type3A_104, %cond3A_105 : i32
      scf.if %cond3A_106 {
        %add3A_175 = arith.constant 3 : i32
        %add3A_176 = arith.addi %add3A_91, %add3A_175 : i32
        %mul3A_177 = arith.constant 88 : i32
        %mul3A_178 = arith.muli %add3A_176, %mul3A_177 : i32
        %add3A_179 = arith.addi %mul3A_4, %mul3A_178 : i32
        %multiple_of3A = tpu.assume_multiple %add3A_179, 8 : i32
        %dma_start3A_180 = arith.constant 0 : i32
        %dma_start3A_181 = arith.constant 0 : i32
        %dma_start3A_182 = tpu.memref_slice %arg8[%dma_start3A_180, %dma_start3A_181] : memref<4x88xi32, #tpu.memory_space<vmem>> -> memref<1x88xi32, #tpu.memory_space<vmem>>
        %dma_start3A_183 = tpu.memref_squeeze %dma_start3A_182 : memref<1x88xi32, #tpu.memory_space<vmem>> -> memref<88xi32, #tpu.memory_space<vmem>>
        %dma_start3A_184 = tpu.memref_slice %arg2[%multiple_of3A] : memref<658944xi32, #tpu.memory_space<hbm>> -> memref<88xi32, #tpu.memory_space<hbm>>
        %dma_start3A_185 = arith.constant 0 : i32
        %dma_start3A_186 = tpu.memref_slice %arg8[%dma_start3A_180, %dma_start3A_185] : memref<4x88xi32, #tpu.memory_space<vmem>> -> memref<1x88xi32, #tpu.memory_space<vmem>>
        %dma_start3A_187 = tpu.memref_squeeze %dma_start3A_186 : memref<1x88xi32, #tpu.memory_space<vmem>> -> memref<88xi32, #tpu.memory_space<vmem>>
        %dma_start3A_188 = tpu.memref_slice %arg2[%multiple_of3A] : memref<658944xi32, #tpu.memory_space<hbm>> -> memref<88xi32, #tpu.memory_space<hbm>>
        tpu.enqueue_dma source(%dma_start3A_188 : memref<88xi32, #tpu.memory_space<hbm>>) target(%dma_start3A_187 : memref<88xi32, #tpu.memory_space<vmem>>) target_semaphore(%arg14 : memref<!tpu.dma_semaphore, #tpu.memory_space<semaphore_mem>>)
        %dma_start3A_189 = arith.constant 0 : i32
        %dma_start3A_190 = arith.constant 0 : i32
        %dma_start3A_191 = tpu.memref_slice %arg9[%dma_start3A_189, %dma_start3A_190] : memref<4x88xi32, #tpu.memory_space<vmem>> -> memref<1x88xi32, #tpu.memory_space<vmem>>
        %dma_start3A_192 = tpu.memref_squeeze %dma_start3A_191 : memref<1x88xi32, #tpu.memory_space<vmem>> -> memref<88xi32, #tpu.memory_space<vmem>>
        %dma_start3A_193 = tpu.memref_slice %arg3[%multiple_of3A] : memref<658944xi32, #tpu.memory_space<hbm>> -> memref<88xi32, #tpu.memory_space<hbm>>
        %dma_start3A_194 = arith.constant 0 : i32
        %dma_start3A_195 = tpu.memref_slice %arg9[%dma_start3A_189, %dma_start3A_194] : memref<4x88xi32, #tpu.memory_space<vmem>> -> memref<1x88xi32, #tpu.memory_space<vmem>>
        %dma_start3A_196 = tpu.memref_squeeze %dma_start3A_195 : memref<1x88xi32, #tpu.memory_space<vmem>> -> memref<88xi32, #tpu.memory_space<vmem>>
        %dma_start3A_197 = tpu.memref_slice %arg3[%multiple_of3A] : memref<658944xi32, #tpu.memory_space<hbm>> -> memref<88xi32, #tpu.memory_space<hbm>>
        tpu.enqueue_dma source(%dma_start3A_197 : memref<88xi32, #tpu.memory_space<hbm>>) target(%dma_start3A_196 : memref<88xi32, #tpu.memory_space<vmem>>) target_semaphore(%arg14 : memref<!tpu.dma_semaphore, #tpu.memory_space<semaphore_mem>>)
      } else {
      }
      %add3A_107 = arith.constant 1 : i32
      %add3A_108 = arith.addi %add3A_91, %add3A_107 : i32
      %lt3A_109 = arith.cmpi slt, %add3A_108, %squeeze3A : i32
      %convert_element_type3A_110 = arith.extui %lt3A_109 : i1 to i32
      %cond3A_111 = arith.constant 0 : i32
      %cond3A_112 = arith.cmpi ne, %convert_element_type3A_110, %cond3A_111 : i32
      scf.if %cond3A_112 {
        %dma_wait3A_175 = arith.constant 2 : i32
        %dma_wait3A_176 = arith.constant 0 : i32
        %dma_wait3A_177 = tpu.memref_slice %arg8[%dma_wait3A_175, %dma_wait3A_176] : memref<4x88xi32, #tpu.memory_space<vmem>> -> memref<1x88xi32, #tpu.memory_space<vmem>>
        %dma_wait3A_178 = tpu.memref_squeeze %dma_wait3A_177 : memref<1x88xi32, #tpu.memory_space<vmem>> -> memref<88xi32, #tpu.memory_space<vmem>>
        %dma_wait3A_179 = arith.constant 0 : i32
        %dma_wait3A_180 = tpu.memref_slice %arg2[%dma_wait3A_179] : memref<658944xi32, #tpu.memory_space<hbm>> -> memref<88xi32, #tpu.memory_space<hbm>>
        %dma_wait3A_181 = arith.constant 0 : i32
        %dma_wait3A_182 = tpu.memref_slice %arg8[%dma_wait3A_175, %dma_wait3A_181] : memref<4x88xi32, #tpu.memory_space<vmem>> -> memref<1x88xi32, #tpu.memory_space<vmem>>
        %dma_wait3A_183 = tpu.memref_squeeze %dma_wait3A_182 : memref<1x88xi32, #tpu.memory_space<vmem>> -> memref<88xi32, #tpu.memory_space<vmem>>
        %dma_wait3A_184 = arith.constant 0 : i32
        %dma_wait3A_185 = tpu.memref_slice %arg2[%dma_wait3A_184] : memref<658944xi32, #tpu.memory_space<hbm>> -> memref<88xi32, #tpu.memory_space<hbm>>
        tpu.wait_dma2 semaphore(%arg16 : memref<!tpu.dma_semaphore, #tpu.memory_space<semaphore_mem>>) src(%dma_wait3A_185 : memref<88xi32, #tpu.memory_space<hbm>>) dst(%dma_wait3A_183 : memref<88xi32, #tpu.memory_space<vmem>>)
        %dma_wait3A_186 = arith.constant 2 : i32
        %dma_wait3A_187 = arith.constant 0 : i32
        %dma_wait3A_188 = tpu.memref_slice %arg9[%dma_wait3A_186, %dma_wait3A_187] : memref<4x88xi32, #tpu.memory_space<vmem>> -> memref<1x88xi32, #tpu.memory_space<vmem>>
        %dma_wait3A_189 = tpu.memref_squeeze %dma_wait3A_188 : memref<1x88xi32, #tpu.memory_space<vmem>> -> memref<88xi32, #tpu.memory_space<vmem>>
        %dma_wait3A_190 = arith.constant 0 : i32
        %dma_wait3A_191 = tpu.memref_slice %arg2[%dma_wait3A_190] : memref<658944xi32, #tpu.memory_space<hbm>> -> memref<88xi32, #tpu.memory_space<hbm>>
        %dma_wait3A_192 = arith.constant 0 : i32
        %dma_wait3A_193 = tpu.memref_slice %arg9[%dma_wait3A_186, %dma_wait3A_192] : memref<4x88xi32, #tpu.memory_space<vmem>> -> memref<1x88xi32, #tpu.memory_space<vmem>>
        %dma_wait3A_194 = tpu.memref_squeeze %dma_wait3A_193 : memref<1x88xi32, #tpu.memory_space<vmem>> -> memref<88xi32, #tpu.memory_space<vmem>>
        %dma_wait3A_195 = arith.constant 0 : i32
        %dma_wait3A_196 = tpu.memref_slice %arg2[%dma_wait3A_195] : memref<658944xi32, #tpu.memory_space<hbm>> -> memref<88xi32, #tpu.memory_space<hbm>>
        tpu.wait_dma2 semaphore(%arg16 : memref<!tpu.dma_semaphore, #tpu.memory_space<semaphore_mem>>) src(%dma_wait3A_196 : memref<88xi32, #tpu.memory_space<hbm>>) dst(%dma_wait3A_194 : memref<88xi32, #tpu.memory_space<vmem>>)
        %dma_start3A_197 = arith.constant 2 : i32
        %dma_start3A_198 = arith.constant 0 : i32
        %dma_start3A_199 = arith.constant 0 : i32
        %dma_start3A_200 = arith.constant 0 : i32
        %dma_start3A_201 = tpu.memref_slice %arg10[%dma_start3A_198, %dma_start3A_199, %dma_start3A_200] : memref<2x88x128xf32, #tpu.memory_space<vmem>> -> memref<1x88x128xf32, #tpu.memory_space<vmem>>
        %dma_start3A_202 = tpu.memref_squeeze %dma_start3A_201 : memref<1x88x128xf32, #tpu.memory_space<vmem>> -> memref<88x128xf32, #tpu.memory_space<vmem>>
        %dma_start3A_203 = arith.constant 0 : i32
        %dma_start3A_204 = tpu.memref_slice %arg8[%dma_start3A_197, %dma_start3A_203] : memref<4x88xi32, #tpu.memory_space<vmem>> -> memref<1x88xi32, #tpu.memory_space<vmem>>
        %dma_start3A_205 = tpu.memref_squeeze %dma_start3A_204 : memref<1x88xi32, #tpu.memory_space<vmem>> -> memref<88xi32, #tpu.memory_space<vmem>>
        %dma_start3A_206 = arith.constant 0 : i32
        %dma_start3A_207 = arith.constant 0 : i32
        %dma_start3A_208 = tpu.memref_slice %arg5[%dma_start3A_206, %dma_start3A_207] : memref<70000x128xf32, #tpu.memory_space<hbm>> -> memref<70000x128xf32, #tpu.memory_space<hbm>>
        tpu.enqueue_indirect_dma source(%dma_start3A_208 : memref<70000x128xf32, #tpu.memory_space<hbm>>) target(%dma_start3A_202 : memref<88x128xf32, #tpu.memory_space<vmem>>) offsets(%dma_start3A_205 : memref<88xi32, #tpu.memory_space<vmem>>) semaphore(%arg18 : memref<!tpu.dma_semaphore, #tpu.memory_space<semaphore_mem>>)
      } else {
      }
      %lt3A_113 = arith.cmpi slt, %add3A_91, %squeeze3A : i32
      %convert_element_type3A_114 = arith.extui %lt3A_113 : i1 to i32
      %cond3A_115 = arith.constant 0 : i32
      %cond3A_116 = arith.cmpi ne, %convert_element_type3A_114, %cond3A_115 : i32
      scf.if %cond3A_116 {
        %dma_wait3A_175 = arith.constant 1 : i32
        %dma_wait3A_176 = arith.constant 0 : i32
        %dma_wait3A_177 = arith.constant 0 : i32
        %dma_wait3A_178 = tpu.memref_slice %arg10[%dma_wait3A_175, %dma_wait3A_176, %dma_wait3A_177] : memref<2x88x128xf32, #tpu.memory_space<vmem>> -> memref<1x88x128xf32, #tpu.memory_space<vmem>>
        %dma_wait3A_179 = tpu.memref_squeeze %dma_wait3A_178 : memref<1x88x128xf32, #tpu.memory_space<vmem>> -> memref<88x128xf32, #tpu.memory_space<vmem>>
        %dma_wait3A_180 = arith.constant 0 : i32
        %dma_wait3A_181 = arith.constant 0 : i32
        %dma_wait3A_182 = tpu.memref_slice %arg5[%dma_wait3A_180, %dma_wait3A_181] : memref<70000x128xf32, #tpu.memory_space<hbm>> -> memref<88x128xf32, #tpu.memory_space<hbm>>
        %dma_wait3A_183 = arith.constant 0 : i32
        %dma_wait3A_184 = arith.constant 0 : i32
        %dma_wait3A_185 = tpu.memref_slice %arg10[%dma_wait3A_175, %dma_wait3A_183, %dma_wait3A_184] : memref<2x88x128xf32, #tpu.memory_space<vmem>> -> memref<1x88x128xf32, #tpu.memory_space<vmem>>
        %dma_wait3A_186 = tpu.memref_squeeze %dma_wait3A_185 : memref<1x88x128xf32, #tpu.memory_space<vmem>> -> memref<88x128xf32, #tpu.memory_space<vmem>>
        %dma_wait3A_187 = arith.constant 0 : i32
        %dma_wait3A_188 = arith.constant 0 : i32
        %dma_wait3A_189 = tpu.memref_slice %arg5[%dma_wait3A_187, %dma_wait3A_188] : memref<70000x128xf32, #tpu.memory_space<hbm>> -> memref<88x128xf32, #tpu.memory_space<hbm>>
        tpu.wait_dma2 semaphore(%arg19 : memref<!tpu.dma_semaphore, #tpu.memory_space<semaphore_mem>>) src(%dma_wait3A_189 : memref<88x128xf32, #tpu.memory_space<hbm>>) dst(%dma_wait3A_186 : memref<88x128xf32, #tpu.memory_space<vmem>>)
        %dma_start3A_190 = arith.constant 1 : i32
        %dma_start3A_191 = arith.constant 1 : i32
        %dma_start3A_192 = arith.constant 0 : i32
        %dma_start3A_193 = arith.constant 0 : i32
        %dma_start3A_194 = tpu.memref_slice %arg10[%dma_start3A_190, %dma_start3A_192, %dma_start3A_193] : memref<2x88x128xf32, #tpu.memory_space<vmem>> -> memref<1x88x128xf32, #tpu.memory_space<vmem>>
        %dma_start3A_195 = tpu.memref_squeeze %dma_start3A_194 : memref<1x88x128xf32, #tpu.memory_space<vmem>> -> memref<88x128xf32, #tpu.memory_space<vmem>>
        %dma_start3A_196 = arith.constant 0 : i32
        %dma_start3A_197 = tpu.memref_slice %arg9[%dma_start3A_191, %dma_start3A_196] : memref<4x88xi32, #tpu.memory_space<vmem>> -> memref<1x88xi32, #tpu.memory_space<vmem>>
        %dma_start3A_198 = tpu.memref_squeeze %dma_start3A_197 : memref<1x88xi32, #tpu.memory_space<vmem>> -> memref<88xi32, #tpu.memory_space<vmem>>
        %dma_start3A_199 = arith.constant 0 : i32
        %dma_start3A_200 = arith.constant 0 : i32
        %dma_start3A_201 = tpu.memref_slice %arg13[%dma_start3A_199, %dma_start3A_200] : memref<5120x128xf32, #tpu.memory_space<vmem_shared>> -> memref<5120x128xf32, #tpu.memory_space<vmem_shared>>
        tpu.enqueue_indirect_dma source(%dma_start3A_195 : memref<88x128xf32, #tpu.memory_space<vmem>>) target(%dma_start3A_201 : memref<5120x128xf32, #tpu.memory_space<vmem_shared>>) offsets(%dma_start3A_198 : memref<88xi32, #tpu.memory_space<vmem>>) semaphore(%arg21 : memref<!tpu.dma_semaphore, #tpu.memory_space<semaphore_mem>>) {add = true}
      } else {
      }
      %mul3A_117 = arith.constant 4 : i32
      %mul3A_118 = arith.muli %while3A_60, %mul3A_117 : i32
      %add3A_119 = arith.constant 2 : i32
      %add3A_120 = arith.addi %mul3A_118, %add3A_119 : i32
      %ge3A_121 = arith.constant 1 : i32
      %ge3A_122 = arith.cmpi sge, %add3A_120, %ge3A_121 : i32
      %sub3A_123 = arith.constant 1 : i32
      %sub3A_124 = arith.subi %add3A_120, %sub3A_123 : i32
      %lt3A_125 = arith.cmpi slt, %sub3A_124, %squeeze3A : i32
      %and3A_126 = arith.andi %ge3A_122, %lt3A_125 : i1
      %convert_element_type3A_127 = arith.extui %and3A_126 : i1 to i32
      %cond3A_128 = arith.constant 0 : i32
      %cond3A_129 = arith.cmpi ne, %convert_element_type3A_127, %cond3A_128 : i32
      scf.if %cond3A_129 {
        %dma_wait3A_175 = arith.constant 1 : i32
        %dma_wait3A_176 = arith.constant 0 : i32
        %dma_wait3A_177 = arith.constant 0 : i32
        %dma_wait3A_178 = tpu.memref_slice %arg10[%dma_wait3A_175, %dma_wait3A_176, %dma_wait3A_177] : memref<2x88x128xf32, #tpu.memory_space<vmem>> -> memref<1x88x128xf32, #tpu.memory_space<vmem>>
        %dma_wait3A_179 = tpu.memref_squeeze %dma_wait3A_178 : memref<1x88x128xf32, #tpu.memory_space<vmem>> -> memref<88x128xf32, #tpu.memory_space<vmem>>
        %dma_wait3A_180 = arith.constant 0 : i32
        %dma_wait3A_181 = arith.constant 0 : i32
        %dma_wait3A_182 = tpu.memref_slice %arg13[%dma_wait3A_180, %dma_wait3A_181] : memref<5120x128xf32, #tpu.memory_space<vmem_shared>> -> memref<88x128xf32, #tpu.memory_space<vmem_shared>>
        %dma_wait3A_183 = arith.constant 0 : i32
        %dma_wait3A_184 = arith.constant 0 : i32
        %dma_wait3A_185 = tpu.memref_slice %arg13[%dma_wait3A_183, %dma_wait3A_184] : memref<5120x128xf32, #tpu.memory_space<vmem_shared>> -> memref<88x128xf32, #tpu.memory_space<vmem_shared>>
        %dma_wait3A_186 = arith.constant 0 : i32
        %dma_wait3A_187 = arith.constant 0 : i32
        %dma_wait3A_188 = tpu.memref_slice %arg10[%dma_wait3A_175, %dma_wait3A_186, %dma_wait3A_187] : memref<2x88x128xf32, #tpu.memory_space<vmem>> -> memref<1x88x128xf32, #tpu.memory_space<vmem>>
        %dma_wait3A_189 = tpu.memref_squeeze %dma_wait3A_188 : memref<1x88x128xf32, #tpu.memory_space<vmem>> -> memref<88x128xf32, #tpu.memory_space<vmem>>
        tpu.wait_dma2 semaphore(%arg21 : memref<!tpu.dma_semaphore, #tpu.memory_space<semaphore_mem>>) src(%dma_wait3A_189 : memref<88x128xf32, #tpu.memory_space<vmem>>) dst(%dma_wait3A_185 : memref<88x128xf32, #tpu.memory_space<vmem_shared>>)
      } else {
      }
      %add3A_130 = arith.constant 3 : i32
      %add3A_131 = arith.addi %add3A_120, %add3A_130 : i32
      %lt3A_132 = arith.cmpi slt, %add3A_131, %squeeze3A : i32
      %convert_element_type3A_133 = arith.extui %lt3A_132 : i1 to i32
      %cond3A_134 = arith.constant 0 : i32
      %cond3A_135 = arith.cmpi ne, %convert_element_type3A_133, %cond3A_134 : i32
      scf.if %cond3A_135 {
        %add3A_175 = arith.constant 3 : i32
        %add3A_176 = arith.addi %add3A_120, %add3A_175 : i32
        %mul3A_177 = arith.constant 88 : i32
        %mul3A_178 = arith.muli %add3A_176, %mul3A_177 : i32
        %add3A_179 = arith.addi %mul3A_4, %mul3A_178 : i32
        %multiple_of3A = tpu.assume_multiple %add3A_179, 8 : i32
        %dma_start3A_180 = arith.constant 1 : i32
        %dma_start3A_181 = arith.constant 0 : i32
        %dma_start3A_182 = tpu.memref_slice %arg8[%dma_start3A_180, %dma_start3A_181] : memref<4x88xi32, #tpu.memory_space<vmem>> -> memref<1x88xi32, #tpu.memory_space<vmem>>
        %dma_start3A_183 = tpu.memref_squeeze %dma_start3A_182 : memref<1x88xi32, #tpu.memory_space<vmem>> -> memref<88xi32, #tpu.memory_space<vmem>>
        %dma_start3A_184 = tpu.memref_slice %arg2[%multiple_of3A] : memref<658944xi32, #tpu.memory_space<hbm>> -> memref<88xi32, #tpu.memory_space<hbm>>
        %dma_start3A_185 = arith.constant 0 : i32
        %dma_start3A_186 = tpu.memref_slice %arg8[%dma_start3A_180, %dma_start3A_185] : memref<4x88xi32, #tpu.memory_space<vmem>> -> memref<1x88xi32, #tpu.memory_space<vmem>>
        %dma_start3A_187 = tpu.memref_squeeze %dma_start3A_186 : memref<1x88xi32, #tpu.memory_space<vmem>> -> memref<88xi32, #tpu.memory_space<vmem>>
        %dma_start3A_188 = tpu.memref_slice %arg2[%multiple_of3A] : memref<658944xi32, #tpu.memory_space<hbm>> -> memref<88xi32, #tpu.memory_space<hbm>>
        tpu.enqueue_dma source(%dma_start3A_188 : memref<88xi32, #tpu.memory_space<hbm>>) target(%dma_start3A_187 : memref<88xi32, #tpu.memory_space<vmem>>) target_semaphore(%arg15 : memref<!tpu.dma_semaphore, #tpu.memory_space<semaphore_mem>>)
        %dma_start3A_189 = arith.constant 1 : i32
        %dma_start3A_190 = arith.constant 0 : i32
        %dma_start3A_191 = tpu.memref_slice %arg9[%dma_start3A_189, %dma_start3A_190] : memref<4x88xi32, #tpu.memory_space<vmem>> -> memref<1x88xi32, #tpu.memory_space<vmem>>
        %dma_start3A_192 = tpu.memref_squeeze %dma_start3A_191 : memref<1x88xi32, #tpu.memory_space<vmem>> -> memref<88xi32, #tpu.memory_space<vmem>>
        %dma_start3A_193 = tpu.memref_slice %arg3[%multiple_of3A] : memref<658944xi32, #tpu.memory_space<hbm>> -> memref<88xi32, #tpu.memory_space<hbm>>
        %dma_start3A_194 = arith.constant 0 : i32
        %dma_start3A_195 = tpu.memref_slice %arg9[%dma_start3A_189, %dma_start3A_194] : memref<4x88xi32, #tpu.memory_space<vmem>> -> memref<1x88xi32, #tpu.memory_space<vmem>>
        %dma_start3A_196 = tpu.memref_squeeze %dma_start3A_195 : memref<1x88xi32, #tpu.memory_space<vmem>> -> memref<88xi32, #tpu.memory_space<vmem>>
        %dma_start3A_197 = tpu.memref_slice %arg3[%multiple_of3A] : memref<658944xi32, #tpu.memory_space<hbm>> -> memref<88xi32, #tpu.memory_space<hbm>>
        tpu.enqueue_dma source(%dma_start3A_197 : memref<88xi32, #tpu.memory_space<hbm>>) target(%dma_start3A_196 : memref<88xi32, #tpu.memory_space<vmem>>) target_semaphore(%arg15 : memref<!tpu.dma_semaphore, #tpu.memory_space<semaphore_mem>>)
      } else {
      }
      %add3A_136 = arith.constant 1 : i32
      %add3A_137 = arith.addi %add3A_120, %add3A_136 : i32
      %lt3A_138 = arith.cmpi slt, %add3A_137, %squeeze3A : i32
      %convert_element_type3A_139 = arith.extui %lt3A_138 : i1 to i32
      %cond3A_140 = arith.constant 0 : i32
      %cond3A_141 = arith.cmpi ne, %convert_element_type3A_139, %cond3A_140 : i32
      scf.if %cond3A_141 {
        %dma_wait3A_175 = arith.constant 3 : i32
        %dma_wait3A_176 = arith.constant 0 : i32
        %dma_wait3A_177 = tpu.memref_slice %arg8[%dma_wait3A_175, %dma_wait3A_176] : memref<4x88xi32, #tpu.memory_space<vmem>> -> memref<1x88xi32, #tpu.memory_space<vmem>>
        %dma_wait3A_178 = tpu.memref_squeeze %dma_wait3A_177 : memref<1x88xi32, #tpu.memory_space<vmem>> -> memref<88xi32, #tpu.memory_space<vmem>>
        %dma_wait3A_179 = arith.constant 0 : i32
        %dma_wait3A_180 = tpu.memref_slice %arg2[%dma_wait3A_179] : memref<658944xi32, #tpu.memory_space<hbm>> -> memref<88xi32, #tpu.memory_space<hbm>>
        %dma_wait3A_181 = arith.constant 0 : i32
        %dma_wait3A_182 = tpu.memref_slice %arg8[%dma_wait3A_175, %dma_wait3A_181] : memref<4x88xi32, #tpu.memory_space<vmem>> -> memref<1x88xi32, #tpu.memory_space<vmem>>
        %dma_wait3A_183 = tpu.memref_squeeze %dma_wait3A_182 : memref<1x88xi32, #tpu.memory_space<vmem>> -> memref<88xi32, #tpu.memory_space<vmem>>
        %dma_wait3A_184 = arith.constant 0 : i32
        %dma_wait3A_185 = tpu.memref_slice %arg2[%dma_wait3A_184] : memref<658944xi32, #tpu.memory_space<hbm>> -> memref<88xi32, #tpu.memory_space<hbm>>
        tpu.wait_dma2 semaphore(%arg17 : memref<!tpu.dma_semaphore, #tpu.memory_space<semaphore_mem>>) src(%dma_wait3A_185 : memref<88xi32, #tpu.memory_space<hbm>>) dst(%dma_wait3A_183 : memref<88xi32, #tpu.memory_space<vmem>>)
        %dma_wait3A_186 = arith.constant 3 : i32
        %dma_wait3A_187 = arith.constant 0 : i32
        %dma_wait3A_188 = tpu.memref_slice %arg9[%dma_wait3A_186, %dma_wait3A_187] : memref<4x88xi32, #tpu.memory_space<vmem>> -> memref<1x88xi32, #tpu.memory_space<vmem>>
        %dma_wait3A_189 = tpu.memref_squeeze %dma_wait3A_188 : memref<1x88xi32, #tpu.memory_space<vmem>> -> memref<88xi32, #tpu.memory_space<vmem>>
        %dma_wait3A_190 = arith.constant 0 : i32
        %dma_wait3A_191 = tpu.memref_slice %arg2[%dma_wait3A_190] : memref<658944xi32, #tpu.memory_space<hbm>> -> memref<88xi32, #tpu.memory_space<hbm>>
        %dma_wait3A_192 = arith.constant 0 : i32
        %dma_wait3A_193 = tpu.memref_slice %arg9[%dma_wait3A_186, %dma_wait3A_192] : memref<4x88xi32, #tpu.memory_space<vmem>> -> memref<1x88xi32, #tpu.memory_space<vmem>>
        %dma_wait3A_194 = tpu.memref_squeeze %dma_wait3A_193 : memref<1x88xi32, #tpu.memory_space<vmem>> -> memref<88xi32, #tpu.memory_space<vmem>>
        %dma_wait3A_195 = arith.constant 0 : i32
        %dma_wait3A_196 = tpu.memref_slice %arg2[%dma_wait3A_195] : memref<658944xi32, #tpu.memory_space<hbm>> -> memref<88xi32, #tpu.memory_space<hbm>>
        tpu.wait_dma2 semaphore(%arg17 : memref<!tpu.dma_semaphore, #tpu.memory_space<semaphore_mem>>) src(%dma_wait3A_196 : memref<88xi32, #tpu.memory_space<hbm>>) dst(%dma_wait3A_194 : memref<88xi32, #tpu.memory_space<vmem>>)
        %dma_start3A_197 = arith.constant 3 : i32
        %dma_start3A_198 = arith.constant 1 : i32
        %dma_start3A_199 = arith.constant 0 : i32
        %dma_start3A_200 = arith.constant 0 : i32
        %dma_start3A_201 = tpu.memref_slice %arg10[%dma_start3A_198, %dma_start3A_199, %dma_start3A_200] : memref<2x88x128xf32, #tpu.memory_space<vmem>> -> memref<1x88x128xf32, #tpu.memory_space<vmem>>
        %dma_start3A_202 = tpu.memref_squeeze %dma_start3A_201 : memref<1x88x128xf32, #tpu.memory_space<vmem>> -> memref<88x128xf32, #tpu.memory_space<vmem>>
        %dma_start3A_203 = arith.constant 0 : i32
        %dma_start3A_204 = tpu.memref_slice %arg8[%dma_start3A_197, %dma_start3A_203] : memref<4x88xi32, #tpu.memory_space<vmem>> -> memref<1x88xi32, #tpu.memory_space<vmem>>
        %dma_start3A_205 = tpu.memref_squeeze %dma_start3A_204 : memref<1x88xi32, #tpu.memory_space<vmem>> -> memref<88xi32, #tpu.memory_space<vmem>>
        %dma_start3A_206 = arith.constant 0 : i32
        %dma_start3A_207 = arith.constant 0 : i32
        %dma_start3A_208 = tpu.memref_slice %arg5[%dma_start3A_206, %dma_start3A_207] : memref<70000x128xf32, #tpu.memory_space<hbm>> -> memref<70000x128xf32, #tpu.memory_space<hbm>>
        tpu.enqueue_indirect_dma source(%dma_start3A_208 : memref<70000x128xf32, #tpu.memory_space<hbm>>) target(%dma_start3A_202 : memref<88x128xf32, #tpu.memory_space<vmem>>) offsets(%dma_start3A_205 : memref<88xi32, #tpu.memory_space<vmem>>) semaphore(%arg19 : memref<!tpu.dma_semaphore, #tpu.memory_space<semaphore_mem>>)
      } else {
      }
      %lt3A_142 = arith.cmpi slt, %add3A_120, %squeeze3A : i32
      %convert_element_type3A_143 = arith.extui %lt3A_142 : i1 to i32
      %cond3A_144 = arith.constant 0 : i32
      %cond3A_145 = arith.cmpi ne, %convert_element_type3A_143, %cond3A_144 : i32
      scf.if %cond3A_145 {
        %dma_wait3A_175 = arith.constant 0 : i32
        %dma_wait3A_176 = arith.constant 0 : i32
        %dma_wait3A_177 = arith.constant 0 : i32
        %dma_wait3A_178 = tpu.memref_slice %arg10[%dma_wait3A_175, %dma_wait3A_176, %dma_wait3A_177] : memref<2x88x128xf32, #tpu.memory_space<vmem>> -> memref<1x88x128xf32, #tpu.memory_space<vmem>>
        %dma_wait3A_179 = tpu.memref_squeeze %dma_wait3A_178 : memref<1x88x128xf32, #tpu.memory_space<vmem>> -> memref<88x128xf32, #tpu.memory_space<vmem>>
        %dma_wait3A_180 = arith.constant 0 : i32
        %dma_wait3A_181 = arith.constant 0 : i32
        %dma_wait3A_182 = tpu.memref_slice %arg5[%dma_wait3A_180, %dma_wait3A_181] : memref<70000x128xf32, #tpu.memory_space<hbm>> -> memref<88x128xf32, #tpu.memory_space<hbm>>
        %dma_wait3A_183 = arith.constant 0 : i32
        %dma_wait3A_184 = arith.constant 0 : i32
        %dma_wait3A_185 = tpu.memref_slice %arg10[%dma_wait3A_175, %dma_wait3A_183, %dma_wait3A_184] : memref<2x88x128xf32, #tpu.memory_space<vmem>> -> memref<1x88x128xf32, #tpu.memory_space<vmem>>
        %dma_wait3A_186 = tpu.memref_squeeze %dma_wait3A_185 : memref<1x88x128xf32, #tpu.memory_space<vmem>> -> memref<88x128xf32, #tpu.memory_space<vmem>>
        %dma_wait3A_187 = arith.constant 0 : i32
        %dma_wait3A_188 = arith.constant 0 : i32
        %dma_wait3A_189 = tpu.memref_slice %arg5[%dma_wait3A_187, %dma_wait3A_188] : memref<70000x128xf32, #tpu.memory_space<hbm>> -> memref<88x128xf32, #tpu.memory_space<hbm>>
        tpu.wait_dma2 semaphore(%arg18 : memref<!tpu.dma_semaphore, #tpu.memory_space<semaphore_mem>>) src(%dma_wait3A_189 : memref<88x128xf32, #tpu.memory_space<hbm>>) dst(%dma_wait3A_186 : memref<88x128xf32, #tpu.memory_space<vmem>>)
        %dma_start3A_190 = arith.constant 0 : i32
        %dma_start3A_191 = arith.constant 2 : i32
        %dma_start3A_192 = arith.constant 0 : i32
        %dma_start3A_193 = arith.constant 0 : i32
        %dma_start3A_194 = tpu.memref_slice %arg10[%dma_start3A_190, %dma_start3A_192, %dma_start3A_193] : memref<2x88x128xf32, #tpu.memory_space<vmem>> -> memref<1x88x128xf32, #tpu.memory_space<vmem>>
        %dma_start3A_195 = tpu.memref_squeeze %dma_start3A_194 : memref<1x88x128xf32, #tpu.memory_space<vmem>> -> memref<88x128xf32, #tpu.memory_space<vmem>>
        %dma_start3A_196 = arith.constant 0 : i32
        %dma_start3A_197 = tpu.memref_slice %arg9[%dma_start3A_191, %dma_start3A_196] : memref<4x88xi32, #tpu.memory_space<vmem>> -> memref<1x88xi32, #tpu.memory_space<vmem>>
        %dma_start3A_198 = tpu.memref_squeeze %dma_start3A_197 : memref<1x88xi32, #tpu.memory_space<vmem>> -> memref<88xi32, #tpu.memory_space<vmem>>
        %dma_start3A_199 = arith.constant 0 : i32
        %dma_start3A_200 = arith.constant 0 : i32
        %dma_start3A_201 = tpu.memref_slice %arg13[%dma_start3A_199, %dma_start3A_200] : memref<5120x128xf32, #tpu.memory_space<vmem_shared>> -> memref<5120x128xf32, #tpu.memory_space<vmem_shared>>
        tpu.enqueue_indirect_dma source(%dma_start3A_195 : memref<88x128xf32, #tpu.memory_space<vmem>>) target(%dma_start3A_201 : memref<5120x128xf32, #tpu.memory_space<vmem_shared>>) offsets(%dma_start3A_198 : memref<88xi32, #tpu.memory_space<vmem>>) semaphore(%arg20 : memref<!tpu.dma_semaphore, #tpu.memory_space<semaphore_mem>>) {add = true}
      } else {
      }
      %mul3A_146 = arith.constant 4 : i32
      %mul3A_147 = arith.muli %while3A_60, %mul3A_146 : i32
      %add3A_148 = arith.constant 3 : i32
      %add3A_149 = arith.addi %mul3A_147, %add3A_148 : i32
      %ge3A_150 = arith.constant 1 : i32
      %ge3A_151 = arith.cmpi sge, %add3A_149, %ge3A_150 : i32
      %sub3A_152 = arith.constant 1 : i32
      %sub3A_153 = arith.subi %add3A_149, %sub3A_152 : i32
      %lt3A_154 = arith.cmpi slt, %sub3A_153, %squeeze3A : i32
      %and3A_155 = arith.andi %ge3A_151, %lt3A_154 : i1
      %convert_element_type3A_156 = arith.extui %and3A_155 : i1 to i32
      %cond3A_157 = arith.constant 0 : i32
      %cond3A_158 = arith.cmpi ne, %convert_element_type3A_156, %cond3A_157 : i32
      scf.if %cond3A_158 {
        %dma_wait3A_175 = arith.constant 0 : i32
        %dma_wait3A_176 = arith.constant 0 : i32
        %dma_wait3A_177 = arith.constant 0 : i32
        %dma_wait3A_178 = tpu.memref_slice %arg10[%dma_wait3A_175, %dma_wait3A_176, %dma_wait3A_177] : memref<2x88x128xf32, #tpu.memory_space<vmem>> -> memref<1x88x128xf32, #tpu.memory_space<vmem>>
        %dma_wait3A_179 = tpu.memref_squeeze %dma_wait3A_178 : memref<1x88x128xf32, #tpu.memory_space<vmem>> -> memref<88x128xf32, #tpu.memory_space<vmem>>
        %dma_wait3A_180 = arith.constant 0 : i32
        %dma_wait3A_181 = arith.constant 0 : i32
        %dma_wait3A_182 = tpu.memref_slice %arg13[%dma_wait3A_180, %dma_wait3A_181] : memref<5120x128xf32, #tpu.memory_space<vmem_shared>> -> memref<88x128xf32, #tpu.memory_space<vmem_shared>>
        %dma_wait3A_183 = arith.constant 0 : i32
        %dma_wait3A_184 = arith.constant 0 : i32
        %dma_wait3A_185 = tpu.memref_slice %arg13[%dma_wait3A_183, %dma_wait3A_184] : memref<5120x128xf32, #tpu.memory_space<vmem_shared>> -> memref<88x128xf32, #tpu.memory_space<vmem_shared>>
        %dma_wait3A_186 = arith.constant 0 : i32
        %dma_wait3A_187 = arith.constant 0 : i32
        %dma_wait3A_188 = tpu.memref_slice %arg10[%dma_wait3A_175, %dma_wait3A_186, %dma_wait3A_187] : memref<2x88x128xf32, #tpu.memory_space<vmem>> -> memref<1x88x128xf32, #tpu.memory_space<vmem>>
        %dma_wait3A_189 = tpu.memref_squeeze %dma_wait3A_188 : memref<1x88x128xf32, #tpu.memory_space<vmem>> -> memref<88x128xf32, #tpu.memory_space<vmem>>
        tpu.wait_dma2 semaphore(%arg20 : memref<!tpu.dma_semaphore, #tpu.memory_space<semaphore_mem>>) src(%dma_wait3A_189 : memref<88x128xf32, #tpu.memory_space<vmem>>) dst(%dma_wait3A_185 : memref<88x128xf32, #tpu.memory_space<vmem_shared>>)
      } else {
      }
      %add3A_159 = arith.constant 3 : i32
      %add3A_160 = arith.addi %add3A_149, %add3A_159 : i32
      %lt3A_161 = arith.cmpi slt, %add3A_160, %squeeze3A : i32
      %convert_element_type3A_162 = arith.extui %lt3A_161 : i1 to i32
      %cond3A_163 = arith.constant 0 : i32
      %cond3A_164 = arith.cmpi ne, %convert_element_type3A_162, %cond3A_163 : i32
      scf.if %cond3A_164 {
        %add3A_175 = arith.constant 3 : i32
        %add3A_176 = arith.addi %add3A_149, %add3A_175 : i32
        %mul3A_177 = arith.constant 88 : i32
        %mul3A_178 = arith.muli %add3A_176, %mul3A_177 : i32
        %add3A_179 = arith.addi %mul3A_4, %mul3A_178 : i32
        %multiple_of3A = tpu.assume_multiple %add3A_179, 8 : i32
        %dma_start3A_180 = arith.constant 2 : i32
        %dma_start3A_181 = arith.constant 0 : i32
        %dma_start3A_182 = tpu.memref_slice %arg8[%dma_start3A_180, %dma_start3A_181] : memref<4x88xi32, #tpu.memory_space<vmem>> -> memref<1x88xi32, #tpu.memory_space<vmem>>
        %dma_start3A_183 = tpu.memref_squeeze %dma_start3A_182 : memref<1x88xi32, #tpu.memory_space<vmem>> -> memref<88xi32, #tpu.memory_space<vmem>>
        %dma_start3A_184 = tpu.memref_slice %arg2[%multiple_of3A] : memref<658944xi32, #tpu.memory_space<hbm>> -> memref<88xi32, #tpu.memory_space<hbm>>
        %dma_start3A_185 = arith.constant 0 : i32
        %dma_start3A_186 = tpu.memref_slice %arg8[%dma_start3A_180, %dma_start3A_185] : memref<4x88xi32, #tpu.memory_space<vmem>> -> memref<1x88xi32, #tpu.memory_space<vmem>>
        %dma_start3A_187 = tpu.memref_squeeze %dma_start3A_186 : memref<1x88xi32, #tpu.memory_space<vmem>> -> memref<88xi32, #tpu.memory_space<vmem>>
        %dma_start3A_188 = tpu.memref_slice %arg2[%multiple_of3A] : memref<658944xi32, #tpu.memory_space<hbm>> -> memref<88xi32, #tpu.memory_space<hbm>>
        tpu.enqueue_dma source(%dma_start3A_188 : memref<88xi32, #tpu.memory_space<hbm>>) target(%dma_start3A_187 : memref<88xi32, #tpu.memory_space<vmem>>) target_semaphore(%arg16 : memref<!tpu.dma_semaphore, #tpu.memory_space<semaphore_mem>>)
        %dma_start3A_189 = arith.constant 2 : i32
        %dma_start3A_190 = arith.constant 0 : i32
        %dma_start3A_191 = tpu.memref_slice %arg9[%dma_start3A_189, %dma_start3A_190] : memref<4x88xi32, #tpu.memory_space<vmem>> -> memref<1x88xi32, #tpu.memory_space<vmem>>
        %dma_start3A_192 = tpu.memref_squeeze %dma_start3A_191 : memref<1x88xi32, #tpu.memory_space<vmem>> -> memref<88xi32, #tpu.memory_space<vmem>>
        %dma_start3A_193 = tpu.memref_slice %arg3[%multiple_of3A] : memref<658944xi32, #tpu.memory_space<hbm>> -> memref<88xi32, #tpu.memory_space<hbm>>
        %dma_start3A_194 = arith.constant 0 : i32
        %dma_start3A_195 = tpu.memref_slice %arg9[%dma_start3A_189, %dma_start3A_194] : memref<4x88xi32, #tpu.memory_space<vmem>> -> memref<1x88xi32, #tpu.memory_space<vmem>>
        %dma_start3A_196 = tpu.memref_squeeze %dma_start3A_195 : memref<1x88xi32, #tpu.memory_space<vmem>> -> memref<88xi32, #tpu.memory_space<vmem>>
        %dma_start3A_197 = tpu.memref_slice %arg3[%multiple_of3A] : memref<658944xi32, #tpu.memory_space<hbm>> -> memref<88xi32, #tpu.memory_space<hbm>>
        tpu.enqueue_dma source(%dma_start3A_197 : memref<88xi32, #tpu.memory_space<hbm>>) target(%dma_start3A_196 : memref<88xi32, #tpu.memory_space<vmem>>) target_semaphore(%arg16 : memref<!tpu.dma_semaphore, #tpu.memory_space<semaphore_mem>>)
      } else {
      }
      %add3A_165 = arith.constant 1 : i32
      %add3A_166 = arith.addi %add3A_149, %add3A_165 : i32
      %lt3A_167 = arith.cmpi slt, %add3A_166, %squeeze3A : i32
      %convert_element_type3A_168 = arith.extui %lt3A_167 : i1 to i32
      %cond3A_169 = arith.constant 0 : i32
      %cond3A_170 = arith.cmpi ne, %convert_element_type3A_168, %cond3A_169 : i32
      scf.if %cond3A_170 {
        %dma_wait3A_175 = arith.constant 0 : i32
        %dma_wait3A_176 = arith.constant 0 : i32
        %dma_wait3A_177 = tpu.memref_slice %arg8[%dma_wait3A_175, %dma_wait3A_176] : memref<4x88xi32, #tpu.memory_space<vmem>> -> memref<1x88xi32, #tpu.memory_space<vmem>>
        %dma_wait3A_178 = tpu.memref_squeeze %dma_wait3A_177 : memref<1x88xi32, #tpu.memory_space<vmem>> -> memref<88xi32, #tpu.memory_space<vmem>>
        %dma_wait3A_179 = arith.constant 0 : i32
        %dma_wait3A_180 = tpu.memref_slice %arg2[%dma_wait3A_179] : memref<658944xi32, #tpu.memory_space<hbm>> -> memref<88xi32, #tpu.memory_space<hbm>>
        %dma_wait3A_181 = arith.constant 0 : i32
        %dma_wait3A_182 = tpu.memref_slice %arg8[%dma_wait3A_175, %dma_wait3A_181] : memref<4x88xi32, #tpu.memory_space<vmem>> -> memref<1x88xi32, #tpu.memory_space<vmem>>
        %dma_wait3A_183 = tpu.memref_squeeze %dma_wait3A_182 : memref<1x88xi32, #tpu.memory_space<vmem>> -> memref<88xi32, #tpu.memory_space<vmem>>
        %dma_wait3A_184 = arith.constant 0 : i32
        %dma_wait3A_185 = tpu.memref_slice %arg2[%dma_wait3A_184] : memref<658944xi32, #tpu.memory_space<hbm>> -> memref<88xi32, #tpu.memory_space<hbm>>
        tpu.wait_dma2 semaphore(%arg14 : memref<!tpu.dma_semaphore, #tpu.memory_space<semaphore_mem>>) src(%dma_wait3A_185 : memref<88xi32, #tpu.memory_space<hbm>>) dst(%dma_wait3A_183 : memref<88xi32, #tpu.memory_space<vmem>>)
        %dma_wait3A_186 = arith.constant 0 : i32
        %dma_wait3A_187 = arith.constant 0 : i32
        %dma_wait3A_188 = tpu.memref_slice %arg9[%dma_wait3A_186, %dma_wait3A_187] : memref<4x88xi32, #tpu.memory_space<vmem>> -> memref<1x88xi32, #tpu.memory_space<vmem>>
        %dma_wait3A_189 = tpu.memref_squeeze %dma_wait3A_188 : memref<1x88xi32, #tpu.memory_space<vmem>> -> memref<88xi32, #tpu.memory_space<vmem>>
        %dma_wait3A_190 = arith.constant 0 : i32
        %dma_wait3A_191 = tpu.memref_slice %arg2[%dma_wait3A_190] : memref<658944xi32, #tpu.memory_space<hbm>> -> memref<88xi32, #tpu.memory_space<hbm>>
        %dma_wait3A_192 = arith.constant 0 : i32
        %dma_wait3A_193 = tpu.memref_slice %arg9[%dma_wait3A_186, %dma_wait3A_192] : memref<4x88xi32, #tpu.memory_space<vmem>> -> memref<1x88xi32, #tpu.memory_space<vmem>>
        %dma_wait3A_194 = tpu.memref_squeeze %dma_wait3A_193 : memref<1x88xi32, #tpu.memory_space<vmem>> -> memref<88xi32, #tpu.memory_space<vmem>>
        %dma_wait3A_195 = arith.constant 0 : i32
        %dma_wait3A_196 = tpu.memref_slice %arg2[%dma_wait3A_195] : memref<658944xi32, #tpu.memory_space<hbm>> -> memref<88xi32, #tpu.memory_space<hbm>>
        tpu.wait_dma2 semaphore(%arg14 : memref<!tpu.dma_semaphore, #tpu.memory_space<semaphore_mem>>) src(%dma_wait3A_196 : memref<88xi32, #tpu.memory_space<hbm>>) dst(%dma_wait3A_194 : memref<88xi32, #tpu.memory_space<vmem>>)
        %dma_start3A_197 = arith.constant 0 : i32
        %dma_start3A_198 = arith.constant 0 : i32
        %dma_start3A_199 = arith.constant 0 : i32
        %dma_start3A_200 = arith.constant 0 : i32
        %dma_start3A_201 = tpu.memref_slice %arg10[%dma_start3A_198, %dma_start3A_199, %dma_start3A_200] : memref<2x88x128xf32, #tpu.memory_space<vmem>> -> memref<1x88x128xf32, #tpu.memory_space<vmem>>
        %dma_start3A_202 = tpu.memref_squeeze %dma_start3A_201 : memref<1x88x128xf32, #tpu.memory_space<vmem>> -> memref<88x128xf32, #tpu.memory_space<vmem>>
        %dma_start3A_203 = arith.constant 0 : i32
        %dma_start3A_204 = tpu.memref_slice %arg8[%dma_start3A_197, %dma_start3A_203] : memref<4x88xi32, #tpu.memory_space<vmem>> -> memref<1x88xi32, #tpu.memory_space<vmem>>
        %dma_start3A_205 = tpu.memref_squeeze %dma_start3A_204 : memref<1x88xi32, #tpu.memory_space<vmem>> -> memref<88xi32, #tpu.memory_space<vmem>>
        %dma_start3A_206 = arith.constant 0 : i32
        %dma_start3A_207 = arith.constant 0 : i32
        %dma_start3A_208 = tpu.memref_slice %arg5[%dma_start3A_206, %dma_start3A_207] : memref<70000x128xf32, #tpu.memory_space<hbm>> -> memref<70000x128xf32, #tpu.memory_space<hbm>>
        tpu.enqueue_indirect_dma source(%dma_start3A_208 : memref<70000x128xf32, #tpu.memory_space<hbm>>) target(%dma_start3A_202 : memref<88x128xf32, #tpu.memory_space<vmem>>) offsets(%dma_start3A_205 : memref<88xi32, #tpu.memory_space<vmem>>) semaphore(%arg18 : memref<!tpu.dma_semaphore, #tpu.memory_space<semaphore_mem>>)
      } else {
      }
      %lt3A_171 = arith.cmpi slt, %add3A_149, %squeeze3A : i32
      %convert_element_type3A_172 = arith.extui %lt3A_171 : i1 to i32
      %cond3A_173 = arith.constant 0 : i32
      %cond3A_174 = arith.cmpi ne, %convert_element_type3A_172, %cond3A_173 : i32
      scf.if %cond3A_174 {
        %dma_wait3A_175 = arith.constant 1 : i32
        %dma_wait3A_176 = arith.constant 0 : i32
        %dma_wait3A_177 = arith.constant 0 : i32
        %dma_wait3A_178 = tpu.memref_slice %arg10[%dma_wait3A_175, %dma_wait3A_176, %dma_wait3A_177] : memref<2x88x128xf32, #tpu.memory_space<vmem>> -> memref<1x88x128xf32, #tpu.memory_space<vmem>>
        %dma_wait3A_179 = tpu.memref_squeeze %dma_wait3A_178 : memref<1x88x128xf32, #tpu.memory_space<vmem>> -> memref<88x128xf32, #tpu.memory_space<vmem>>
        %dma_wait3A_180 = arith.constant 0 : i32
        %dma_wait3A_181 = arith.constant 0 : i32
        %dma_wait3A_182 = tpu.memref_slice %arg5[%dma_wait3A_180, %dma_wait3A_181] : memref<70000x128xf32, #tpu.memory_space<hbm>> -> memref<88x128xf32, #tpu.memory_space<hbm>>
        %dma_wait3A_183 = arith.constant 0 : i32
        %dma_wait3A_184 = arith.constant 0 : i32
        %dma_wait3A_185 = tpu.memref_slice %arg10[%dma_wait3A_175, %dma_wait3A_183, %dma_wait3A_184] : memref<2x88x128xf32, #tpu.memory_space<vmem>> -> memref<1x88x128xf32, #tpu.memory_space<vmem>>
        %dma_wait3A_186 = tpu.memref_squeeze %dma_wait3A_185 : memref<1x88x128xf32, #tpu.memory_space<vmem>> -> memref<88x128xf32, #tpu.memory_space<vmem>>
        %dma_wait3A_187 = arith.constant 0 : i32
        %dma_wait3A_188 = arith.constant 0 : i32
        %dma_wait3A_189 = tpu.memref_slice %arg5[%dma_wait3A_187, %dma_wait3A_188] : memref<70000x128xf32, #tpu.memory_space<hbm>> -> memref<88x128xf32, #tpu.memory_space<hbm>>
        tpu.wait_dma2 semaphore(%arg19 : memref<!tpu.dma_semaphore, #tpu.memory_space<semaphore_mem>>) src(%dma_wait3A_189 : memref<88x128xf32, #tpu.memory_space<hbm>>) dst(%dma_wait3A_186 : memref<88x128xf32, #tpu.memory_space<vmem>>)
        %dma_start3A_190 = arith.constant 1 : i32
        %dma_start3A_191 = arith.constant 3 : i32
        %dma_start3A_192 = arith.constant 0 : i32
        %dma_start3A_193 = arith.constant 0 : i32
        %dma_start3A_194 = tpu.memref_slice %arg10[%dma_start3A_190, %dma_start3A_192, %dma_start3A_193] : memref<2x88x128xf32, #tpu.memory_space<vmem>> -> memref<1x88x128xf32, #tpu.memory_space<vmem>>
        %dma_start3A_195 = tpu.memref_squeeze %dma_start3A_194 : memref<1x88x128xf32, #tpu.memory_space<vmem>> -> memref<88x128xf32, #tpu.memory_space<vmem>>
        %dma_start3A_196 = arith.constant 0 : i32
        %dma_start3A_197 = tpu.memref_slice %arg9[%dma_start3A_191, %dma_start3A_196] : memref<4x88xi32, #tpu.memory_space<vmem>> -> memref<1x88xi32, #tpu.memory_space<vmem>>
        %dma_start3A_198 = tpu.memref_squeeze %dma_start3A_197 : memref<1x88xi32, #tpu.memory_space<vmem>> -> memref<88xi32, #tpu.memory_space<vmem>>
        %dma_start3A_199 = arith.constant 0 : i32
        %dma_start3A_200 = arith.constant 0 : i32
        %dma_start3A_201 = tpu.memref_slice %arg13[%dma_start3A_199, %dma_start3A_200] : memref<5120x128xf32, #tpu.memory_space<vmem_shared>> -> memref<5120x128xf32, #tpu.memory_space<vmem_shared>>
        tpu.enqueue_indirect_dma source(%dma_start3A_195 : memref<88x128xf32, #tpu.memory_space<vmem>>) target(%dma_start3A_201 : memref<5120x128xf32, #tpu.memory_space<vmem_shared>>) offsets(%dma_start3A_198 : memref<88xi32, #tpu.memory_space<vmem>>) semaphore(%arg21 : memref<!tpu.dma_semaphore, #tpu.memory_space<semaphore_mem>>) {add = true}
      } else {
      }
    }
    %barrier3A_59 = arith.constant 0 : index
    tpu.barrier barrier_id(%barrier3A_59)
    "tpu.region"() ({
      %run_scoped3A = tpu.sem_alloc : memref<!tpu.dma_semaphore, #tpu.memory_space<semaphore_mem>>
      %dma_start3A_60 = arith.constant 0 : i32
      %dma_start3A_61 = tpu.memref_slice %arg7[%arg0, %mul3A_0, %dma_start3A_60] : memref<2x5120x128xf32, #tpu.memory_space<hbm>> -> memref<1x320x128xf32, #tpu.memory_space<hbm>>
      %dma_start3A_62 = tpu.memref_squeeze %dma_start3A_61 : memref<1x320x128xf32, #tpu.memory_space<hbm>> -> memref<320x128xf32, #tpu.memory_space<hbm>>
      %dma_start3A_63 = arith.constant 0 : i32
      %dma_start3A_64 = tpu.memref_slice %arg13[%mul3A_0, %dma_start3A_63] : memref<5120x128xf32, #tpu.memory_space<vmem_shared>> -> memref<320x128xf32, #tpu.memory_space<vmem_shared>>
      tpu.enqueue_dma source(%dma_start3A_64 : memref<320x128xf32, #tpu.memory_space<vmem_shared>>) target(%dma_start3A_62 : memref<320x128xf32, #tpu.memory_space<hbm>>) target_semaphore(%run_scoped3A : memref<!tpu.dma_semaphore, #tpu.memory_space<semaphore_mem>>)
      %dma_wait3A_65 = arith.constant 0 : i32
      %dma_wait3A_66 = tpu.memref_slice %arg7[%arg0, %mul3A_0, %dma_wait3A_65] : memref<2x5120x128xf32, #tpu.memory_space<hbm>> -> memref<1x320x128xf32, #tpu.memory_space<hbm>>
      %dma_wait3A_67 = tpu.memref_squeeze %dma_wait3A_66 : memref<1x320x128xf32, #tpu.memory_space<hbm>> -> memref<320x128xf32, #tpu.memory_space<hbm>>
      %dma_wait3A_68 = arith.constant 0 : i32
      %dma_wait3A_69 = tpu.memref_slice %arg13[%mul3A_0, %dma_wait3A_68] : memref<5120x128xf32, #tpu.memory_space<vmem_shared>> -> memref<320x128xf32, #tpu.memory_space<vmem_shared>>
      tpu.wait_dma2 semaphore(%run_scoped3A : memref<!tpu.dma_semaphore, #tpu.memory_space<semaphore_mem>>) src(%dma_wait3A_69 : memref<320x128xf32, #tpu.memory_space<vmem_shared>>) dst(%dma_wait3A_67 : memref<320x128xf32, #tpu.memory_space<hbm>>)
      tpu.yield
    }) : () -> ()
    return
  }
}

module attributes {stable_mosaic.version = 14 : i64} {
  func.func @body(%arg0: i32, %arg1: i32, %arg2: memref<1x5000x128xf32, #tpu.memory_space<vmem>>, %arg3: memref<896x128xf32, #tpu.memory_space<vmem>>, %arg4: memref<1x896xf32, #tpu.memory_space<vmem>>, %arg5: memref<5000x128xf32, #tpu.memory_space<vmem>>) attributes {dimension_semantics = [#tpu.dimension_semantics<arbitrary>, #tpu.dimension_semantics<arbitrary>], iteration_bounds = array<i64: 2, 7>, scalar_prefetch = 0 : i64, scratch_operands = 0 : i64, tpu.core_type = #tpu.core_type<tc>, window_params = [{transform_indices = @transform_0, window_bounds = array<i64: 1, 5000, 128>}, {pipeline_mode = #tpu.pipeline_mode<synchronous>, transform_indices = @transform_1, window_bounds = array<i64: 896, 128>}, {pipeline_mode = #tpu.pipeline_mode<synchronous>, transform_indices = @transform_2, window_bounds = array<i64: 1, 896>}, {transform_indices = @transform_3, window_bounds = array<i64: 5000, 128>}]} {
    %mul3A = arith.constant 128 : i32
    %mul3A_0 = arith.muli %arg1, %mul3A : i32
    %get3A = arith.index_cast %mul3A_0 : i32 to index
    %get3A_1 = arith.constant 0 : index
    %get3A_2 = vector.load %arg3[%get3A, %get3A_1] : memref<896x128xf32, #tpu.memory_space<vmem>>, vector<128x128xf32>
    %mul3A_3 = arith.constant 128 : i32
    %mul3A_4 = arith.muli %arg1, %mul3A_3 : i32
    %get3A_5 = arith.constant 0 : index
    %get3A_6 = arith.index_cast %mul3A_4 : i32 to index
    %get3A_7 = vector.load %arg4[%get3A_5, %get3A_6] : memref<1x896xf32, #tpu.memory_space<vmem>>, vector<1x128xf32>
    %get3A_8 = vector.shape_cast %get3A_7 : vector<1x128xf32> to vector<128xf32>
    %get3A_9 = arith.constant 0 : index
    %get3A_10 = arith.constant 0 : index
    %get3A_11 = arith.constant 0 : index
    %get3A_12 = vector.load %arg2[%get3A_9, %get3A_10, %get3A_11] : memref<1x5000x128xf32, #tpu.memory_space<vmem>>, vector<1x5000x128xf32>
    %get3A_13 = vector.shape_cast %get3A_12 : vector<1x5000x128xf32> to vector<5000x128xf32>
    %max3A = arith.constant 0.000000e+00 : f32
    %max3A_14 = vector.broadcast %max3A : f32 to vector<5000x128xf32>
    %max3A_15 = arith.maximumf %get3A_13, %max3A_14 : vector<5000x128xf32>
    %dot_general3A = arith.constant dense<0.000000e+00> : vector<5000x128xf32>
    %dot_general3A_16 = tpu.matmul %max3A_15, %get3A_2, %dot_general3A {dimension_numbers = #tpu.dot_dimension_numbers<[1], [1], [0], [0], [0, 0, 1, 0], [], []>, transpose_lhs_hint = false} : vector<5000x128xf32>, vector<128x128xf32>, vector<5000x128xf32> -> vector<5000x128xf32>
    %broadcast_in_dim3A = vector.shape_cast %get3A_8 : vector<128xf32> to vector<1x128xf32>
    %add3A = vector.broadcast %broadcast_in_dim3A : vector<1x128xf32> to vector<5000x128xf32>
    %add3A_17 = arith.addf %dot_general3A_16, %add3A : vector<5000x128xf32>
    %swap3A = arith.constant 0 : index
    %swap3A_18 = arith.constant 0 : index
    %swap3A_19 = vector.load %arg5[%swap3A, %swap3A_18] : memref<5000x128xf32, #tpu.memory_space<vmem>>, vector<5000x128xf32>
    tpu.vector_store %arg5[%swap3A, %swap3A_18], %add3A_17 {strides = array<i32>} : memref<5000x128xf32, #tpu.memory_space<vmem>>, vector<5000x128xf32>,
    return
  }
  func.func @transform_0(%arg0: i32, %arg1: i32) -> (i32, i32, i32) {
    %jit3A = arith.constant 1 : i32
    %div3A = arith.divsi %arg0, %jit3A : i32
    %sign3A = arith.constant 0 : i32
    %sign3A_0 = arith.cmpi sgt, %arg0, %sign3A : i32
    %sign3A_1 = arith.extui %sign3A_0 : i1 to i32
    %sign3A_2 = arith.constant 0 : i32
    %sign3A_3 = arith.cmpi slt, %arg0, %sign3A_2 : i32
    %sign3A_4 = arith.extui %sign3A_3 : i1 to i32
    %sign3A_5 = arith.subi %sign3A_1, %sign3A_4 : i32
    %sign3A_6 = arith.constant 0 : i32
    %sign3A_7 = arith.cmpi sgt, %jit3A, %sign3A_6 : i32
    %sign3A_8 = arith.extui %sign3A_7 : i1 to i32
    %sign3A_9 = arith.constant 0 : i32
    %sign3A_10 = arith.cmpi slt, %jit3A, %sign3A_9 : i32
    %sign3A_11 = arith.extui %sign3A_10 : i1 to i32
    %sign3A_12 = arith.subi %sign3A_8, %sign3A_11 : i32
    %ne3A = arith.cmpi ne, %sign3A_5, %sign3A_12 : i32
    %rem3A = arith.remsi %arg0, %jit3A : i32
    %ne3A_13 = arith.constant 0 : i32
    %ne3A_14 = arith.cmpi ne, %rem3A, %ne3A_13 : i32
    %and3A = arith.andi %ne3A, %ne3A_14 : i1
    %sub3A = arith.constant 1 : i32
    %sub3A_15 = arith.subi %div3A, %sub3A : i32
    %select_n3A = arith.select %and3A, %sub3A_15, %div3A : i32
    %jit3A_16 = arith.constant 1 : i32
    %eq3A = arith.constant 0 : i32
    %eq3A_17 = arith.cmpi eq, %jit3A_16, %eq3A : i32
    %jit3A_18 = arith.constant 1 : i32
    %select_n3A_19 = arith.select %eq3A_17, %jit3A_18, %jit3A_16 : i32
    %rem3A_20 = arith.remsi %arg0, %select_n3A_19 : i32
    %ne3A_21 = arith.constant 0 : i32
    %ne3A_22 = arith.cmpi ne, %rem3A_20, %ne3A_21 : i32
    %lt3A = arith.constant 0 : i32
    %lt3A_23 = arith.cmpi slt, %rem3A_20, %lt3A : i32
    %lt3A_24 = arith.constant 0 : i32
    %lt3A_25 = arith.cmpi slt, %select_n3A_19, %lt3A_24 : i32
    %ne3A_26 = arith.xori %lt3A_23, %lt3A_25 : i1
    %and3A_27 = arith.andi %ne3A_26, %ne3A_22 : i1
    %add3A = arith.addi %rem3A_20, %select_n3A_19 : i32
    %select_n3A_28 = arith.select %and3A_27, %add3A, %rem3A_20 : i32
    %c0_i32 = arith.constant 0 : i32
    %c0_i32_29 = arith.constant 0 : i32
    return %select_n3A, %select_n3A_28, %c0_i32 : i32, i32, i32
  }
  func.func @transform_1(%arg0: i32, %arg1: i32) -> (i32, i32) {
    %c0_i32 = arith.constant 0 : i32
    %c0_i32_0 = arith.constant 0 : i32
    %c0_i32_1 = arith.constant 0 : i32
    return %c0_i32, %c0_i32_0 : i32, i32
  }
  func.func @transform_2(%arg0: i32, %arg1: i32) -> (i32, i32) {
    %c0_i32 = arith.constant 0 : i32
    %c0_i32_0 = arith.constant 0 : i32
    %c0_i32_1 = arith.constant 0 : i32
    return %c0_i32, %c0_i32_0 : i32, i32
  }
  func.func @transform_3(%arg0: i32, %arg1: i32) -> (i32, i32) {
    %mul3A = arith.constant 2 : i32
    %mul3A_0 = arith.muli %arg1, %mul3A : i32
    %add3A = arith.addi %mul3A_0, %arg0 : i32
    %c0_i32 = arith.constant 0 : i32
    %c0_i32_1 = arith.constant 0 : i32
    return %add3A, %c0_i32 : i32, i32
  }
}

module attributes {stable_mosaic.version = 14 : i64} {
  func.func @body(%arg0: i32, %arg1: i32, %arg2: memref<5000x128xf32, #tpu.memory_space<vmem>>, %arg3: memref<896x128xf32, #tpu.memory_space<vmem>>, %arg4: memref<1x896xf32, #tpu.memory_space<vmem>>, %arg5: memref<5000x128xf32, #tpu.memory_space<vmem>>) attributes {dimension_semantics = [#tpu.dimension_semantics<arbitrary>, #tpu.dimension_semantics<arbitrary>], iteration_bounds = array<i64: 2, 7>, scalar_prefetch = 0 : i64, scratch_operands = 0 : i64, tpu.core_type = #tpu.core_type<tc>, window_params = [{transform_indices = @transform_0, window_bounds = array<i64: 5000, 128>}, {pipeline_mode = #tpu.pipeline_mode<synchronous>, transform_indices = @transform_1, window_bounds = array<i64: 896, 128>}, {pipeline_mode = #tpu.pipeline_mode<synchronous>, transform_indices = @transform_2, window_bounds = array<i64: 1, 896>}, {transform_indices = @transform_3, window_bounds = array<i64: 5000, 128>}]} {
    %mul3A = arith.constant 128 : i32
    %mul3A_0 = arith.muli %arg1, %mul3A : i32
    %get3A = arith.index_cast %mul3A_0 : i32 to index
    %get3A_1 = arith.constant 0 : index
    %get3A_2 = vector.load %arg3[%get3A, %get3A_1] : memref<896x128xf32, #tpu.memory_space<vmem>>, vector<128x128xf32>
    %mul3A_3 = arith.constant 128 : i32
    %mul3A_4 = arith.muli %arg1, %mul3A_3 : i32
    %get3A_5 = arith.constant 0 : index
    %get3A_6 = arith.index_cast %mul3A_4 : i32 to index
    %get3A_7 = vector.load %arg4[%get3A_5, %get3A_6] : memref<1x896xf32, #tpu.memory_space<vmem>>, vector<1x128xf32>
    %get3A_8 = vector.shape_cast %get3A_7 : vector<1x128xf32> to vector<128xf32>
    %get3A_9 = arith.constant 0 : index
    %get3A_10 = arith.constant 0 : index
    %get3A_11 = vector.load %arg2[%get3A_9, %get3A_10] : memref<5000x128xf32, #tpu.memory_space<vmem>>, vector<5000x128xf32>
    %dot_general3A = arith.constant dense<0.000000e+00> : vector<5000x128xf32>
    %dot_general3A_12 = tpu.matmul %get3A_11, %get3A_2, %dot_general3A {dimension_numbers = #tpu.dot_dimension_numbers<[1], [1], [0], [0], [0, 0, 1, 0], [], []>, transpose_lhs_hint = false} : vector<5000x128xf32>, vector<128x128xf32>, vector<5000x128xf32> -> vector<5000x128xf32>
    %broadcast_in_dim3A = vector.shape_cast %get3A_8 : vector<128xf32> to vector<1x128xf32>
    %add3A = vector.broadcast %broadcast_in_dim3A : vector<1x128xf32> to vector<5000x128xf32>
    %add3A_13 = arith.addf %dot_general3A_12, %add3A : vector<5000x128xf32>
    %swap3A = arith.constant 0 : index
    %swap3A_14 = arith.constant 0 : index
    %swap3A_15 = vector.load %arg5[%swap3A, %swap3A_14] : memref<5000x128xf32, #tpu.memory_space<vmem>>, vector<5000x128xf32>
    tpu.vector_store %arg5[%swap3A, %swap3A_14], %add3A_13 {strides = array<i32>} : memref<5000x128xf32, #tpu.memory_space<vmem>>, vector<5000x128xf32>,
    return
  }
  func.func @transform_0(%arg0: i32, %arg1: i32) -> (i32, i32) {
    %c0_i32 = arith.constant 0 : i32
    %c0_i32_0 = arith.constant 0 : i32
    return %arg0, %c0_i32 : i32, i32
  }
  func.func @transform_1(%arg0: i32, %arg1: i32) -> (i32, i32) {
    %c0_i32 = arith.constant 0 : i32
    %c0_i32_0 = arith.constant 0 : i32
    %c0_i32_1 = arith.constant 0 : i32
    return %c0_i32, %c0_i32_0 : i32, i32
  }
  func.func @transform_2(%arg0: i32, %arg1: i32) -> (i32, i32) {
    %c0_i32 = arith.constant 0 : i32
    %c0_i32_0 = arith.constant 0 : i32
    %c0_i32_1 = arith.constant 0 : i32
    return %c0_i32, %c0_i32_0 : i32, i32
  }
  func.func @transform_3(%arg0: i32, %arg1: i32) -> (i32, i32) {
    %mul3A = arith.constant 2 : i32
    %mul3A_0 = arith.muli %arg1, %mul3A : i32
    %add3A = arith.addi %mul3A_0, %arg0 : i32
    %c0_i32 = arith.constant 0 : i32
    %c0_i32_1 = arith.constant 0 : i32
    return %add3A, %c0_i32 : i32, i32
  }
}

</mosaic_0001>

<sc_bundles>
// kernel: kernel.10.cloned.1.call-start
scs
__scs_entry_jumppad:
0x0: {  	(pc) =	sbr.rel $0x88, $3  }
0x1: {  	(tag) =	ssettag $0x0;
	lr =	simm.s32 $0x1  }
0x2: {  	[smem:$0x3F9A] =	sst lr;
	_ =	strace $0xD0000000  }
0x3: {  	_ = 	snop  }
0x4: {  	_ = 	snop  }
0x5: {  	_ = 	snop  }
0x6: {  	_ = 	snop  }
0x7: {  	_ = 	snop  }
__scs_overlays_trampoline_lowered:
0x8: {  	[smem:$0x3FA9] =	sst s0  }
0x9: {  	[smem:$0x3FAA] =	sst s1  }
0xa: {  	[smem:$0x3FAB] =	sst s2  }
0xb: {  	[smem:$0x3FAC] =	sst s3  }
0xc: {  	[smem:$0x3FAD] =	sst s4  }
0xd: {  	[smem:$0x3FAE] =	sst s5  }
0xe: {  	[smem:$0x3FAF] =	sst s6  }
0xf: {  	[smem:$0x3FB0] =	sst s7  }
0x10: {  	[smem:$0x3FB1] =	sst s8  }
0x11: {  	[smem:$0x3FB2] =	sst s9;
	s0 =	simm.s32 @!p0 $0x0  }
0x12: {  	s1 =	sld [smem:$0x3F98];
	s0 =	simm.s32 @p0 $0x1  }
0x13: {  	[smem:$0x3FB3] =	sst s0;
	s0 =	simm.s32 @!p1 $0x0  }
0x14: {  	s2 =	sld [smem:$0x3F97];
	s0 =	simm.s32 @p1 $0x1  }
0x15: {  	[smem:$0x3FB4] =	sst s0;
	s0 =	simm.s32 @!p2 $0x0  }
0x16: {  	s3 =	sld [smem:$0x3FDB];
	s0 =	simm.s32 @p2 $0x1  }
0x17: {  	s4 =	simm.s32 $0x1BF5;
	[smem:$0x3FB6] =	sst s0  }
0x18: {  	s0 =	sld [smem:$0x3F99];
	_ =	swait.ge [sflag:s4], $0x0  }
0x19: {  	s7 =	sld [smem:$0x3F9A]  }
0x1a: {  	s8 =	sadd.s32 $0xFFFFE003, lr  }
0x1b: {  	s9 =	sadd.s32 $0xFFFFFEF7, lr;
	s5 =	simm.s32 $0xFFFFFFFF;
	p2 =	slt.u32 s8, $0xFFFFF086  }
0x1c: {  	p1 =	slt.u32 s9, $0xF7A;
	s5 =	simm.s32 @!p2 $0x0  }
0x1d: {  	s5 =	simm.s32 @p1 $0x1;
	p0 =	seq.s32 s7, s2  }
0x1e: {  	s7 =	smul.u32 @!p0 $0xF7A, s2;
	p2 =	seq.s32 @!p0 s5, $0x0  }
0x1f: {  	s9 =	smul.u32 $0xF7A, s1;
	s8 =	simm.s32 @!p0 $0x1BF5;
	p2 =	por !p2, p0  }
0x20: {  	[sflag:s8] =	ssyncset.s32 @!p0 $0xFFFFF086;
	s6 =	sadd.s32 @!p0 s3, s7;
	s7 =	simm.s32 @!p0 $0x108  }
0x21: {  	s3 =	sadd.s32 s3, s9;
	s6 =	sadd.s32 @!p0 $0x88, s6;
	s7 =	simm.s32 @p2 $0x1082  }
0x22: {  	[simem:s7], [sflag:s8] =	dma.local @!p0 [hbm:s6], $0xF7A  }
0x23: {  	s9 =	sor.u32 $0xD0000000, s2;
	s6 =	simm.s32 $0x108;
	_ =	swait.ge @!p0 [sflag:s8], $0x0  }
0x24: {  	s3 =	sadd.s32 $0x88, s3;
	s6 =	simm.s32 @!p1 $0x1082;
	[sflag:s4] =	ssyncset.s32 $0xFFFFF086  }
0x25: {  	[simem:s6], [sflag:s4] =	dma.local [hbm:s3], $0xF7A  }
0x26: {  	[smem:$0x3F9A] =	sst s1;
	(tag) =	ssettag s2;
	_ =	strace s9  }
0x27: {  	s1 =	sld [smem:$0x3FAA]  }
0x28: {  	s2 =	sld [smem:$0x3FAB]  }
0x29: {  	s4 =	sld [smem:$0x3FAD]  }
0x2a: {  	p0 =	seq.s32 s5, $0x0;
	s5 =	sld [smem:$0x3FAE]  }
0x2b: {  	s6 =	sld [smem:$0x3FAF]  }
0x2c: {  	s7 =	sld [smem:$0x3FB0]  }
0x2d: {  	s3 =	simm.s32 $0x108;
	s8 =	sld [smem:$0x3FB1]  }
0x2e: {  	s3 =	simm.s32 @!p0 $0x1082;
	s9 =	sld [smem:$0x3FB2]  }
0x2f: {  	lr =	sadd.s32 s0, s3;
	s0 =	sld [smem:$0x3FA9]  }
0x30: {  	s3 =	sld [smem:$0x3FAC]  }
0x31: {  	[smem:$0x3FB5] =	sst s10  }
0x32: {  	s10 =	sld [smem:$0x3FB3];
	_ =	sdelay $0x3  }
0x33: {  	p0 =	seq.s32 s10, $0x1;
	s10 =	sld [smem:$0x3FB5];
	_ =	sdelay $0x3  }
0x34: {  	[smem:$0x3FB5] =	sst s10  }
0x35: {  	s10 =	sld [smem:$0x3FB4];
	_ =	sdelay $0x3  }
0x36: {  	p1 =	seq.s32 s10, $0x1;
	s10 =	sld [smem:$0x3FB5];
	_ =	sdelay $0x3  }
0x37: {  	[smem:$0x3FB5] =	sst s10  }
0x38: {  	s10 =	sld [smem:$0x3FB6]  }
0x39: {  	_ = 	snop;
	(pc) =	sbr.ind lr, $3  }
0x3a: {  	_ = 	snop  }
0x3b: {  	_ = 	snop  }
0x3c: {  	p2 =	seq.s32 s10, $0x1;
	s10 =	sld [smem:$0x3FB5]  }
0x3d: {  	_ =	shalt  }
0x3e: {  	_ =	shalt  }
0x3f: {  	_ =	shalt  }
0x40: {  	_ =	shalt  }
0x41: {  	_ =	shalt  }
0x42: {  	_ =	shalt  }
0x43: {  	_ =	shalt  }
0x44: {  	_ =	shalt  }
0x45: {  	_ =	shalt  }
0x46: {  	_ =	shalt  }
0x47: {  	_ =	shalt  }
0x48: {  	_ =	shalt  }
0x49: {  	_ =	shalt  }
0x4a: {  	_ =	shalt  }
0x4b: {  	_ =	shalt  }
0x4c: {  	_ =	shalt  }
0x4d: {  	_ =	shalt  }
0x4e: {  	_ =	shalt  }
0x4f: {  	_ =	shalt  }
0x50: {  	_ =	shalt  }
0x51: {  	_ =	shalt  }
0x52: {  	_ =	shalt  }
0x53: {  	_ =	shalt  }
0x54: {  	_ =	shalt  }
0x55: {  	_ =	shalt  }
0x56: {  	_ =	shalt  }
0x57: {  	_ =	shalt  }
0x58: {  	_ =	shalt  }
0x59: {  	_ =	shalt  }
0x5a: {  	_ =	shalt  }
0x5b: {  	_ =	shalt  }
0x5c: {  	_ =	shalt  }
0x5d: {  	_ =	shalt  }
0x5e: {  	_ =	shalt  }
0x5f: {  	_ =	shalt  }
0x60: {  	_ =	shalt  }
0x61: {  	_ =	shalt  }
0x62: {  	_ =	shalt  }
0x63: {  	_ =	shalt  }
0x64: {  	_ =	shalt  }
0x65: {  	_ =	shalt  }
0x66: {  	_ =	shalt  }
0x67: {  	_ =	shalt  }
0x68: {  	_ =	shalt  }
0x69: {  	_ =	shalt  }
0x6a: {  	_ =	shalt  }
0x6b: {  	_ =	shalt  }
0x6c: {  	_ =	shalt  }
0x6d: {  	_ =	shalt  }
0x6e: {  	_ =	shalt  }
0x6f: {  	_ =	shalt  }
0x70: {  	_ =	shalt  }
0x71: {  	_ =	shalt  }
0x72: {  	_ =	shalt  }
0x73: {  	_ =	shalt  }
0x74: {  	_ =	shalt  }
0x75: {  	_ =	shalt  }
0x76: {  	_ =	shalt  }
0x77: {  	_ =	shalt  }
0x78: {  	_ =	shalt  }
0x79: {  	_ =	shalt  }
0x7a: {  	_ =	shalt  }
0x7b: {  	_ =	shalt  }
0x7c: {  	_ =	shalt  }
0x7d: {  	_ =	shalt  }
0x7e: {  	_ =	shalt  }
0x7f: {  	_ =	shalt  }
0x80: {  	_ =	shalt  }
0x81: {  	_ =	shalt  }
0x82: {  	_ =	shalt  }
0x83: {  	_ =	shalt  }
0x84: {  	_ =	shalt  }
0x85: {  	_ =	shalt  }
0x86: {  	_ =	shalt  }
0x87: {  	_ =	shalt  }
.Lfunc_end0:
.L_simem_size_0:
called_computation.1_lowered:
.L_overlay_start_0:
0x88: {  	s2 =	sld [smem:$0x3FD9]  }
0x89: {  	s3 =	sld [smem:$0x3FFE];
	_ =	sdelay $0x1  }
0x8a: {  	s1 =	srdreg.scid  }
0x8b: {  	s0 =	sand.u32 $0x1, s1  }
0x8c: {  	s16 =	sshll.u32 s0, $0xA;
	s2 =	sadd.s32 s3, s2  }
0x8d: {  	s2 =	sadd.s32 s2, s16  }
0x8e: {  	[smem:$0x3FC1] =	sst s2  }
0x8f: {  	_ = 	snop  }
0x90: {  	(tm) =	ssettm $0x1  }
0x91: {  	s17 =	sld [smem:$0x3FFB];
	_ =	sdelay $0x3  }
0x92: {  	_ =	strace s17  }
0x93: {  	s2 =	sld [smem:$0x3FFC];
	_ =	sdelay $0x3  }
0x94: {  	_ =	strace s2  }
0x95: {  	s2 =	sld [smem:$0x3FFD];
	_ =	sdelay $0x3  }
0x96: {  	_ =	strace s2  }
0x97: {  	_ =	strace $0x8FFFFFFF  }
0x98: {  	s18 =	sld [smem:$0x3FDB];
	_ =	sdelay $0x1  }
0x99: {  	s19 =	simm.s32 $_scs_section_size  }
0x9a: {  	s4 =	simm.s32 $_size__tile_overlayer_lowered;
	s5 =	simm.s32 $_tile_overlayer_lowered  }
0x9b: {  	s22 =	simm.s32 $0x1BFF;
	s21 =	sshll.u32 s5, $0x1;
	s2 =	sadd.s32 s19, s18  }
0x9c: {  	s6 =	simm.s32 $0x0;
	s20 =	sshll.u32 s4, $0x1;
	s4 =	sadd.s32 s21, s2  }
0x9d: {  	[timem:s6], [sflag:s22] =	dma.local [hbm:s4], s20  }
0x9e: {  	_ =	swait.ge [sflag:s22], s20  }
0x9f: {  	s3 =	ssub.s32 $0x0, s20;
	[sflag:s22] =	ssyncset.done $0x0  }
0xa0: {  	[sflag:s22] =	ssyncadd.s32 s3;
	_ =	sdelay $0x1  }
0xa1: {  	s23 =	simm.s32 $0x1B8B  }
0xa2: {  	_ =	swait.ge [sflag:s23], $0x1  }
0xa3: {  	[sflag:s23] =	ssyncset.done $0x0  }
0xa4: {  	s25 =	simm.s32 $0x1B8E;
	s24 =	sld [smem:$0x3FFE];
	[sflag:s23] =	ssyncadd.s32 $0xFFFFFFFF  }
0xa5: {  	s26 =	simm.s32 $execute0_lowered;
	[smem:$0x3FD2] =	sst s25  }
0xa6: {  	s4 =	sshll.u32 s26, $0x1;
	_ =	strace $0x80000049;
	[dreg:$0x1] =	wrdreg $0xFFFFFFFF  }
0xa7: {  	s28 =	simm.s32 $_size_execute0_lowered;
	s2 =	sadd.s32 s2, s4;
	[dreg:$0x0] =	wrdreg $0x0  }
0xa8: {  	s4 =	sshll.u32 s28, $0x1;
	[dreg:$0x2] =	wrdreg s2  }
0xa9: {  	[dreg:$0x3] =	wrdreg s4  }
0xaa: {  	[dreg:$0x4] =	wrdreg $0xC0  }
0xab: {  	_ =	task [dreg:s6], $0x5FFFF  }
0xac: {  	[dreg:$0x1] =	wrdreg $0xFFFFFFFF  }
0xad: {  	[dreg:$0x0] =	wrdreg $0x60  }
0xae: {  	[dreg:$0x2] =	wrdreg s24  }
0xaf: {  	[dreg:$0x3] =	wrdreg $0x5C800  }
0xb0: {  	[dreg:$0x4] =	wrdreg $0x9  }
0xb1: {  	_ =	task.clear_ibuf [dreg:s6], $0x5FFFF;
	_ =	strace $0x90000049  }
0xb2: {  	s29 =	simm.s32 $0x9;
	_ =	strace $0x8000004B  }
0xb3: {  	_ =	swait.ge [sflag:s29], $0x1  }
0xb4: {  	[sflag:s29] =	ssyncadd.s32 $0xFFFFFFFF  }
0xb5: {  	_ =	strace $0x9000004B  }
0xb6: {  	_ =	sfence  }
0xb7: {  	s30 =	sld [smem:$0x0];
	_ =	sdelay $0x2  }
0xb8: {  	s31 =	sshll.u32 s1, $0xD;
	s1 =	sshrl.u32 s1, $0x2  }
0xb9: {  	s3 =	sand.u32 $0x4000, s31;
	s1 =	sadd.s32 s1, s30  }
0xba: {  	s0 =	sor.u32 s3, s0;
	s1 =	sshll.u32 s1, $0x11  }
0xbb: {  	s0 =	sor.u32 s1, s0  }
0xbc: {  	s0 =	sadd.s32 $0x8F2B, s0  }
0xbd: {  	[sflag:s0] =	ssyncadd.remote.s32 $0x1  }
0xbe: {  	_ =	sfence.sel $0xFFFF  }
0xbf: {  	[dreg:$0x0] =	wrdreg $0xFFFFFFFF;
	(pc) =	sbr.abs _section_cstart, $3  }
0xc0: {  	[dreg:$0x1] =	wrdreg $0xFFFFFFFF  }
0xc1: {  	_ =	task.clear_ibuf [dreg:s6], $0x2FFFF;
	_ =	strace $0x9FFFFFFF  }
0xc2: {  	(tm) =	ssettm $0x7FFFFFFF  }
0xc3: {  	_ =	shalt  }
tec
execute0_lowered:
.L_overlay_start_1:
0x0: {  	(tag) =	ssettag $0x1  }
0x1: {  	s0 =	rddreg [dreg:$0x0]  }
0x2: {  	s2 =	rddreg [dreg:$0x1];
	s12 =	stileid.u32  }
0x3: {  	s1 =	srdreg.scid;
	s3 =	simm.s32 $0x0;
	s7 =	smul.u32 $0xA000, s12  }
0x4: {  	s1 =	sand.u32 $0x1, s1;
	[smem:$0x7FF] =	sst s3;
	s10 =	smul.u32 $0x28000, s12  }
0x5: {  	s4 =	sadd.s32 $0x1C00, s0;
	s5 =	sadd.s32 $0x15E00, s0;
	s26 =	smul.u32 $0x5070, s12  }
0x6: {  	s20 =	sshll.u32 s12, $0x6;
	s18 =	sshll.u32 s1, $0x4;
	s8 =	smul.u32 $0xA0000, s1  }
0x7: {  	_ =	strace $0x8000004A;
	s19 =	ssub.s32 $0x2, s1;
	s1 =	smul.u32 $0x50700, s1  }
0x8: {  	s3 =	sor.u32 s12, s18;
	s11 =	sshrl.u32 s19, $0x1;
	s10 =	sshrl.u32 s10, $0x2  }
0x9: {  	s6 =	sshll.u32 s3, $0x1;
	s8 =	sadd.s32 s7, s8;
	s7 =	sshrl.u32 s7, $0x3  }
0xa: {  	s3 =	smul.u32 $0x5070, s3;
	s10 =	sadd.s32 s10, s2;
	s31 =	sadd.s32 s26, s1  }
0xb: {  	s9 =	sadd.s32 s6, s0;
	s6 =	sadd.s32 $0x2A200, s0;
	s8 =	sshrl.u32 s8, $0x3  }
0xc: {  	s7 =	sadd.s32 s7, s0;
	s18 =	sadd.s32 $0x108, s31;
	s9 =	sadd.s32 $0x2A000, s9  }
0xd: {  	s7 =	sadd.s32 $0x13BA00, s7;
	s21 =	sshrl.u32 s3, $0x3;
	[dreg:$0x3] =	wrdreg s9  }
0xe: {  	s0 =	sadd.s32 s8, s0;
	[dreg:$0x4] =	wrdreg s7;
	s22 =	sadd.s32 s4, s21  }
0xf: {  	s8 =	ssub.s32 s19, s11;
	s23 =	sadd.s32 s5, s21;
	[dreg:$0x5] =	wrdreg s22  }
0x10: {  	s3 =	sadd.s32 $0x58, s3;
	s0 =	sadd.s32 $0x14FA00, s0;
	[dreg:$0x6] =	wrdreg s23  }
0x11: {  	s3 =	sshrl.u32 s3, $0x3;
	s30 =	smax.u32 s8, $0x1;
	[dreg:$0xb] =	wrdreg s0  }
.Ltmp0:
0x12: {  	s24 =	sadd.s32 s4, s3;
	[dreg:$0xc] =	wrdreg s30;
	(pc) =	sbr.rel .LBB2_1-.Ltmp0, $4  }
0x13: {  	s25 =	sadd.s32 $0x16, s21;
	s3 =	sadd.s32 s5, s3;
	[dreg:$0x7] =	wrdreg s24  }
0x14: {  	s9 =	sor.u32 $0x1C0A, s20;
	s28 =	sadd.s32 s4, s25;
	[dreg:$0x8] =	wrdreg s3  }
0x15: {  	s20 =	sshrl.u32 s10, $0x3;
	s29 =	sadd.s32 s5, s25;
	[dreg:$0x9] =	wrdreg s28  }
0x16: {  	s21 =	simm.s32 $0xA;
	s23 =	simm.s32 $0x0;
	[dreg:$0xa] =	wrdreg s29  }
.LBB2_3:
0x17: {  	s1 =	simm.s32 $0x0;
	s28 =	smov.u32 s18  }
.LBB2_8:
0x18: {  	p3 =	por p3, !p2  }
0x19: {  	[spmem:s2] =	stream.indirect.scatter.add.f32 @!p3 [tilespmem:s8], [sflag:$0x7], $0x80, s15, s13, $0xb8;
	[tilespmem:$0xFC80] =	vst v63  }
0x1a: {  	p4 =	por p5, !p2;
	p1 =	por p1, !p2;
	_ =	swait.ge @!p3 [sflag:s14], $0x2C00  }
0x1b: {  	s8 =	sshrl.u32 @!p4 s10, $0x3;
	s13 =	simm.s32 @!p4 $0x0;
	[sflag:s14] =	ssyncset.done @!p3 $0x0  }
0x1c: {  	s10 =	sadd.s32 @!p4 s4, s8;
	[sflag:s14] =	ssyncadd.s32 @!p3 $0xFFFFD400;
	s14 =	simm.s32 @!p4 $0x100  }
0x1d: {  	[tilespmem:s14], [sflag:$0x3] =	stream.linear.gather @!p4 [hbm4b:s10+s13], $0x58, $0x38;
	[tilespmem:$0xFC80] =	vst v63  }
0x1e: {  	s8 =	sadd.s32 @!p4 s5, s8;
	s10 =	simm.s32 @!p4 $0x300;
	s14 =	simm.s32 @!p1 $0x1  }
0x1f: {  	[tilespmem:s10], [sflag:$0x3] =	stream.linear.gather @!p4 [hbm4b:s8+s13], $0x58, $0x38;
	[tilespmem:$0xFC80] =	vst v63  }
0x20: {  	_ =	swait.ge @!p1 [sflag:s14], $0x58  }
0x21: {  	[sflag:s14] =	ssyncset.done @!p1 $0x0  }
0x22: {  	[sflag:s14] =	ssyncadd.s32 @!p1 $0xFFFFFFA8  }
0x23: {  	p0 =	por p0, !p2;
	_ =	swait.ge @!p1 [sflag:s14], $0x58  }
0x24: {  	p3 =	seq.s32 s1, $0x0;
	s8 =	simm.s32 @!p1 $0x58;
	[sflag:s14] =	ssyncset.done @!p1 $0x0  }
0x25: {  	s10 =	simm.s32 @!p0 $0x6;
	s13 =	simm.s32 @!p1 $0x400;
	[sflag:s14] =	ssyncadd.s32 @!p1 $0xFFFFFFA8  }
0x26: {  	[tilespmem:s13], [sflag:$0x5] =	stream.indirect.gather @!p1 [hbm4b:s6+s8], $0x80, s0, s8, $0xb8;
	[tilespmem:$0xFC80] =	vst v63  }
0x27: {  	p2 =	sgt.s32 @!p3 s1, s24;
	_ =	swait.ge @!p0 [sflag:s10], $0x2C00  }
0x28: {  	p3 =	por p2, p3;
	[sflag:s10] =	ssyncset.done @!p0 $0x0  }
0x29: {  	p1 =	sge.s32 s7, s24;
	s7 =	simm.s32 @!p3 $0x8;
	[sflag:s10] =	ssyncadd.s32 @!p0 $0xFFFFD400  }
0x2a: {  	[spmem:s2] =	stream.indirect.scatter.add.f32 @!p0 [tilespmem:s12], [sflag:$0x8], $0x80, s30, s11, $0xb8;
	[tilespmem:$0xFC80] =	vst v63  }
0x2b: {  	p2 =	sge.s32 s31, s24;
	s0 =	sshrl.u32 @!p1 s28, $0x3;
	_ =	swait.ge @!p3 [sflag:s7], $0x2C00  }
0x2c: {  	s8 =	sadd.s32 @!p1 s4, s0;
	p0 =	por p1, p1;
	[sflag:s7] =	ssyncset.done @!p3 $0x0  }
0x2d: {  	s10 =	simm.s32 @!p0 $0x0;
	[sflag:s7] =	ssyncadd.s32 @!p3 $0xFFFFD400;
	s7 =	simm.s32 @!p0 $0x180  }
0x2e: {  	[tilespmem:s7], [sflag:$0x4] =	stream.linear.gather @!p0 [hbm4b:s8+s10], $0x58, $0x38;
	[tilespmem:$0xFC80] =	vst v63  }
0x2f: {  	s11 =	simm.s32 @!p2 $0x2;
	s8 =	sadd.s32 @!p1 s5, s0;
	s0 =	simm.s32 @!p0 $0x380  }
0x30: {  	[tilespmem:s0], [sflag:$0x4] =	stream.linear.gather @!p0 [hbm4b:s8+s10], $0x58, $0x38;
	[tilespmem:$0xFC80] =	vst v63  }
0x31: {  	_ =	swait.ge @!p2 [sflag:s11], $0x58  }
0x32: {  	[sflag:s11] =	ssyncset.done @!p2 $0x0  }
0x33: {  	[sflag:s11] =	ssyncadd.s32 @!p2 $0xFFFFFFA8  }
0x34: {  	p3 =	sge.s32 s1, s24;
	p1 =	sge.s32 s3, s24;
	_ =	swait.ge @!p2 [sflag:s11], $0x58  }
0x35: {  	s3 =	simm.s32 @!p2 $0x80;
	s8 =	simm.s32 @!p2 $0x3000;
	[sflag:s11] =	ssyncset.done @!p2 $0x0  }
0x36: {  	s10 =	simm.s32 @!p2 $0x58;
	[sflag:s11] =	ssyncadd.s32 @!p2 $0xFFFFFFA8;
	s11 =	simm.s32 @!p3 $0x5  }
0x37: {  	[tilespmem:s8], [sflag:$0x6] =	stream.indirect.gather @!p2 [hbm4b:s6+s10], $0x80, s3, s10, $0xb8;
	[tilespmem:$0xFC80] =	vst v63  }
0x38: {  	_ =	swait.ge @!p3 [sflag:s11], $0x2C00  }
0x39: {  	s12 =	simm.s32 @!p3 $0x400;
	s13 =	simm.s32 @!p3 $0x58;
	[sflag:s11] =	ssyncset.done @!p3 $0x0  }
0x3a: {  	s14 =	simm.s32 @!p3 $0x200;
	[sflag:s11] =	ssyncadd.s32 @!p3 $0xFFFFD400;
	s11 =	simm.s32 @!p3 $0x7  }
0x3b: {  	[spmem:s2] =	stream.indirect.scatter.add.f32 @!p3 [tilespmem:s12], [sflag:$0x7], $0x80, s14, s13, $0xb8;
	[tilespmem:$0xFC80] =	vst v63  }
0x3c: {  	s31 =	sadd.s32 $0x2, s1;
	s3 =	sadd.s32 @!p1 $0x58, s28;
	_ =	swait.ge @!p3 [sflag:s11], $0x2C00  }
0x3d: {  	s1 =	simm.s32 @!p1 $0x0;
	s3 =	sshrl.u32 @!p1 s3, $0x3;
	[sflag:s11] =	ssyncset.done @!p3 $0x0  }
0x3e: {  	s12 =	sadd.s32 @!p1 s4, s3;
	[sflag:s11] =	ssyncadd.s32 @!p3 $0xFFFFD400;
	p3 =	sge.s32 s31, s24  }
0x3f: {  	[tilespmem:s1], [sflag:$0x1] =	stream.linear.gather @!p1 [hbm4b:s12+s1], $0x58, $0x38;
	[tilespmem:$0xFC80] =	vst v63  }
0x40: {  	s3 =	sadd.s32 @!p1 s5, s3;
	s11 =	simm.s32 @!p1 $0x200;
	s12 =	simm.s32 @!p3 $0x3  }
0x41: {  	[tilespmem:s11], [sflag:$0x1] =	stream.linear.gather @!p1 [hbm4b:s3+s1], $0x58, $0x38;
	[tilespmem:$0xFC80] =	vst v63  }
0x42: {  	_ =	swait.ge @!p3 [sflag:s12], $0x58  }
0x43: {  	[sflag:s12] =	ssyncset.done @!p3 $0x0  }
0x44: {  	[sflag:s12] =	ssyncadd.s32 @!p3 $0xFFFFFFA8  }
0x45: {  	_ =	swait.ge @!p3 [sflag:s12], $0x58  }
0x46: {  	s14 =	simm.s32 @!p2 $0x6;
	s13 =	simm.s32 @!p3 $0x58;
	[sflag:s12] =	ssyncset.done @!p3 $0x0  }
0x47: {  	s3 =	simm.s32 @!p3 $0x100;
	s11 =	simm.s32 @!p3 $0x400;
	[sflag:s12] =	ssyncadd.s32 @!p3 $0xFFFFFFA8  }
0x48: {  	[tilespmem:s11], [sflag:$0x5] =	stream.indirect.gather @!p3 [hbm4b:s6+s13], $0x80, s3, s13, $0xb8;
	[tilespmem:$0xFC80] =	vst v63  }
0x49: {  	_ =	swait.ge @!p2 [sflag:s14], $0x2C00  }
0x4a: {  	p4 =	sge.s32 s29, s24;
	[sflag:s14] =	ssyncset.done @!p2 $0x0  }
0x4b: {  	s12 =	simm.s32 @!p2 $0x280;
	s3 =	simm.s32 @!p2 $0x8;
	[sflag:s14] =	ssyncadd.s32 @!p2 $0xFFFFD400  }
0x4c: {  	[spmem:s2] =	stream.indirect.scatter.add.f32 @!p2 [tilespmem:s8], [sflag:$0x8], $0x80, s12, s10, $0xb8;
	[tilespmem:$0xFC80] =	vst v63  }
0x4d: {  	s8 =	sadd.s32 @!p4 $0xB0, s28;
	_ =	swait.ge @!p2 [sflag:s3], $0x2C00  }
0x4e: {  	s10 =	simm.s32 @!p4 $0x80;
	s8 =	sshrl.u32 @!p4 s8, $0x3;
	[sflag:s3] =	ssyncset.done @!p2 $0x0  }
0x4f: {  	s12 =	simm.s32 @!p4 $0x0;
	[sflag:s3] =	ssyncadd.s32 @!p2 $0xFFFFD400;
	s3 =	sadd.s32 @!p4 s4, s8  }
0x50: {  	[tilespmem:s10], [sflag:$0x2] =	stream.linear.gather @!p4 [hbm4b:s3+s12], $0x58, $0x38;
	[tilespmem:$0xFC80] =	vst v63  }
0x51: {  	s8 =	sadd.s32 @!p4 s5, s8;
	s3 =	simm.s32 @!p4 $0x280;
	s10 =	simm.s32 @!p0 $0x4  }
0x52: {  	[tilespmem:s3], [sflag:$0x2] =	stream.linear.gather @!p4 [hbm4b:s8+s12], $0x58, $0x38;
	[tilespmem:$0xFC80] =	vst v63  }
0x53: {  	_ =	swait.ge @!p0 [sflag:s10], $0x58  }
0x54: {  	[sflag:s10] =	ssyncset.done @!p0 $0x0  }
0x55: {  	[sflag:s10] =	ssyncadd.s32 @!p0 $0xFFFFFFA8  }
0x56: {  	_ =	swait.ge @!p0 [sflag:s10], $0x58  }
0x57: {  	s3 =	simm.s32 @!p0 $0x58;
	[sflag:s10] =	ssyncset.done @!p0 $0x0  }
0x58: {  	s8 =	simm.s32 @!p0 $0x3000;
	s12 =	simm.s32 @!p3 $0x5;
	[sflag:s10] =	ssyncadd.s32 @!p0 $0xFFFFFFA8  }
0x59: {  	[tilespmem:s8], [sflag:$0x6] =	stream.indirect.gather @!p0 [hbm4b:s6+s3], $0x80, s7, s3, $0xb8;
	[tilespmem:$0xFC80] =	vst v63  }
0x5a: {  	_ =	swait.ge @!p3 [sflag:s12], $0x2C00  }
0x5b: {  	p2 =	sge.s32 s26, s24;
	[sflag:s12] =	ssyncset.done @!p3 $0x0  }
0x5c: {  	s10 =	simm.s32 @!p3 $0x7;
	s7 =	simm.s32 @!p3 $0x300;
	[sflag:s12] =	ssyncadd.s32 @!p3 $0xFFFFD400  }
0x5d: {  	[spmem:s2] =	stream.indirect.scatter.add.f32 @!p3 [tilespmem:s11], [sflag:$0x7], $0x80, s7, s13, $0xb8;
	[tilespmem:$0xFC80] =	vst v63  }
0x5e: {  	s12 =	sadd.s32 @!p2 $0x108, s28;
	_ =	swait.ge @!p3 [sflag:s10], $0x2C00  }
0x5f: {  	s7 =	sshrl.u32 @!p2 s12, $0x3;
	s12 =	simm.s32 @!p2 $0x100;
	[sflag:s10] =	ssyncset.done @!p3 $0x0  }
0x60: {  	s11 =	sadd.s32 @!p2 s4, s7;
	[sflag:s10] =	ssyncadd.s32 @!p3 $0xFFFFD400;
	s10 =	simm.s32 @!p2 $0x0  }
0x61: {  	[tilespmem:s12], [sflag:$0x3] =	stream.linear.gather @!p2 [hbm4b:s11+s10], $0x58, $0x38;
	[tilespmem:$0xFC80] =	vst v63  }
0x62: {  	s7 =	sadd.s32 @!p2 s5, s7;
	s11 =	simm.s32 @!p2 $0x300;
	s12 =	simm.s32 @!p1 $0x1  }
0x63: {  	[tilespmem:s11], [sflag:$0x3] =	stream.linear.gather @!p2 [hbm4b:s7+s10], $0x58, $0x38;
	[tilespmem:$0xFC80] =	vst v63  }
0x64: {  	_ =	swait.ge @!p1 [sflag:s12], $0x58  }
0x65: {  	[sflag:s12] =	ssyncset.done @!p1 $0x0  }
0x66: {  	[sflag:s12] =	ssyncadd.s32 @!p1 $0xFFFFFFA8  }
0x67: {  	_ =	swait.ge @!p1 [sflag:s12], $0x58  }
0x68: {  	s7 =	simm.s32 @!p1 $0x58;
	[sflag:s12] =	ssyncset.done @!p1 $0x0  }
0x69: {  	s10 =	simm.s32 @!p0 $0x6;
	s11 =	simm.s32 @!p1 $0x400;
	[sflag:s12] =	ssyncadd.s32 @!p1 $0xFFFFFFA8  }
0x6a: {  	[tilespmem:s11], [sflag:$0x5] =	stream.indirect.gather @!p1 [hbm4b:s6+s7], $0x80, s1, s7, $0xb8;
	[tilespmem:$0xFC80] =	vst v63  }
0x6b: {  	_ =	swait.ge @!p0 [sflag:s10], $0x2C00  }
0x6c: {  	[sflag:s10] =	ssyncset.done @!p0 $0x0  }
0x6d: {  	[sflag:s10] =	ssyncadd.s32 @!p0 $0xFFFFD400  }
0x6e: {  	[spmem:s2] =	stream.indirect.scatter.add.f32 @!p0 [tilespmem:s8], [sflag:$0x8], $0x80, s0, s3, $0xb8;
	[tilespmem:$0xFC80] =	vst v63  }
.LBB2_9:
0x6f: {  	[bflag:$0x0] =	sbarrier.arrive $0xFFFF  }
0x70: {  	s0 =	rddreg [dreg:$0xb]  }
0x71: {  	[hbm:s0], [sflag:s9] =	dma.local [spmem:s20], $0x1400  }
0x72: {  	_ =	swait.ge [sflag:s21], $0x1400  }
0x73: {  	s23 =	sadd.s32 $0x1, s23;
	s31 =	rddreg [dreg:$0xc]  }
0x74: {  	p0 =	sne.s32 s23, s31  }
.Ltmp1:
0x75: {  	_ = 	snop;
	(pc) =	sbr.rel @!p0 .LBB2_10-.Ltmp1, $3  }
0x76: {  	_ =	sdelay $0x1  }
0x77: {  	[sflag:s21] =	ssyncset.done $0x0  }
0x78: {  	[sflag:s21] =	ssyncadd.s32 $0xFFFFEC00  }
.LBB2_1:
0x79: {  	s1 =	rddreg [dreg:$0x3]  }
0x7a: {  	s0 =	simm.s32 $0x0;
	s3 =	simm.s32 $0x5C00;
	s25 =	rddreg [dreg:$0x4]  }
0x7b: {  	[tilespmem:s3], [sflag:$0x9] =	stream.linear.gather [hbm4b:s1+s0], $0x10, $0x38;
	[tilespmem:$0xFC80] =	vst v63  }
0x7c: {  	[spmem:s20], [sflag:s9] =	dma.local [hbm:s25], $0x1400  }
0x7d: {  	_ =	swait.ge [sflag:s21], $0x1400  }
0x7e: {  	[sflag:s21] =	ssyncset.done $0x0  }
0x7f: {  	s26 =	simm.s32 $0x9;
	[sflag:s21] =	ssyncadd.s32 $0xFFFFEC00  }
0x80: {  	_ =	swait.ge [sflag:s26], $0x10  }
0x81: {  	[sflag:s26] =	ssyncset.done $0x0  }
0x82: {  	[sflag:s26] =	ssyncadd.s32 $0xFFFFFFF0  }
0x83: {  	v0 =	vld [tilespmem:$0x5C00];
	_ =	sdelay $0x4  }
0x84: {  	(v2sf) =	vpush v0, $0x0;
	_ =	sdelay $0xe  }
0x85: {  	s24 =	spop (v2sf)  }
0x86: {  	p0 =	slt.s32 s24, $0x1;
	[bflag:$0x0] =	sbarrier.arrive $0xFFFF  }
0x87: {  	s0 =	simm.s32 @!p0 $0x0;
	s1 =	rddreg [dreg:$0x5];
	p1 =	seq.s32 @!p0 s24, $0x1  }
0x88: {  	[tilespmem:s0], [sflag:$0x1] =	stream.linear.gather @!p0 [hbm4b:s1+s0], $0x58, $0x38;
	[tilespmem:$0xFC80] =	vst v63  }
0x89: {  	s3 =	rddreg [dreg:$0x6];
	s1 =	simm.s32 @!p0 $0x200;
	p2 =	por p1, p0  }
0x8a: {  	[tilespmem:s1], [sflag:$0x1] =	stream.linear.gather @!p0 [hbm4b:s3+s0], $0x58, $0x38;
	[tilespmem:$0xFC80] =	vst v63  }
0x8b: {  	s7 =	rddreg [dreg:$0x7];
	s1 =	simm.s32 @!p2 $0x0;
	s3 =	simm.s32 @!p2 $0x80  }
0x8c: {  	[tilespmem:s3], [sflag:$0x2] =	stream.linear.gather @!p2 [hbm4b:s7+s1], $0x58, $0x38;
	[tilespmem:$0xFC80] =	vst v63  }
0x8d: {  	s3 =	simm.s32 @!p2 $0x280;
	s7 =	rddreg [dreg:$0x8]  }
0x8e: {  	[tilespmem:s3], [sflag:$0x2] =	stream.linear.gather @!p2 [hbm4b:s7+s1], $0x58, $0x38;
	[tilespmem:$0xFC80] =	vst v63  }
0x8f: {  	p2 =	slt.u32 @!p2 s24, $0x3  }
0x90: {  	p1 =	por @!p0 p2, p1  }
0x91: {  	p1 =	por p1, p0  }
0x92: {  	s7 =	rddreg [dreg:$0x9];
	s1 =	simm.s32 @!p1 $0x0;
	s3 =	simm.s32 @!p1 $0x100  }
0x93: {  	[tilespmem:s3], [sflag:$0x3] =	stream.linear.gather @!p1 [hbm4b:s7+s1], $0x58, $0x38;
	[tilespmem:$0xFC80] =	vst v63  }
0x94: {  	s3 =	simm.s32 @!p1 $0x300;
	s7 =	rddreg [dreg:$0xa]  }
0x95: {  	[tilespmem:s3], [sflag:$0x3] =	stream.linear.gather @!p1 [hbm4b:s7+s1], $0x58, $0x38;
	[tilespmem:$0xFC80] =	vst v63  }
0x96: {  	s1 =	simm.s32 @!p0 $0x1  }
0x97: {  	_ =	swait.ge @!p0 [sflag:s1], $0x58  }
0x98: {  	[sflag:s1] =	ssyncset.done @!p0 $0x0  }
0x99: {  	s28 =	sadd.s32 $0x4, s24;
	[sflag:s1] =	ssyncadd.s32 @!p0 $0xFFFFFFA8  }
0x9a: {  	s29 =	sand.u32 $0x3, s24;
	s30 =	sshra.s32 s28, $0x1F;
	_ =	swait.ge @!p0 [sflag:s1], $0x58  }
0x9b: {  	p5 =	slt.s32 s28, $0x1;
	p6 =	sne.s32 s29, $0x0;
	[sflag:s1] =	ssyncset.done @!p0 $0x0  }
0x9c: {  	s3 =	simm.s32 @!p0 $0x400;
	[sflag:s1] =	ssyncadd.s32 @!p0 $0xFFFFFFA8;
	s1 =	simm.s32 @!p0 $0x58  }
0x9d: {  	[tilespmem:s3], [sflag:$0x5] =	stream.indirect.gather @!p0 [hbm4b:s6+s1], $0x80, s0, s1, $0xb8;
	[tilespmem:$0xFC80] =	vst v63  }
0x9e: {  	s31 =	sshrl.u32 s30, $0x1E;
	p0 =	por !p5, !p6  }
0x9f: {  	s0 =	sadd.s32 s31, s28;
	s1 =	simm.s32 $0x1;
	p0 =	por !p0, !p0  }
0xa0: {  	s0 =	sshra.s32 s0, $0x2;
	s1 =	simm.s32 @!p0 $0x0  }
0xa1: {  	s0 =	ssub.s32 s0, s1  }
0xa2: {  	p0 =	slt.s32 s0, $0x1  }
.Ltmp2:
0xa3: {  	_ = 	snop;
	(pc) =	sbr.rel @p0 .LBB2_9-.Ltmp2, $1  }
0xa4: {  	_ =	sdelay $0x3  }
0xa5: {  	s1 =	sadd.s32 $0xFFFFFFFF, s0  }
0xa6: {  	p0 =	sne.s32 s1, $0x0  }
.Ltmp3:
0xa7: {  	_ = 	snop;
	(pc) =	sbr.rel @!p0 .LBB2_3-.Ltmp3, $3  }
0xa8: {  	_ =	sdelay $0x1  }
0xa9: {  	s31 =	simm.s32 $0x1;
	s29 =	simm.s32 $0x5;
	s26 =	simm.s32 $0x6  }
0xaa: {  	s7 =	simm.s32 $0x3;
	s3 =	simm.s32 $0x4;
	p2 =	por $0x0, $0x0  }
0xab: {  	p0 =	por $0x1, $0x1  }
0xac: {  	p1 =	slt.s32 @!p0 s24, $0x0  }
0xad: {  	p1 =	por p1, p0  }
0xae: {  	p3 =	sle.s32 s24, $0x3;
	s7 =	simm.s32 @!p1 $0x8  }
0xaf: {  	p2 =	sle.s32 s24, $0x1;
	s0 =	sshrl.u32 @!p3 s18, $0x3;
	_ =	swait.ge @!p1 [sflag:s7], $0x2C00  }
0xb0: {  	s8 =	sadd.s32 @!p3 s4, s0;
	p0 =	por p3, p3;
	[sflag:s7] =	ssyncset.done @!p1 $0x0  }
0xb1: {  	s10 =	simm.s32 @!p0 $0x0;
	[sflag:s7] =	ssyncadd.s32 @!p1 $0xFFFFD400;
	s7 =	simm.s32 @!p0 $0x180  }
0xb2: {  	[tilespmem:s7], [sflag:$0x4] =	stream.linear.gather @!p0 [hbm4b:s8+s10], $0x58, $0x38;
	[tilespmem:$0xFC80] =	vst v63  }
0xb3: {  	s0 =	sadd.s32 @!p3 s5, s0;
	s30 =	simm.s32 @!p0 $0x380;
	s8 =	simm.s32 @!p2 $0x2  }
0xb4: {  	[tilespmem:s30], [sflag:$0x4] =	stream.linear.gather @!p0 [hbm4b:s0+s10], $0x58, $0x38;
	[tilespmem:$0xFC80] =	vst v63  }
0xb5: {  	_ =	swait.ge @!p2 [sflag:s8], $0x58  }
0xb6: {  	[sflag:s8] =	ssyncset.done @!p2 $0x0  }
0xb7: {  	[sflag:s8] =	ssyncadd.s32 @!p2 $0xFFFFFFA8  }
0xb8: {  	s11 =	simm.s32 @!p2 $0x58;
	_ =	swait.ge @!p2 [sflag:s8], $0x58  }
0xb9: {  	p3 =	sle.s32 s24, $0x0;
	s0 =	simm.s32 @!p2 $0x80;
	[sflag:s8] =	ssyncset.done @!p2 $0x0  }
0xba: {  	s10 =	simm.s32 @!p2 $0x3000;
	[sflag:s8] =	ssyncadd.s32 @!p2 $0xFFFFFFA8;
	s8 =	simm.s32 @!p3 $0x5  }
0xbb: {  	[tilespmem:s10], [sflag:$0x6] =	stream.indirect.gather @!p2 [hbm4b:s6+s11], $0x80, s0, s11, $0xb8;
	[tilespmem:$0xFC80] =	vst v63  }
0xbc: {  	s12 =	simm.s32 @!p3 $0x400;
	_ =	swait.ge @!p3 [sflag:s8], $0x2C00  }
0xbd: {  	s13 =	simm.s32 @!p3 $0x58;
	s14 =	simm.s32 @!p3 $0x200;
	[sflag:s8] =	ssyncset.done @!p3 $0x0  }
0xbe: {  	p1 =	sle.s32 s24, $0x4;
	[sflag:s8] =	ssyncadd.s32 @!p3 $0xFFFFD400;
	s8 =	simm.s32 @!p3 $0x7  }
0xbf: {  	[spmem:s2] =	stream.indirect.scatter.add.f32 @!p3 [tilespmem:s12], [sflag:$0x7], $0x80, s14, s13, $0xb8;
	[tilespmem:$0xFC80] =	vst v63  }
0xc0: {  	s0 =	sadd.s32 @!p1 $0x58, s18;
	_ =	swait.ge @!p3 [sflag:s8], $0x2C00  }
0xc1: {  	s12 =	sshrl.u32 @!p1 s0, $0x3;
	s0 =	simm.s32 @!p1 $0x0;
	[sflag:s8] =	ssyncset.done @!p3 $0x0  }
0xc2: {  	s13 =	sadd.s32 @!p1 s4, s12;
	[sflag:s8] =	ssyncadd.s32 @!p3 $0xFFFFD400;
	p3 =	sle.s32 s24, $0x2  }
0xc3: {  	[tilespmem:s0], [sflag:$0x1] =	stream.linear.gather @!p1 [hbm4b:s13+s0], $0x58, $0x38;
	[tilespmem:$0xFC80] =	vst v63  }
0xc4: {  	s8 =	sadd.s32 @!p1 s5, s12;
	s12 =	simm.s32 @!p1 $0x200;
	s14 =	simm.s32 @!p3 $0x3  }
0xc5: {  	[tilespmem:s12], [sflag:$0x1] =	stream.linear.gather @!p1 [hbm4b:s8+s0], $0x58, $0x38;
	[tilespmem:$0xFC80] =	vst v63  }
0xc6: {  	_ =	swait.ge @!p3 [sflag:s14], $0x58  }
0xc7: {  	[sflag:s14] =	ssyncset.done @!p3 $0x0  }
0xc8: {  	[sflag:s14] =	ssyncadd.s32 @!p3 $0xFFFFFFA8  }
0xc9: {  	_ =	swait.ge @!p3 [sflag:s14], $0x58  }
0xca: {  	s15 =	simm.s32 @!p2 $0x6;
	s13 =	simm.s32 @!p3 $0x58;
	[sflag:s14] =	ssyncset.done @!p3 $0x0  }
0xcb: {  	s12 =	simm.s32 @!p3 $0x100;
	s8 =	simm.s32 @!p3 $0x400;
	[sflag:s14] =	ssyncadd.s32 @!p3 $0xFFFFFFA8  }
0xcc: {  	[tilespmem:s8], [sflag:$0x5] =	stream.indirect.gather @!p3 [hbm4b:s6+s13], $0x80, s12, s13, $0xb8;
	[tilespmem:$0xFC80] =	vst v63  }
0xcd: {  	_ =	swait.ge @!p2 [sflag:s15], $0x2C00  }
0xce: {  	p4 =	sle.s32 s24, $0x5;
	[sflag:s15] =	ssyncset.done @!p2 $0x0  }
0xcf: {  	s14 =	simm.s32 @!p2 $0x280;
	s12 =	simm.s32 @!p2 $0x8;
	[sflag:s15] =	ssyncadd.s32 @!p2 $0xFFFFD400  }
0xd0: {  	[spmem:s2] =	stream.indirect.scatter.add.f32 @!p2 [tilespmem:s10], [sflag:$0x8], $0x80, s14, s11, $0xb8;
	[tilespmem:$0xFC80] =	vst v63  }
0xd1: {  	s10 =	sadd.s32 @!p4 $0xB0, s18;
	_ =	swait.ge @!p2 [sflag:s12], $0x2C00  }
0xd2: {  	s11 =	simm.s32 @!p4 $0x80;
	s10 =	sshrl.u32 @!p4 s10, $0x3;
	[sflag:s12] =	ssyncset.done @!p2 $0x0  }
0xd3: {  	s14 =	simm.s32 @!p4 $0x0;
	[sflag:s12] =	ssyncadd.s32 @!p2 $0xFFFFD400;
	s12 =	sadd.s32 @!p4 s4, s10  }
0xd4: {  	[tilespmem:s11], [sflag:$0x2] =	stream.linear.gather @!p4 [hbm4b:s12+s14], $0x58, $0x38;
	[tilespmem:$0xFC80] =	vst v63  }
0xd5: {  	s15 =	simm.s32 @!p0 $0x4;
	s10 =	sadd.s32 @!p4 s5, s10;
	s11 =	simm.s32 @!p4 $0x280  }
0xd6: {  	[tilespmem:s11], [sflag:$0x2] =	stream.linear.gather @!p4 [hbm4b:s10+s14], $0x58, $0x38;
	[tilespmem:$0xFC80] =	vst v63  }
0xd7: {  	s31 =	simm.s32 $0x5;
	_ =	swait.ge @!p0 [sflag:s15], $0x58  }
0xd8: {  	s29 =	simm.s32 $0x9;
	s26 =	simm.s32 $0xA;
	[sflag:s15] =	ssyncset.done @!p0 $0x0  }
0xd9: {  	s1 =	sadd.s32 $0xFFFFFFFF, s1;
	s28 =	sadd.s32 $0x160, s18;
	[sflag:s15] =	ssyncadd.s32 @!p0 $0xFFFFFFA8  }
0xda: {  	p5 =	sle.s32 s24, $0x6;
	s12 =	simm.s32 @!p0 $0x3000;
	_ =	swait.ge @!p0 [sflag:s15], $0x58  }
0xdb: {  	s11 =	simm.s32 @!p0 $0x58;
	p4 =	sne.s32 s1, $0x0;
	[sflag:s15] =	ssyncset.done @!p0 $0x0  }
.Ltmp4:
0xdc: {  	s10 =	simm.s32 @!p3 $0x5;
	[sflag:s15] =	ssyncadd.s32 @!p0 $0xFFFFFFA8;
	(pc) =	sbr.rel @!p4 .LBB2_5-.Ltmp4, $4  }
0xdd: {  	[tilespmem:s12], [sflag:$0x6] =	stream.indirect.gather @!p0 [hbm4b:s6+s11], $0x80, s7, s11, $0xb8;
	[tilespmem:$0xFC80] =	vst v63  }
0xde: {  	s25 =	simm.s32 $0x8;
	p2 =	por $0x1, $0x1;
	_ =	swait.ge @!p3 [sflag:s10], $0x2C00  }
0xdf: {  	s14 =	simm.s32 @!p3 $0x7;
	s15 =	simm.s32 @!p3 $0x300;
	[sflag:s10] =	ssyncset.done @!p3 $0x0  }
0xe0: {  	s7 =	simm.s32 $0x7;
	[sflag:s10] =	ssyncadd.s32 @!p3 $0xFFFFD400;
	s10 =	sadd.s32 @!p5 $0x108, s18  }
.LBB2_6:
0xe1: {  	p4 =	seq.s32 s3, $0x0;
	s10 =	sshrl.u32 @!p5 s10, $0x3;
	s19 =	simm.s32 @!p5 $0x300  }
0xe2: {  	[spmem:s2] =	stream.indirect.scatter.add.f32 @!p3 [tilespmem:s8], [sflag:$0x7], $0x80, s15, s13, $0xb8;
	[tilespmem:$0xFC80] =	vst v63  }
0xe3: {  	s13 =	sadd.s32 @!p5 s5, s10;
	s15 =	simm.s32 @!p1 $0x1;
	_ =	swait.ge @!p3 [sflag:s14], $0x2C00  }
0xe4: {  	p6 =	sge.s32 s7, s24;
	s7 =	sadd.s32 @!p5 s4, s10;
	[sflag:s14] =	ssyncset.done @!p3 $0x0  }
0xe5: {  	s10 =	simm.s32 @!p5 $0x0;
	s8 =	simm.s32 @!p5 $0x100;
	[sflag:s14] =	ssyncadd.s32 @!p3 $0xFFFFD400  }
0xe6: {  	[tilespmem:s8], [sflag:$0x3] =	stream.linear.gather @!p5 [hbm4b:s7+s10], $0x58, $0x38;
	[tilespmem:$0xFC80] =	vst v63  }
0xe7: {  	s14 =	sshrl.u32 @!p6 s28, $0x3;
	s8 =	sadd.s32 $0x1, s25;
	s7 =	sadd.s32 $0x5, s25  }
0xe8: {  	[tilespmem:s19], [sflag:$0x3] =	stream.linear.gather @!p5 [hbm4b:s13+s10], $0x58, $0x38;
	[tilespmem:$0xFC80] =	vst v63  }
0xe9: {  	s16 =	sadd.s32 @!p6 s5, s14;
	s13 =	sadd.s32 @!p6 s4, s14;
	_ =	swait.ge @!p1 [sflag:s15], $0x58  }
0xea: {  	s10 =	simm.s32 @!p1 $0x58;
	s14 =	simm.s32 @!p0 $0x6;
	[sflag:s15] =	ssyncset.done @!p1 $0x0  }
0xeb: {  	s17 =	sadd.s32 $0x6, s25;
	p3 =	sgt.s32 @!p4 s3, s24;
	[sflag:s15] =	ssyncadd.s32 @!p1 $0xFFFFFFA8  }
0xec: {  	s1 =	sadd.s32 $0xFFFFFFFF, s1;
	p3 =	por p3, p4;
	_ =	swait.ge @!p1 [sflag:s15], $0x58  }
0xed: {  	s22 =	simm.s32 @!p1 $0x400;
	p4 =	sne.s32 s1, $0x0;
	[sflag:s15] =	ssyncset.done @!p1 $0x0  }
0xee: {  	s19 =	smov.u32 s26;
	s26 =	smov.u32 s17;
	[sflag:s15] =	ssyncadd.s32 @!p1 $0xFFFFFFA8  }
0xef: {  	[tilespmem:s22], [sflag:$0x5] =	stream.indirect.gather @!p1 [hbm4b:s6+s10], $0x80, s0, s10, $0xb8;
	[tilespmem:$0xFC80] =	vst v63  }
0xf0: {  	p1 =	sge.s32 s25, s24;
	s10 =	smov.u32 s28;
	_ =	swait.ge @!p0 [sflag:s14], $0x2C00  }
0xf1: {  	s0 =	simm.s32 @!p3 $0x8;
	[sflag:s14] =	ssyncset.done @!p0 $0x0  }
0xf2: {  	[sflag:s14] =	ssyncadd.s32 @!p0 $0xFFFFD400  }
0xf3: {  	[spmem:s2] =	stream.indirect.scatter.add.f32 @!p0 [tilespmem:s12], [sflag:$0x8], $0x80, s30, s11, $0xb8;
	[tilespmem:$0xFC80] =	vst v63  }
0xf4: {  	s11 =	sadd.s32 @!p1 $0x58, s28;
	p0 =	por p6, p6;
	_ =	swait.ge @!p3 [sflag:s0], $0x2C00  }
0xf5: {  	p5 =	sge.s32 s31, s24;
	s11 =	sshrl.u32 @!p1 s11, $0x3;
	[sflag:s0] =	ssyncset.done @!p3 $0x0  }
0xf6: {  	s14 =	simm.s32 @!p0 $0x180;
	[sflag:s0] =	ssyncadd.s32 @!p3 $0xFFFFD400;
	s0 =	simm.s32 @!p0 $0x0  }
0xf7: {  	[tilespmem:s14], [sflag:$0x4] =	stream.linear.gather @!p0 [hbm4b:s13+s0], $0x58, $0x38;
	[tilespmem:$0xFC80] =	vst v63  }
0xf8: {  	s30 =	simm.s32 @!p0 $0x380;
	s15 =	sadd.s32 @!p1 s4, s11;
	s13 =	simm.s32 @!p5 $0x2  }
0xf9: {  	[tilespmem:s30], [sflag:$0x4] =	stream.linear.gather @!p0 [hbm4b:s16+s0], $0x58, $0x38;
	[tilespmem:$0xFC80] =	vst v63  }
0xfa: {  	s31 =	smov.u32 s8;
	s16 =	sadd.s32 @!p1 s5, s11;
	_ =	swait.ge @!p5 [sflag:s13], $0x58  }
0xfb: {  	[sflag:s13] =	ssyncset.done @!p5 $0x0  }
0xfc: {  	s0 =	simm.s32 @!p5 $0x80;
	s11 =	simm.s32 @!p5 $0x3000;
	[sflag:s13] =	ssyncadd.s32 @!p5 $0xFFFFFFA8  }
0xfd: {  	_ =	swait.ge @!p5 [sflag:s13], $0x58  }
0xfe: {  	s12 =	simm.s32 @!p5 $0x58;
	p3 =	sge.s32 s3, s24;
	[sflag:s13] =	ssyncset.done @!p5 $0x0  }
0xff: {  	s8 =	simm.s32 @!p3 $0x5;
	[sflag:s13] =	ssyncadd.s32 @!p5 $0xFFFFFFA8  }
0x100: {  	[tilespmem:s11], [sflag:$0x6] =	stream.indirect.gather @!p5 [hbm4b:s6+s12], $0x80, s0, s12, $0xb8;
	[tilespmem:$0xFC80] =	vst v63  }
0x101: {  	s0 =	simm.s32 @!p3 $0x400;
	_ =	swait.ge @!p3 [sflag:s8], $0x2C00  }
0x102: {  	s17 =	simm.s32 @!p3 $0x200;
	s13 =	simm.s32 @!p3 $0x58;
	[sflag:s8] =	ssyncset.done @!p3 $0x0  }
0x103: {  	[sflag:s8] =	ssyncadd.s32 @!p3 $0xFFFFD400;
	s8 =	simm.s32 @!p3 $0x7  }
0x104: {  	[spmem:s2] =	stream.indirect.scatter.add.f32 @!p3 [tilespmem:s0], [sflag:$0x7], $0x80, s17, s13, $0xb8;
	[tilespmem:$0xFC80] =	vst v63  }
0x105: {  	_ =	swait.ge @!p3 [sflag:s8], $0x2C00  }
0x106: {  	s13 =	sadd.s32 $0x2, s3;
	s3 =	smov.u32 s25;
	[sflag:s8] =	ssyncset.done @!p3 $0x0  }
0x107: {  	s0 =	simm.s32 @!p1 $0x0;
	[sflag:s8] =	ssyncadd.s32 @!p3 $0xFFFFD400;
	p3 =	sge.s32 s13, s24  }
0x108: {  	[tilespmem:s0], [sflag:$0x1] =	stream.linear.gather @!p1 [hbm4b:s15+s0], $0x58, $0x38;
	[tilespmem:$0xFC80] =	vst v63  }
0x109: {  	s8 =	simm.s32 @!p1 $0x200;
	s15 =	simm.s32 @!p3 $0x3  }
0x10a: {  	[tilespmem:s8], [sflag:$0x1] =	stream.linear.gather @!p1 [hbm4b:s16+s0], $0x58, $0x38;
	[tilespmem:$0xFC80] =	vst v63  }
0x10b: {  	_ =	swait.ge @!p3 [sflag:s15], $0x58  }
0x10c: {  	s16 =	simm.s32 @!p3 $0x100;
	s8 =	simm.s32 @!p3 $0x400;
	[sflag:s15] =	ssyncset.done @!p3 $0x0  }
0x10d: {  	s17 =	simm.s32 @!p5 $0x6;
	s13 =	simm.s32 @!p3 $0x58;
	[sflag:s15] =	ssyncadd.s32 @!p3 $0xFFFFFFA8  }
0x10e: {  	_ =	swait.ge @!p3 [sflag:s15], $0x58  }
0x10f: {  	[sflag:s15] =	ssyncset.done @!p3 $0x0  }
0x110: {  	[sflag:s15] =	ssyncadd.s32 @!p3 $0xFFFFFFA8  }
0x111: {  	[tilespmem:s8], [sflag:$0x5] =	stream.indirect.gather @!p3 [hbm4b:s6+s13], $0x80, s16, s13, $0xb8;
	[tilespmem:$0xFC80] =	vst v63  }
0x112: {  	_ =	swait.ge @!p5 [sflag:s17], $0x2C00  }
0x113: {  	p6 =	sge.s32 s29, s24;
	s15 =	simm.s32 @!p5 $0x8;
	[sflag:s17] =	ssyncset.done @!p5 $0x0  }
0x114: {  	s16 =	simm.s32 @!p5 $0x280;
	[sflag:s17] =	ssyncadd.s32 @!p5 $0xFFFFD400;
	s17 =	simm.s32 @!p6 $0x280  }
0x115: {  	[spmem:s2] =	stream.indirect.scatter.add.f32 @!p5 [tilespmem:s11], [sflag:$0x8], $0x80, s16, s12, $0xb8;
	[tilespmem:$0xFC80] =	vst v63  }
0x116: {  	s11 =	sadd.s32 @!p6 $0xB0, s28;
	s12 =	simm.s32 @!p6 $0x80;
	_ =	swait.ge @!p5 [sflag:s15], $0x2C00  }
0x117: {  	s16 =	simm.s32 @!p6 $0x0;
	s11 =	sshrl.u32 @!p6 s11, $0x3;
	[sflag:s15] =	ssyncset.done @!p5 $0x0  }
0x118: {  	[sflag:s15] =	ssyncadd.s32 @!p5 $0xFFFFD400;
	s15 =	sadd.s32 @!p6 s4, s11;
	s11 =	sadd.s32 @!p6 s5, s11  }
0x119: {  	[tilespmem:s12], [sflag:$0x2] =	stream.linear.gather @!p6 [hbm4b:s15+s16], $0x58, $0x38;
	[tilespmem:$0xFC80] =	vst v63  }
0x11a: {  	s29 =	smov.u32 s7;
	s22 =	simm.s32 @!p0 $0x4  }
0x11b: {  	[tilespmem:s17], [sflag:$0x2] =	stream.linear.gather @!p6 [hbm4b:s11+s16], $0x58, $0x38;
	[tilespmem:$0xFC80] =	vst v63  }
0x11c: {  	_ =	swait.ge @!p0 [sflag:s22], $0x58  }
0x11d: {  	s12 =	simm.s32 @!p0 $0x3000;
	s11 =	simm.s32 @!p0 $0x58;
	[sflag:s22] =	ssyncset.done @!p0 $0x0  }
0x11e: {  	[sflag:s22] =	ssyncadd.s32 @!p0 $0xFFFFFFA8  }
0x11f: {  	s15 =	simm.s32 @!p3 $0x300;
	s16 =	simm.s32 @!p3 $0x5;
	_ =	swait.ge @!p0 [sflag:s22], $0x58  }
0x120: {  	[sflag:s22] =	ssyncset.done @!p0 $0x0  }
.Ltmp5:
0x121: {  	[sflag:s22] =	ssyncadd.s32 @!p0 $0xFFFFFFA8;
	(pc) =	sbr.rel @p4 .LBB2_6-.Ltmp5, $4  }
0x122: {  	[tilespmem:s12], [sflag:$0x6] =	stream.indirect.gather @!p0 [hbm4b:s6+s11], $0x80, s14, s11, $0xb8;
	[tilespmem:$0xFC80] =	vst v63  }
0x123: {  	s28 =	sadd.s32 $0x160, s28;
	s14 =	simm.s32 @!p3 $0x7;
	_ =	swait.ge @!p3 [sflag:s16], $0x2C00  }
0x124: {  	s7 =	sadd.s32 $0x3, s25;
	p5 =	sge.s32 s19, s24;
	[sflag:s16] =	ssyncset.done @!p3 $0x0  }
0x125: {  	s25 =	sadd.s32 $0x4, s25;
	s10 =	sadd.s32 @!p5 $0x108, s10;
	[sflag:s16] =	ssyncadd.s32 @!p3 $0xFFFFD400  }
.Ltmp6:
0x126: {  	(pc) =	sbr.rel .LBB2_8-.Ltmp6, $2  }
0x127: {  	_ =	sdelay $0x2  }
0x128: {  	s1 =	smov.u32 s3;
	s3 =	smov.u32 s25  }
.LBB2_5:
.Ltmp7:
0x129: {  	(pc) =	sbr.rel .LBB2_8-.Ltmp7, $2  }
0x12a: {  	_ =	sdelay $0x2  }
0x12b: {  	s1 =	simm.s32 $0x4;
	s3 =	simm.s32 $0x8  }
.LBB2_10:
0x12c: {  	_ =	sfence.sel $0x180000  }
0x12d: {  	[bflag:$0x0] =	sbarrier.arrive $0xFFFF  }
0x12e: {  	_ =	strace $0x9000004A  }
0x12f: {  	s0 =	stileid.u32;
	[bflag:$0x2] =	sbarrier.arrive $0xFFFF  }
0x130: {  	p0 =	sne.s32 s0, $0x0;
	s0 =	rddreg [dreg:$0x2]  }
0x131: {  	s0 =	sadd.s32 @!p0 $0x100000, s0  }
0x132: {  	[sflag:s0] =	ssyncadd.tile.s32 @!p0 $0x1;
	_ =	shalt  }
.Lfunc_end2:
_tile_overlayer_lowered:
.L_overlay_start_2:
0x133: {  	(tag) =	ssettag $0x2  }
0x134: {  	s0 =	rddreg [dreg:$0x0];
	s2 =	stileid.u32  }
0x135: {  	s1 =	rddreg [dreg:$0x1];
	p0 =	sne.s32 s2, $0x0  }
0x136: {  	s3 =	rddreg [dreg:$0x2];
	[bflag:$0x3] =	sbarrier.arrive $0xFFFF;
	s2 =	simm.s32 @!p0 $0x1C0A  }
0x137: {  	[timem:s3], [sflag:s2] =	dma.local @!p0 [hbm:s0], s1  }
0x138: {  	s0 =	simm.s32 @!p0 $0xA  }
0x139: {  	_ =	swait.ge @!p0 [sflag:s0], s1  }
0x13a: {  	s1 =	ssub.s32 @!p0 $0x0, s1;
	[sflag:s0] =	ssyncset.done @!p0 $0x0  }
0x13b: {  	[sflag:s0] =	ssyncadd.s32 @!p0 s1  }
0x13c: {  	[bflag:$0x3] =	sbarrier.arrive $0xFFFF  }
0x13d: {  	_ =	shalt  }

// kernel: kernel.13.cloned.1.call-start
scs
__scs_entry_jumppad:
0x0: {  	(pc) =	sbr.rel $0x88, $3  }
0x1: {  	(tag) =	ssettag $0x0;
	lr =	simm.s32 $0x1  }
0x2: {  	[smem:$0x3F9A] =	sst lr;
	_ =	strace $0xD0000000  }
0x3: {  	_ = 	snop  }
0x4: {  	_ = 	snop  }
0x5: {  	_ = 	snop  }
0x6: {  	_ = 	snop  }
0x7: {  	_ = 	snop  }
__scs_overlays_trampoline_lowered:
0x8: {  	[smem:$0x3FA9] =	sst s0  }
0x9: {  	[smem:$0x3FAA] =	sst s1  }
0xa: {  	[smem:$0x3FAB] =	sst s2  }
0xb: {  	[smem:$0x3FAC] =	sst s3  }
0xc: {  	[smem:$0x3FAD] =	sst s4  }
0xd: {  	[smem:$0x3FAE] =	sst s5  }
0xe: {  	[smem:$0x3FAF] =	sst s6  }
0xf: {  	[smem:$0x3FB0] =	sst s7  }
0x10: {  	[smem:$0x3FB1] =	sst s8  }
0x11: {  	[smem:$0x3FB2] =	sst s9;
	s0 =	simm.s32 @!p0 $0x0  }
0x12: {  	s1 =	sld [smem:$0x3F98];
	s0 =	simm.s32 @p0 $0x1  }
0x13: {  	[smem:$0x3FB3] =	sst s0;
	s0 =	simm.s32 @!p1 $0x0  }
0x14: {  	s2 =	sld [smem:$0x3F97];
	s0 =	simm.s32 @p1 $0x1  }
0x15: {  	[smem:$0x3FB4] =	sst s0;
	s0 =	simm.s32 @!p2 $0x0  }
0x16: {  	s3 =	sld [smem:$0x3FDB];
	s0 =	simm.s32 @p2 $0x1  }
0x17: {  	s4 =	simm.s32 $0x1BF5;
	[smem:$0x3FB6] =	sst s0  }
0x18: {  	s0 =	sld [smem:$0x3F99];
	_ =	swait.ge [sflag:s4], $0x0  }
0x19: {  	s7 =	sld [smem:$0x3F9A]  }
0x1a: {  	s8 =	sadd.s32 $0xFFFFE003, lr  }
0x1b: {  	s9 =	sadd.s32 $0xFFFFFEF7, lr;
	s5 =	simm.s32 $0xFFFFFFFF;
	p2 =	slt.u32 s8, $0xFFFFF086  }
0x1c: {  	p1 =	slt.u32 s9, $0xF7A;
	s5 =	simm.s32 @!p2 $0x0  }
0x1d: {  	s5 =	simm.s32 @p1 $0x1;
	p0 =	seq.s32 s7, s2  }
0x1e: {  	s7 =	smul.u32 @!p0 $0xF7A, s2;
	p2 =	seq.s32 @!p0 s5, $0x0  }
0x1f: {  	s9 =	smul.u32 $0xF7A, s1;
	s8 =	simm.s32 @!p0 $0x1BF5;
	p2 =	por !p2, p0  }
0x20: {  	[sflag:s8] =	ssyncset.s32 @!p0 $0xFFFFF086;
	s6 =	sadd.s32 @!p0 s3, s7;
	s7 =	simm.s32 @!p0 $0x108  }
0x21: {  	s3 =	sadd.s32 s3, s9;
	s6 =	sadd.s32 @!p0 $0x88, s6;
	s7 =	simm.s32 @p2 $0x1082  }
0x22: {  	[simem:s7], [sflag:s8] =	dma.local @!p0 [hbm:s6], $0xF7A  }
0x23: {  	s9 =	sor.u32 $0xD0000000, s2;
	s6 =	simm.s32 $0x108;
	_ =	swait.ge @!p0 [sflag:s8], $0x0  }
0x24: {  	s3 =	sadd.s32 $0x88, s3;
	s6 =	simm.s32 @!p1 $0x1082;
	[sflag:s4] =	ssyncset.s32 $0xFFFFF086  }
0x25: {  	[simem:s6], [sflag:s4] =	dma.local [hbm:s3], $0xF7A  }
0x26: {  	[smem:$0x3F9A] =	sst s1;
	(tag) =	ssettag s2;
	_ =	strace s9  }
0x27: {  	s1 =	sld [smem:$0x3FAA]  }
0x28: {  	s2 =	sld [smem:$0x3FAB]  }
0x29: {  	s4 =	sld [smem:$0x3FAD]  }
0x2a: {  	p0 =	seq.s32 s5, $0x0;
	s5 =	sld [smem:$0x3FAE]  }
0x2b: {  	s6 =	sld [smem:$0x3FAF]  }
0x2c: {  	s7 =	sld [smem:$0x3FB0]  }
0x2d: {  	s3 =	simm.s32 $0x108;
	s8 =	sld [smem:$0x3FB1]  }
0x2e: {  	s3 =	simm.s32 @!p0 $0x1082;
	s9 =	sld [smem:$0x3FB2]  }
0x2f: {  	lr =	sadd.s32 s0, s3;
	s0 =	sld [smem:$0x3FA9]  }
0x30: {  	s3 =	sld [smem:$0x3FAC]  }
0x31: {  	[smem:$0x3FB5] =	sst s10  }
0x32: {  	s10 =	sld [smem:$0x3FB3];
	_ =	sdelay $0x3  }
0x33: {  	p0 =	seq.s32 s10, $0x1;
	s10 =	sld [smem:$0x3FB5];
	_ =	sdelay $0x3  }
0x34: {  	[smem:$0x3FB5] =	sst s10  }
0x35: {  	s10 =	sld [smem:$0x3FB4];
	_ =	sdelay $0x3  }
0x36: {  	p1 =	seq.s32 s10, $0x1;
	s10 =	sld [smem:$0x3FB5];
	_ =	sdelay $0x3  }
0x37: {  	[smem:$0x3FB5] =	sst s10  }
0x38: {  	s10 =	sld [smem:$0x3FB6]  }
0x39: {  	_ = 	snop;
	(pc) =	sbr.ind lr, $3  }
0x3a: {  	_ = 	snop  }
0x3b: {  	_ = 	snop  }
0x3c: {  	p2 =	seq.s32 s10, $0x1;
	s10 =	sld [smem:$0x3FB5]  }
0x3d: {  	_ =	shalt  }
0x3e: {  	_ =	shalt  }
0x3f: {  	_ =	shalt  }
0x40: {  	_ =	shalt  }
0x41: {  	_ =	shalt  }
0x42: {  	_ =	shalt  }
0x43: {  	_ =	shalt  }
0x44: {  	_ =	shalt  }
0x45: {  	_ =	shalt  }
0x46: {  	_ =	shalt  }
0x47: {  	_ =	shalt  }
0x48: {  	_ =	shalt  }
0x49: {  	_ =	shalt  }
0x4a: {  	_ =	shalt  }
0x4b: {  	_ =	shalt  }
0x4c: {  	_ =	shalt  }
0x4d: {  	_ =	shalt  }
0x4e: {  	_ =	shalt  }
0x4f: {  	_ =	shalt  }
0x50: {  	_ =	shalt  }
0x51: {  	_ =	shalt  }
0x52: {  	_ =	shalt  }
0x53: {  	_ =	shalt  }
0x54: {  	_ =	shalt  }
0x55: {  	_ =	shalt  }
0x56: {  	_ =	shalt  }
0x57: {  	_ =	shalt  }
0x58: {  	_ =	shalt  }
0x59: {  	_ =	shalt  }
0x5a: {  	_ =	shalt  }
0x5b: {  	_ =	shalt  }
0x5c: {  	_ =	shalt  }
0x5d: {  	_ =	shalt  }
0x5e: {  	_ =	shalt  }
0x5f: {  	_ =	shalt  }
0x60: {  	_ =	shalt  }
0x61: {  	_ =	shalt  }
0x62: {  	_ =	shalt  }
0x63: {  	_ =	shalt  }
0x64: {  	_ =	shalt  }
0x65: {  	_ =	shalt  }
0x66: {  	_ =	shalt  }
0x67: {  	_ =	shalt  }
0x68: {  	_ =	shalt  }
0x69: {  	_ =	shalt  }
0x6a: {  	_ =	shalt  }
0x6b: {  	_ =	shalt  }
0x6c: {  	_ =	shalt  }
0x6d: {  	_ =	shalt  }
0x6e: {  	_ =	shalt  }
0x6f: {  	_ =	shalt  }
0x70: {  	_ =	shalt  }
0x71: {  	_ =	shalt  }
0x72: {  	_ =	shalt  }
0x73: {  	_ =	shalt  }
0x74: {  	_ =	shalt  }
0x75: {  	_ =	shalt  }
0x76: {  	_ =	shalt  }
0x77: {  	_ =	shalt  }
0x78: {  	_ =	shalt  }
0x79: {  	_ =	shalt  }
0x7a: {  	_ =	shalt  }
0x7b: {  	_ =	shalt  }
0x7c: {  	_ =	shalt  }
0x7d: {  	_ =	shalt  }
0x7e: {  	_ =	shalt  }
0x7f: {  	_ =	shalt  }
0x80: {  	_ =	shalt  }
0x81: {  	_ =	shalt  }
0x82: {  	_ =	shalt  }
0x83: {  	_ =	shalt  }
0x84: {  	_ =	shalt  }
0x85: {  	_ =	shalt  }
0x86: {  	_ =	shalt  }
0x87: {  	_ =	shalt  }
.Lfunc_end0:
.L_simem_size_0:
called_computation.2_lowered:
.L_overlay_start_0:
0x88: {  	s2 =	sld [smem:$0x3FD9]  }
0x89: {  	s3 =	sld [smem:$0x3FFE];
	_ =	sdelay $0x1  }
0x8a: {  	s1 =	srdreg.scid  }
0x8b: {  	s0 =	sand.u32 $0x1, s1  }
0x8c: {  	s14 =	sshll.u32 s0, $0xA;
	s2 =	sadd.s32 s3, s2  }
0x8d: {  	s2 =	sadd.s32 s2, s14  }
0x8e: {  	[smem:$0x3FC1] =	sst s2  }
0x8f: {  	_ = 	snop  }
0x90: {  	s2 =	sld [smem:$0x3FD0];
	_ =	sdelay $0x2  }
0x91: {  	s15 =	simm.s32 $0xA;
	s4 =	simm.s32 $0x10  }
0x92: {  	[smem:s4], [sflag:s15] =	dma.local [hbm:s2], $0x1  }
0x93: {  	_ =	swait.eq [sflag:s15], $0x1  }
0x94: {  	[sflag:s15] =	ssyncset.done $0x0  }
0x95: {  	[sflag:s15] =	ssyncadd.s32 $0xFFFFFFFF  }
0x96: {  	s16 =	sld [smem:$0x11];
	(tm) =	ssettm $0x1  }
0x97: {  	s17 =	sld [smem:$0x3FFB];
	_ =	sdelay $0x3  }
0x98: {  	_ =	strace s17  }
0x99: {  	s3 =	sld [smem:$0x3FFC];
	_ =	sdelay $0x3  }
0x9a: {  	_ =	strace s3  }
0x9b: {  	s3 =	sld [smem:$0x3FFD];
	_ =	sdelay $0x3  }
0x9c: {  	_ =	strace s3  }
0x9d: {  	_ =	strace $0x8FFFFFFF  }
0x9e: {  	s18 =	sld [smem:$0x3FDB];
	_ =	sdelay $0x1  }
0x9f: {  	s19 =	simm.s32 $_scs_section_size  }
0xa0: {  	s5 =	simm.s32 $_size__tile_overlayer_lowered;
	s6 =	simm.s32 $_tile_overlayer_lowered  }
0xa1: {  	s22 =	simm.s32 $0x1BFF;
	s21 =	sshll.u32 s6, $0x1;
	s3 =	sadd.s32 s19, s18  }
0xa2: {  	s7 =	simm.s32 $0x0;
	s20 =	sshll.u32 s5, $0x1;
	s5 =	sadd.s32 s21, s3  }
0xa3: {  	[timem:s7], [sflag:s22] =	dma.local [hbm:s5], s20  }
0xa4: {  	_ =	swait.ge [sflag:s22], s20  }
0xa5: {  	s4 =	ssub.s32 $0x0, s20;
	[sflag:s22] =	ssyncset.done $0x0  }
0xa6: {  	[sflag:s22] =	ssyncadd.s32 s4;
	_ =	sdelay $0x1  }
0xa7: {  	s23 =	simm.s32 $0x1B8B  }
0xa8: {  	_ =	swait.ge [sflag:s23], $0x1  }
0xa9: {  	[sflag:s23] =	ssyncset.done $0x0  }
0xaa: {  	s25 =	simm.s32 $0x1B8E;
	s24 =	sld [smem:$0x3FFE];
	[sflag:s23] =	ssyncadd.s32 $0xFFFFFFFF  }
0xab: {  	s26 =	simm.s32 $execute0_lowered;
	[smem:$0x3FD2] =	sst s25  }
0xac: {  	s5 =	sshll.u32 s26, $0x1;
	_ =	strace $0x8000004C;
	[dreg:$0x1] =	wrdreg $0xFFFFFFFF  }
0xad: {  	s28 =	simm.s32 $_size_execute0_lowered;
	s3 =	sadd.s32 s3, s5;
	[dreg:$0x0] =	wrdreg $0x0  }
0xae: {  	s5 =	sshll.u32 s28, $0x1;
	[dreg:$0x2] =	wrdreg s3  }
0xaf: {  	[dreg:$0x3] =	wrdreg s5  }
0xb0: {  	[dreg:$0x4] =	wrdreg $0xC0  }
0xb1: {  	_ =	task [dreg:s7], $0x5FFFF  }
0xb2: {  	[dreg:$0x1] =	wrdreg $0xFFFFFFFF  }
0xb3: {  	[dreg:$0x0] =	wrdreg $0x60  }
0xb4: {  	[dreg:$0x2] =	wrdreg s24  }
0xb5: {  	[dreg:$0x3] =	wrdreg s16  }
0xb6: {  	[dreg:$0x4] =	wrdreg $0x5D000  }
0xb7: {  	[dreg:$0x5] =	wrdreg $0x9  }
0xb8: {  	_ =	task.clear_ibuf [dreg:s7], $0x6FFFF;
	_ =	strace $0x9000004C  }
0xb9: {  	s29 =	simm.s32 $0x9;
	_ =	strace $0x8000004E  }
0xba: {  	_ =	swait.ge [sflag:s29], $0x1  }
0xbb: {  	[sflag:s29] =	ssyncadd.s32 $0xFFFFFFFF  }
0xbc: {  	_ =	strace $0x9000004E  }
0xbd: {  	_ =	sfence  }
0xbe: {  	s30 =	sld [smem:$0x0];
	_ =	sdelay $0x2  }
0xbf: {  	s31 =	sshll.u32 s1, $0xD;
	s1 =	sshrl.u32 s1, $0x2  }
0xc0: {  	s3 =	sand.u32 $0x4000, s31;
	s1 =	sadd.s32 s1, s30  }
0xc1: {  	s0 =	sor.u32 s3, s0;
	s1 =	sshll.u32 s1, $0x11  }
0xc2: {  	s0 =	sor.u32 s1, s0  }
0xc3: {  	s0 =	sadd.s32 $0x8F2B, s0  }
0xc4: {  	[sflag:s0] =	ssyncadd.remote.s32 $0x1  }
0xc5: {  	_ =	sfence.sel $0xFFFF  }
0xc6: {  	[dreg:$0x0] =	wrdreg $0xFFFFFFFF;
	(pc) =	sbr.abs _section_cstart, $3  }
0xc7: {  	[dreg:$0x1] =	wrdreg $0xFFFFFFFF  }
0xc8: {  	_ =	task.clear_ibuf [dreg:s7], $0x2FFFF;
	_ =	strace $0x9FFFFFFF  }
0xc9: {  	(tm) =	ssettm $0x7FFFFFFF  }
tec
execute0_lowered:
.L_overlay_start_1:
0x0: {  	(tag) =	ssettag $0x1  }
0x1: {  	s0 =	rddreg [dreg:$0x0]  }
0x2: {  	s17 =	rddreg [dreg:$0x1]  }
0x3: {  	s2 =	rddreg [dreg:$0x2]  }
0x4: {  	s3 =	srdreg.scid;
	s1 =	stileid.u32  }
0x5: {  	s30 =	simm.s32 $0x0;
	s28 =	simm.s32 $0xB;
	s8 =	smul.u32 $0x1400, s1  }
0x6: {  	s3 =	sand.u32 $0x1, s3;
	[smem:$0x7FF] =	sst s30;
	s13 =	smul.u32 $0x28000, s1  }
0x7: {  	s6 =	sadd.s32 $0x15E00, s0;
	s23 =	smul.u32 $0x5070, s1;
	s5 =	sshll.u32 s3, $0x4  }
0x8: {  	_ =	strace $0x8000004D;
	s12 =	ssub.s32 $0x2, s3;
	s20 =	smul.u32 $0x50700, s3  }
0x9: {  	s9 =	sor.u32 s1, s5;
	s5 =	sadd.s32 $0x1C00, s0;
	s11 =	sadd.s32 s8, s0  }
0xa: {  	s14 =	sshrl.u32 s12, $0x1;
	s8 =	smul.u32 $0x140, s1;
	s13 =	sshrl.u32 s13, $0x2  }
0xb: {  	s7 =	sshll.u32 s9, $0x1;
	s29 =	sshll.u32 s9, $0x4;
	s12 =	ssub.s32 s12, s14  }
0xc: {  	s31 =	sadd.s32 s13, s2;
	s11 =	sadd.s32 $0x13BA00, s11;
	s13 =	sshll.u32 s1, $0x6  }
0xd: {  	s9 =	smul.u32 $0x5070, s9;
	[dreg:$0x5] =	wrdreg s11;
	s15 =	sor.u32 $0x1C0A, s13  }
0xe: {  	s10 =	sadd.s32 s7, s0;
	s26 =	smax.u32 s12, $0x1;
	[dreg:$0x6] =	wrdreg s15  }
0xf: {  	s7 =	sadd.s32 $0x2A200, s0;
	s31 =	sshrl.u32 s31, $0x3;
	[dreg:$0xe] =	wrdreg s26  }
0x10: {  	s0 =	sadd.s32 s29, s0;
	s4 =	sadd.s32 $0x2A000, s10;
	[dreg:$0x10] =	wrdreg s31  }
0x11: {  	s14 =	sshrl.u32 s9, $0x3;
	s0 =	sadd.s32 $0x14FA00, s0;
	[dreg:$0x4] =	wrdreg s4  }
0x12: {  	s29 =	sadd.s32 s23, s20;
	s16 =	sadd.s32 s5, s14;
	[dreg:$0xd] =	wrdreg s0  }
0x13: {  	s9 =	sadd.s32 $0x58, s9;
	s18 =	sadd.s32 s6, s14;
	[dreg:$0x7] =	wrdreg s16  }
0x14: {  	s9 =	sshrl.u32 s9, $0x3;
	s0 =	sadd.s32 $0x108, s29;
	[dreg:$0x8] =	wrdreg s18  }
.Ltmp0:
0x15: {  	s19 =	sadd.s32 s5, s9;
	[dreg:$0xf] =	wrdreg s0;
	(pc) =	sbr.rel .LBB2_1-.Ltmp0, $4  }
0x16: {  	s22 =	sadd.s32 $0x16, s14;
	s21 =	sadd.s32 s6, s9;
	[dreg:$0x9] =	wrdreg s19  }
0x17: {  	s26 =	simm.s32 $0x400;
	s24 =	sadd.s32 s5, s22;
	[dreg:$0xa] =	wrdreg s21  }
0x18: {  	s4 =	simm.s32 $0x0;
	s25 =	sadd.s32 s6, s22;
	[dreg:$0xb] =	wrdreg s24  }
0x19: {  	s18 =	smul.u32 $0x1388, s3;
	[dreg:$0xc] =	wrdreg s25;
	s24 =	simm.s32 $0xA  }
.LBB2_15:
0x1a: {  	[tilespmem:$0x5C90] =	vst v6  }
0x1b: {  	[tilespmem:$0x5CA0] =	vst v5  }
0x1c: {  	[tilespmem:$0x5CB0] =	vst v4  }
0x1d: {  	[tilespmem:$0x5CC0] =	vst v3  }
0x1e: {  	[tilespmem:$0x5CD0] =	vst v2  }
0x1f: {  	[tilespmem:$0x5CE0] =	vst v1  }
0x20: {  	[tilespmem:$0x5CF0] =	vst v0  }
0x21: {  	s0 =	rddreg [dreg:$0xd];
	s1 =	simm.s32 $0x5C80;
	[tilespmem:$0x5C80] =	vst v7  }
0x22: {  	[hbm4b:s0+s30] =	stream.linear.scatter [tilespmem:s1], [sflag:$0xA], $0x80, $0x38;
	[tilespmem:$0xFD00] =	vst v63  }
0x23: {  	_ =	swait.ge [sflag:s24], $0x80  }
0x24: {  	s4 =	sadd.s32 $0x1, s4;
	s31 =	rddreg [dreg:$0xe]  }
0x25: {  	p0 =	sne.s32 s4, s31  }
.Ltmp1:
0x26: {  	_ = 	snop;
	(pc) =	sbr.rel @!p0 .LBB2_16-.Ltmp1, $3  }
0x27: {  	_ =	sdelay $0x1  }
0x28: {  	[sflag:s24] =	ssyncset.done $0x0  }
0x29: {  	[sflag:s24] =	ssyncadd.s32 $0xFFFFFF80  }
.LBB2_1:
0x2a: {  	s0 =	rddreg [dreg:$0x4]  }
0x2b: {  	s19 =	rddreg [dreg:$0x5]  }
0x2c: {  	s20 =	rddreg [dreg:$0x6]  }
0x2d: {  	s1 =	simm.s32 $0x5C00;
	s3 =	rddreg [dreg:$0x10]  }
0x2e: {  	[tilespmem:s1], [sflag:$0x9] =	stream.linear.gather [hbm4b:s0+s30], $0x10, $0x38;
	[tilespmem:$0xFD00] =	vst v63  }
0x2f: {  	[spmem:s3], [sflag:s20] =	dma.local [hbm:s19], $0x1400  }
0x30: {  	_ =	swait.ge [sflag:s24], $0x1400  }
0x31: {  	[sflag:s24] =	ssyncset.done $0x0  }
0x32: {  	s21 =	simm.s32 $0x9;
	[sflag:s24] =	ssyncadd.s32 $0xFFFFEC00  }
0x33: {  	_ =	swait.ge [sflag:s21], $0x10  }
0x34: {  	[sflag:s21] =	ssyncset.done $0x0  }
0x35: {  	[sflag:s21] =	ssyncadd.s32 $0xFFFFFFF0  }
0x36: {  	v0 =	vld [tilespmem:$0x5C00];
	_ =	sdelay $0x4  }
0x37: {  	(v2sf) =	vpush v0, $0x0;
	_ =	sdelay $0xe  }
0x38: {  	s31 =	spop (v2sf)  }
0x39: {  	p0 =	slt.s32 s31, $0x1;
	[bflag:$0x0] =	sbarrier.arrive $0xFFFF  }
0x3a: {  	s0 =	simm.s32 @!p0 $0x0;
	s1 =	rddreg [dreg:$0x7];
	p1 =	seq.s32 @!p0 s31, $0x1  }
0x3b: {  	[tilespmem:s0], [sflag:$0x1] =	stream.linear.gather @!p0 [hbm4b:s1+s0], $0x58, $0x38;
	[tilespmem:$0xFD00] =	vst v63  }
0x3c: {  	s3 =	simm.s32 @!p0 $0x200;
	s1 =	rddreg [dreg:$0x8];
	p2 =	por p1, p0  }
0x3d: {  	[tilespmem:s3], [sflag:$0x1] =	stream.linear.gather @!p0 [hbm4b:s1+s0], $0x58, $0x38;
	[tilespmem:$0xFD00] =	vst v63  }
0x3e: {  	s9 =	simm.s32 @!p2 $0x80;
	s3 =	simm.s32 @!p2 $0x0;
	s1 =	rddreg [dreg:$0x9]  }
0x3f: {  	[tilespmem:s9], [sflag:$0x2] =	stream.linear.gather @!p2 [hbm4b:s1+s3], $0x58, $0x38;
	[tilespmem:$0xFD00] =	vst v63  }
0x40: {  	s9 =	simm.s32 @!p2 $0x280;
	s1 =	rddreg [dreg:$0xa]  }
0x41: {  	[tilespmem:s9], [sflag:$0x2] =	stream.linear.gather @!p2 [hbm4b:s1+s3], $0x58, $0x38;
	[tilespmem:$0xFD00] =	vst v63  }
0x42: {  	p2 =	slt.u32 @!p2 s31, $0x3  }
0x43: {  	p1 =	por @!p0 p2, p1  }
0x44: {  	p1 =	por p1, p0  }
0x45: {  	s1 =	rddreg [dreg:$0xb];
	s3 =	simm.s32 @!p1 $0x0;
	s9 =	simm.s32 @!p1 $0x100  }
0x46: {  	[tilespmem:s9], [sflag:$0x3] =	stream.linear.gather @!p1 [hbm4b:s1+s3], $0x58, $0x38;
	[tilespmem:$0xFD00] =	vst v63  }
0x47: {  	s9 =	simm.s32 @!p1 $0x300;
	s1 =	rddreg [dreg:$0xc]  }
0x48: {  	[tilespmem:s9], [sflag:$0x3] =	stream.linear.gather @!p1 [hbm4b:s1+s3], $0x58, $0x38;
	[tilespmem:$0xFD00] =	vst v63  }
0x49: {  	s3 =	simm.s32 @!p0 $0x1  }
0x4a: {  	_ =	swait.ge @!p0 [sflag:s3], $0x58  }
0x4b: {  	[sflag:s3] =	ssyncset.done @!p0 $0x0  }
0x4c: {  	s22 =	sadd.s32 $0x4, s31;
	[sflag:s3] =	ssyncadd.s32 @!p0 $0xFFFFFFA8  }
0x4d: {  	s23 =	sand.u32 $0x3, s31;
	s25 =	sshra.s32 s22, $0x1F;
	_ =	swait.ge @!p0 [sflag:s3], $0x58  }
0x4e: {  	p5 =	slt.s32 s22, $0x1;
	p6 =	sne.s32 s23, $0x0;
	[sflag:s3] =	ssyncset.done @!p0 $0x0  }
0x4f: {  	s9 =	simm.s32 @!p0 $0x400;
	[sflag:s3] =	ssyncadd.s32 @!p0 $0xFFFFFFA8;
	s3 =	simm.s32 @!p0 $0x58  }
0x50: {  	[tilespmem:s9], [sflag:$0x5] =	stream.indirect.gather @!p0 [hbm4b:s7+s3], $0x80, s0, s3, $0xb8;
	[tilespmem:$0xFD00] =	vst v63  }
0x51: {  	s29 =	sshrl.u32 s25, $0x1E;
	p0 =	por !p5, !p6  }
0x52: {  	s0 =	sadd.s32 s29, s22;
	s3 =	simm.s32 $0x1;
	p0 =	por !p0, !p0  }
0x53: {  	s0 =	sshra.s32 s0, $0x2;
	s3 =	simm.s32 @!p0 $0x0  }
0x54: {  	s0 =	ssub.s32 s0, s3  }
0x55: {  	p0 =	slt.s32 s0, $0x1  }
.Ltmp2:
0x56: {  	_ = 	snop;
	(pc) =	sbr.rel @p0 .LBB2_9-.Ltmp2, $1  }
0x57: {  	_ =	sdelay $0x3  }
0x58: {  	s0 =	sadd.s32 $0xFFFFFFFF, s0  }
0x59: {  	p0 =	sne.s32 s0, $0x0  }
.Ltmp3:
0x5a: {  	_ = 	snop;
	(pc) =	sbr.rel @!p0 .LBB2_3-.Ltmp3, $4  }
0x5b: {  	_ = 	snop  }
0x5c: {  	[dreg:$0x11] =	wrdreg s4  }
0x5d: {  	s10 =	simm.s32 $0x1;
	s29 =	simm.s32 $0x5;
	s3 =	simm.s32 $0x6  }
0x5e: {  	s15 =	simm.s32 $0x3;
	s13 =	simm.s32 $0x4;
	p2 =	por $0x0, $0x0  }
0x5f: {  	p0 =	por $0x1, $0x1  }
0x60: {  	p1 =	slt.s32 @!p0 s31, $0x0  }
0x61: {  	p1 =	por p1, p0  }
0x62: {  	p3 =	sle.s32 s31, $0x3;
	s1 =	rddreg [dreg:$0xf];
	s9 =	simm.s32 @!p1 $0x8  }
0x63: {  	p2 =	sle.s32 s31, $0x1;
	s3 =	sshrl.u32 @!p3 s1, $0x3;
	_ =	swait.ge @!p1 [sflag:s9], $0x2C00  }
0x64: {  	s10 =	sadd.s32 @!p3 s5, s3;
	p0 =	por p3, p3;
	[sflag:s9] =	ssyncset.done @!p1 $0x0  }
0x65: {  	s11 =	simm.s32 @!p0 $0x0;
	s21 =	simm.s32 @!p0 $0x180;
	[sflag:s9] =	ssyncadd.s32 @!p1 $0xFFFFD400  }
0x66: {  	[tilespmem:s21], [sflag:$0x4] =	stream.linear.gather @!p0 [hbm4b:s10+s11], $0x58, $0x38;
	[tilespmem:$0xFD00] =	vst v63  }
0x67: {  	s3 =	sadd.s32 @!p3 s6, s3;
	s9 =	simm.s32 @!p0 $0x380;
	s10 =	simm.s32 @!p2 $0x2  }
0x68: {  	[tilespmem:s9], [sflag:$0x4] =	stream.linear.gather @!p0 [hbm4b:s3+s11], $0x58, $0x38;
	[tilespmem:$0xFD00] =	vst v63  }
0x69: {  	_ =	swait.ge @!p2 [sflag:s10], $0x58  }
0x6a: {  	[sflag:s10] =	ssyncset.done @!p2 $0x0  }
0x6b: {  	[sflag:s10] =	ssyncadd.s32 @!p2 $0xFFFFFFA8  }
0x6c: {  	s12 =	simm.s32 @!p2 $0x3000;
	_ =	swait.ge @!p2 [sflag:s10], $0x58  }
0x6d: {  	s15 =	simm.s32 @!p2 $0x58;
	p3 =	sle.s32 s31, $0x0;
	[sflag:s10] =	ssyncset.done @!p2 $0x0  }
0x6e: {  	s3 =	simm.s32 @!p2 $0x80;
	[sflag:s10] =	ssyncadd.s32 @!p2 $0xFFFFFFA8;
	s10 =	simm.s32 @!p3 $0x5  }
0x6f: {  	[tilespmem:s12], [sflag:$0x6] =	stream.indirect.gather @!p2 [hbm4b:s7+s15], $0x80, s3, s15, $0xb8;
	[tilespmem:$0xFD00] =	vst v63  }
0x70: {  	s16 =	simm.s32 @!p3 $0x58;
	s17 =	simm.s32 @!p3 $0x200;
	_ =	swait.ge @!p3 [sflag:s10], $0x2C00  }
0x71: {  	p1 =	sle.s32 s31, $0x4;
	s11 =	simm.s32 @!p3 $0x400;
	[sflag:s10] =	ssyncset.done @!p3 $0x0  }
0x72: {  	s3 =	sadd.s32 @!p1 $0x58, s1;
	[sflag:s10] =	ssyncadd.s32 @!p3 $0xFFFFD400;
	s10 =	simm.s32 @!p3 $0x7  }
0x73: {  	[spmem:s2] =	stream.indirect.scatter.add.f32 @!p3 [tilespmem:s11], [sflag:$0x7], $0x80, s17, s16, $0xb8;
	[tilespmem:$0xFD00] =	vst v63  }
0x74: {  	s3 =	sshrl.u32 @!p1 s3, $0x3;
	_ =	swait.ge @!p3 [sflag:s10], $0x2C00  }
0x75: {  	s16 =	sadd.s32 @!p1 s5, s3;
	[sflag:s10] =	ssyncset.done @!p3 $0x0  }
0x76: {  	s11 =	simm.s32 @!p1 $0x0;
	[sflag:s10] =	ssyncadd.s32 @!p3 $0xFFFFD400;
	p3 =	sle.s32 s31, $0x2  }
0x77: {  	[tilespmem:s11], [sflag:$0x1] =	stream.linear.gather @!p1 [hbm4b:s16+s11], $0x58, $0x38;
	[tilespmem:$0xFD00] =	vst v63  }
0x78: {  	s3 =	sadd.s32 @!p1 s6, s3;
	s10 =	simm.s32 @!p1 $0x200;
	s17 =	simm.s32 @!p3 $0x3  }
0x79: {  	[tilespmem:s10], [sflag:$0x1] =	stream.linear.gather @!p1 [hbm4b:s3+s11], $0x58, $0x38;
	[tilespmem:$0xFD00] =	vst v63  }
0x7a: {  	_ =	swait.ge @!p3 [sflag:s17], $0x58  }
0x7b: {  	[sflag:s17] =	ssyncset.done @!p3 $0x0  }
0x7c: {  	[sflag:s17] =	ssyncadd.s32 @!p3 $0xFFFFFFA8  }
0x7d: {  	_ =	swait.ge @!p3 [sflag:s17], $0x58  }
0x7e: {  	s16 =	simm.s32 @!p3 $0x400;
	s23 =	simm.s32 @!p3 $0x58;
	[sflag:s17] =	ssyncset.done @!p3 $0x0  }
0x7f: {  	s3 =	simm.s32 @!p3 $0x100;
	s10 =	simm.s32 @!p2 $0x6;
	[sflag:s17] =	ssyncadd.s32 @!p3 $0xFFFFFFA8  }
0x80: {  	[tilespmem:s16], [sflag:$0x5] =	stream.indirect.gather @!p3 [hbm4b:s7+s23], $0x80, s3, s23, $0xb8;
	[tilespmem:$0xFD00] =	vst v63  }
0x81: {  	_ =	swait.ge @!p2 [sflag:s10], $0x2C00  }
0x82: {  	p4 =	sle.s32 s31, $0x5;
	[sflag:s10] =	ssyncset.done @!p2 $0x0  }
0x83: {  	s3 =	simm.s32 @!p2 $0x8;
	[sflag:s10] =	ssyncadd.s32 @!p2 $0xFFFFD400;
	s10 =	simm.s32 @!p2 $0x280  }
0x84: {  	[spmem:s2] =	stream.indirect.scatter.add.f32 @!p2 [tilespmem:s12], [sflag:$0x8], $0x80, s10, s15, $0xb8;
	[tilespmem:$0xFD00] =	vst v63  }
0x85: {  	s10 =	sadd.s32 @!p4 $0xB0, s1;
	_ =	swait.ge @!p2 [sflag:s3], $0x2C00  }
0x86: {  	s12 =	simm.s32 @!p4 $0x80;
	s10 =	sshrl.u32 @!p4 s10, $0x3;
	[sflag:s3] =	ssyncset.done @!p2 $0x0  }
0x87: {  	s15 =	simm.s32 @!p4 $0x0;
	[sflag:s3] =	ssyncadd.s32 @!p2 $0xFFFFD400;
	s3 =	sadd.s32 @!p4 s5, s10  }
0x88: {  	[tilespmem:s12], [sflag:$0x2] =	stream.linear.gather @!p4 [hbm4b:s3+s15], $0x58, $0x38;
	[tilespmem:$0xFD00] =	vst v63  }
0x89: {  	s17 =	simm.s32 @!p0 $0x4;
	s10 =	sadd.s32 @!p4 s6, s10;
	s3 =	simm.s32 @!p4 $0x280  }
0x8a: {  	[tilespmem:s3], [sflag:$0x2] =	stream.linear.gather @!p4 [hbm4b:s10+s15], $0x58, $0x38;
	[tilespmem:$0xFD00] =	vst v63  }
0x8b: {  	s29 =	simm.s32 $0x9;
	_ =	swait.ge @!p0 [sflag:s17], $0x58  }
0x8c: {  	p5 =	sle.s32 s31, $0x6;
	s19 =	simm.s32 @!p0 $0x58;
	[sflag:s17] =	ssyncset.done @!p0 $0x0  }
0x8d: {  	s20 =	simm.s32 @!p0 $0x3000;
	s14 =	simm.s32 @!p3 $0x5;
	[sflag:s17] =	ssyncadd.s32 @!p0 $0xFFFFFFA8  }
0x8e: {  	s22 =	simm.s32 @!p3 $0x300;
	s12 =	sadd.s32 $0xFFFFFFFF, s0;
	_ =	swait.ge @!p0 [sflag:s17], $0x58  }
0x8f: {  	s25 =	simm.s32 @!p3 $0x7;
	p4 =	sne.s32 s12, $0x0;
	[sflag:s17] =	ssyncset.done @!p0 $0x0  }
.Ltmp4:
0x90: {  	p2 =	por $0x1, $0x1;
	[sflag:s17] =	ssyncadd.s32 @!p0 $0xFFFFFFA8;
	(pc) =	sbr.rel @!p4 .LBB2_5-.Ltmp4, $4  }
0x91: {  	[tilespmem:s20], [sflag:$0x6] =	stream.indirect.gather @!p0 [hbm4b:s7+s19], $0x80, s21, s19, $0xb8;
	[tilespmem:$0xFD00] =	vst v63  }
0x92: {  	s0 =	simm.s32 $0x8;
	s10 =	simm.s32 $0x5;
	_ =	swait.ge @!p3 [sflag:s14], $0x2C00  }
0x93: {  	s3 =	simm.s32 $0xA;
	s15 =	simm.s32 $0x7;
	[sflag:s14] =	ssyncset.done @!p3 $0x0  }
0x94: {  	s21 =	sadd.s32 $0x160, s1;
	[sflag:s14] =	ssyncadd.s32 @!p3 $0xFFFFD400;
	s14 =	sadd.s32 @!p5 $0x108, s1  }
.LBB2_6:
0x95: {  	p4 =	seq.s32 s13, $0x0;
	s14 =	sshrl.u32 @!p5 s14, $0x3;
	s17 =	simm.s32 @!p5 $0x300  }
0x96: {  	[spmem:s2] =	stream.indirect.scatter.add.f32 @!p3 [tilespmem:s16], [sflag:$0x7], $0x80, s22, s23, $0xb8;
	[tilespmem:$0xFD00] =	vst v63  }
0x97: {  	s22 =	sadd.s32 @!p5 s6, s14;
	s23 =	simm.s32 @!p1 $0x1;
	_ =	swait.ge @!p3 [sflag:s25], $0x2C00  }
0x98: {  	p6 =	sge.s32 s15, s31;
	s14 =	sadd.s32 @!p5 s5, s14;
	[sflag:s25] =	ssyncset.done @!p3 $0x0  }
0x99: {  	s15 =	simm.s32 @!p5 $0x100;
	[sflag:s25] =	ssyncadd.s32 @!p3 $0xFFFFD400;
	s25 =	simm.s32 @!p5 $0x0  }
0x9a: {  	[tilespmem:s15], [sflag:$0x3] =	stream.linear.gather @!p5 [hbm4b:s14+s25], $0x58, $0x38;
	[tilespmem:$0xFD00] =	vst v63  }
0x9b: {  	s16 =	sadd.s32 $0x1, s0;
	s15 =	sadd.s32 $0x5, s0;
	s14 =	sshrl.u32 @!p6 s21, $0x3  }
0x9c: {  	[tilespmem:s17], [sflag:$0x3] =	stream.linear.gather @!p5 [hbm4b:s22+s25], $0x58, $0x38;
	[tilespmem:$0xFD00] =	vst v63  }
0x9d: {  	s30 =	sadd.s32 @!p6 s6, s14;
	s22 =	sadd.s32 @!p6 s5, s14;
	_ =	swait.ge @!p1 [sflag:s23], $0x58  }
0x9e: {  	s17 =	simm.s32 @!p1 $0x58;
	s25 =	simm.s32 @!p0 $0x6;
	[sflag:s23] =	ssyncset.done @!p1 $0x0  }
0x9f: {  	s1 =	sadd.s32 $0x6, s0;
	p3 =	sgt.s32 @!p4 s13, s31;
	[sflag:s23] =	ssyncadd.s32 @!p1 $0xFFFFFFA8  }
0xa0: {  	s12 =	sadd.s32 $0xFFFFFFFF, s12;
	p3 =	por p3, p4;
	_ =	swait.ge @!p1 [sflag:s23], $0x58  }
0xa1: {  	s4 =	simm.s32 @!p1 $0x400;
	p4 =	sne.s32 s12, $0x0;
	[sflag:s23] =	ssyncset.done @!p1 $0x0  }
0xa2: {  	s14 =	smov.u32 s3;
	s3 =	smov.u32 s1;
	[sflag:s23] =	ssyncadd.s32 @!p1 $0xFFFFFFA8  }
0xa3: {  	[tilespmem:s4], [sflag:$0x5] =	stream.indirect.gather @!p1 [hbm4b:s7+s17], $0x80, s11, s17, $0xb8;
	[tilespmem:$0xFD00] =	vst v63  }
0xa4: {  	p1 =	sge.s32 s0, s31;
	s17 =	smov.u32 s21;
	_ =	swait.ge @!p0 [sflag:s25], $0x2C00  }
0xa5: {  	s1 =	simm.s32 @!p3 $0x8;
	[sflag:s25] =	ssyncset.done @!p0 $0x0  }
0xa6: {  	[sflag:s25] =	ssyncadd.s32 @!p0 $0xFFFFD400  }
0xa7: {  	[spmem:s2] =	stream.indirect.scatter.add.f32 @!p0 [tilespmem:s20], [sflag:$0x8], $0x80, s9, s19, $0xb8;
	[tilespmem:$0xFD00] =	vst v63  }
0xa8: {  	s4 =	sadd.s32 @!p1 $0x58, s21;
	p0 =	por p6, p6;
	_ =	swait.ge @!p3 [sflag:s1], $0x2C00  }
0xa9: {  	p5 =	sge.s32 s10, s31;
	s4 =	sshrl.u32 @!p1 s4, $0x3;
	[sflag:s1] =	ssyncset.done @!p3 $0x0  }
0xaa: {  	s25 =	simm.s32 @!p0 $0x180;
	[sflag:s1] =	ssyncadd.s32 @!p3 $0xFFFFD400;
	s1 =	simm.s32 @!p0 $0x0  }
0xab: {  	[tilespmem:s25], [sflag:$0x4] =	stream.linear.gather @!p0 [hbm4b:s22+s1], $0x58, $0x38;
	[tilespmem:$0xFD00] =	vst v63  }
0xac: {  	s11 =	simm.s32 @!p5 $0x2;
	s9 =	simm.s32 @!p0 $0x380;
	s22 =	sadd.s32 @!p1 s5, s4  }
0xad: {  	[tilespmem:s9], [sflag:$0x4] =	stream.linear.gather @!p0 [hbm4b:s30+s1], $0x58, $0x38;
	[tilespmem:$0xFD00] =	vst v63  }
0xae: {  	s10 =	smov.u32 s16;
	s1 =	sadd.s32 @!p1 s6, s4;
	_ =	swait.ge @!p5 [sflag:s11], $0x58  }
0xaf: {  	[sflag:s11] =	ssyncset.done @!p5 $0x0  }
0xb0: {  	s19 =	simm.s32 @!p5 $0x3000;
	s4 =	simm.s32 @!p5 $0x80;
	[sflag:s11] =	ssyncadd.s32 @!p5 $0xFFFFFFA8  }
0xb1: {  	_ =	swait.ge @!p5 [sflag:s11], $0x58  }
0xb2: {  	s20 =	simm.s32 @!p5 $0x58;
	p3 =	sge.s32 s13, s31;
	[sflag:s11] =	ssyncset.done @!p5 $0x0  }
0xb3: {  	[sflag:s11] =	ssyncadd.s32 @!p5 $0xFFFFFFA8;
	s11 =	simm.s32 @!p3 $0x5  }
0xb4: {  	[tilespmem:s19], [sflag:$0x6] =	stream.indirect.gather @!p5 [hbm4b:s7+s20], $0x80, s4, s20, $0xb8;
	[tilespmem:$0xFD00] =	vst v63  }
0xb5: {  	s4 =	simm.s32 @!p3 $0x400;
	_ =	swait.ge @!p3 [sflag:s11], $0x2C00  }
0xb6: {  	s16 =	simm.s32 @!p3 $0x58;
	s23 =	simm.s32 @!p3 $0x200;
	[sflag:s11] =	ssyncset.done @!p3 $0x0  }
0xb7: {  	[sflag:s11] =	ssyncadd.s32 @!p3 $0xFFFFD400;
	s11 =	simm.s32 @!p3 $0x7  }
0xb8: {  	[spmem:s2] =	stream.indirect.scatter.add.f32 @!p3 [tilespmem:s4], [sflag:$0x7], $0x80, s23, s16, $0xb8;
	[tilespmem:$0xFD00] =	vst v63  }
0xb9: {  	_ =	swait.ge @!p3 [sflag:s11], $0x2C00  }
0xba: {  	s4 =	sadd.s32 $0x2, s13;
	s13 =	smov.u32 s0;
	[sflag:s11] =	ssyncset.done @!p3 $0x0  }
0xbb: {  	[sflag:s11] =	ssyncadd.s32 @!p3 $0xFFFFD400;
	s11 =	simm.s32 @!p1 $0x0;
	p3 =	sge.s32 s4, s31  }
0xbc: {  	[tilespmem:s11], [sflag:$0x1] =	stream.linear.gather @!p1 [hbm4b:s22+s11], $0x58, $0x38;
	[tilespmem:$0xFD00] =	vst v63  }
0xbd: {  	s4 =	simm.s32 @!p1 $0x200;
	s22 =	simm.s32 @!p3 $0x3  }
0xbe: {  	[tilespmem:s4], [sflag:$0x1] =	stream.linear.gather @!p1 [hbm4b:s1+s11], $0x58, $0x38;
	[tilespmem:$0xFD00] =	vst v63  }
0xbf: {  	_ =	swait.ge @!p3 [sflag:s22], $0x58  }
0xc0: {  	s16 =	simm.s32 @!p3 $0x400;
	s1 =	simm.s32 @!p3 $0x100;
	[sflag:s22] =	ssyncset.done @!p3 $0x0  }
0xc1: {  	s23 =	simm.s32 @!p3 $0x58;
	s4 =	simm.s32 @!p5 $0x6;
	[sflag:s22] =	ssyncadd.s32 @!p3 $0xFFFFFFA8  }
0xc2: {  	_ =	swait.ge @!p3 [sflag:s22], $0x58  }
0xc3: {  	[sflag:s22] =	ssyncset.done @!p3 $0x0  }
0xc4: {  	[sflag:s22] =	ssyncadd.s32 @!p3 $0xFFFFFFA8  }
0xc5: {  	[tilespmem:s16], [sflag:$0x5] =	stream.indirect.gather @!p3 [hbm4b:s7+s23], $0x80, s1, s23, $0xb8;
	[tilespmem:$0xFD00] =	vst v63  }
0xc6: {  	_ =	swait.ge @!p5 [sflag:s4], $0x2C00  }
0xc7: {  	p6 =	sge.s32 s29, s31;
	s1 =	simm.s32 @!p5 $0x8;
	[sflag:s4] =	ssyncset.done @!p5 $0x0  }
0xc8: {  	s22 =	simm.s32 @!p6 $0x280;
	[sflag:s4] =	ssyncadd.s32 @!p5 $0xFFFFD400;
	s4 =	simm.s32 @!p5 $0x280  }
0xc9: {  	[spmem:s2] =	stream.indirect.scatter.add.f32 @!p5 [tilespmem:s19], [sflag:$0x8], $0x80, s4, s20, $0xb8;
	[tilespmem:$0xFD00] =	vst v63  }
0xca: {  	s4 =	sadd.s32 @!p6 $0xB0, s21;
	s19 =	simm.s32 @!p6 $0x80;
	_ =	swait.ge @!p5 [sflag:s1], $0x2C00  }
0xcb: {  	s20 =	simm.s32 @!p6 $0x0;
	s4 =	sshrl.u32 @!p6 s4, $0x3;
	[sflag:s1] =	ssyncset.done @!p5 $0x0  }
0xcc: {  	[sflag:s1] =	ssyncadd.s32 @!p5 $0xFFFFD400;
	s1 =	sadd.s32 @!p6 s5, s4;
	s4 =	sadd.s32 @!p6 s6, s4  }
0xcd: {  	[tilespmem:s19], [sflag:$0x2] =	stream.linear.gather @!p6 [hbm4b:s1+s20], $0x58, $0x38;
	[tilespmem:$0xFD00] =	vst v63  }
0xce: {  	s29 =	smov.u32 s15;
	s1 =	simm.s32 @!p0 $0x4  }
0xcf: {  	[tilespmem:s22], [sflag:$0x2] =	stream.linear.gather @!p6 [hbm4b:s4+s20], $0x58, $0x38;
	[tilespmem:$0xFD00] =	vst v63  }
0xd0: {  	_ =	swait.ge @!p0 [sflag:s1], $0x58  }
0xd1: {  	s19 =	simm.s32 @!p0 $0x58;
	s20 =	simm.s32 @!p0 $0x3000;
	[sflag:s1] =	ssyncset.done @!p0 $0x0  }
0xd2: {  	[sflag:s1] =	ssyncadd.s32 @!p0 $0xFFFFFFA8  }
0xd3: {  	s4 =	simm.s32 @!p3 $0x5;
	s22 =	simm.s32 @!p3 $0x300;
	_ =	swait.ge @!p0 [sflag:s1], $0x58  }
0xd4: {  	[sflag:s1] =	ssyncset.done @!p0 $0x0  }
.Ltmp5:
0xd5: {  	[sflag:s1] =	ssyncadd.s32 @!p0 $0xFFFFFFA8;
	(pc) =	sbr.rel @p4 .LBB2_6-.Ltmp5, $4  }
0xd6: {  	[tilespmem:s20], [sflag:$0x6] =	stream.indirect.gather @!p0 [hbm4b:s7+s19], $0x80, s25, s19, $0xb8;
	[tilespmem:$0xFD00] =	vst v63  }
0xd7: {  	s21 =	sadd.s32 $0x160, s21;
	s25 =	simm.s32 @!p3 $0x7;
	_ =	swait.ge @!p3 [sflag:s4], $0x2C00  }
0xd8: {  	s15 =	sadd.s32 $0x3, s0;
	p5 =	sge.s32 s14, s31;
	[sflag:s4] =	ssyncset.done @!p3 $0x0  }
0xd9: {  	s0 =	sadd.s32 $0x4, s0;
	s14 =	sadd.s32 @!p5 $0x108, s17;
	[sflag:s4] =	ssyncadd.s32 @!p3 $0xFFFFD400  }
0xda: {  	s12 =	smov.u32 s13  }
0xdb: {  	s13 =	smov.u32 s0;
	s17 =	rddreg [dreg:$0x1];
	s30 =	simm.s32 $0x0  }
.LBB2_8:
0xdc: {  	p3 =	por p3, !p2  }
0xdd: {  	[spmem:s2] =	stream.indirect.scatter.add.f32 @!p3 [tilespmem:s16], [sflag:$0x7], $0x80, s22, s23, $0xb8;
	[tilespmem:$0xFD00] =	vst v63  }
0xde: {  	p4 =	por p5, !p2;
	p1 =	por p1, !p2;
	_ =	swait.ge @!p3 [sflag:s25], $0x2C00  }
0xdf: {  	s0 =	sshrl.u32 @!p4 s14, $0x3;
	s4 =	simm.s32 @!p4 $0x0;
	[sflag:s25] =	ssyncset.done @!p3 $0x0  }
0xe0: {  	s14 =	simm.s32 @!p4 $0x100;
	s1 =	sadd.s32 @!p4 s5, s0;
	[sflag:s25] =	ssyncadd.s32 @!p3 $0xFFFFD400  }
0xe1: {  	[tilespmem:s14], [sflag:$0x3] =	stream.linear.gather @!p4 [hbm4b:s1+s4], $0x58, $0x38;
	[tilespmem:$0xFD00] =	vst v63  }
0xe2: {  	s0 =	sadd.s32 @!p4 s6, s0;
	s1 =	simm.s32 @!p4 $0x300;
	s14 =	simm.s32 @!p1 $0x1  }
0xe3: {  	[tilespmem:s1], [sflag:$0x3] =	stream.linear.gather @!p4 [hbm4b:s0+s4], $0x58, $0x38;
	[tilespmem:$0xFD00] =	vst v63  }
0xe4: {  	_ =	swait.ge @!p1 [sflag:s14], $0x58  }
0xe5: {  	[sflag:s14] =	ssyncset.done @!p1 $0x0  }
0xe6: {  	[sflag:s14] =	ssyncadd.s32 @!p1 $0xFFFFFFA8  }
0xe7: {  	p0 =	por p0, !p2;
	_ =	swait.ge @!p1 [sflag:s14], $0x58  }
0xe8: {  	p3 =	seq.s32 s12, $0x0;
	s0 =	simm.s32 @!p1 $0x58;
	[sflag:s14] =	ssyncset.done @!p1 $0x0  }
0xe9: {  	s1 =	simm.s32 @!p0 $0x6;
	s4 =	simm.s32 @!p1 $0x400;
	[sflag:s14] =	ssyncadd.s32 @!p1 $0xFFFFFFA8  }
0xea: {  	[tilespmem:s4], [sflag:$0x5] =	stream.indirect.gather @!p1 [hbm4b:s7+s0], $0x80, s11, s0, $0xb8;
	[tilespmem:$0xFD00] =	vst v63  }
0xeb: {  	p2 =	sgt.s32 @!p3 s12, s31;
	_ =	swait.ge @!p0 [sflag:s1], $0x2C00  }
0xec: {  	p3 =	por p2, p3;
	[sflag:s1] =	ssyncset.done @!p0 $0x0  }
0xed: {  	p1 =	sge.s32 s15, s31;
	s4 =	simm.s32 @!p3 $0x8;
	[sflag:s1] =	ssyncadd.s32 @!p0 $0xFFFFD400  }
0xee: {  	[spmem:s2] =	stream.indirect.scatter.add.f32 @!p0 [tilespmem:s20], [sflag:$0x8], $0x80, s9, s19, $0xb8;
	[tilespmem:$0xFD00] =	vst v63  }
0xef: {  	p2 =	sge.s32 s10, s31;
	s0 =	sshrl.u32 @!p1 s21, $0x3;
	_ =	swait.ge @!p3 [sflag:s4], $0x2C00  }
0xf0: {  	s1 =	sadd.s32 @!p1 s5, s0;
	p0 =	por p1, p1;
	[sflag:s4] =	ssyncset.done @!p3 $0x0  }
0xf1: {  	s9 =	simm.s32 @!p0 $0x180;
	[sflag:s4] =	ssyncadd.s32 @!p3 $0xFFFFD400;
	s4 =	simm.s32 @!p0 $0x0  }
0xf2: {  	[tilespmem:s9], [sflag:$0x4] =	stream.linear.gather @!p0 [hbm4b:s1+s4], $0x58, $0x38;
	[tilespmem:$0xFD00] =	vst v63  }
0xf3: {  	s10 =	simm.s32 @!p2 $0x2;
	s1 =	sadd.s32 @!p1 s6, s0;
	s0 =	simm.s32 @!p0 $0x380  }
0xf4: {  	[tilespmem:s0], [sflag:$0x4] =	stream.linear.gather @!p0 [hbm4b:s1+s4], $0x58, $0x38;
	[tilespmem:$0xFD00] =	vst v63  }
0xf5: {  	_ =	swait.ge @!p2 [sflag:s10], $0x58  }
0xf6: {  	[sflag:s10] =	ssyncset.done @!p2 $0x0  }
0xf7: {  	[sflag:s10] =	ssyncadd.s32 @!p2 $0xFFFFFFA8  }
0xf8: {  	s11 =	simm.s32 @!p2 $0x58;
	_ =	swait.ge @!p2 [sflag:s10], $0x58  }
0xf9: {  	p3 =	sge.s32 s12, s31;
	s1 =	simm.s32 @!p2 $0x80;
	[sflag:s10] =	ssyncset.done @!p2 $0x0  }
0xfa: {  	s4 =	simm.s32 @!p2 $0x3000;
	[sflag:s10] =	ssyncadd.s32 @!p2 $0xFFFFFFA8;
	s10 =	simm.s32 @!p3 $0x5  }
0xfb: {  	[tilespmem:s4], [sflag:$0x6] =	stream.indirect.gather @!p2 [hbm4b:s7+s11], $0x80, s1, s11, $0xb8;
	[tilespmem:$0xFD00] =	vst v63  }
0xfc: {  	p1 =	sge.s32 s13, s31;
	s13 =	simm.s32 @!p3 $0x400;
	_ =	swait.ge @!p3 [sflag:s10], $0x2C00  }
0xfd: {  	s14 =	simm.s32 @!p3 $0x58;
	s15 =	simm.s32 @!p3 $0x200;
	[sflag:s10] =	ssyncset.done @!p3 $0x0  }
0xfe: {  	s1 =	sadd.s32 @!p1 $0x58, s21;
	[sflag:s10] =	ssyncadd.s32 @!p3 $0xFFFFD400;
	s10 =	simm.s32 @!p3 $0x7  }
0xff: {  	[spmem:s2] =	stream.indirect.scatter.add.f32 @!p3 [tilespmem:s13], [sflag:$0x7], $0x80, s15, s14, $0xb8;
	[tilespmem:$0xFD00] =	vst v63  }
0x100: {  	s1 =	sshrl.u32 @!p1 s1, $0x3;
	_ =	swait.ge @!p3 [sflag:s10], $0x2C00  }
0x101: {  	s25 =	sadd.s32 $0x2, s12;
	s13 =	sadd.s32 @!p1 s5, s1;
	[sflag:s10] =	ssyncset.done @!p3 $0x0  }
0x102: {  	[sflag:s10] =	ssyncadd.s32 @!p3 $0xFFFFD400;
	s10 =	simm.s32 @!p1 $0x0;
	p3 =	sge.s32 s25, s31  }
0x103: {  	[tilespmem:s10], [sflag:$0x1] =	stream.linear.gather @!p1 [hbm4b:s13+s10], $0x58, $0x38;
	[tilespmem:$0xFD00] =	vst v63  }
0x104: {  	s12 =	simm.s32 @!p1 $0x200;
	s1 =	sadd.s32 @!p1 s6, s1;
	s13 =	simm.s32 @!p3 $0x3  }
0x105: {  	[tilespmem:s12], [sflag:$0x1] =	stream.linear.gather @!p1 [hbm4b:s1+s10], $0x58, $0x38;
	[tilespmem:$0xFD00] =	vst v63  }
0x106: {  	_ =	swait.ge @!p3 [sflag:s13], $0x58  }
0x107: {  	[sflag:s13] =	ssyncset.done @!p3 $0x0  }
0x108: {  	[sflag:s13] =	ssyncadd.s32 @!p3 $0xFFFFFFA8  }
0x109: {  	_ =	swait.ge @!p3 [sflag:s13], $0x58  }
0x10a: {  	s15 =	simm.s32 @!p2 $0x6;
	s14 =	simm.s32 @!p3 $0x58;
	[sflag:s13] =	ssyncset.done @!p3 $0x0  }
0x10b: {  	s1 =	simm.s32 @!p3 $0x100;
	s12 =	simm.s32 @!p3 $0x400;
	[sflag:s13] =	ssyncadd.s32 @!p3 $0xFFFFFFA8  }
0x10c: {  	[tilespmem:s12], [sflag:$0x5] =	stream.indirect.gather @!p3 [hbm4b:s7+s14], $0x80, s1, s14, $0xb8;
	[tilespmem:$0xFD00] =	vst v63  }
0x10d: {  	_ =	swait.ge @!p2 [sflag:s15], $0x2C00  }
0x10e: {  	p4 =	sge.s32 s29, s31;
	[sflag:s15] =	ssyncset.done @!p2 $0x0  }
0x10f: {  	s13 =	simm.s32 @!p2 $0x280;
	s1 =	simm.s32 @!p2 $0x8;
	[sflag:s15] =	ssyncadd.s32 @!p2 $0xFFFFD400  }
0x110: {  	[spmem:s2] =	stream.indirect.scatter.add.f32 @!p2 [tilespmem:s4], [sflag:$0x8], $0x80, s13, s11, $0xb8;
	[tilespmem:$0xFD00] =	vst v63  }
0x111: {  	s4 =	sadd.s32 @!p4 $0xB0, s21;
	_ =	swait.ge @!p2 [sflag:s1], $0x2C00  }
0x112: {  	s11 =	simm.s32 @!p4 $0x80;
	s4 =	sshrl.u32 @!p4 s4, $0x3;
	[sflag:s1] =	ssyncset.done @!p2 $0x0  }
0x113: {  	s13 =	simm.s32 @!p4 $0x0;
	[sflag:s1] =	ssyncadd.s32 @!p2 $0xFFFFD400;
	s1 =	sadd.s32 @!p4 s5, s4  }
0x114: {  	[tilespmem:s11], [sflag:$0x2] =	stream.linear.gather @!p4 [hbm4b:s1+s13], $0x58, $0x38;
	[tilespmem:$0xFD00] =	vst v63  }
0x115: {  	s4 =	sadd.s32 @!p4 s6, s4;
	s1 =	simm.s32 @!p4 $0x280;
	s11 =	simm.s32 @!p0 $0x4  }
0x116: {  	[tilespmem:s1], [sflag:$0x2] =	stream.linear.gather @!p4 [hbm4b:s4+s13], $0x58, $0x38;
	[tilespmem:$0xFD00] =	vst v63  }
0x117: {  	_ =	swait.ge @!p0 [sflag:s11], $0x58  }
0x118: {  	[sflag:s11] =	ssyncset.done @!p0 $0x0  }
0x119: {  	[sflag:s11] =	ssyncadd.s32 @!p0 $0xFFFFFFA8  }
0x11a: {  	_ =	swait.ge @!p0 [sflag:s11], $0x58  }
0x11b: {  	s1 =	simm.s32 @!p0 $0x58;
	[sflag:s11] =	ssyncset.done @!p0 $0x0  }
0x11c: {  	s4 =	simm.s32 @!p0 $0x3000;
	s13 =	simm.s32 @!p3 $0x5;
	[sflag:s11] =	ssyncadd.s32 @!p0 $0xFFFFFFA8  }
0x11d: {  	[tilespmem:s4], [sflag:$0x6] =	stream.indirect.gather @!p0 [hbm4b:s7+s1], $0x80, s9, s1, $0xb8;
	[tilespmem:$0xFD00] =	vst v63  }
0x11e: {  	_ =	swait.ge @!p3 [sflag:s13], $0x2C00  }
0x11f: {  	p2 =	sge.s32 s3, s31;
	[sflag:s13] =	ssyncset.done @!p3 $0x0  }
0x120: {  	s3 =	simm.s32 @!p3 $0x7;
	s9 =	simm.s32 @!p3 $0x300;
	[sflag:s13] =	ssyncadd.s32 @!p3 $0xFFFFD400  }
0x121: {  	[spmem:s2] =	stream.indirect.scatter.add.f32 @!p3 [tilespmem:s12], [sflag:$0x7], $0x80, s9, s14, $0xb8;
	[tilespmem:$0xFD00] =	vst v63  }
0x122: {  	s11 =	sadd.s32 @!p2 $0x108, s21;
	_ =	swait.ge @!p3 [sflag:s3], $0x2C00  }
0x123: {  	s9 =	sshrl.u32 @!p2 s11, $0x3;
	s12 =	simm.s32 @!p2 $0x100;
	[sflag:s3] =	ssyncset.done @!p3 $0x0  }
0x124: {  	s11 =	sadd.s32 @!p2 s5, s9;
	[sflag:s3] =	ssyncadd.s32 @!p3 $0xFFFFD400;
	s3 =	simm.s32 @!p2 $0x0  }
0x125: {  	[tilespmem:s12], [sflag:$0x3] =	stream.linear.gather @!p2 [hbm4b:s11+s3], $0x58, $0x38;
	[tilespmem:$0xFD00] =	vst v63  }
0x126: {  	s9 =	sadd.s32 @!p2 s6, s9;
	s11 =	simm.s32 @!p2 $0x300;
	s12 =	simm.s32 @!p1 $0x1  }
0x127: {  	[tilespmem:s11], [sflag:$0x3] =	stream.linear.gather @!p2 [hbm4b:s9+s3], $0x58, $0x38;
	[tilespmem:$0xFD00] =	vst v63  }
0x128: {  	_ =	swait.ge @!p1 [sflag:s12], $0x58  }
0x129: {  	[sflag:s12] =	ssyncset.done @!p1 $0x0  }
0x12a: {  	[sflag:s12] =	ssyncadd.s32 @!p1 $0xFFFFFFA8  }
0x12b: {  	_ =	swait.ge @!p1 [sflag:s12], $0x58  }
0x12c: {  	s3 =	simm.s32 @!p1 $0x58;
	[sflag:s12] =	ssyncset.done @!p1 $0x0  }
0x12d: {  	s9 =	simm.s32 @!p0 $0x6;
	s11 =	simm.s32 @!p1 $0x400;
	[sflag:s12] =	ssyncadd.s32 @!p1 $0xFFFFFFA8  }
0x12e: {  	[tilespmem:s11], [sflag:$0x5] =	stream.indirect.gather @!p1 [hbm4b:s7+s3], $0x80, s10, s3, $0xb8;
	[tilespmem:$0xFD00] =	vst v63  }
0x12f: {  	_ =	swait.ge @!p0 [sflag:s9], $0x2C00  }
0x130: {  	[sflag:s9] =	ssyncset.done @!p0 $0x0  }
0x131: {  	[sflag:s9] =	ssyncadd.s32 @!p0 $0xFFFFD400  }
0x132: {  	[spmem:s2] =	stream.indirect.scatter.add.f32 @!p0 [tilespmem:s4], [sflag:$0x8], $0x80, s0, s1, $0xb8;
	[tilespmem:$0xFD00] =	vst v63  }
0x133: {  	s4 =	rddreg [dreg:$0x11]  }
.LBB2_9:
.Ltmp6:
0x134: {  	(pc) =	sbr.rel .LBB2_10-.Ltmp6, $4  }
0x135: {  	_ = 	snop  }
0x136: {  	v0 =	vimm.f32 $0.0e+00;
	v1 =	vimm.f32 $0.0e+00  }
0x137: {  	v2 =	vimm.f32 $0.0e+00;
	v3 =	vimm.f32 $0.0e+00;
	v4 =	vimm.f32 $0.0e+00;
	[bflag:$0x0] =	sbarrier.arrive $0xFFFF  }
0x138: {  	s0 =	simm.s32 $0x0;
	v5 =	vimm.f32 $0.0e+00;
	v6 =	vimm.f32 $0.0e+00;
	v7 =	vimm.f32 $0.0e+00  }
.LBB2_14:
0x139: {  	s0 =	sadd.s32 $0x1, s0  }
0x13a: {  	p0 =	sne.s32 s0, $0x8  }
.Ltmp7:
0x13b: {  	_ = 	snop;
	(pc) =	sbr.rel @!p0 .LBB2_15-.Ltmp7, $1  }
0x13c: {  	_ =	sdelay $0x3  }
.LBB2_10:
0x13d: {  	s1 =	smul.u32 $0x28, s0;
	_ =	sdelay $0x1  }
0x13e: {  	s3 =	sadd.s32 s8, s1  }
0x13f: {  	p0 =	sgt.u32 s3, $0x1387  }
.Ltmp8:
0x140: {  	_ = 	snop;
	(pc) =	sbr.rel @p0 .LBB2_14-.Ltmp8, $1  }
0x141: {  	_ =	sdelay $0x3  }
0x142: {  	s1 =	sshll.u32 s3, $0x7  }
0x143: {  	s1 =	sand.u32 $0x3FFFFF80, s1  }
0x144: {  	s1 =	sadd.s32 s1, s2  }
0x145: {  	[tilespmem:s26], [sflag:$0xB] =	stream.linear.gather [spmem:s1], $0x1400, $0x38;
	[tilespmem:$0xFD00] =	vst v63  }
0x146: {  	_ =	swait.ge [sflag:s28], $0x1400  }
0x147: {  	[sflag:s28] =	ssyncset.done $0x0  }
0x148: {  	s9 =	simm.s32 $0x0;
	[sflag:s28] =	ssyncadd.s32 $0xFFFFEC00  }
0x149: {  	v10 =	vld [tilespmem:s9+$0x400]  }
0x14a: {  	v12 =	vld [tilespmem:s9+$0x410]  }
0x14b: {  	v11 =	vld [tilespmem:s9+$0x420]  }
0x14c: {  	v9 =	vld [tilespmem:s9+$0x430]  }
0x14d: {  	v8 =	vld [tilespmem:s9+$0x440]  }
0x14e: {  	v13 =	vmax.f32 v10, $0.0e+00;
	v10 =	vld [tilespmem:s9+$0x450]  }
0x14f: {  	s10 =	simm.s32 $0x200;
	[tilespmem:s9+$0x400] =	vst v13;
	v7 =	vadd.f32 v13, v7;
	v13 =	vmax.f32 v12, $0.0e+00;
	v12 =	vld [tilespmem:s9+$0x460]  }
.LBB2_12:
0x150: {  	s1 =	sshra.s32 s10, $0x2;
	p0 =	sne.s32 s10, $0x4E00;
	[tilespmem:s9+$0x410] =	vst v13;
	v6 =	vadd.f32 v13, v6;
	v11 =	vmax.f32 v11, $0.0e+00;
	v13 =	vld [tilespmem:s9+$0x470]  }
0x151: {  	v14 =	vld [tilespmem:s1+$0x400];
	[tilespmem:s9+$0x420] =	vst v11;
	v5 =	vadd.f32 v11, v5;
	v9 =	vmax.f32 v9, $0.0e+00  }
0x152: {  	v15 =	vld [tilespmem:s1+$0x410];
	[tilespmem:s9+$0x430] =	vst v9;
	v4 =	vadd.f32 v9, v4;
	v8 =	vmax.f32 v8, $0.0e+00  }
.Ltmp9:
0x153: {  	v11 =	vld [tilespmem:s1+$0x420];
	[tilespmem:s9+$0x440] =	vst v8;
	v3 =	vadd.f32 v8, v3;
	v8 =	vmax.f32 v10, $0.0e+00;
	(pc) =	sbr.rel @p0 .LBB2_12-.Ltmp9, $4  }
0x154: {  	v9 =	vld [tilespmem:s1+$0x430];
	[tilespmem:s9+$0x450] =	vst v8;
	v2 =	vadd.f32 v8, v2;
	v10 =	vmax.f32 v12, $0.0e+00  }
0x155: {  	v8 =	vld [tilespmem:s1+$0x440];
	[tilespmem:s9+$0x460] =	vst v10;
	v1 =	vadd.f32 v10, v1;
	v12 =	vmax.f32 v13, $0.0e+00  }
0x156: {  	v13 =	vmax.f32 v14, $0.0e+00;
	v10 =	vld [tilespmem:s1+$0x450];
	[tilespmem:s9+$0x470] =	vst v12;
	v0 =	vadd.f32 v12, v0;
	s9 =	smov.u32 s1  }
0x157: {  	s10 =	sadd.s32 $0x200, s10;
	[tilespmem:s9+$0x400] =	vst v13;
	v7 =	vadd.f32 v13, v7;
	v13 =	vmax.f32 v15, $0.0e+00;
	v12 =	vld [tilespmem:s9+$0x460]  }
0x158: {  	[tilespmem:s9+$0x410] =	vst v13;
	v11 =	vmax.f32 v11, $0.0e+00;
	v14 =	vld [tilespmem:s9+$0x470]  }
0x159: {  	[tilespmem:s9+$0x420] =	vst v11;
	v9 =	vmax.f32 v9, $0.0e+00  }
0x15a: {  	[tilespmem:s9+$0x430] =	vst v9;
	v8 =	vmax.f32 v8, $0.0e+00  }
0x15b: {  	[tilespmem:s9+$0x440] =	vst v8;
	v10 =	vmax.f32 v10, $0.0e+00  }
0x15c: {  	s1 =	sadd.s32 s18, s3;
	[tilespmem:s9+$0x450] =	vst v10;
	v12 =	vmax.f32 v12, $0.0e+00  }
0x15d: {  	s1 =	sshll.u32 s1, $0x4;
	[tilespmem:s9+$0x460] =	vst v12;
	v14 =	vmax.f32 v14, $0.0e+00  }
.Ltmp10:
0x15e: {  	s1 =	sadd.s32 s17, s1;
	[tilespmem:s9+$0x470] =	vst v14;
	(pc) =	sbr.rel .LBB2_14-.Ltmp10, $4  }
0x15f: {  	v6 =	vadd.f32 v13, v6;
	[hbm4b:s1+s30] =	stream.linear.scatter [tilespmem:s26], [sflag:$0xA], $0x1400, $0x38;
	[tilespmem:$0xFD00] =	vst v63  }
0x160: {  	v5 =	vadd.f32 v11, v5;
	v4 =	vadd.f32 v9, v4;
	_ =	swait.ge [sflag:s24], $0x1400  }
0x161: {  	v3 =	vadd.f32 v8, v3;
	v2 =	vadd.f32 v10, v2;
	[sflag:s24] =	ssyncset.done $0x0  }
0x162: {  	v1 =	vadd.f32 v12, v1;
	v0 =	vadd.f32 v14, v0;
	[sflag:s24] =	ssyncadd.s32 $0xFFFFEC00  }
.LBB2_3:
.Ltmp11:
0x163: {  	(pc) =	sbr.rel .LBB2_8-.Ltmp11, $2  }
0x164: {  	_ =	sdelay $0x2  }
0x165: {  	s12 =	simm.s32 $0x0;
	s21 =	rddreg [dreg:$0xf]  }
.LBB2_5:
.Ltmp12:
0x166: {  	(pc) =	sbr.rel .LBB2_8-.Ltmp12, $3  }
0x167: {  	_ =	sdelay $0x1  }
0x168: {  	s12 =	simm.s32 $0x4  }
0x169: {  	s13 =	simm.s32 $0x8;
	s17 =	rddreg [dreg:$0x1];
	s30 =	simm.s32 $0x0  }
.LBB2_16:
0x16a: {  	_ =	sfence.sel $0x180000  }
0x16b: {  	[bflag:$0x0] =	sbarrier.arrive $0xFFFF  }
0x16c: {  	_ =	strace $0x9000004D  }
0x16d: {  	s0 =	stileid.u32;
	[bflag:$0x2] =	sbarrier.arrive $0xFFFF  }
0x16e: {  	p0 =	sne.s32 s0, $0x0;
	s0 =	rddreg [dreg:$0x3]  }
0x16f: {  	s0 =	sadd.s32 @!p0 $0x100000, s0  }
0x170: {  	[sflag:s0] =	ssyncadd.tile.s32 @!p0 $0x1;
	_ =	shalt  }
.Lfunc_end2:
_tile_overlayer_lowered:
.L_overlay_start_2:
0x171: {  	(tag) =	ssettag $0x2  }
0x172: {  	s0 =	rddreg [dreg:$0x0];
	s2 =	stileid.u32  }
0x173: {  	s1 =	rddreg [dreg:$0x1];
	p0 =	sne.s32 s2, $0x0  }
0x174: {  	s3 =	rddreg [dreg:$0x2];
	[bflag:$0x3] =	sbarrier.arrive $0xFFFF;
	s2 =	simm.s32 @!p0 $0x1C0A  }
0x175: {  	[timem:s3], [sflag:s2] =	dma.local @!p0 [hbm:s0], s1  }
0x176: {  	s0 =	simm.s32 @!p0 $0xA  }
0x177: {  	_ =	swait.ge @!p0 [sflag:s0], s1  }
0x178: {  	s1 =	ssub.s32 @!p0 $0x0, s1;
	[sflag:s0] =	ssyncset.done @!p0 $0x0  }
0x179: {  	[sflag:s0] =	ssyncadd.s32 @!p0 s1  }
0x17a: {  	[bflag:$0x3] =	sbarrier.arrive $0xFFFF  }
0x17b: {  	_ =	shalt  }

// kernel: kernel.7.cloned.1.call-start
scs
__scs_entry_jumppad:
0x0: {  	(pc) =	sbr.rel $0x88, $3  }
0x1: {  	(tag) =	ssettag $0x0;
	lr =	simm.s32 $0x1  }
0x2: {  	[smem:$0x3F9A] =	sst lr;
	_ =	strace $0xD0000000  }
0x3: {  	_ = 	snop  }
0x4: {  	_ = 	snop  }
0x5: {  	_ = 	snop  }
0x6: {  	_ = 	snop  }
0x7: {  	_ = 	snop  }
__scs_overlays_trampoline_lowered:
0x8: {  	[smem:$0x3FA9] =	sst s0  }
0x9: {  	[smem:$0x3FAA] =	sst s1  }
0xa: {  	[smem:$0x3FAB] =	sst s2  }
0xb: {  	[smem:$0x3FAC] =	sst s3  }
0xc: {  	[smem:$0x3FAD] =	sst s4  }
0xd: {  	[smem:$0x3FAE] =	sst s5  }
0xe: {  	[smem:$0x3FAF] =	sst s6  }
0xf: {  	[smem:$0x3FB0] =	sst s7  }
0x10: {  	[smem:$0x3FB1] =	sst s8  }
0x11: {  	[smem:$0x3FB2] =	sst s9;
	s0 =	simm.s32 @!p0 $0x0  }
0x12: {  	s1 =	sld [smem:$0x3F98];
	s0 =	simm.s32 @p0 $0x1  }
0x13: {  	[smem:$0x3FB3] =	sst s0;
	s0 =	simm.s32 @!p1 $0x0  }
0x14: {  	s2 =	sld [smem:$0x3F97];
	s0 =	simm.s32 @p1 $0x1  }
0x15: {  	[smem:$0x3FB4] =	sst s0;
	s0 =	simm.s32 @!p2 $0x0  }
0x16: {  	s3 =	sld [smem:$0x3FDB];
	s0 =	simm.s32 @p2 $0x1  }
0x17: {  	s4 =	simm.s32 $0x1BF5;
	[smem:$0x3FB6] =	sst s0  }
0x18: {  	s0 =	sld [smem:$0x3F99];
	_ =	swait.ge [sflag:s4], $0x0  }
0x19: {  	s7 =	sld [smem:$0x3F9A]  }
0x1a: {  	s8 =	sadd.s32 $0xFFFFE003, lr  }
0x1b: {  	s9 =	sadd.s32 $0xFFFFFEF7, lr;
	s5 =	simm.s32 $0xFFFFFFFF;
	p2 =	slt.u32 s8, $0xFFFFF086  }
0x1c: {  	p1 =	slt.u32 s9, $0xF7A;
	s5 =	simm.s32 @!p2 $0x0  }
0x1d: {  	s5 =	simm.s32 @p1 $0x1;
	p0 =	seq.s32 s7, s2  }
0x1e: {  	s7 =	smul.u32 @!p0 $0xF7A, s2;
	p2 =	seq.s32 @!p0 s5, $0x0  }
0x1f: {  	s9 =	smul.u32 $0xF7A, s1;
	s8 =	simm.s32 @!p0 $0x1BF5;
	p2 =	por !p2, p0  }
0x20: {  	[sflag:s8] =	ssyncset.s32 @!p0 $0xFFFFF086;
	s6 =	sadd.s32 @!p0 s3, s7;
	s7 =	simm.s32 @!p0 $0x108  }
0x21: {  	s3 =	sadd.s32 s3, s9;
	s6 =	sadd.s32 @!p0 $0x88, s6;
	s7 =	simm.s32 @p2 $0x1082  }
0x22: {  	[simem:s7], [sflag:s8] =	dma.local @!p0 [hbm:s6], $0xF7A  }
0x23: {  	s9 =	sor.u32 $0xD0000000, s2;
	s6 =	simm.s32 $0x108;
	_ =	swait.ge @!p0 [sflag:s8], $0x0  }
0x24: {  	s3 =	sadd.s32 $0x88, s3;
	s6 =	simm.s32 @!p1 $0x1082;
	[sflag:s4] =	ssyncset.s32 $0xFFFFF086  }
0x25: {  	[simem:s6], [sflag:s4] =	dma.local [hbm:s3], $0xF7A  }
0x26: {  	[smem:$0x3F9A] =	sst s1;
	(tag) =	ssettag s2;
	_ =	strace s9  }
0x27: {  	s1 =	sld [smem:$0x3FAA]  }
0x28: {  	s2 =	sld [smem:$0x3FAB]  }
0x29: {  	s4 =	sld [smem:$0x3FAD]  }
0x2a: {  	p0 =	seq.s32 s5, $0x0;
	s5 =	sld [smem:$0x3FAE]  }
0x2b: {  	s6 =	sld [smem:$0x3FAF]  }
0x2c: {  	s7 =	sld [smem:$0x3FB0]  }
0x2d: {  	s3 =	simm.s32 $0x108;
	s8 =	sld [smem:$0x3FB1]  }
0x2e: {  	s3 =	simm.s32 @!p0 $0x1082;
	s9 =	sld [smem:$0x3FB2]  }
0x2f: {  	lr =	sadd.s32 s0, s3;
	s0 =	sld [smem:$0x3FA9]  }
0x30: {  	s3 =	sld [smem:$0x3FAC]  }
0x31: {  	[smem:$0x3FB5] =	sst s10  }
0x32: {  	s10 =	sld [smem:$0x3FB3];
	_ =	sdelay $0x3  }
0x33: {  	p0 =	seq.s32 s10, $0x1;
	s10 =	sld [smem:$0x3FB5];
	_ =	sdelay $0x3  }
0x34: {  	[smem:$0x3FB5] =	sst s10  }
0x35: {  	s10 =	sld [smem:$0x3FB4];
	_ =	sdelay $0x3  }
0x36: {  	p1 =	seq.s32 s10, $0x1;
	s10 =	sld [smem:$0x3FB5];
	_ =	sdelay $0x3  }
0x37: {  	[smem:$0x3FB5] =	sst s10  }
0x38: {  	s10 =	sld [smem:$0x3FB6]  }
0x39: {  	_ = 	snop;
	(pc) =	sbr.ind lr, $3  }
0x3a: {  	_ = 	snop  }
0x3b: {  	_ = 	snop  }
0x3c: {  	p2 =	seq.s32 s10, $0x1;
	s10 =	sld [smem:$0x3FB5]  }
0x3d: {  	_ =	shalt  }
0x3e: {  	_ =	shalt  }
0x3f: {  	_ =	shalt  }
0x40: {  	_ =	shalt  }
0x41: {  	_ =	shalt  }
0x42: {  	_ =	shalt  }
0x43: {  	_ =	shalt  }
0x44: {  	_ =	shalt  }
0x45: {  	_ =	shalt  }
0x46: {  	_ =	shalt  }
0x47: {  	_ =	shalt  }
0x48: {  	_ =	shalt  }
0x49: {  	_ =	shalt  }
0x4a: {  	_ =	shalt  }
0x4b: {  	_ =	shalt  }
0x4c: {  	_ =	shalt  }
0x4d: {  	_ =	shalt  }
0x4e: {  	_ =	shalt  }
0x4f: {  	_ =	shalt  }
0x50: {  	_ =	shalt  }
0x51: {  	_ =	shalt  }
0x52: {  	_ =	shalt  }
0x53: {  	_ =	shalt  }
0x54: {  	_ =	shalt  }
0x55: {  	_ =	shalt  }
0x56: {  	_ =	shalt  }
0x57: {  	_ =	shalt  }
0x58: {  	_ =	shalt  }
0x59: {  	_ =	shalt  }
0x5a: {  	_ =	shalt  }
0x5b: {  	_ =	shalt  }
0x5c: {  	_ =	shalt  }
0x5d: {  	_ =	shalt  }
0x5e: {  	_ =	shalt  }
0x5f: {  	_ =	shalt  }
0x60: {  	_ =	shalt  }
0x61: {  	_ =	shalt  }
0x62: {  	_ =	shalt  }
0x63: {  	_ =	shalt  }
0x64: {  	_ =	shalt  }
0x65: {  	_ =	shalt  }
0x66: {  	_ =	shalt  }
0x67: {  	_ =	shalt  }
0x68: {  	_ =	shalt  }
0x69: {  	_ =	shalt  }
0x6a: {  	_ =	shalt  }
0x6b: {  	_ =	shalt  }
0x6c: {  	_ =	shalt  }
0x6d: {  	_ =	shalt  }
0x6e: {  	_ =	shalt  }
0x6f: {  	_ =	shalt  }
0x70: {  	_ =	shalt  }
0x71: {  	_ =	shalt  }
0x72: {  	_ =	shalt  }
0x73: {  	_ =	shalt  }
0x74: {  	_ =	shalt  }
0x75: {  	_ =	shalt  }
0x76: {  	_ =	shalt  }
0x77: {  	_ =	shalt  }
0x78: {  	_ =	shalt  }
0x79: {  	_ =	shalt  }
0x7a: {  	_ =	shalt  }
0x7b: {  	_ =	shalt  }
0x7c: {  	_ =	shalt  }
0x7d: {  	_ =	shalt  }
0x7e: {  	_ =	shalt  }
0x7f: {  	_ =	shalt  }
0x80: {  	_ =	shalt  }
0x81: {  	_ =	shalt  }
0x82: {  	_ =	shalt  }
0x83: {  	_ =	shalt  }
0x84: {  	_ =	shalt  }
0x85: {  	_ =	shalt  }
0x86: {  	_ =	shalt  }
0x87: {  	_ =	shalt  }
.Lfunc_end0:
.L_simem_size_0:
called_computation_lowered:
.L_overlay_start_0:
0x88: {  	s2 =	sld [smem:$0x3FD9]  }
0x89: {  	s3 =	sld [smem:$0x3FFE];
	_ =	sdelay $0x1  }
0x8a: {  	s1 =	srdreg.scid  }
0x8b: {  	s0 =	sand.u32 $0x1, s1  }
0x8c: {  	s17 =	sshll.u32 s0, $0xA;
	s2 =	sadd.s32 s3, s2  }
0x8d: {  	s2 =	sadd.s32 s2, s17  }
0x8e: {  	[smem:$0x3FC1] =	sst s2  }
0x8f: {  	_ = 	snop  }
0x90: {  	s2 =	sld [smem:$0x3FC8]  }
0x91: {  	s18 =	sld [smem:$0x3FC7];
	(tm) =	ssettm $0x1  }
0x92: {  	s4 =	sld [smem:$0x3FFB];
	_ =	sdelay $0x3  }
0x93: {  	_ =	strace s4  }
0x94: {  	s4 =	sld [smem:$0x3FFC];
	_ =	sdelay $0x3  }
0x95: {  	_ =	strace s4  }
0x96: {  	s4 =	sld [smem:$0x3FFD];
	_ =	sdelay $0x3  }
0x97: {  	_ =	strace s4  }
0x98: {  	_ =	strace $0x8FFFFFFF  }
0x99: {  	s19 =	sld [smem:$0x3FDB];
	_ =	sdelay $0x1  }
0x9a: {  	s5 =	simm.s32 $_scs_section_size  }
0x9b: {  	s6 =	simm.s32 $_size__tile_overlayer_lowered;
	s7 =	simm.s32 $_tile_overlayer_lowered  }
0x9c: {  	s22 =	simm.s32 $0x1BFF;
	s21 =	sshll.u32 s7, $0x1;
	s4 =	sadd.s32 s5, s19  }
0x9d: {  	s8 =	simm.s32 $0x0;
	s20 =	sshll.u32 s6, $0x1;
	s6 =	sadd.s32 s21, s4  }
0x9e: {  	[timem:s8], [sflag:s22] =	dma.local [hbm:s6], s20  }
0x9f: {  	_ =	swait.ge [sflag:s22], s20  }
0xa0: {  	s5 =	ssub.s32 $0x0, s20;
	[sflag:s22] =	ssyncset.done $0x0  }
0xa1: {  	[sflag:s22] =	ssyncadd.s32 s5;
	_ =	sdelay $0x1  }
0xa2: {  	s23 =	simm.s32 $0x1B8B  }
0xa3: {  	_ =	swait.ge [sflag:s23], $0x1  }
0xa4: {  	[sflag:s23] =	ssyncset.done $0x0  }
0xa5: {  	s25 =	simm.s32 $0x1B8E;
	s24 =	sld [smem:$0x3FFE];
	[sflag:s23] =	ssyncadd.s32 $0xFFFFFFFF  }
0xa6: {  	s26 =	simm.s32 $execute0_lowered;
	[smem:$0x3FD2] =	sst s25  }
0xa7: {  	s6 =	sshll.u32 s26, $0x1;
	_ =	strace $0x80000046;
	[dreg:$0x1] =	wrdreg $0xFFFFFFFF  }
0xa8: {  	s28 =	simm.s32 $_size_execute0_lowered;
	s4 =	sadd.s32 s4, s6;
	[dreg:$0x0] =	wrdreg $0x0  }
0xa9: {  	s6 =	sshll.u32 s28, $0x1;
	[dreg:$0x2] =	wrdreg s4  }
0xaa: {  	[dreg:$0x3] =	wrdreg s6  }
0xab: {  	[dreg:$0x4] =	wrdreg $0xC0  }
0xac: {  	_ =	task [dreg:s8], $0x5FFFF  }
0xad: {  	[dreg:$0x1] =	wrdreg $0xFFFFFFFF  }
0xae: {  	[dreg:$0x0] =	wrdreg $0x60  }
0xaf: {  	[dreg:$0x2] =	wrdreg s2  }
0xb0: {  	[dreg:$0x3] =	wrdreg s18  }
0xb1: {  	[dreg:$0x4] =	wrdreg s24  }
0xb2: {  	[dreg:$0x5] =	wrdreg $0x9  }
0xb3: {  	_ =	task.clear_ibuf [dreg:s8], $0x6FFFF;
	_ =	strace $0x90000046  }
0xb4: {  	s29 =	simm.s32 $0x9;
	_ =	strace $0x80000048  }
0xb5: {  	_ =	swait.ge [sflag:s29], $0x1  }
0xb6: {  	[sflag:s29] =	ssyncadd.s32 $0xFFFFFFFF  }
0xb7: {  	_ =	strace $0x90000048  }
0xb8: {  	_ =	sfence  }
0xb9: {  	s30 =	sld [smem:$0x0];
	_ =	sdelay $0x2  }
0xba: {  	s31 =	sshll.u32 s1, $0xD;
	s1 =	sshrl.u32 s1, $0x2  }
0xbb: {  	s3 =	sand.u32 $0x4000, s31;
	s1 =	sadd.s32 s1, s30  }
0xbc: {  	s0 =	sor.u32 s3, s0;
	s1 =	sshll.u32 s1, $0x11  }
0xbd: {  	s0 =	sor.u32 s1, s0  }
0xbe: {  	s0 =	sadd.s32 $0x8F2B, s0  }
0xbf: {  	[sflag:s0] =	ssyncadd.remote.s32 $0x1  }
0xc0: {  	_ =	sfence.sel $0xFFFF  }
0xc1: {  	[dreg:$0x0] =	wrdreg $0xFFFFFFFF;
	(pc) =	sbr.abs _section_cstart, $3  }
0xc2: {  	[dreg:$0x1] =	wrdreg $0xFFFFFFFF  }
0xc3: {  	_ =	task.clear_ibuf [dreg:s8], $0x2FFFF;
	_ =	strace $0x9FFFFFFF  }
0xc4: {  	(tm) =	ssettm $0x7FFFFFFF  }
0xc5: {  	_ =	shalt  }
tec
execute0_lowered:
.L_overlay_start_1:
0x0: {  	(tag) =	ssettag $0x1  }
0x1: {  	s0 =	rddreg [dreg:$0x0]  }
0x2: {  	s1 =	srdreg.scid;
	s3 =	rddreg [dreg:$0x1]  }
0x3: {  	s7 =	rddreg [dreg:$0x2];
	s2 =	stileid.u32  }
0x4: {  	s4 =	simm.s32 $0x0;
	s14 =	simm.s32 $0x1;
	s15 =	simm.s32 $0x3C00  }
0x5: {  	s16 =	simm.s32 $0x8C80;
	s17 =	simm.s32 $0x2;
	s19 =	simm.s32 $0xDD00  }
0x6: {  	s20 =	simm.s32 $0x0;
	s6 =	sand.u32 $0x1, s1;
	s1 =	rddreg [dreg:$0x3]  }
0x7: {  	[smem:$0x7FF] =	sst s4;
	s30 =	smul.u32 $0x1400, s2;
	p0 =	seq.s32 s2, $0xF  }
0x8: {  	s5 =	sshll.u32 s6, $0x4;
	_ =	strace $0x80000047;
	s9 =	ssub.s32 $0x2, s6  }
0x9: {  	s18 =	smul.u32 $0x1388, s6;
	s6 =	simm.s32 $0x5;
	s8 =	sor.u32 s2, s5  }
0xa: {  	s11 =	sshrl.u32 s9, $0x1;
	s6 =	simm.s32 @!p0 $0x8;
	s5 =	smul.u32 $0xA0E, s8  }
.Ltmp0:
0xb: {  	s8 =	sshll.u32 s8, $0x1;
	s13 =	ssub.s32 s9, s11;
	(pc) =	sbr.rel .LBB2_1-.Ltmp0, $4  }
0xc: {  	s12 =	sadd.s32 s8, s7;
	s10 =	sadd.s32 s5, s7;
	s5 =	smul.u32 $0x5000, s2  }
0xd: {  	v0 =	vmov s18;
	s18 =	simm.s32 $0x3;
	s7 =	sadd.s32 s0, s30;
	s11 =	sadd.s32 $0x2A000, s12  }
0xe: {  	s12 =	smax.u32 s13, $0x1;
	s13 =	simm.s32 $0x2800;
	s31 =	sshrl.u32 s5, $0x3  }
0xf: {  	v1 =	vlaneseq.u32;
	v2 =	vimm.s32 $0x0;
	s9 =	sadd.s32 $0x1C00, s10;
	s10 =	sadd.s32 $0x15E00, s10;
	s8 =	sadd.s32 s3, s31  }
.LBB2_13:
0x10: {  	(v2sf) =	vpush v3, $0x0  }
0x11: {  	(v2sf) =	vpush v3, $0x1;
	_ =	sdelay $0x1  }
0x12: {  	(v2sf) =	vpush v3, $0x2;
	_ =	sdelay $0x1  }
0x13: {  	(v2sf) =	vpush v3, $0x3;
	_ =	sdelay $0x1  }
0x14: {  	(v2sf) =	vpush v3, $0x4;
	_ =	sdelay $0x1  }
0x15: {  	(v2sf) =	vpush v3, $0x5;
	_ =	sdelay $0x1  }
0x16: {  	(v2sf) =	vpush v3, $0x6;
	_ =	sdelay $0x1  }
0x17: {  	(v2sf) =	vpush v3, $0x7  }
0x18: {  	[hbm4b:s9+s4] =	stream.linear.scatter [tilespmem:s15], [sflag:$0x3], $0x5070, $0x38;
	[tilespmem:$0xDD80] =	vst v63  }
0x19: {  	s21 =	spop (v2sf);
	(v2sf) =	vpush v3, $0x8  }
0x1a: {  	s22 =	spop (v2sf)  }
0x1b: {  	(v2sf) =	vpush v3, $0x9;
	p0 =	sgt.s32 s21, s22  }
0x1c: {  	s22 =	smov.u32 @p0 s21;
	s21 =	spop (v2sf)  }
0x1d: {  	(v2sf) =	vpush v3, $0xA;
	p0 =	sgt.s32 s22, s21  }
0x1e: {  	s21 =	smov.u32 @p0 s22;
	s22 =	spop (v2sf)  }
0x1f: {  	(v2sf) =	vpush v3, $0xB;
	p0 =	sgt.s32 s21, s22  }
0x20: {  	s22 =	smov.u32 @p0 s21;
	s21 =	spop (v2sf)  }
0x21: {  	(v2sf) =	vpush v3, $0xC;
	p0 =	sgt.s32 s22, s21  }
0x22: {  	s21 =	smov.u32 @p0 s22;
	s22 =	spop (v2sf)  }
0x23: {  	(v2sf) =	vpush v3, $0xD;
	p0 =	sgt.s32 s21, s22  }
0x24: {  	s22 =	smov.u32 @p0 s21;
	s21 =	spop (v2sf)  }
0x25: {  	(v2sf) =	vpush v3, $0xE;
	p0 =	sgt.s32 s22, s21  }
0x26: {  	s21 =	smov.u32 @p0 s22;
	s22 =	spop (v2sf)  }
0x27: {  	(v2sf) =	vpush v3, $0xF;
	p0 =	sgt.s32 s21, s22  }
0x28: {  	s23 =	spop (v2sf);
	s22 =	smov.u32 @p0 s21  }
0x29: {  	p0 =	sgt.s32 s22, s23  }
0x2a: {  	s21 =	spop (v2sf);
	s23 =	smov.u32 @p0 s22  }
0x2b: {  	p0 =	sgt.s32 s23, s21  }
0x2c: {  	s22 =	spop (v2sf);
	s21 =	smov.u32 @p0 s23  }
0x2d: {  	p0 =	sgt.s32 s21, s22  }
0x2e: {  	s23 =	spop (v2sf);
	s22 =	smov.u32 @p0 s21  }
0x2f: {  	p0 =	sgt.s32 s22, s23  }
0x30: {  	s21 =	spop (v2sf);
	s23 =	smov.u32 @p0 s22  }
0x31: {  	p0 =	sgt.s32 s23, s21  }
0x32: {  	s22 =	spop (v2sf);
	s21 =	smov.u32 @p0 s23  }
0x33: {  	p0 =	sgt.s32 s21, s22  }
0x34: {  	s23 =	spop (v2sf);
	s22 =	smov.u32 @p0 s21  }
0x35: {  	p0 =	sgt.s32 s22, s23  }
0x36: {  	s21 =	spop (v2sf);
	s23 =	smov.u32 @p0 s22  }
0x37: {  	p0 =	sgt.s32 s23, s21  }
0x38: {  	s21 =	smov.u32 @p0 s23  }
0x39: {  	s21 =	sshll.u32 s21, $0x4  }
0x3a: {  	_ =	swait.ge [sflag:s18], $0x5070;
	s21 =	sadd.s32 $0x57, s21  }
0x3b: {  	[sflag:s18] =	ssyncset.done $0x0;
	s30 =	smulhi.u32 $0x2E8BA2E9, s21;
	s21 =	sshra.s32 s21, $0x1F  }
0x3c: {  	[sflag:s18] =	ssyncadd.s32 $0xFFFFAF90;
	s31 =	smul.u32 $0x2E8BA2E9, s21  }
0x3d: {  	[hbm4b:s10+s4] =	stream.linear.scatter [tilespmem:s16], [sflag:$0x3], $0x5070, $0x38;
	[tilespmem:$0xDD80] =	vst v63  }
0x3e: {  	s22 =	sadd.s32 s31, s30  }
0x3f: {  	s23 =	sshrl.u32 s22, $0x1F;
	s22 =	sshra.s32 s22, $0x4  }
0x40: {  	_ =	swait.ge [sflag:s18], $0x5070;
	s22 =	sadd.s32 s23, s22  }
0x41: {  	s20 =	sadd.s32 $0x1, s20;
	[sflag:s18] =	ssyncset.done $0x0;
	s21 =	sadd.s32 s21, s22  }
0x42: {  	p0 =	sne.s32 s20, s12;
	[sflag:s18] =	ssyncadd.s32 $0xFFFFAF90;
	v3 =	vmov s21  }
.Ltmp1:
0x43: {  	[tilespmem:$0xDD00] =	vst v3;
	(pc) =	sbr.rel @!p0 .LBB2_14-.Ltmp1, $4  }
0x44: {  	[hbm4b:s11+s4] =	stream.linear.scatter [tilespmem:s19], [sflag:$0x3], $0x10, $0x38;
	[tilespmem:$0xDD80] =	vst v63  }
0x45: {  	_ =	swait.ge [sflag:s18], $0x10  }
0x46: {  	[sflag:s18] =	ssyncset.done $0x0  }
0x47: {  	[sflag:s18] =	ssyncadd.s32 $0xFFFFFFF0  }
.LBB2_1:
0x48: {  	[tilespmem:s4], [sflag:$0x1] =	stream.linear.gather [hbm4b:s7+s4], $0x1400, $0x38;
	[tilespmem:$0xDD80] =	vst v63  }
0x49: {  	s21 =	simm.s32 $0x0  }
0x4a: {  	s22 =	simm.s32 $0x8C80;
	s23 =	simm.s32 $0x3C00;
	s24 =	simm.s32 $0x0  }
0x4b: {  	[tilespmem:s13], [sflag:$0x1] =	stream.linear.gather [hbm4b:s8+s4], $0xA00, $0x38;
	[tilespmem:$0xDD80] =	vst v63  }
.LBB2_2:
0x4c: {  	p0 =	sne.s32 s24, $0x506  }
.Ltmp2:
0x4d: {  	_ = 	snop;
	(pc) =	sbr.rel @p0 .LBB2_2-.Ltmp2, $4  }
0x4e: {  	v3 =	vor.u32 s21, v1;
	v4 =	vadd.s32 s24, v1  }
0x4f: {  	v3 =	vand.u32 $0x1FFF, v3;
	v4 =	vand.u32 $0x3F, v4  }
0x50: {  	s21 =	sadd.s32 $0x10, s21;
	[tilespmem:s23+$0x0] =	vst v3;
	v3 =	vadd.s32 $0x1388, v4  }
0x51: {  	s24 =	sadd.s32 $0x1, s24;
	s23 =	sadd.s32 $0x10, s23;
	[tilespmem:s22+$0x0] =	vst v3;
	s22 =	sadd.s32 $0x10, s22  }
.Ltmp3:
0x52: {  	(pc) =	sbr.rel .LBB2_4-.Ltmp3, $2  }
0x53: {  	_ =	sdelay $0x2  }
0x54: {  	s21 =	simm.s32 $0x0;
	v3 =	vimm.s32 $0x0  }
.LBB2_12:
0x55: {  	s21 =	sadd.s32 $0x1, s21  }
0x56: {  	p0 =	sne.s32 s21, $0x4  }
.Ltmp4:
0x57: {  	_ = 	snop;
	(pc) =	sbr.rel @!p0 .LBB2_13-.Ltmp4, $1  }
0x58: {  	_ =	sdelay $0x3  }
.LBB2_4:
0x59: {  	s22 =	sshllo.u32 s21, $0x1  }
0x5a: {  	p0 =	sge.u32 s22, s6  }
0x5b: {  	s22 =	smul.u32 @!p0 $0xA00, s22;
	_ =	sdelay $0x1  }
0x5c: {  	s22 =	sadd.s32 @!p0 s5, s22  }
0x5d: {  	s23 =	sshrl.u32 @!p0 s22, $0x2  }
0x5e: {  	s24 =	simm.s32 @!p0 $0x0;
	s25 =	simm.s32 @!p0 $0x1400;
	s23 =	sadd.s32 @!p0 s0, s23  }
0x5f: {  	[tilespmem:s25], [sflag:$0x2] =	stream.linear.gather @!p0 [hbm4b:s23+s24], $0x1400, $0x38;
	[tilespmem:$0xDD80] =	vst v63  }
0x60: {  	s23 =	sshrl.u32 @!p0 s22, $0x3;
	s22 =	sshll.u32 s21, $0x1  }
0x61: {  	p1 =	sge.u32 s22, s6  }
.Ltmp5:
0x62: {  	_ = 	snop;
	(pc) =	sbr.rel @p1 .LBB2_8-.Ltmp5, $3  }
0x63: {  	_ =	sdelay $0x1  }
0x64: {  	s25 =	simm.s32 @!p0 $0x3200;
	s23 =	sadd.s32 @!p0 s3, s23  }
0x65: {  	[tilespmem:s25], [sflag:$0x2] =	stream.linear.gather @!p0 [hbm4b:s23+s24], $0xA00, $0x38;
	[tilespmem:$0xDD80] =	vst v63  }
0x66: {  	_ =	swait.ge [sflag:s14], $0x1400  }
0x67: {  	[sflag:s14] =	ssyncset.done $0x0  }
0x68: {  	[sflag:s14] =	ssyncadd.s32 $0xFFFFEC00  }
0x69: {  	s23 =	simm.s32 $0x0;
	_ =	swait.ge [sflag:s14], $0xA00  }
0x6a: {  	s24 =	sand.u32 $0x70, s23;
	s23 =	sand.u32 $0x1F00, s23;
	[sflag:s14] =	ssyncset.done $0x0  }
0x6b: {  	s24 =	sor.u32 s24, s23;
	[sflag:s14] =	ssyncadd.s32 $0xFFFFF600  }
0x6c: {  	v4 =	vld [tilespmem:s24+$0x80];
	_ =	sdelay $0x2  }
0x6d: {  	s23 =	simm.s32 $0x2800  }
0x6e: {  	v5 =	vld [tilespmem:s23+$0x0]  }
0x6f: {  	v4 =	vsub.s32 v4, v0  }
0x70: {  	v7 =	vshll.u32 v3, $0x4;
	v6 =	vld [tilespmem:s24+$0x0];
	vm0 =	vlt.u32 v4, $0x1388  }
0x71: {  	v7 =	vor.u32 v1, v7;
	_ =	sdelay $0x1  }
0x72: {  	v5 =	vmul.u32 $0x2710, v5;
	_ =	sdelay $0x1  }
0x73: {  	s25 =	simm.s32 $0x10;
	s24 =	simm.s32 $0x20;
	v5 =	vadd.s32 v6, v5  }
0x74: {  	s25 =	sand.u32 $0x70, s25;
	s26 =	sand.u32 $0x1F00, s24;
	v63 =	vsel vm0, $0x1, v2;
	[tilespmem:v7+s15+$0x0] =	vst.idx.msk vm0, v5  }
0x75: {  	s26 =	sor.u32 s25, s26;
	s25 =	simm.s32 $0x20;
	v3 =	vadd.s32 v63, v3;
	[tilespmem:v7+s16+$0x0] =	vst.idx.msk vm0, v4  }
.LBB2_6:
0x76: {  	p1 =	sne.s32 s25, $0x9F0;
	v4 =	vld [tilespmem:s26+$0x80];
	_ =	sdelay $0x2  }
0x77: {  	s23 =	sadd.s32 $0x10, s23  }
0x78: {  	v5 =	vld [tilespmem:s23+$0x0]  }
0x79: {  	v4 =	vsub.s32 v4, v0  }
0x7a: {  	v7 =	vshll.u32 v3, $0x4;
	v6 =	vld [tilespmem:s26+$0x0];
	vm0 =	vlt.u32 v4, $0x1388  }
0x7b: {  	v7 =	vor.u32 v1, v7;
	v8 =	vsel vm0, $0x1, v2  }
0x7c: {  	v3 =	vadd.s32 v8, v3  }
.Ltmp6:
0x7d: {  	v5 =	vmul.u32 $0x2710, v5;
	(pc) =	sbr.rel @p1 .LBB2_6-.Ltmp6, $4  }
0x7e: {  	_ = 	snop  }
0x7f: {  	s24 =	sadd.s32 $0x20, s24;
	v5 =	vadd.s32 v6, v5  }
0x80: {  	s28 =	sand.u32 $0x1F00, s24;
	s26 =	sand.u32 $0x70, s25;
	[tilespmem:v7+s15+$0x0] =	vst.idx.msk vm0, v5  }
0x81: {  	s25 =	sadd.s32 $0x10, s25;
	s26 =	sor.u32 s26, s28;
	[tilespmem:v7+s16+$0x0] =	vst.idx.msk vm0, v4  }
0x82: {  	v4 =	vld [tilespmem:s26+$0x80];
	_ =	sdelay $0x2  }
0x83: {  	s23 =	sadd.s32 $0x10, s23  }
0x84: {  	v5 =	vld [tilespmem:s23+$0x0]  }
0x85: {  	v4 =	vsub.s32 v4, v0  }
0x86: {  	v6 =	vld [tilespmem:s26+$0x0];
	v7 =	vshll.u32 v3, $0x4;
	vm0 =	vlt.u32 v4, $0x1388  }
0x87: {  	v7 =	vor.u32 v1, v7;
	_ =	sdelay $0x1  }
0x88: {  	v5 =	vmul.u32 $0x2710, v5;
	_ =	sdelay $0x1  }
0x89: {  	v5 =	vadd.s32 v6, v5  }
0x8a: {  	v63 =	vsel vm0, $0x1, v2;
	[tilespmem:v7+s15+$0x0] =	vst.idx.msk vm0, v5  }
0x8b: {  	v3 =	vadd.s32 v63, v3;
	[tilespmem:v7+s16+$0x0] =	vst.idx.msk vm0, v4  }
.LBB2_8:
0x8c: {  	s22 =	sadd.s32 $0x2, s22  }
0x8d: {  	p1 =	sge.u32 s22, s6  }
0x8e: {  	s22 =	smul.u32 @!p1 $0xA00, s22;
	_ =	sdelay $0x1  }
0x8f: {  	s22 =	sadd.s32 @!p1 s5, s22  }
.Ltmp7:
0x90: {  	s23 =	sshrl.u32 @!p1 s22, $0x2;
	(pc) =	sbr.rel @p0 .LBB2_12-.Ltmp7, $4  }
0x91: {  	s24 =	simm.s32 @!p1 $0x0;
	s22 =	sshrl.u32 @!p1 s22, $0x3;
	s23 =	sadd.s32 @!p1 s0, s23  }
0x92: {  	[tilespmem:s24], [sflag:$0x1] =	stream.linear.gather @!p1 [hbm4b:s23+s24], $0x1400, $0x38;
	[tilespmem:$0xDD80] =	vst v63  }
0x93: {  	s22 =	sadd.s32 @!p1 s3, s22;
	s23 =	simm.s32 @!p1 $0x2800  }
0x94: {  	[tilespmem:s23], [sflag:$0x1] =	stream.linear.gather @!p1 [hbm4b:s22+s24], $0xA00, $0x38;
	[tilespmem:$0xDD80] =	vst v63  }
0x95: {  	_ =	swait.ge [sflag:s17], $0x1400  }
0x96: {  	[sflag:s17] =	ssyncset.done $0x0  }
0x97: {  	[sflag:s17] =	ssyncadd.s32 $0xFFFFEC00  }
0x98: {  	s22 =	simm.s32 $0x0;
	_ =	swait.ge [sflag:s17], $0xA00  }
0x99: {  	s23 =	sand.u32 $0x70, s22;
	s22 =	sand.u32 $0x1F00, s22;
	[sflag:s17] =	ssyncset.done $0x0  }
0x9a: {  	s23 =	sor.u32 s23, s22;
	[sflag:s17] =	ssyncadd.s32 $0xFFFFF600  }
0x9b: {  	v4 =	vld [tilespmem:s23+$0x1480];
	_ =	sdelay $0x2  }
0x9c: {  	s22 =	simm.s32 $0x3200  }
0x9d: {  	v5 =	vld [tilespmem:s22+$0x0]  }
0x9e: {  	v4 =	vsub.s32 v4, v0  }
0x9f: {  	v7 =	vshll.u32 v3, $0x4;
	v6 =	vld [tilespmem:s23+$0x1400];
	vm0 =	vlt.u32 v4, $0x1388  }
0xa0: {  	v7 =	vor.u32 v1, v7;
	_ =	sdelay $0x1  }
0xa1: {  	v5 =	vmul.u32 $0x2710, v5;
	_ =	sdelay $0x1  }
0xa2: {  	s24 =	simm.s32 $0x10;
	s23 =	simm.s32 $0x20;
	v5 =	vadd.s32 v6, v5  }
0xa3: {  	s24 =	sand.u32 $0x70, s24;
	s25 =	sand.u32 $0x1F00, s23;
	v63 =	vsel vm0, $0x1, v2;
	[tilespmem:v7+s15+$0x0] =	vst.idx.msk vm0, v5  }
0xa4: {  	s25 =	sor.u32 s24, s25;
	s24 =	simm.s32 $0x20;
	v3 =	vadd.s32 v63, v3;
	[tilespmem:v7+s16+$0x0] =	vst.idx.msk vm0, v4  }
.LBB2_10:
0xa5: {  	p0 =	sne.s32 s24, $0x9F0;
	v4 =	vld [tilespmem:s25+$0x1480];
	_ =	sdelay $0x2  }
0xa6: {  	s22 =	sadd.s32 $0x10, s22  }
0xa7: {  	v5 =	vld [tilespmem:s22+$0x0]  }
0xa8: {  	v4 =	vsub.s32 v4, v0  }
0xa9: {  	v7 =	vshll.u32 v3, $0x4;
	v6 =	vld [tilespmem:s25+$0x1400];
	vm0 =	vlt.u32 v4, $0x1388  }
0xaa: {  	v7 =	vor.u32 v1, v7;
	v8 =	vsel vm0, $0x1, v2  }
0xab: {  	v3 =	vadd.s32 v8, v3  }
.Ltmp8:
0xac: {  	v5 =	vmul.u32 $0x2710, v5;
	(pc) =	sbr.rel @p0 .LBB2_10-.Ltmp8, $4  }
0xad: {  	_ = 	snop  }
0xae: {  	s23 =	sadd.s32 $0x20, s23;
	v5 =	vadd.s32 v6, v5  }
0xaf: {  	s26 =	sand.u32 $0x1F00, s23;
	s25 =	sand.u32 $0x70, s24;
	[tilespmem:v7+s15+$0x0] =	vst.idx.msk vm0, v5  }
0xb0: {  	s24 =	sadd.s32 $0x10, s24;
	s25 =	sor.u32 s25, s26;
	[tilespmem:v7+s16+$0x0] =	vst.idx.msk vm0, v4  }
0xb1: {  	v4 =	vld [tilespmem:s25+$0x1480];
	_ =	sdelay $0x2  }
0xb2: {  	s22 =	sadd.s32 $0x10, s22  }
0xb3: {  	v5 =	vld [tilespmem:s22+$0x0]  }
0xb4: {  	v4 =	vsub.s32 v4, v0  }
0xb5: {  	v6 =	vld [tilespmem:s25+$0x1400];
	v7 =	vshll.u32 v3, $0x4;
	vm0 =	vlt.u32 v4, $0x1388  }
0xb6: {  	v7 =	vor.u32 v1, v7;
	_ =	sdelay $0x1  }
.Ltmp9:
0xb7: {  	v5 =	vmul.u32 $0x2710, v5;
	(pc) =	sbr.rel .LBB2_12-.Ltmp9, $4  }
0xb8: {  	_ = 	snop  }
0xb9: {  	v5 =	vadd.s32 v6, v5  }
0xba: {  	v63 =	vsel vm0, $0x1, v2;
	[tilespmem:v7+s15+$0x0] =	vst.idx.msk vm0, v5  }
0xbb: {  	v3 =	vadd.s32 v63, v3;
	[tilespmem:v7+s16+$0x0] =	vst.idx.msk vm0, v4  }
.LBB2_14:
0xbc: {  	_ =	sfence.sel $0x180000  }
0xbd: {  	[bflag:$0x0] =	sbarrier.arrive $0xFFFF  }
0xbe: {  	p0 =	sne.s32 s2, $0x0;
	_ =	strace $0x90000047  }
0xbf: {  	s0 =	sadd.s32 @!p0 $0x100000, s1;
	[bflag:$0x2] =	sbarrier.arrive $0xFFFF  }
0xc0: {  	[sflag:s0] =	ssyncadd.tile.s32 @!p0 $0x1;
	_ =	shalt  }
.Lfunc_end2:
_tile_overlayer_lowered:
.L_overlay_start_2:
0xc1: {  	(tag) =	ssettag $0x2  }
0xc2: {  	s0 =	rddreg [dreg:$0x0];
	s2 =	stileid.u32  }
0xc3: {  	s1 =	rddreg [dreg:$0x1];
	p0 =	sne.s32 s2, $0x0  }
0xc4: {  	s3 =	rddreg [dreg:$0x2];
	[bflag:$0x3] =	sbarrier.arrive $0xFFFF;
	s2 =	simm.s32 @!p0 $0x1C03  }
0xc5: {  	[timem:s3], [sflag:s2] =	dma.local @!p0 [hbm:s0], s1  }
0xc6: {  	s0 =	simm.s32 @!p0 $0x3  }
0xc7: {  	_ =	swait.ge @!p0 [sflag:s0], s1  }
0xc8: {  	s1 =	ssub.s32 @!p0 $0x0, s1;
	[sflag:s0] =	ssyncset.done @!p0 $0x0  }
0xc9: {  	[sflag:s0] =	ssyncadd.s32 @!p0 s1  }
0xca: {  	[bflag:$0x3] =	sbarrier.arrive $0xFFFF  }
0xcb: {  	_ =	shalt  }

</sc_bundles>
